<compile_context>
chip_gen: v7x
topology: tpu7x:2x2x1
jax: 0.10.2.dev20260603
libtpu: 0.0.44.dev20260713+nightly
codegen_flags: <defaults>
</compile_context>

<pallas_src>
import functools

import jax
import jax.numpy as jnp
from jax import lax
from jax.experimental import pallas as pl
from jax.experimental.pallas import tpu as pltpu
from jax.experimental.pallas import tpu_sc as plsc

N = 10000
T = 3
E = 320000
XD = 128
HD = 256
ZD = 128
NPAD = 10240
DEGR = T * NPAD
BN = 400
NB = N // BN

_mesh = plsc.VectorSubcoreMesh(core_axis_name="c", subcore_axis_name="s")



@functools.partial(
    pl.kernel, mesh=_mesh,
    out_type=jax.ShapeDtypeStruct((2 * NPAD, 128), jnp.float32),
    scratch_types=[
        pltpu.VMEM((80,), jnp.int32),
        pltpu.VMEM((80, 128), jnp.float32),
        pltpu.VMEM((128, 128), jnp.float32),
        pltpu.VMEM_SHARED((NPAD, 128), jnp.float32),
    ],
)
def _deg_kernel(dst_hbm, out_hbm, didx, ones_rows, zbuf, shared):
    c = lax.axis_index("c")
    s = lax.axis_index("s")
    w = s * 2 + c

    def zrow(r, carry):
        for j in range(8):
            zbuf[r, pl.ds(16 * j, 16)] = jnp.zeros((16,), jnp.float32)
        return carry
    lax.fori_loop(0, 128, zrow, 0)

    def orow(r, carry):
        for j in range(8):
            ones_rows[r, pl.ds(16 * j, 16)] = jnp.ones((16,), jnp.float32)
        return carry
    lax.fori_loop(0, 80, orow, 0)

    def zshared(i, carry):
        k = s + i * 16
        pltpu.sync_copy(zbuf, shared.at[pl.ds(k * 128, 128)])
        return carry
    lax.fori_loop(0, NPAD // 128 // 16, zshared, 0)
    plsc.subcore_barrier()

    def chunk(k, carry):
        base = w * (E // 32) + k * 80
        pltpu.sync_copy(dst_hbm.at[pl.ds(base, 80)], didx)
        pltpu.sync_copy(ones_rows, shared.at[didx], add=True)
        return carry
    lax.fori_loop(0, (E // 32) // 80, chunk, 0)
    plsc.subcore_barrier()

    def cpout(i, carry):
        k = s + i * 16
        pltpu.sync_copy(shared.at[pl.ds(k * 128, 128)], zbuf)
        pltpu.sync_copy(zbuf, out_hbm.at[pl.ds(c * NPAD + k * 128, 128)])
        return carry
    lax.fori_loop(0, NPAD // 128 // 16, cpout, 0)


def _make_agg(split_features):
    per_tile = (E // 16) if split_features else (E // 32)
    nchunk = per_tile // 80
    CPR = 200
    NCH = N // CPR

    @functools.partial(
        pl.kernel, mesh=_mesh,
        out_type=jax.ShapeDtypeStruct((2 * N, 128), jnp.float32),
        scratch_types=[
            pltpu.VMEM((80,), jnp.int32),
            pltpu.VMEM((80,), jnp.int32),
            pltpu.VMEM((80, 128), jnp.float32),
            pltpu.VMEM((200, 128), jnp.float32),
            pltpu.VMEM_SHARED((N, 128), jnp.float32),
            pltpu.SemaphoreType.DMA,
        ],
    )
    def _agg(y_hbm, src_hbm, dst_hbm, out_hbm, sidx, didx, rows, zbuf, shared, sem):
        c = lax.axis_index("c")
        s = lax.axis_index("s")

        def zrow(r, carry):
            for j in range(8):
                zbuf[r, pl.ds(16 * j, 16)] = jnp.zeros((16,), jnp.float32)
            return carry
        lax.fori_loop(0, 200, zrow, 0)

        nmine = jnp.where(s < (NCH % 16), (NCH // 16) + 1, NCH // 16)

        def zshared(i, carry):
            k = s + i * 16
            pltpu.sync_copy(zbuf, shared.at[pl.ds(k * CPR, CPR)])
            return carry
        lax.fori_loop(0, nmine, zshared, 0)
        plsc.subcore_barrier()

        if split_features:
            ebase = s * per_tile
            sbase = c * E + ebase
        else:
            ebase = (s * 2 + c) * per_tile
            sbase = ebase

        def chunk(k, carry):
            pltpu.sync_copy(src_hbm.at[pl.ds(sbase + k * 80, 80)], sidx)
            gather = pltpu.async_copy(y_hbm.at[sidx], rows, sem)
            pltpu.sync_copy(dst_hbm.at[pl.ds(ebase + k * 80, 80)], didx)
            gather.wait()
            pltpu.sync_copy(rows, shared.at[didx], add=True)
            return carry
        lax.fori_loop(0, nchunk, chunk, 0)
        plsc.subcore_barrier()

        def cpout(i, carry):
            k = s + i * 16
            pltpu.sync_copy(shared.at[pl.ds(k * CPR, CPR)], zbuf)
            pltpu.sync_copy(zbuf, out_hbm.at[pl.ds(c * N + k * CPR, CPR)])
            return carry
        lax.fori_loop(0, nmine, cpout, 0)

    return _agg


_agg1 = _make_agg(True)
_agg2 = _make_agg(False)



def _x_body(xs_ref, w_ref, b_ref, o_ref):
    o_ref[...] = jnp.maximum(
        jnp.dot(xs_ref[...], w_ref[...], preferred_element_type=jnp.float32)
        + b_ref[...], 0.0)


def _compute_x(xs, W, b):
    return pl.pallas_call(
        _x_body,
        grid=(NB,),
        in_specs=[pl.BlockSpec((BN, XD), lambda i: (i, 0)),
                  pl.BlockSpec((XD, HD), lambda i: (0, 0)),
                  pl.BlockSpec((1, HD), lambda i: (0, 0))],
        out_specs=pl.BlockSpec((BN, HD), lambda i: (i, 0)),
        out_shape=jax.ShapeDtypeStruct((N, HD), jnp.float32),
    )(xs, W, b.reshape(1, HD))


_RB = 1280


def _dinv_body(p_ref, o_ref):
    d = p_ref[0] + p_ref[1]
    deg = 1.0 + jnp.sum(d, axis=1) * (1.0 / 128.0)
    o_ref[...] = lax.rsqrt(deg)[:, None]


def _compute_dinv(parts):
    return pl.pallas_call(
        _dinv_body,
        grid=(NPAD // _RB,),
        in_specs=[pl.BlockSpec((2, _RB, 128), lambda i: (0, i, 0))],
        out_specs=pl.BlockSpec((_RB, 1), lambda i: (i, 0)),
        out_shape=jax.ShapeDtypeStruct((NPAD, 1), jnp.float32),
    )(parts)


def _y1_body(x_ref, h_ref, w_ref, dinv_ref, o_ref):
    w = w_ref[...]
    xw = (jnp.dot(x_ref[...], w[:HD], preferred_element_type=jnp.float32)
          + jnp.dot(h_ref[...], w[HD:], preferred_element_type=jnp.float32))
    o_ref[...] = (dinv_ref[...] * xw)[None]


def _compute_y1(x, h, W_c1, dinv):
    return pl.pallas_call(
        _y1_body,
        grid=(NB, 2),
        in_specs=[pl.BlockSpec((BN, HD), lambda i, j: (i, 0)),
                  pl.BlockSpec((BN, HD), lambda i, j: (i, 0)),
                  pl.BlockSpec((2 * HD, 128), lambda i, j: (0, j)),
                  pl.BlockSpec((BN, 1), lambda i, j: (i, 0))],
        out_specs=pl.BlockSpec((1, BN, 128), lambda i, j: (j, i, 0)),
        out_shape=jax.ShapeDtypeStruct((2, N, 128), jnp.float32),
    )(x, h, W_c1, dinv)


def _y2_body(a_ref, y_ref, dinv_ref, b_ref, w_ref, o_ref):
    a = a_ref[...] + y_ref[...]
    full = jnp.concatenate([a[0], a[1]], axis=1)
    dinv = dinv_ref[...]
    hx = jnp.maximum(dinv * full + b_ref[...], 0.0)
    o_ref[...] = dinv * jnp.dot(hx, w_ref[...], preferred_element_type=jnp.float32)


def _compute_y2(agg1, y1, dinv, b_c1, W_mean):
    return pl.pallas_call(
        _y2_body,
        grid=(NB,),
        in_specs=[pl.BlockSpec((2, BN, 128), lambda i: (0, i, 0)),
                  pl.BlockSpec((2, BN, 128), lambda i: (0, i, 0)),
                  pl.BlockSpec((BN, 1), lambda i: (i, 0)),
                  pl.BlockSpec((1, HD), lambda i: (0, 0)),
                  pl.BlockSpec((HD, ZD), lambda i: (0, 0))],
        out_specs=pl.BlockSpec((BN, ZD), lambda i: (i, 0)),
        out_shape=jax.ShapeDtypeStruct((N, ZD), jnp.float32),
    )(agg1, y1, dinv, b_c1.reshape(1, HD), W_mean)


def _zu_body(a_ref, y2_ref, dinv_ref, bm_ref, wz_ref, bz_ref, z_ref, u_ref):
    a = a_ref[...]
    z = dinv_ref[...] * (a[0] + a[1] + y2_ref[...]) + bm_ref[...]
    z_ref[...] = z
    u_ref[...] = jnp.maximum(
        jnp.dot(z, wz_ref[...], preferred_element_type=jnp.float32)
        + bz_ref[...], 0.0)


def _compute_zu(agg2, y2, dinv, b_mean, W_phi_z, b_phi_z):
    return pl.pallas_call(
        _zu_body,
        grid=(NB,),
        in_specs=[pl.BlockSpec((2, BN, ZD), lambda i: (0, i, 0)),
                  pl.BlockSpec((BN, ZD), lambda i: (i, 0)),
                  pl.BlockSpec((BN, 1), lambda i: (i, 0)),
                  pl.BlockSpec((1, ZD), lambda i: (0, 0)),
                  pl.BlockSpec((ZD, HD), lambda i: (0, 0)),
                  pl.BlockSpec((1, HD), lambda i: (0, 0))],
        out_specs=[pl.BlockSpec((BN, ZD), lambda i: (i, 0)),
                   pl.BlockSpec((BN, HD), lambda i: (i, 0))],
        out_shape=[jax.ShapeDtypeStruct((N, ZD), jnp.float32),
                   jax.ShapeDtypeStruct((N, HD), jnp.float32)],
    )(agg2, y2, dinv, b_mean.reshape(1, ZD), W_phi_z, b_phi_z.reshape(1, HD))


def _gru_body(x_ref, u_ref, h_ref, wih_ref, bih_ref, whh_ref, bhh_ref, o_ref):
    wih = wih_ref[...]
    h = h_ref[...]
    gi = (jnp.dot(x_ref[...], wih[:HD], preferred_element_type=jnp.float32)
          + jnp.dot(u_ref[...], wih[HD:], preferred_element_type=jnp.float32)
          + bih_ref[...])
    gh = jnp.dot(h, whh_ref[...], preferred_element_type=jnp.float32) + bhh_ref[...]
    r = jax.nn.sigmoid(gi[:, :HD] + gh[:, :HD])
    zg = jax.nn.sigmoid(gi[:, HD:2 * HD] + gh[:, HD:2 * HD])
    ng = jnp.tanh(gi[:, 2 * HD:] + r * gh[:, 2 * HD:])
    o_ref[...] = (1.0 - zg) * ng + zg * h


def _compute_gru(x, u, h, W_ih, b_ih, W_hh, b_hh):
    return pl.pallas_call(
        _gru_body,
        grid=(NB,),
        in_specs=[pl.BlockSpec((BN, HD), lambda i: (i, 0)),
                  pl.BlockSpec((BN, HD), lambda i: (i, 0)),
                  pl.BlockSpec((BN, HD), lambda i: (i, 0)),
                  pl.BlockSpec((2 * HD, 3 * HD), lambda i: (0, 0)),
                  pl.BlockSpec((1, 3 * HD), lambda i: (0, 0)),
                  pl.BlockSpec((HD, 3 * HD), lambda i: (0, 0)),
                  pl.BlockSpec((1, 3 * HD), lambda i: (0, 0))],
        out_specs=pl.BlockSpec((BN, HD), lambda i: (i, 0)),
        out_shape=jax.ShapeDtypeStruct((N, HD), jnp.float32),
    )(x, u, h, W_ih, b_ih.reshape(1, 3 * HD), W_hh, b_hh.reshape(1, 3 * HD))



def kernel(xs, eis, W_phi_x, b_phi_x, W_c1, b_c1, W_mean, b_mean,
           W_phi_z, b_phi_z, W_ih, b_ih, W_hh, b_hh):
    eis = eis.astype(jnp.int32)

    x = _compute_x(xs, W_phi_x, b_phi_x)

    dinv_ts = []
    for t in range(T):
        degraw = _deg_kernel(eis[t, 1]).reshape(2, NPAD, 128)
        dinv_ts.append(_compute_dinv(degraw)[:N])

    h = jnp.zeros((N, HD), jnp.float32)
    zs = []
    for t in range(T):
        src = eis[t, 0]
        dst = eis[t, 1]
        src2 = jnp.concatenate([src, src + N])
        dinv = dinv_ts[t]
        y1 = _compute_y1(x, h, W_c1, dinv)
        agg1 = _agg1(y1.reshape(2 * N, 128), src2, dst).reshape(2, N, 128)
        y2 = _compute_y2(agg1, y1, dinv, b_c1, W_mean)
        agg2 = _agg2(y2, src, dst).reshape(2, N, 128)
        z, u = _compute_zu(agg2, y2, dinv, b_mean, W_phi_z, b_phi_z)
        h = _compute_gru(x, u, h, W_ih, b_ih, W_hh, b_hh)
        zs.append(z)
    return jnp.stack(zs)

# --- scband reference (transcript-rebuilt; emitter-appended) ---
"""Pipeline reference for scband-gae-rnn-9174050144913 (READ-ONLY COPY).

The authoritative reference and input builder live on the scoring server;
editing this copy changes nothing except your own understanding.
"""

import jax, jax.numpy as jnp
import numpy as np

N = 10000; T = 3; E = 320000
X_DIM = 128; H_DIM = 256; Z_DIM = 128

def _gcn_conv(x, src, dst, W, b):
    n = x.shape[0]
    loop = jnp.arange(n, dtype=src.dtype)
    s = jnp.concatenate([src, loop])
    d = jnp.concatenate([dst, loop])
    ew = jnp.ones(s.shape[0], dtype=jnp.float32)
    deg = jnp.zeros(n, dtype=jnp.float32).at[d].add(ew)
    dinv = jnp.where(deg > 0, jax.lax.rsqrt(jnp.maximum(deg, 1e-12)), 0.0)
    norm = dinv[s] * ew * dinv[d]
    xl = x @ W
    out = jnp.zeros((n, W.shape[1]), dtype=jnp.float32).at[d].add(xl[s] * norm[:, None])
    return out + b

def _gru_cell(x, h, W_ih, b_ih, W_hh, b_hh):
    gi = x @ W_ih + b_ih
    gh = h @ W_hh + b_hh
    i_r, i_z, i_n = jnp.split(gi, 3, axis=1)
    h_r, h_z, h_n = jnp.split(gh, 3, axis=1)
    r = jax.nn.sigmoid(i_r + h_r)
    zg = jax.nn.sigmoid(i_z + h_z)
    ng = jnp.tanh(i_n + r * h_n)
    return (1.0 - zg) * ng + zg * h

def setup_inputs(seed: int = 0):
    key = jax.random.key(seed)
    def p(i, shape, scale=0.05):
        return jax.random.normal(jax.random.fold_in(key, i), shape, dtype=jnp.float32) * scale
    inp = {}
    inp["xs"] = p(0, (N, X_DIM), 1.0)
    inp["eis"] = jax.random.randint(jax.random.fold_in(key, 1), (T, 2, E), 0, N)
    inp["W_phi_x"] = p(2, (X_DIM, H_DIM))
    inp["b_phi_x"] = p(3, (H_DIM,))
    inp["W_c1"] = p(4, (2 * H_DIM, H_DIM))
    inp["b_c1"] = p(5, (H_DIM,))
    inp["W_mean"] = p(6, (H_DIM, Z_DIM))
    inp["b_mean"] = p(7, (Z_DIM,))
    inp["W_phi_z"] = p(8, (Z_DIM, H_DIM))
    inp["b_phi_z"] = p(9, (H_DIM,))
    inp["W_ih"] = p(10, (2 * H_DIM, 3 * H_DIM))
    inp["b_ih"] = p(11, (3 * H_DIM,))
    inp["W_hh"] = p(12, (H_DIM, 3 * H_DIM))
    inp["b_hh"] = p(13, (3 * H_DIM,))
    return inp

def reference(xs, eis, W_phi_x, b_phi_x, W_c1, b_c1, W_mean, b_mean, W_phi_z, b_phi_z, W_ih, b_ih, W_hh, b_hh):
    h = jnp.zeros((xs.shape[0], H_DIM), dtype=jnp.float32)
    zs = []
    for t in range(T):
        src = eis[t, 0]
        dst = eis[t, 1]
        x = jax.nn.relu(xs @ W_phi_x + b_phi_x)
        gcn_x = jnp.concatenate([x, h], axis=1)
        hx = jax.nn.relu(_gcn_conv(gcn_x, src, dst, W_c1, b_c1))
        z = _gcn_conv(hx, src, dst, W_mean, b_mean)
        h_in = jnp.concatenate([x, jax.nn.relu(z @ W_phi_z + b_phi_z)], axis=1)
        h = _gru_cell(h_in, h, W_ih, b_ih, W_hh, b_hh)
        zs.append(z)
    return jnp.stack(zs)

if __name__ == "__main__":
    import jax
    _d = setup_inputs()
    print(jax.jit(kernel)(*tuple(_d.values())))

</pallas_src>

<mosaic_0001>
#map = affine_map<(d0, d1) -> (0, 0)>
#map1 = affine_map<(d0, d1) -> (0)>
module attributes {stable_mosaic.version = 14 : i64} {
  func.func @_agg(%arg0: i32, %arg1: i32, %arg2: memref<10000x128xf32, #tpu.memory_space<hbm>>, %arg3: memref<320000xi32, #tpu.memory_space<hbm>>, %arg4: memref<320000xi32, #tpu.memory_space<hbm>>, %arg5: memref<20000x128xf32, #tpu.memory_space<hbm>>, %arg6: memref<80xi32, #tpu.memory_space<vmem>>, %arg7: memref<80xi32, #tpu.memory_space<vmem>>, %arg8: memref<80x128xf32, #tpu.memory_space<vmem>>, %arg9: memref<200x128xf32, #tpu.memory_space<vmem>>, %arg10: memref<10000x128xf32, #tpu.memory_space<vmem_shared>>, %arg11: memref<!tpu.dma_semaphore, #tpu.memory_space<semaphore_mem>>) attributes {dimension_semantics = [#tpu.dimension_semantics<core_parallel>, #tpu.dimension_semantics<subcore_parallel>], iteration_bounds = array<i64: 2, 16>, scalar_prefetch = 0 : i64, scratch_operands = 6 : i64, tpu.core_type = #tpu.core_type<sc_vector_subcore>, window_params = [{transform_indices = #map}, {transform_indices = #map1}, {transform_indices = #map1}, {transform_indices = #map}]} {
    %scan3A = arith.constant 0 : i32
    %scan3A_0 = arith.constant 0 : i32
    %scan3A_1 = arith.constant 200 : i32
    %scan3A_2 = arith.addi %scan3A_0, %scan3A_1 : i32
    %scan3A_3 = arith.constant 1 : i32
    scf.for %scan3A_36 = %scan3A_0 to %scan3A_2 step %scan3A_3  : i32 {
      %broadcast_in_dim3A = arith.constant 0.000000e+00 : f32
      %broadcast_in_dim3A_37 = vector.broadcast %broadcast_in_dim3A : f32 to vector<16xf32>
      %swap3A = arith.index_cast %scan3A_36 : i32 to index
      %swap3A_38 = arith.constant 0 : index
      %swap3A_39 = tpu.vector_load %arg9[%swap3A, %swap3A_38] {strides = array<i32>} : memref<200x128xf32, #tpu.memory_space<vmem>>, vector<1x16xf32>,
      %swap3A_40 = vector.shape_cast %swap3A_39 : vector<1x16xf32> to vector<16xf32>
      %swap3A_41 = vector.shape_cast %broadcast_in_dim3A_37 : vector<16xf32> to vector<1x16xf32>
      tpu.vector_store %arg9[%swap3A, %swap3A_38], %swap3A_41 {strides = array<i32>} : memref<200x128xf32, #tpu.memory_space<vmem>>, vector<1x16xf32>,
      %broadcast_in_dim3A_42 = arith.constant 0.000000e+00 : f32
      %broadcast_in_dim3A_43 = vector.broadcast %broadcast_in_dim3A_42 : f32 to vector<16xf32>
      %swap3A_44 = arith.index_cast %scan3A_36 : i32 to index
      %swap3A_45 = arith.constant 16 : index
      %swap3A_46 = tpu.vector_load %arg9[%swap3A_44, %swap3A_45] {strides = array<i32>} : memref<200x128xf32, #tpu.memory_space<vmem>>, vector<1x16xf32>,
      %swap3A_47 = vector.shape_cast %swap3A_46 : vector<1x16xf32> to vector<16xf32>
      %swap3A_48 = vector.shape_cast %broadcast_in_dim3A_43 : vector<16xf32> to vector<1x16xf32>
      tpu.vector_store %arg9[%swap3A_44, %swap3A_45], %swap3A_48 {strides = array<i32>} : memref<200x128xf32, #tpu.memory_space<vmem>>, vector<1x16xf32>,
      %broadcast_in_dim3A_49 = arith.constant 0.000000e+00 : f32
      %broadcast_in_dim3A_50 = vector.broadcast %broadcast_in_dim3A_49 : f32 to vector<16xf32>
      %swap3A_51 = arith.index_cast %scan3A_36 : i32 to index
      %swap3A_52 = arith.constant 32 : index
      %swap3A_53 = tpu.vector_load %arg9[%swap3A_51, %swap3A_52] {strides = array<i32>} : memref<200x128xf32, #tpu.memory_space<vmem>>, vector<1x16xf32>,
      %swap3A_54 = vector.shape_cast %swap3A_53 : vector<1x16xf32> to vector<16xf32>
      %swap3A_55 = vector.shape_cast %broadcast_in_dim3A_50 : vector<16xf32> to vector<1x16xf32>
      tpu.vector_store %arg9[%swap3A_51, %swap3A_52], %swap3A_55 {strides = array<i32>} : memref<200x128xf32, #tpu.memory_space<vmem>>, vector<1x16xf32>,
      %broadcast_in_dim3A_56 = arith.constant 0.000000e+00 : f32
      %broadcast_in_dim3A_57 = vector.broadcast %broadcast_in_dim3A_56 : f32 to vector<16xf32>
      %swap3A_58 = arith.index_cast %scan3A_36 : i32 to index
      %swap3A_59 = arith.constant 48 : index
      %swap3A_60 = tpu.vector_load %arg9[%swap3A_58, %swap3A_59] {strides = array<i32>} : memref<200x128xf32, #tpu.memory_space<vmem>>, vector<1x16xf32>,
      %swap3A_61 = vector.shape_cast %swap3A_60 : vector<1x16xf32> to vector<16xf32>
      %swap3A_62 = vector.shape_cast %broadcast_in_dim3A_57 : vector<16xf32> to vector<1x16xf32>
      tpu.vector_store %arg9[%swap3A_58, %swap3A_59], %swap3A_62 {strides = array<i32>} : memref<200x128xf32, #tpu.memory_space<vmem>>, vector<1x16xf32>,
      %broadcast_in_dim3A_63 = arith.constant 0.000000e+00 : f32
      %broadcast_in_dim3A_64 = vector.broadcast %broadcast_in_dim3A_63 : f32 to vector<16xf32>
      %swap3A_65 = arith.index_cast %scan3A_36 : i32 to index
      %swap3A_66 = arith.constant 64 : index
      %swap3A_67 = tpu.vector_load %arg9[%swap3A_65, %swap3A_66] {strides = array<i32>} : memref<200x128xf32, #tpu.memory_space<vmem>>, vector<1x16xf32>,
      %swap3A_68 = vector.shape_cast %swap3A_67 : vector<1x16xf32> to vector<16xf32>
      %swap3A_69 = vector.shape_cast %broadcast_in_dim3A_64 : vector<16xf32> to vector<1x16xf32>
      tpu.vector_store %arg9[%swap3A_65, %swap3A_66], %swap3A_69 {strides = array<i32>} : memref<200x128xf32, #tpu.memory_space<vmem>>, vector<1x16xf32>,
      %broadcast_in_dim3A_70 = arith.constant 0.000000e+00 : f32
      %broadcast_in_dim3A_71 = vector.broadcast %broadcast_in_dim3A_70 : f32 to vector<16xf32>
      %swap3A_72 = arith.index_cast %scan3A_36 : i32 to index
      %swap3A_73 = arith.constant 80 : index
      %swap3A_74 = tpu.vector_load %arg9[%swap3A_72, %swap3A_73] {strides = array<i32>} : memref<200x128xf32, #tpu.memory_space<vmem>>, vector<1x16xf32>,
      %swap3A_75 = vector.shape_cast %swap3A_74 : vector<1x16xf32> to vector<16xf32>
      %swap3A_76 = vector.shape_cast %broadcast_in_dim3A_71 : vector<16xf32> to vector<1x16xf32>
      tpu.vector_store %arg9[%swap3A_72, %swap3A_73], %swap3A_76 {strides = array<i32>} : memref<200x128xf32, #tpu.memory_space<vmem>>, vector<1x16xf32>,
      %broadcast_in_dim3A_77 = arith.constant 0.000000e+00 : f32
      %broadcast_in_dim3A_78 = vector.broadcast %broadcast_in_dim3A_77 : f32 to vector<16xf32>
      %swap3A_79 = arith.index_cast %scan3A_36 : i32 to index
      %swap3A_80 = arith.constant 96 : index
      %swap3A_81 = tpu.vector_load %arg9[%swap3A_79, %swap3A_80] {strides = array<i32>} : memref<200x128xf32, #tpu.memory_space<vmem>>, vector<1x16xf32>,
      %swap3A_82 = vector.shape_cast %swap3A_81 : vector<1x16xf32> to vector<16xf32>
      %swap3A_83 = vector.shape_cast %broadcast_in_dim3A_78 : vector<16xf32> to vector<1x16xf32>
      tpu.vector_store %arg9[%swap3A_79, %swap3A_80], %swap3A_83 {strides = array<i32>} : memref<200x128xf32, #tpu.memory_space<vmem>>, vector<1x16xf32>,
      %broadcast_in_dim3A_84 = arith.constant 0.000000e+00 : f32
      %broadcast_in_dim3A_85 = vector.broadcast %broadcast_in_dim3A_84 : f32 to vector<16xf32>
      %swap3A_86 = arith.index_cast %scan3A_36 : i32 to index
      %swap3A_87 = arith.constant 112 : index
      %swap3A_88 = tpu.vector_load %arg9[%swap3A_86, %swap3A_87] {strides = array<i32>} : memref<200x128xf32, #tpu.memory_space<vmem>>, vector<1x16xf32>,
      %swap3A_89 = vector.shape_cast %swap3A_88 : vector<1x16xf32> to vector<16xf32>
      %swap3A_90 = vector.shape_cast %broadcast_in_dim3A_85 : vector<16xf32> to vector<1x16xf32>
      tpu.vector_store %arg9[%swap3A_86, %swap3A_87], %swap3A_90 {strides = array<i32>} : memref<200x128xf32, #tpu.memory_space<vmem>>, vector<1x16xf32>,
    }
    %scan3A_4 = arith.constant 200 : i32
    %lt3A = arith.constant 2 : i32
    %lt3A_5 = arith.cmpi slt, %arg1, %lt3A : i32
    %jit3A = arith.constant 4 : i32
    %jit3A_6 = arith.constant 3 : i32
    %select_n3A = arith.select %lt3A_5, %jit3A, %jit3A_6 : i32
    %while3A = arith.constant 0 : i32
    %while3A_7 = arith.constant 0 : i32
    %while3A_8 = arith.subi %select_n3A, %while3A_7 : i32
    %while3A_9 = arith.addi %while3A_7, %while3A_8 : i32
    %while3A_10 = arith.constant 1 : i32
    %while3A_11 = arith.divsi %while3A_8, %while3A_10 : i32
    %while3A_12 = arith.muli %while3A_11, %while3A_10 : i32
    %while3A_13 = arith.addi %while3A_7, %while3A_12 : i32
    %while3A_14 = arith.constant 1 : i32
    scf.for %while3A_36 = %while3A_7 to %while3A_13 step %while3A_14  : i32 {
      %mul3A_37 = arith.constant 16 : i32
      %mul3A_38 = arith.muli %while3A_36, %mul3A_37 : i32
      %add3A_39 = arith.addi %arg1, %mul3A_38 : i32
      %mul3A_40 = arith.constant 200 : i32
      %mul3A_41 = arith.muli %add3A_39, %mul3A_40 : i32
      "tpu.region"() ({
        %run_scoped3A = tpu.sem_alloc : memref<!tpu.dma_semaphore, #tpu.memory_space<semaphore_mem>>
        %dma_start3A = arith.constant 0 : i32
        %dma_start3A_42 = tpu.memref_slice %arg10[%mul3A_41, %dma_start3A] : memref<10000x128xf32, #tpu.memory_space<vmem_shared>> -> memref<200x128xf32, #tpu.memory_space<vmem_shared>>
        %dma_start3A_43 = arith.constant 0 : i32
        %dma_start3A_44 = tpu.memref_slice %arg10[%mul3A_41, %dma_start3A_43] : memref<10000x128xf32, #tpu.memory_space<vmem_shared>> -> memref<200x128xf32, #tpu.memory_space<vmem_shared>>
        tpu.enqueue_dma source(%arg9 : memref<200x128xf32, #tpu.memory_space<vmem>>) target(%dma_start3A_44 : memref<200x128xf32, #tpu.memory_space<vmem_shared>>) target_semaphore(%run_scoped3A : memref<!tpu.dma_semaphore, #tpu.memory_space<semaphore_mem>>)
        %dma_wait3A = arith.constant 0 : i32
        %dma_wait3A_45 = tpu.memref_slice %arg10[%mul3A_41, %dma_wait3A] : memref<10000x128xf32, #tpu.memory_space<vmem_shared>> -> memref<200x128xf32, #tpu.memory_space<vmem_shared>>
        %dma_wait3A_46 = arith.constant 0 : i32
        %dma_wait3A_47 = tpu.memref_slice %arg10[%mul3A_41, %dma_wait3A_46] : memref<10000x128xf32, #tpu.memory_space<vmem_shared>> -> memref<200x128xf32, #tpu.memory_space<vmem_shared>>
        tpu.wait_dma2 semaphore(%run_scoped3A : memref<!tpu.dma_semaphore, #tpu.memory_space<semaphore_mem>>) src(%arg9 : memref<200x128xf32, #tpu.memory_space<vmem>>) dst(%dma_wait3A_47 : memref<200x128xf32, #tpu.memory_space<vmem_shared>>)
        tpu.yield
      }) : () -> ()
    }
    %while3A_15 = arith.constant 1 : i32
    scf.for %while3A_36 = %while3A_13 to %while3A_9 step %while3A_15  : i32 {
      %mul3A_37 = arith.constant 16 : i32
      %mul3A_38 = arith.muli %while3A_36, %mul3A_37 : i32
      %add3A_39 = arith.addi %arg1, %mul3A_38 : i32
      %mul3A_40 = arith.constant 200 : i32
      %mul3A_41 = arith.muli %add3A_39, %mul3A_40 : i32
      "tpu.region"() ({
        %run_scoped3A = tpu.sem_alloc : memref<!tpu.dma_semaphore, #tpu.memory_space<semaphore_mem>>
        %dma_start3A = arith.constant 0 : i32
        %dma_start3A_42 = tpu.memref_slice %arg10[%mul3A_41, %dma_start3A] : memref<10000x128xf32, #tpu.memory_space<vmem_shared>> -> memref<200x128xf32, #tpu.memory_space<vmem_shared>>
        %dma_start3A_43 = arith.constant 0 : i32
        %dma_start3A_44 = tpu.memref_slice %arg10[%mul3A_41, %dma_start3A_43] : memref<10000x128xf32, #tpu.memory_space<vmem_shared>> -> memref<200x128xf32, #tpu.memory_space<vmem_shared>>
        tpu.enqueue_dma source(%arg9 : memref<200x128xf32, #tpu.memory_space<vmem>>) target(%dma_start3A_44 : memref<200x128xf32, #tpu.memory_space<vmem_shared>>) target_semaphore(%run_scoped3A : memref<!tpu.dma_semaphore, #tpu.memory_space<semaphore_mem>>)
        %dma_wait3A = arith.constant 0 : i32
        %dma_wait3A_45 = tpu.memref_slice %arg10[%mul3A_41, %dma_wait3A] : memref<10000x128xf32, #tpu.memory_space<vmem_shared>> -> memref<200x128xf32, #tpu.memory_space<vmem_shared>>
        %dma_wait3A_46 = arith.constant 0 : i32
        %dma_wait3A_47 = tpu.memref_slice %arg10[%mul3A_41, %dma_wait3A_46] : memref<10000x128xf32, #tpu.memory_space<vmem_shared>> -> memref<200x128xf32, #tpu.memory_space<vmem_shared>>
        tpu.wait_dma2 semaphore(%run_scoped3A : memref<!tpu.dma_semaphore, #tpu.memory_space<semaphore_mem>>) src(%arg9 : memref<200x128xf32, #tpu.memory_space<vmem>>) dst(%dma_wait3A_47 : memref<200x128xf32, #tpu.memory_space<vmem_shared>>)
        tpu.yield
      }) : () -> ()
    }
    %barrier3A = arith.constant 0 : index
    tpu.barrier barrier_id(%barrier3A)
    %mul3A = arith.constant 2 : i32
    %mul3A_16 = arith.muli %arg1, %mul3A : i32
    %add3A = arith.addi %mul3A_16, %arg0 : i32
    %mul3A_17 = arith.constant 10000 : i32
    %mul3A_18 = arith.muli %add3A, %mul3A_17 : i32
    %scan3A_19 = arith.constant 0 : i32
    %scan3A_20 = arith.constant 0 : i32
    %scan3A_21 = arith.constant 125 : i32
    %scan3A_22 = arith.addi %scan3A_20, %scan3A_21 : i32
    %scan3A_23 = arith.constant 1 : i32
    scf.for %scan3A_36 = %scan3A_20 to %scan3A_22 step %scan3A_23  : i32 {
      %mul3A_37 = arith.constant 80 : i32
      %mul3A_38 = arith.muli %scan3A_36, %mul3A_37 : i32
      %add3A_39 = arith.addi %mul3A_18, %mul3A_38 : i32
      "tpu.region"() ({
        %run_scoped3A = tpu.sem_alloc : memref<!tpu.dma_semaphore, #tpu.memory_space<semaphore_mem>>
        %dma_start3A_47 = tpu.memref_slice %arg3[%add3A_39] : memref<320000xi32, #tpu.memory_space<hbm>> -> memref<80xi32, #tpu.memory_space<hbm>>
        %dma_start3A_48 = tpu.memref_slice %arg3[%add3A_39] : memref<320000xi32, #tpu.memory_space<hbm>> -> memref<80xi32, #tpu.memory_space<hbm>>
        tpu.enqueue_dma source(%dma_start3A_48 : memref<80xi32, #tpu.memory_space<hbm>>) target(%arg6 : memref<80xi32, #tpu.memory_space<vmem>>) target_semaphore(%run_scoped3A : memref<!tpu.dma_semaphore, #tpu.memory_space<semaphore_mem>>)
        %dma_wait3A_49 = tpu.memref_slice %arg3[%add3A_39] : memref<320000xi32, #tpu.memory_space<hbm>> -> memref<80xi32, #tpu.memory_space<hbm>>
        %dma_wait3A_50 = tpu.memref_slice %arg3[%add3A_39] : memref<320000xi32, #tpu.memory_space<hbm>> -> memref<80xi32, #tpu.memory_space<hbm>>
        tpu.wait_dma2 semaphore(%run_scoped3A : memref<!tpu.dma_semaphore, #tpu.memory_space<semaphore_mem>>) src(%dma_wait3A_50 : memref<80xi32, #tpu.memory_space<hbm>>) dst(%arg6 : memref<80xi32, #tpu.memory_space<vmem>>)
        tpu.yield
      }) : () -> ()
      %dma_start3A = arith.constant 0 : i32
      %dma_start3A_40 = arith.constant 0 : i32
      %dma_start3A_41 = tpu.memref_slice %arg2[%dma_start3A, %dma_start3A_40] : memref<10000x128xf32, #tpu.memory_space<hbm>> -> memref<10000x128xf32, #tpu.memory_space<hbm>>
      tpu.enqueue_indirect_dma source(%dma_start3A_41 : memref<10000x128xf32, #tpu.memory_space<hbm>>) target(%arg8 : memref<80x128xf32, #tpu.memory_space<vmem>>) offsets(%arg6 : memref<80xi32, #tpu.memory_space<vmem>>) semaphore(%arg11 : memref<!tpu.dma_semaphore, #tpu.memory_space<semaphore_mem>>)
      %mul3A_42 = arith.constant 80 : i32
      %mul3A_43 = arith.muli %scan3A_36, %mul3A_42 : i32
      %add3A_44 = arith.addi %mul3A_18, %mul3A_43 : i32
      "tpu.region"() ({
        %run_scoped3A = tpu.sem_alloc : memref<!tpu.dma_semaphore, #tpu.memory_space<semaphore_mem>>
        %dma_start3A_47 = tpu.memref_slice %arg4[%add3A_44] : memref<320000xi32, #tpu.memory_space<hbm>> -> memref<80xi32, #tpu.memory_space<hbm>>
        %dma_start3A_48 = tpu.memref_slice %arg4[%add3A_44] : memref<320000xi32, #tpu.memory_space<hbm>> -> memref<80xi32, #tpu.memory_space<hbm>>
        tpu.enqueue_dma source(%dma_start3A_48 : memref<80xi32, #tpu.memory_space<hbm>>) target(%arg7 : memref<80xi32, #tpu.memory_space<vmem>>) target_semaphore(%run_scoped3A : memref<!tpu.dma_semaphore, #tpu.memory_space<semaphore_mem>>)
        %dma_wait3A_49 = tpu.memref_slice %arg4[%add3A_44] : memref<320000xi32, #tpu.memory_space<hbm>> -> memref<80xi32, #tpu.memory_space<hbm>>
        %dma_wait3A_50 = tpu.memref_slice %arg4[%add3A_44] : memref<320000xi32, #tpu.memory_space<hbm>> -> memref<80xi32, #tpu.memory_space<hbm>>
        tpu.wait_dma2 semaphore(%run_scoped3A : memref<!tpu.dma_semaphore, #tpu.memory_space<semaphore_mem>>) src(%dma_wait3A_50 : memref<80xi32, #tpu.memory_space<hbm>>) dst(%arg7 : memref<80xi32, #tpu.memory_space<vmem>>)
        tpu.yield
      }) : () -> ()
      %dma_wait3A = arith.constant 0 : i32
      %dma_wait3A_45 = arith.constant 0 : i32
      %dma_wait3A_46 = tpu.memref_slice %arg2[%dma_wait3A, %dma_wait3A_45] : memref<10000x128xf32, #tpu.memory_space<hbm>> -> memref<10000x128xf32, #tpu.memory_space<hbm>>
      tpu.wait_indirect_dma semaphore(%arg11 : memref<!tpu.dma_semaphore, #tpu.memory_space<semaphore_mem>>) src(%dma_wait3A_46 : memref<10000x128xf32, #tpu.memory_space<hbm>>) dst(%arg8 : memref<80x128xf32, #tpu.memory_space<vmem>>)
      "tpu.region"() ({
        %run_scoped3A = tpu.sem_alloc : memref<!tpu.dma_semaphore, #tpu.memory_space<semaphore_mem>>
        %dma_start3A_47 = arith.constant 0 : i32
        %dma_start3A_48 = arith.constant 0 : i32
        %dma_start3A_49 = tpu.memref_slice %arg10[%dma_start3A_47, %dma_start3A_48] : memref<10000x128xf32, #tpu.memory_space<vmem_shared>> -> memref<10000x128xf32, #tpu.memory_space<vmem_shared>>
        tpu.enqueue_indirect_dma source(%arg8 : memref<80x128xf32, #tpu.memory_space<vmem>>) target(%dma_start3A_49 : memref<10000x128xf32, #tpu.memory_space<vmem_shared>>) offsets(%arg7 : memref<80xi32, #tpu.memory_space<vmem>>) semaphore(%run_scoped3A : memref<!tpu.dma_semaphore, #tpu.memory_space<semaphore_mem>>) {add = true}
        %dma_wait3A_50 = arith.constant 0 : i32
        %dma_wait3A_51 = arith.constant 0 : i32
        %dma_wait3A_52 = tpu.memref_slice %arg10[%dma_wait3A_50, %dma_wait3A_51] : memref<10000x128xf32, #tpu.memory_space<vmem_shared>> -> memref<10000x128xf32, #tpu.memory_space<vmem_shared>>
        tpu.wait_indirect_dma semaphore(%run_scoped3A : memref<!tpu.dma_semaphore, #tpu.memory_space<semaphore_mem>>) src(%arg8 : memref<80x128xf32, #tpu.memory_space<vmem>>) dst(%dma_wait3A_52 : memref<10000x128xf32, #tpu.memory_space<vmem_shared>>)
        tpu.yield
      }) : () -> ()
    }
    %scan3A_24 = arith.constant 125 : i32
    %barrier3A_25 = arith.constant 0 : index
    tpu.barrier barrier_id(%barrier3A_25)
    %while3A_26 = arith.constant 0 : i32
    %while3A_27 = arith.constant 0 : i32
    %while3A_28 = arith.subi %select_n3A, %while3A_27 : i32
    %while3A_29 = arith.addi %while3A_27, %while3A_28 : i32
    %while3A_30 = arith.constant 1 : i32
    %while3A_31 = arith.divsi %while3A_28, %while3A_30 : i32
    %while3A_32 = arith.muli %while3A_31, %while3A_30 : i32
    %while3A_33 = arith.addi %while3A_27, %while3A_32 : i32
    %while3A_34 = arith.constant 1 : i32
    scf.for %while3A_36 = %while3A_27 to %while3A_33 step %while3A_34  : i32 {
      %mul3A_37 = arith.constant 16 : i32
      %mul3A_38 = arith.muli %while3A_36, %mul3A_37 : i32
      %add3A_39 = arith.addi %arg1, %mul3A_38 : i32
      %mul3A_40 = arith.constant 200 : i32
      %mul3A_41 = arith.muli %add3A_39, %mul3A_40 : i32
      "tpu.region"() ({
        %run_scoped3A = tpu.sem_alloc : memref<!tpu.dma_semaphore, #tpu.memory_space<semaphore_mem>>
        %dma_start3A = arith.constant 0 : i32
        %dma_start3A_47 = tpu.memref_slice %arg10[%mul3A_41, %dma_start3A] : memref<10000x128xf32, #tpu.memory_space<vmem_shared>> -> memref<200x128xf32, #tpu.memory_space<vmem_shared>>
        %dma_start3A_48 = arith.constant 0 : i32
        %dma_start3A_49 = tpu.memref_slice %arg10[%mul3A_41, %dma_start3A_48] : memref<10000x128xf32, #tpu.memory_space<vmem_shared>> -> memref<200x128xf32, #tpu.memory_space<vmem_shared>>
        tpu.enqueue_dma source(%dma_start3A_49 : memref<200x128xf32, #tpu.memory_space<vmem_shared>>) target(%arg9 : memref<200x128xf32, #tpu.memory_space<vmem>>) target_semaphore(%run_scoped3A : memref<!tpu.dma_semaphore, #tpu.memory_space<semaphore_mem>>)
        %dma_wait3A = arith.constant 0 : i32
        %dma_wait3A_50 = tpu.memref_slice %arg10[%mul3A_41, %dma_wait3A] : memref<10000x128xf32, #tpu.memory_space<vmem_shared>> -> memref<200x128xf32, #tpu.memory_space<vmem_shared>>
        %dma_wait3A_51 = arith.constant 0 : i32
        %dma_wait3A_52 = tpu.memref_slice %arg10[%mul3A_41, %dma_wait3A_51] : memref<10000x128xf32, #tpu.memory_space<vmem_shared>> -> memref<200x128xf32, #tpu.memory_space<vmem_shared>>
        tpu.wait_dma2 semaphore(%run_scoped3A : memref<!tpu.dma_semaphore, #tpu.memory_space<semaphore_mem>>) src(%dma_wait3A_52 : memref<200x128xf32, #tpu.memory_space<vmem_shared>>) dst(%arg9 : memref<200x128xf32, #tpu.memory_space<vmem>>)
        tpu.yield
      }) : () -> ()
      %mul3A_42 = arith.constant 10000 : i32
      %mul3A_43 = arith.muli %arg0, %mul3A_42 : i32
      %mul3A_44 = arith.constant 200 : i32
      %mul3A_45 = arith.muli %add3A_39, %mul3A_44 : i32
      %add3A_46 = arith.addi %mul3A_43, %mul3A_45 : i32
      "tpu.region"() ({
        %run_scoped3A = tpu.sem_alloc : memref<!tpu.dma_semaphore, #tpu.memory_space<semaphore_mem>>
        %dma_start3A = arith.constant 0 : i32
        %dma_start3A_47 = tpu.memref_slice %arg5[%add3A_46, %dma_start3A] : memref<20000x128xf32, #tpu.memory_space<hbm>> -> memref<200x128xf32, #tpu.memory_space<hbm>>
        %dma_start3A_48 = arith.constant 0 : i32
        %dma_start3A_49 = tpu.memref_slice %arg5[%add3A_46, %dma_start3A_48] : memref<20000x128xf32, #tpu.memory_space<hbm>> -> memref<200x128xf32, #tpu.memory_space<hbm>>
        tpu.enqueue_dma source(%arg9 : memref<200x128xf32, #tpu.memory_space<vmem>>) target(%dma_start3A_49 : memref<200x128xf32, #tpu.memory_space<hbm>>) target_semaphore(%run_scoped3A : memref<!tpu.dma_semaphore, #tpu.memory_space<semaphore_mem>>)
        %dma_wait3A = arith.constant 0 : i32
        %dma_wait3A_50 = tpu.memref_slice %arg5[%add3A_46, %dma_wait3A] : memref<20000x128xf32, #tpu.memory_space<hbm>> -> memref<200x128xf32, #tpu.memory_space<hbm>>
        %dma_wait3A_51 = arith.constant 0 : i32
        %dma_wait3A_52 = tpu.memref_slice %arg5[%add3A_46, %dma_wait3A_51] : memref<20000x128xf32, #tpu.memory_space<hbm>> -> memref<200x128xf32, #tpu.memory_space<hbm>>
        tpu.wait_dma2 semaphore(%run_scoped3A : memref<!tpu.dma_semaphore, #tpu.memory_space<semaphore_mem>>) src(%arg9 : memref<200x128xf32, #tpu.memory_space<vmem>>) dst(%dma_wait3A_52 : memref<200x128xf32, #tpu.memory_space<hbm>>)
        tpu.yield
      }) : () -> ()
    }
    %while3A_35 = arith.constant 1 : i32
    scf.for %while3A_36 = %while3A_33 to %while3A_29 step %while3A_35  : i32 {
      %mul3A_37 = arith.constant 16 : i32
      %mul3A_38 = arith.muli %while3A_36, %mul3A_37 : i32
      %add3A_39 = arith.addi %arg1, %mul3A_38 : i32
      %mul3A_40 = arith.constant 200 : i32
      %mul3A_41 = arith.muli %add3A_39, %mul3A_40 : i32
      "tpu.region"() ({
        %run_scoped3A = tpu.sem_alloc : memref<!tpu.dma_semaphore, #tpu.memory_space<semaphore_mem>>
        %dma_start3A = arith.constant 0 : i32
        %dma_start3A_47 = tpu.memref_slice %arg10[%mul3A_41, %dma_start3A] : memref<10000x128xf32, #tpu.memory_space<vmem_shared>> -> memref<200x128xf32, #tpu.memory_space<vmem_shared>>
        %dma_start3A_48 = arith.constant 0 : i32
        %dma_start3A_49 = tpu.memref_slice %arg10[%mul3A_41, %dma_start3A_48] : memref<10000x128xf32, #tpu.memory_space<vmem_shared>> -> memref<200x128xf32, #tpu.memory_space<vmem_shared>>
        tpu.enqueue_dma source(%dma_start3A_49 : memref<200x128xf32, #tpu.memory_space<vmem_shared>>) target(%arg9 : memref<200x128xf32, #tpu.memory_space<vmem>>) target_semaphore(%run_scoped3A : memref<!tpu.dma_semaphore, #tpu.memory_space<semaphore_mem>>)
        %dma_wait3A = arith.constant 0 : i32
        %dma_wait3A_50 = tpu.memref_slice %arg10[%mul3A_41, %dma_wait3A] : memref<10000x128xf32, #tpu.memory_space<vmem_shared>> -> memref<200x128xf32, #tpu.memory_space<vmem_shared>>
        %dma_wait3A_51 = arith.constant 0 : i32
        %dma_wait3A_52 = tpu.memref_slice %arg10[%mul3A_41, %dma_wait3A_51] : memref<10000x128xf32, #tpu.memory_space<vmem_shared>> -> memref<200x128xf32, #tpu.memory_space<vmem_shared>>
        tpu.wait_dma2 semaphore(%run_scoped3A : memref<!tpu.dma_semaphore, #tpu.memory_space<semaphore_mem>>) src(%dma_wait3A_52 : memref<200x128xf32, #tpu.memory_space<vmem_shared>>) dst(%arg9 : memref<200x128xf32, #tpu.memory_space<vmem>>)
        tpu.yield
      }) : () -> ()
      %mul3A_42 = arith.constant 10000 : i32
      %mul3A_43 = arith.muli %arg0, %mul3A_42 : i32
      %mul3A_44 = arith.constant 200 : i32
      %mul3A_45 = arith.muli %add3A_39, %mul3A_44 : i32
      %add3A_46 = arith.addi %mul3A_43, %mul3A_45 : i32
      "tpu.region"() ({
        %run_scoped3A = tpu.sem_alloc : memref<!tpu.dma_semaphore, #tpu.memory_space<semaphore_mem>>
        %dma_start3A = arith.constant 0 : i32
        %dma_start3A_47 = tpu.memref_slice %arg5[%add3A_46, %dma_start3A] : memref<20000x128xf32, #tpu.memory_space<hbm>> -> memref<200x128xf32, #tpu.memory_space<hbm>>
        %dma_start3A_48 = arith.constant 0 : i32
        %dma_start3A_49 = tpu.memref_slice %arg5[%add3A_46, %dma_start3A_48] : memref<20000x128xf32, #tpu.memory_space<hbm>> -> memref<200x128xf32, #tpu.memory_space<hbm>>
        tpu.enqueue_dma source(%arg9 : memref<200x128xf32, #tpu.memory_space<vmem>>) target(%dma_start3A_49 : memref<200x128xf32, #tpu.memory_space<hbm>>) target_semaphore(%run_scoped3A : memref<!tpu.dma_semaphore, #tpu.memory_space<semaphore_mem>>)
        %dma_wait3A = arith.constant 0 : i32
        %dma_wait3A_50 = tpu.memref_slice %arg5[%add3A_46, %dma_wait3A] : memref<20000x128xf32, #tpu.memory_space<hbm>> -> memref<200x128xf32, #tpu.memory_space<hbm>>
        %dma_wait3A_51 = arith.constant 0 : i32
        %dma_wait3A_52 = tpu.memref_slice %arg5[%add3A_46, %dma_wait3A_51] : memref<20000x128xf32, #tpu.memory_space<hbm>> -> memref<200x128xf32, #tpu.memory_space<hbm>>
        tpu.wait_dma2 semaphore(%run_scoped3A : memref<!tpu.dma_semaphore, #tpu.memory_space<semaphore_mem>>) src(%arg9 : memref<200x128xf32, #tpu.memory_space<vmem>>) dst(%dma_wait3A_52 : memref<200x128xf32, #tpu.memory_space<hbm>>)
        tpu.yield
      }) : () -> ()
    }
    return
  }
}

#map = affine_map<(d0, d1) -> (0)>
#map1 = affine_map<(d0, d1) -> (0, 0)>
module attributes {stable_mosaic.version = 14 : i64} {
  func.func @_deg_kernel(%arg0: i32, %arg1: i32, %arg2: memref<320000xi32, #tpu.memory_space<hbm>>, %arg3: memref<20480x128xf32, #tpu.memory_space<hbm>>, %arg4: memref<80xi32, #tpu.memory_space<vmem>>, %arg5: memref<80x128xf32, #tpu.memory_space<vmem>>, %arg6: memref<128x128xf32, #tpu.memory_space<vmem>>, %arg7: memref<10240x128xf32, #tpu.memory_space<vmem_shared>>) attributes {dimension_semantics = [#tpu.dimension_semantics<core_parallel>, #tpu.dimension_semantics<subcore_parallel>], iteration_bounds = array<i64: 2, 16>, scalar_prefetch = 0 : i64, scratch_operands = 4 : i64, tpu.core_type = #tpu.core_type<sc_vector_subcore>, window_params = [{transform_indices = #map}, {transform_indices = #map1}]} {
    %mul3A = arith.constant 2 : i32
    %mul3A_0 = arith.muli %arg1, %mul3A : i32
    %add3A = arith.addi %mul3A_0, %arg0 : i32
    %scan3A = arith.constant 0 : i32
    %scan3A_1 = arith.constant 0 : i32
    %scan3A_2 = arith.constant 128 : i32
    %scan3A_3 = arith.addi %scan3A_1, %scan3A_2 : i32
    %scan3A_4 = arith.constant 1 : i32
    scf.for %scan3A_31 = %scan3A_1 to %scan3A_3 step %scan3A_4  : i32 {
      %broadcast_in_dim3A = arith.constant 0.000000e+00 : f32
      %broadcast_in_dim3A_32 = vector.broadcast %broadcast_in_dim3A : f32 to vector<16xf32>
      %swap3A = arith.index_cast %scan3A_31 : i32 to index
      %swap3A_33 = arith.constant 0 : index
      %swap3A_34 = tpu.vector_load %arg6[%swap3A, %swap3A_33] {strides = array<i32>} : memref<128x128xf32, #tpu.memory_space<vmem>>, vector<1x16xf32>,
      %swap3A_35 = vector.shape_cast %swap3A_34 : vector<1x16xf32> to vector<16xf32>
      %swap3A_36 = vector.shape_cast %broadcast_in_dim3A_32 : vector<16xf32> to vector<1x16xf32>
      tpu.vector_store %arg6[%swap3A, %swap3A_33], %swap3A_36 {strides = array<i32>} : memref<128x128xf32, #tpu.memory_space<vmem>>, vector<1x16xf32>,
      %broadcast_in_dim3A_37 = arith.constant 0.000000e+00 : f32
      %broadcast_in_dim3A_38 = vector.broadcast %broadcast_in_dim3A_37 : f32 to vector<16xf32>
      %swap3A_39 = arith.index_cast %scan3A_31 : i32 to index
      %swap3A_40 = arith.constant 16 : index
      %swap3A_41 = tpu.vector_load %arg6[%swap3A_39, %swap3A_40] {strides = array<i32>} : memref<128x128xf32, #tpu.memory_space<vmem>>, vector<1x16xf32>,
      %swap3A_42 = vector.shape_cast %swap3A_41 : vector<1x16xf32> to vector<16xf32>
      %swap3A_43 = vector.shape_cast %broadcast_in_dim3A_38 : vector<16xf32> to vector<1x16xf32>
      tpu.vector_store %arg6[%swap3A_39, %swap3A_40], %swap3A_43 {strides = array<i32>} : memref<128x128xf32, #tpu.memory_space<vmem>>, vector<1x16xf32>,
      %broadcast_in_dim3A_44 = arith.constant 0.000000e+00 : f32
      %broadcast_in_dim3A_45 = vector.broadcast %broadcast_in_dim3A_44 : f32 to vector<16xf32>
      %swap3A_46 = arith.index_cast %scan3A_31 : i32 to index
      %swap3A_47 = arith.constant 32 : index
      %swap3A_48 = tpu.vector_load %arg6[%swap3A_46, %swap3A_47] {strides = array<i32>} : memref<128x128xf32, #tpu.memory_space<vmem>>, vector<1x16xf32>,
      %swap3A_49 = vector.shape_cast %swap3A_48 : vector<1x16xf32> to vector<16xf32>
      %swap3A_50 = vector.shape_cast %broadcast_in_dim3A_45 : vector<16xf32> to vector<1x16xf32>
      tpu.vector_store %arg6[%swap3A_46, %swap3A_47], %swap3A_50 {strides = array<i32>} : memref<128x128xf32, #tpu.memory_space<vmem>>, vector<1x16xf32>,
      %broadcast_in_dim3A_51 = arith.constant 0.000000e+00 : f32
      %broadcast_in_dim3A_52 = vector.broadcast %broadcast_in_dim3A_51 : f32 to vector<16xf32>
      %swap3A_53 = arith.index_cast %scan3A_31 : i32 to index
      %swap3A_54 = arith.constant 48 : index
      %swap3A_55 = tpu.vector_load %arg6[%swap3A_53, %swap3A_54] {strides = array<i32>} : memref<128x128xf32, #tpu.memory_space<vmem>>, vector<1x16xf32>,
      %swap3A_56 = vector.shape_cast %swap3A_55 : vector<1x16xf32> to vector<16xf32>
      %swap3A_57 = vector.shape_cast %broadcast_in_dim3A_52 : vector<16xf32> to vector<1x16xf32>
      tpu.vector_store %arg6[%swap3A_53, %swap3A_54], %swap3A_57 {strides = array<i32>} : memref<128x128xf32, #tpu.memory_space<vmem>>, vector<1x16xf32>,
      %broadcast_in_dim3A_58 = arith.constant 0.000000e+00 : f32
      %broadcast_in_dim3A_59 = vector.broadcast %broadcast_in_dim3A_58 : f32 to vector<16xf32>
      %swap3A_60 = arith.index_cast %scan3A_31 : i32 to index
      %swap3A_61 = arith.constant 64 : index
      %swap3A_62 = tpu.vector_load %arg6[%swap3A_60, %swap3A_61] {strides = array<i32>} : memref<128x128xf32, #tpu.memory_space<vmem>>, vector<1x16xf32>,
      %swap3A_63 = vector.shape_cast %swap3A_62 : vector<1x16xf32> to vector<16xf32>
      %swap3A_64 = vector.shape_cast %broadcast_in_dim3A_59 : vector<16xf32> to vector<1x16xf32>
      tpu.vector_store %arg6[%swap3A_60, %swap3A_61], %swap3A_64 {strides = array<i32>} : memref<128x128xf32, #tpu.memory_space<vmem>>, vector<1x16xf32>,
      %broadcast_in_dim3A_65 = arith.constant 0.000000e+00 : f32
      %broadcast_in_dim3A_66 = vector.broadcast %broadcast_in_dim3A_65 : f32 to vector<16xf32>
      %swap3A_67 = arith.index_cast %scan3A_31 : i32 to index
      %swap3A_68 = arith.constant 80 : index
      %swap3A_69 = tpu.vector_load %arg6[%swap3A_67, %swap3A_68] {strides = array<i32>} : memref<128x128xf32, #tpu.memory_space<vmem>>, vector<1x16xf32>,
      %swap3A_70 = vector.shape_cast %swap3A_69 : vector<1x16xf32> to vector<16xf32>
      %swap3A_71 = vector.shape_cast %broadcast_in_dim3A_66 : vector<16xf32> to vector<1x16xf32>
      tpu.vector_store %arg6[%swap3A_67, %swap3A_68], %swap3A_71 {strides = array<i32>} : memref<128x128xf32, #tpu.memory_space<vmem>>, vector<1x16xf32>,
      %broadcast_in_dim3A_72 = arith.constant 0.000000e+00 : f32
      %broadcast_in_dim3A_73 = vector.broadcast %broadcast_in_dim3A_72 : f32 to vector<16xf32>
      %swap3A_74 = arith.index_cast %scan3A_31 : i32 to index
      %swap3A_75 = arith.constant 96 : index
      %swap3A_76 = tpu.vector_load %arg6[%swap3A_74, %swap3A_75] {strides = array<i32>} : memref<128x128xf32, #tpu.memory_space<vmem>>, vector<1x16xf32>,
      %swap3A_77 = vector.shape_cast %swap3A_76 : vector<1x16xf32> to vector<16xf32>
      %swap3A_78 = vector.shape_cast %broadcast_in_dim3A_73 : vector<16xf32> to vector<1x16xf32>
      tpu.vector_store %arg6[%swap3A_74, %swap3A_75], %swap3A_78 {strides = array<i32>} : memref<128x128xf32, #tpu.memory_space<vmem>>, vector<1x16xf32>,
      %broadcast_in_dim3A_79 = arith.constant 0.000000e+00 : f32
      %broadcast_in_dim3A_80 = vector.broadcast %broadcast_in_dim3A_79 : f32 to vector<16xf32>
      %swap3A_81 = arith.index_cast %scan3A_31 : i32 to index
      %swap3A_82 = arith.constant 112 : index
      %swap3A_83 = tpu.vector_load %arg6[%swap3A_81, %swap3A_82] {strides = array<i32>} : memref<128x128xf32, #tpu.memory_space<vmem>>, vector<1x16xf32>,
      %swap3A_84 = vector.shape_cast %swap3A_83 : vector<1x16xf32> to vector<16xf32>
      %swap3A_85 = vector.shape_cast %broadcast_in_dim3A_80 : vector<16xf32> to vector<1x16xf32>
      tpu.vector_store %arg6[%swap3A_81, %swap3A_82], %swap3A_85 {strides = array<i32>} : memref<128x128xf32, #tpu.memory_space<vmem>>, vector<1x16xf32>,
    }
    %scan3A_5 = arith.constant 128 : i32
    %scan3A_6 = arith.constant 0 : i32
    %scan3A_7 = arith.constant 0 : i32
    %scan3A_8 = arith.constant 80 : i32
    %scan3A_9 = arith.addi %scan3A_7, %scan3A_8 : i32
    %scan3A_10 = arith.constant 1 : i32
    scf.for %scan3A_31 = %scan3A_7 to %scan3A_9 step %scan3A_10  : i32 {
      %broadcast_in_dim3A = arith.constant 1.000000e+00 : f32
      %broadcast_in_dim3A_32 = vector.broadcast %broadcast_in_dim3A : f32 to vector<16xf32>
      %swap3A = arith.index_cast %scan3A_31 : i32 to index
      %swap3A_33 = arith.constant 0 : index
      %swap3A_34 = tpu.vector_load %arg5[%swap3A, %swap3A_33] {strides = array<i32>} : memref<80x128xf32, #tpu.memory_space<vmem>>, vector<1x16xf32>,
      %swap3A_35 = vector.shape_cast %swap3A_34 : vector<1x16xf32> to vector<16xf32>
      %swap3A_36 = vector.shape_cast %broadcast_in_dim3A_32 : vector<16xf32> to vector<1x16xf32>
      tpu.vector_store %arg5[%swap3A, %swap3A_33], %swap3A_36 {strides = array<i32>} : memref<80x128xf32, #tpu.memory_space<vmem>>, vector<1x16xf32>,
      %broadcast_in_dim3A_37 = arith.constant 1.000000e+00 : f32
      %broadcast_in_dim3A_38 = vector.broadcast %broadcast_in_dim3A_37 : f32 to vector<16xf32>
      %swap3A_39 = arith.index_cast %scan3A_31 : i32 to index
      %swap3A_40 = arith.constant 16 : index
      %swap3A_41 = tpu.vector_load %arg5[%swap3A_39, %swap3A_40] {strides = array<i32>} : memref<80x128xf32, #tpu.memory_space<vmem>>, vector<1x16xf32>,
      %swap3A_42 = vector.shape_cast %swap3A_41 : vector<1x16xf32> to vector<16xf32>
      %swap3A_43 = vector.shape_cast %broadcast_in_dim3A_38 : vector<16xf32> to vector<1x16xf32>
      tpu.vector_store %arg5[%swap3A_39, %swap3A_40], %swap3A_43 {strides = array<i32>} : memref<80x128xf32, #tpu.memory_space<vmem>>, vector<1x16xf32>,
      %broadcast_in_dim3A_44 = arith.constant 1.000000e+00 : f32
      %broadcast_in_dim3A_45 = vector.broadcast %broadcast_in_dim3A_44 : f32 to vector<16xf32>
      %swap3A_46 = arith.index_cast %scan3A_31 : i32 to index
      %swap3A_47 = arith.constant 32 : index
      %swap3A_48 = tpu.vector_load %arg5[%swap3A_46, %swap3A_47] {strides = array<i32>} : memref<80x128xf32, #tpu.memory_space<vmem>>, vector<1x16xf32>,
      %swap3A_49 = vector.shape_cast %swap3A_48 : vector<1x16xf32> to vector<16xf32>
      %swap3A_50 = vector.shape_cast %broadcast_in_dim3A_45 : vector<16xf32> to vector<1x16xf32>
      tpu.vector_store %arg5[%swap3A_46, %swap3A_47], %swap3A_50 {strides = array<i32>} : memref<80x128xf32, #tpu.memory_space<vmem>>, vector<1x16xf32>,
      %broadcast_in_dim3A_51 = arith.constant 1.000000e+00 : f32
      %broadcast_in_dim3A_52 = vector.broadcast %broadcast_in_dim3A_51 : f32 to vector<16xf32>
      %swap3A_53 = arith.index_cast %scan3A_31 : i32 to index
      %swap3A_54 = arith.constant 48 : index
      %swap3A_55 = tpu.vector_load %arg5[%swap3A_53, %swap3A_54] {strides = array<i32>} : memref<80x128xf32, #tpu.memory_space<vmem>>, vector<1x16xf32>,
      %swap3A_56 = vector.shape_cast %swap3A_55 : vector<1x16xf32> to vector<16xf32>
      %swap3A_57 = vector.shape_cast %broadcast_in_dim3A_52 : vector<16xf32> to vector<1x16xf32>
      tpu.vector_store %arg5[%swap3A_53, %swap3A_54], %swap3A_57 {strides = array<i32>} : memref<80x128xf32, #tpu.memory_space<vmem>>, vector<1x16xf32>,
      %broadcast_in_dim3A_58 = arith.constant 1.000000e+00 : f32
      %broadcast_in_dim3A_59 = vector.broadcast %broadcast_in_dim3A_58 : f32 to vector<16xf32>
      %swap3A_60 = arith.index_cast %scan3A_31 : i32 to index
      %swap3A_61 = arith.constant 64 : index
      %swap3A_62 = tpu.vector_load %arg5[%swap3A_60, %swap3A_61] {strides = array<i32>} : memref<80x128xf32, #tpu.memory_space<vmem>>, vector<1x16xf32>,
      %swap3A_63 = vector.shape_cast %swap3A_62 : vector<1x16xf32> to vector<16xf32>
      %swap3A_64 = vector.shape_cast %broadcast_in_dim3A_59 : vector<16xf32> to vector<1x16xf32>
      tpu.vector_store %arg5[%swap3A_60, %swap3A_61], %swap3A_64 {strides = array<i32>} : memref<80x128xf32, #tpu.memory_space<vmem>>, vector<1x16xf32>,
      %broadcast_in_dim3A_65 = arith.constant 1.000000e+00 : f32
      %broadcast_in_dim3A_66 = vector.broadcast %broadcast_in_dim3A_65 : f32 to vector<16xf32>
      %swap3A_67 = arith.index_cast %scan3A_31 : i32 to index
      %swap3A_68 = arith.constant 80 : index
      %swap3A_69 = tpu.vector_load %arg5[%swap3A_67, %swap3A_68] {strides = array<i32>} : memref<80x128xf32, #tpu.memory_space<vmem>>, vector<1x16xf32>,
      %swap3A_70 = vector.shape_cast %swap3A_69 : vector<1x16xf32> to vector<16xf32>
      %swap3A_71 = vector.shape_cast %broadcast_in_dim3A_66 : vector<16xf32> to vector<1x16xf32>
      tpu.vector_store %arg5[%swap3A_67, %swap3A_68], %swap3A_71 {strides = array<i32>} : memref<80x128xf32, #tpu.memory_space<vmem>>, vector<1x16xf32>,
      %broadcast_in_dim3A_72 = arith.constant 1.000000e+00 : f32
      %broadcast_in_dim3A_73 = vector.broadcast %broadcast_in_dim3A_72 : f32 to vector<16xf32>
      %swap3A_74 = arith.index_cast %scan3A_31 : i32 to index
      %swap3A_75 = arith.constant 96 : index
      %swap3A_76 = tpu.vector_load %arg5[%swap3A_74, %swap3A_75] {strides = array<i32>} : memref<80x128xf32, #tpu.memory_space<vmem>>, vector<1x16xf32>,
      %swap3A_77 = vector.shape_cast %swap3A_76 : vector<1x16xf32> to vector<16xf32>
      %swap3A_78 = vector.shape_cast %broadcast_in_dim3A_73 : vector<16xf32> to vector<1x16xf32>
      tpu.vector_store %arg5[%swap3A_74, %swap3A_75], %swap3A_78 {strides = array<i32>} : memref<80x128xf32, #tpu.memory_space<vmem>>, vector<1x16xf32>,
      %broadcast_in_dim3A_79 = arith.constant 1.000000e+00 : f32
      %broadcast_in_dim3A_80 = vector.broadcast %broadcast_in_dim3A_79 : f32 to vector<16xf32>
      %swap3A_81 = arith.index_cast %scan3A_31 : i32 to index
      %swap3A_82 = arith.constant 112 : index
      %swap3A_83 = tpu.vector_load %arg5[%swap3A_81, %swap3A_82] {strides = array<i32>} : memref<80x128xf32, #tpu.memory_space<vmem>>, vector<1x16xf32>,
      %swap3A_84 = vector.shape_cast %swap3A_83 : vector<1x16xf32> to vector<16xf32>
      %swap3A_85 = vector.shape_cast %broadcast_in_dim3A_80 : vector<16xf32> to vector<1x16xf32>
      tpu.vector_store %arg5[%swap3A_81, %swap3A_82], %swap3A_85 {strides = array<i32>} : memref<80x128xf32, #tpu.memory_space<vmem>>, vector<1x16xf32>,
    }
    %scan3A_11 = arith.constant 80 : i32
    %scan3A_12 = arith.constant 0 : i32
    %scan3A_13 = arith.constant 0 : i32
    %scan3A_14 = arith.constant 5 : i32
    %scan3A_15 = arith.addi %scan3A_13, %scan3A_14 : i32
    %scan3A_16 = arith.constant 1 : i32
    scf.for %scan3A_31 = %scan3A_13 to %scan3A_15 step %scan3A_16  : i32 {
      %mul3A_32 = arith.constant 16 : i32
      %mul3A_33 = arith.muli %scan3A_31, %mul3A_32 : i32
      %add3A_34 = arith.addi %arg1, %mul3A_33 : i32
      %mul3A_35 = arith.constant 128 : i32
      %mul3A_36 = arith.muli %add3A_34, %mul3A_35 : i32
      "tpu.region"() ({
        %run_scoped3A = tpu.sem_alloc : memref<!tpu.dma_semaphore, #tpu.memory_space<semaphore_mem>>
        %dma_start3A = arith.constant 0 : i32
        %dma_start3A_37 = tpu.memref_slice %arg7[%mul3A_36, %dma_start3A] : memref<10240x128xf32, #tpu.memory_space<vmem_shared>> -> memref<128x128xf32, #tpu.memory_space<vmem_shared>>
        %dma_start3A_38 = arith.constant 0 : i32
        %dma_start3A_39 = tpu.memref_slice %arg7[%mul3A_36, %dma_start3A_38] : memref<10240x128xf32, #tpu.memory_space<vmem_shared>> -> memref<128x128xf32, #tpu.memory_space<vmem_shared>>
        tpu.enqueue_dma source(%arg6 : memref<128x128xf32, #tpu.memory_space<vmem>>) target(%dma_start3A_39 : memref<128x128xf32, #tpu.memory_space<vmem_shared>>) target_semaphore(%run_scoped3A : memref<!tpu.dma_semaphore, #tpu.memory_space<semaphore_mem>>)
        %dma_wait3A = arith.constant 0 : i32
        %dma_wait3A_40 = tpu.memref_slice %arg7[%mul3A_36, %dma_wait3A] : memref<10240x128xf32, #tpu.memory_space<vmem_shared>> -> memref<128x128xf32, #tpu.memory_space<vmem_shared>>
        %dma_wait3A_41 = arith.constant 0 : i32
        %dma_wait3A_42 = tpu.memref_slice %arg7[%mul3A_36, %dma_wait3A_41] : memref<10240x128xf32, #tpu.memory_space<vmem_shared>> -> memref<128x128xf32, #tpu.memory_space<vmem_shared>>
        tpu.wait_dma2 semaphore(%run_scoped3A : memref<!tpu.dma_semaphore, #tpu.memory_space<semaphore_mem>>) src(%arg6 : memref<128x128xf32, #tpu.memory_space<vmem>>) dst(%dma_wait3A_42 : memref<128x128xf32, #tpu.memory_space<vmem_shared>>)
        tpu.yield
      }) : () -> ()
    }
    %scan3A_17 = arith.constant 5 : i32
    %barrier3A = arith.constant 0 : index
    tpu.barrier barrier_id(%barrier3A)
    %scan3A_18 = arith.constant 0 : i32
    %scan3A_19 = arith.constant 0 : i32
    %scan3A_20 = arith.constant 125 : i32
    %scan3A_21 = arith.addi %scan3A_19, %scan3A_20 : i32
    %scan3A_22 = arith.constant 1 : i32
    scf.for %scan3A_31 = %scan3A_19 to %scan3A_21 step %scan3A_22  : i32 {
      %mul3A_32 = arith.constant 10000 : i32
      %mul3A_33 = arith.muli %add3A, %mul3A_32 : i32
      %mul3A_34 = arith.constant 80 : i32
      %mul3A_35 = arith.muli %scan3A_31, %mul3A_34 : i32
      %add3A_36 = arith.addi %mul3A_33, %mul3A_35 : i32
      "tpu.region"() ({
        %run_scoped3A = tpu.sem_alloc : memref<!tpu.dma_semaphore, #tpu.memory_space<semaphore_mem>>
        %dma_start3A = tpu.memref_slice %arg2[%add3A_36] : memref<320000xi32, #tpu.memory_space<hbm>> -> memref<80xi32, #tpu.memory_space<hbm>>
        %dma_start3A_37 = tpu.memref_slice %arg2[%add3A_36] : memref<320000xi32, #tpu.memory_space<hbm>> -> memref<80xi32, #tpu.memory_space<hbm>>
        tpu.enqueue_dma source(%dma_start3A_37 : memref<80xi32, #tpu.memory_space<hbm>>) target(%arg4 : memref<80xi32, #tpu.memory_space<vmem>>) target_semaphore(%run_scoped3A : memref<!tpu.dma_semaphore, #tpu.memory_space<semaphore_mem>>)
        %dma_wait3A = tpu.memref_slice %arg2[%add3A_36] : memref<320000xi32, #tpu.memory_space<hbm>> -> memref<80xi32, #tpu.memory_space<hbm>>
        %dma_wait3A_38 = tpu.memref_slice %arg2[%add3A_36] : memref<320000xi32, #tpu.memory_space<hbm>> -> memref<80xi32, #tpu.memory_space<hbm>>
        tpu.wait_dma2 semaphore(%run_scoped3A : memref<!tpu.dma_semaphore, #tpu.memory_space<semaphore_mem>>) src(%dma_wait3A_38 : memref<80xi32, #tpu.memory_space<hbm>>) dst(%arg4 : memref<80xi32, #tpu.memory_space<vmem>>)
        tpu.yield
      }) : () -> ()
      "tpu.region"() ({
        %run_scoped3A = tpu.sem_alloc : memref<!tpu.dma_semaphore, #tpu.memory_space<semaphore_mem>>
        %dma_start3A = arith.constant 0 : i32
        %dma_start3A_37 = arith.constant 0 : i32
        %dma_start3A_38 = tpu.memref_slice %arg7[%dma_start3A, %dma_start3A_37] : memref<10240x128xf32, #tpu.memory_space<vmem_shared>> -> memref<10240x128xf32, #tpu.memory_space<vmem_shared>>
        tpu.enqueue_indirect_dma source(%arg5 : memref<80x128xf32, #tpu.memory_space<vmem>>) target(%dma_start3A_38 : memref<10240x128xf32, #tpu.memory_space<vmem_shared>>) offsets(%arg4 : memref<80xi32, #tpu.memory_space<vmem>>) semaphore(%run_scoped3A : memref<!tpu.dma_semaphore, #tpu.memory_space<semaphore_mem>>) {add = true}
        %dma_wait3A = arith.constant 0 : i32
        %dma_wait3A_39 = arith.constant 0 : i32
        %dma_wait3A_40 = tpu.memref_slice %arg7[%dma_wait3A, %dma_wait3A_39] : memref<10240x128xf32, #tpu.memory_space<vmem_shared>> -> memref<10240x128xf32, #tpu.memory_space<vmem_shared>>
        tpu.wait_indirect_dma semaphore(%run_scoped3A : memref<!tpu.dma_semaphore, #tpu.memory_space<semaphore_mem>>) src(%arg5 : memref<80x128xf32, #tpu.memory_space<vmem>>) dst(%dma_wait3A_40 : memref<10240x128xf32, #tpu.memory_space<vmem_shared>>)
        tpu.yield
      }) : () -> ()
    }
    %scan3A_23 = arith.constant 125 : i32
    %barrier3A_24 = arith.constant 0 : index
    tpu.barrier barrier_id(%barrier3A_24)
    %scan3A_25 = arith.constant 0 : i32
    %scan3A_26 = arith.constant 0 : i32
    %scan3A_27 = arith.constant 5 : i32
    %scan3A_28 = arith.addi %scan3A_26, %scan3A_27 : i32
    %scan3A_29 = arith.constant 1 : i32
    scf.for %scan3A_31 = %scan3A_26 to %scan3A_28 step %scan3A_29  : i32 {
      %mul3A_32 = arith.constant 16 : i32
      %mul3A_33 = arith.muli %scan3A_31, %mul3A_32 : i32
      %add3A_34 = arith.addi %arg1, %mul3A_33 : i32
      %mul3A_35 = arith.constant 128 : i32
      %mul3A_36 = arith.muli %add3A_34, %mul3A_35 : i32
      "tpu.region"() ({
        %run_scoped3A = tpu.sem_alloc : memref<!tpu.dma_semaphore, #tpu.memory_space<semaphore_mem>>
        %dma_start3A = arith.constant 0 : i32
        %dma_start3A_42 = tpu.memref_slice %arg7[%mul3A_36, %dma_start3A] : memref<10240x128xf32, #tpu.memory_space<vmem_shared>> -> memref<128x128xf32, #tpu.memory_space<vmem_shared>>
        %dma_start3A_43 = arith.constant 0 : i32
        %dma_start3A_44 = tpu.memref_slice %arg7[%mul3A_36, %dma_start3A_43] : memref<10240x128xf32, #tpu.memory_space<vmem_shared>> -> memref<128x128xf32, #tpu.memory_space<vmem_shared>>
        tpu.enqueue_dma source(%dma_start3A_44 : memref<128x128xf32, #tpu.memory_space<vmem_shared>>) target(%arg6 : memref<128x128xf32, #tpu.memory_space<vmem>>) target_semaphore(%run_scoped3A : memref<!tpu.dma_semaphore, #tpu.memory_space<semaphore_mem>>)
        %dma_wait3A = arith.constant 0 : i32
        %dma_wait3A_45 = tpu.memref_slice %arg7[%mul3A_36, %dma_wait3A] : memref<10240x128xf32, #tpu.memory_space<vmem_shared>> -> memref<128x128xf32, #tpu.memory_space<vmem_shared>>
        %dma_wait3A_46 = arith.constant 0 : i32
        %dma_wait3A_47 = tpu.memref_slice %arg7[%mul3A_36, %dma_wait3A_46] : memref<10240x128xf32, #tpu.memory_space<vmem_shared>> -> memref<128x128xf32, #tpu.memory_space<vmem_shared>>
        tpu.wait_dma2 semaphore(%run_scoped3A : memref<!tpu.dma_semaphore, #tpu.memory_space<semaphore_mem>>) src(%dma_wait3A_47 : memref<128x128xf32, #tpu.memory_space<vmem_shared>>) dst(%arg6 : memref<128x128xf32, #tpu.memory_space<vmem>>)
        tpu.yield
      }) : () -> ()
      %mul3A_37 = arith.constant 10240 : i32
      %mul3A_38 = arith.muli %arg0, %mul3A_37 : i32
      %mul3A_39 = arith.constant 128 : i32
      %mul3A_40 = arith.muli %add3A_34, %mul3A_39 : i32
      %add3A_41 = arith.addi %mul3A_38, %mul3A_40 : i32
      "tpu.region"() ({
        %run_scoped3A = tpu.sem_alloc : memref<!tpu.dma_semaphore, #tpu.memory_space<semaphore_mem>>
        %dma_start3A = arith.constant 0 : i32
        %dma_start3A_42 = tpu.memref_slice %arg3[%add3A_41, %dma_start3A] : memref<20480x128xf32, #tpu.memory_space<hbm>> -> memref<128x128xf32, #tpu.memory_space<hbm>>
        %dma_start3A_43 = arith.constant 0 : i32
        %dma_start3A_44 = tpu.memref_slice %arg3[%add3A_41, %dma_start3A_43] : memref<20480x128xf32, #tpu.memory_space<hbm>> -> memref<128x128xf32, #tpu.memory_space<hbm>>
        tpu.enqueue_dma source(%arg6 : memref<128x128xf32, #tpu.memory_space<vmem>>) target(%dma_start3A_44 : memref<128x128xf32, #tpu.memory_space<hbm>>) target_semaphore(%run_scoped3A : memref<!tpu.dma_semaphore, #tpu.memory_space<semaphore_mem>>)
        %dma_wait3A = arith.constant 0 : i32
        %dma_wait3A_45 = tpu.memref_slice %arg3[%add3A_41, %dma_wait3A] : memref<20480x128xf32, #tpu.memory_space<hbm>> -> memref<128x128xf32, #tpu.memory_space<hbm>>
        %dma_wait3A_46 = arith.constant 0 : i32
        %dma_wait3A_47 = tpu.memref_slice %arg3[%add3A_41, %dma_wait3A_46] : memref<20480x128xf32, #tpu.memory_space<hbm>> -> memref<128x128xf32, #tpu.memory_space<hbm>>
        tpu.wait_dma2 semaphore(%run_scoped3A : memref<!tpu.dma_semaphore, #tpu.memory_space<semaphore_mem>>) src(%arg6 : memref<128x128xf32, #tpu.memory_space<vmem>>) dst(%dma_wait3A_47 : memref<128x128xf32, #tpu.memory_space<hbm>>)
        tpu.yield
      }) : () -> ()
    }
    %scan3A_30 = arith.constant 5 : i32
    return
  }
}

#map = affine_map<(d0, d1) -> (0)>
#map1 = affine_map<(d0, d1) -> (0, 0)>
module attributes {stable_mosaic.version = 14 : i64} {
  func.func @_deg_kernel(%arg0: i32, %arg1: i32, %arg2: memref<320000xi32, #tpu.memory_space<hbm>>, %arg3: memref<20480x128xf32, #tpu.memory_space<hbm>>, %arg4: memref<80xi32, #tpu.memory_space<vmem>>, %arg5: memref<80x128xf32, #tpu.memory_space<vmem>>, %arg6: memref<128x128xf32, #tpu.memory_space<vmem>>, %arg7: memref<10240x128xf32, #tpu.memory_space<vmem_shared>>) attributes {dimension_semantics = [#tpu.dimension_semantics<core_parallel>, #tpu.dimension_semantics<subcore_parallel>], iteration_bounds = array<i64: 2, 16>, scalar_prefetch = 0 : i64, scratch_operands = 4 : i64, tpu.core_type = #tpu.core_type<sc_vector_subcore>, window_params = [{transform_indices = #map}, {transform_indices = #map1}]} {
    %mul3A = arith.constant 2 : i32
    %mul3A_0 = arith.muli %arg1, %mul3A : i32
    %add3A = arith.addi %mul3A_0, %arg0 : i32
    %scan3A = arith.constant 0 : i32
    %scan3A_1 = arith.constant 0 : i32
    %scan3A_2 = arith.constant 128 : i32
    %scan3A_3 = arith.addi %scan3A_1, %scan3A_2 : i32
    %scan3A_4 = arith.constant 1 : i32
    scf.for %scan3A_31 = %scan3A_1 to %scan3A_3 step %scan3A_4  : i32 {
      %broadcast_in_dim3A = arith.constant 0.000000e+00 : f32
      %broadcast_in_dim3A_32 = vector.broadcast %broadcast_in_dim3A : f32 to vector<16xf32>
      %swap3A = arith.index_cast %scan3A_31 : i32 to index
      %swap3A_33 = arith.constant 0 : index
      %swap3A_34 = tpu.vector_load %arg6[%swap3A, %swap3A_33] {strides = array<i32>} : memref<128x128xf32, #tpu.memory_space<vmem>>, vector<1x16xf32>,
      %swap3A_35 = vector.shape_cast %swap3A_34 : vector<1x16xf32> to vector<16xf32>
      %swap3A_36 = vector.shape_cast %broadcast_in_dim3A_32 : vector<16xf32> to vector<1x16xf32>
      tpu.vector_store %arg6[%swap3A, %swap3A_33], %swap3A_36 {strides = array<i32>} : memref<128x128xf32, #tpu.memory_space<vmem>>, vector<1x16xf32>,
      %broadcast_in_dim3A_37 = arith.constant 0.000000e+00 : f32
      %broadcast_in_dim3A_38 = vector.broadcast %broadcast_in_dim3A_37 : f32 to vector<16xf32>
      %swap3A_39 = arith.index_cast %scan3A_31 : i32 to index
      %swap3A_40 = arith.constant 16 : index
      %swap3A_41 = tpu.vector_load %arg6[%swap3A_39, %swap3A_40] {strides = array<i32>} : memref<128x128xf32, #tpu.memory_space<vmem>>, vector<1x16xf32>,
      %swap3A_42 = vector.shape_cast %swap3A_41 : vector<1x16xf32> to vector<16xf32>
      %swap3A_43 = vector.shape_cast %broadcast_in_dim3A_38 : vector<16xf32> to vector<1x16xf32>
      tpu.vector_store %arg6[%swap3A_39, %swap3A_40], %swap3A_43 {strides = array<i32>} : memref<128x128xf32, #tpu.memory_space<vmem>>, vector<1x16xf32>,
      %broadcast_in_dim3A_44 = arith.constant 0.000000e+00 : f32
      %broadcast_in_dim3A_45 = vector.broadcast %broadcast_in_dim3A_44 : f32 to vector<16xf32>
      %swap3A_46 = arith.index_cast %scan3A_31 : i32 to index
      %swap3A_47 = arith.constant 32 : index
      %swap3A_48 = tpu.vector_load %arg6[%swap3A_46, %swap3A_47] {strides = array<i32>} : memref<128x128xf32, #tpu.memory_space<vmem>>, vector<1x16xf32>,
      %swap3A_49 = vector.shape_cast %swap3A_48 : vector<1x16xf32> to vector<16xf32>
      %swap3A_50 = vector.shape_cast %broadcast_in_dim3A_45 : vector<16xf32> to vector<1x16xf32>
      tpu.vector_store %arg6[%swap3A_46, %swap3A_47], %swap3A_50 {strides = array<i32>} : memref<128x128xf32, #tpu.memory_space<vmem>>, vector<1x16xf32>,
      %broadcast_in_dim3A_51 = arith.constant 0.000000e+00 : f32
      %broadcast_in_dim3A_52 = vector.broadcast %broadcast_in_dim3A_51 : f32 to vector<16xf32>
      %swap3A_53 = arith.index_cast %scan3A_31 : i32 to index
      %swap3A_54 = arith.constant 48 : index
      %swap3A_55 = tpu.vector_load %arg6[%swap3A_53, %swap3A_54] {strides = array<i32>} : memref<128x128xf32, #tpu.memory_space<vmem>>, vector<1x16xf32>,
      %swap3A_56 = vector.shape_cast %swap3A_55 : vector<1x16xf32> to vector<16xf32>
      %swap3A_57 = vector.shape_cast %broadcast_in_dim3A_52 : vector<16xf32> to vector<1x16xf32>
      tpu.vector_store %arg6[%swap3A_53, %swap3A_54], %swap3A_57 {strides = array<i32>} : memref<128x128xf32, #tpu.memory_space<vmem>>, vector<1x16xf32>,
      %broadcast_in_dim3A_58 = arith.constant 0.000000e+00 : f32
      %broadcast_in_dim3A_59 = vector.broadcast %broadcast_in_dim3A_58 : f32 to vector<16xf32>
      %swap3A_60 = arith.index_cast %scan3A_31 : i32 to index
      %swap3A_61 = arith.constant 64 : index
      %swap3A_62 = tpu.vector_load %arg6[%swap3A_60, %swap3A_61] {strides = array<i32>} : memref<128x128xf32, #tpu.memory_space<vmem>>, vector<1x16xf32>,
      %swap3A_63 = vector.shape_cast %swap3A_62 : vector<1x16xf32> to vector<16xf32>
      %swap3A_64 = vector.shape_cast %broadcast_in_dim3A_59 : vector<16xf32> to vector<1x16xf32>
      tpu.vector_store %arg6[%swap3A_60, %swap3A_61], %swap3A_64 {strides = array<i32>} : memref<128x128xf32, #tpu.memory_space<vmem>>, vector<1x16xf32>,
      %broadcast_in_dim3A_65 = arith.constant 0.000000e+00 : f32
      %broadcast_in_dim3A_66 = vector.broadcast %broadcast_in_dim3A_65 : f32 to vector<16xf32>
      %swap3A_67 = arith.index_cast %scan3A_31 : i32 to index
      %swap3A_68 = arith.constant 80 : index
      %swap3A_69 = tpu.vector_load %arg6[%swap3A_67, %swap3A_68] {strides = array<i32>} : memref<128x128xf32, #tpu.memory_space<vmem>>, vector<1x16xf32>,
      %swap3A_70 = vector.shape_cast %swap3A_69 : vector<1x16xf32> to vector<16xf32>
      %swap3A_71 = vector.shape_cast %broadcast_in_dim3A_66 : vector<16xf32> to vector<1x16xf32>
      tpu.vector_store %arg6[%swap3A_67, %swap3A_68], %swap3A_71 {strides = array<i32>} : memref<128x128xf32, #tpu.memory_space<vmem>>, vector<1x16xf32>,
      %broadcast_in_dim3A_72 = arith.constant 0.000000e+00 : f32
      %broadcast_in_dim3A_73 = vector.broadcast %broadcast_in_dim3A_72 : f32 to vector<16xf32>
      %swap3A_74 = arith.index_cast %scan3A_31 : i32 to index
      %swap3A_75 = arith.constant 96 : index
      %swap3A_76 = tpu.vector_load %arg6[%swap3A_74, %swap3A_75] {strides = array<i32>} : memref<128x128xf32, #tpu.memory_space<vmem>>, vector<1x16xf32>,
      %swap3A_77 = vector.shape_cast %swap3A_76 : vector<1x16xf32> to vector<16xf32>
      %swap3A_78 = vector.shape_cast %broadcast_in_dim3A_73 : vector<16xf32> to vector<1x16xf32>
      tpu.vector_store %arg6[%swap3A_74, %swap3A_75], %swap3A_78 {strides = array<i32>} : memref<128x128xf32, #tpu.memory_space<vmem>>, vector<1x16xf32>,
      %broadcast_in_dim3A_79 = arith.constant 0.000000e+00 : f32
      %broadcast_in_dim3A_80 = vector.broadcast %broadcast_in_dim3A_79 : f32 to vector<16xf32>
      %swap3A_81 = arith.index_cast %scan3A_31 : i32 to index
      %swap3A_82 = arith.constant 112 : index
      %swap3A_83 = tpu.vector_load %arg6[%swap3A_81, %swap3A_82] {strides = array<i32>} : memref<128x128xf32, #tpu.memory_space<vmem>>, vector<1x16xf32>,
      %swap3A_84 = vector.shape_cast %swap3A_83 : vector<1x16xf32> to vector<16xf32>
      %swap3A_85 = vector.shape_cast %broadcast_in_dim3A_80 : vector<16xf32> to vector<1x16xf32>
      tpu.vector_store %arg6[%swap3A_81, %swap3A_82], %swap3A_85 {strides = array<i32>} : memref<128x128xf32, #tpu.memory_space<vmem>>, vector<1x16xf32>,
    }
    %scan3A_5 = arith.constant 128 : i32
    %scan3A_6 = arith.constant 0 : i32
    %scan3A_7 = arith.constant 0 : i32
    %scan3A_8 = arith.constant 80 : i32
    %scan3A_9 = arith.addi %scan3A_7, %scan3A_8 : i32
    %scan3A_10 = arith.constant 1 : i32
    scf.for %scan3A_31 = %scan3A_7 to %scan3A_9 step %scan3A_10  : i32 {
      %broadcast_in_dim3A = arith.constant 1.000000e+00 : f32
      %broadcast_in_dim3A_32 = vector.broadcast %broadcast_in_dim3A : f32 to vector<16xf32>
      %swap3A = arith.index_cast %scan3A_31 : i32 to index
      %swap3A_33 = arith.constant 0 : index
      %swap3A_34 = tpu.vector_load %arg5[%swap3A, %swap3A_33] {strides = array<i32>} : memref<80x128xf32, #tpu.memory_space<vmem>>, vector<1x16xf32>,
      %swap3A_35 = vector.shape_cast %swap3A_34 : vector<1x16xf32> to vector<16xf32>
      %swap3A_36 = vector.shape_cast %broadcast_in_dim3A_32 : vector<16xf32> to vector<1x16xf32>
      tpu.vector_store %arg5[%swap3A, %swap3A_33], %swap3A_36 {strides = array<i32>} : memref<80x128xf32, #tpu.memory_space<vmem>>, vector<1x16xf32>,
      %broadcast_in_dim3A_37 = arith.constant 1.000000e+00 : f32
      %broadcast_in_dim3A_38 = vector.broadcast %broadcast_in_dim3A_37 : f32 to vector<16xf32>
      %swap3A_39 = arith.index_cast %scan3A_31 : i32 to index
      %swap3A_40 = arith.constant 16 : index
      %swap3A_41 = tpu.vector_load %arg5[%swap3A_39, %swap3A_40] {strides = array<i32>} : memref<80x128xf32, #tpu.memory_space<vmem>>, vector<1x16xf32>,
      %swap3A_42 = vector.shape_cast %swap3A_41 : vector<1x16xf32> to vector<16xf32>
      %swap3A_43 = vector.shape_cast %broadcast_in_dim3A_38 : vector<16xf32> to vector<1x16xf32>
      tpu.vector_store %arg5[%swap3A_39, %swap3A_40], %swap3A_43 {strides = array<i32>} : memref<80x128xf32, #tpu.memory_space<vmem>>, vector<1x16xf32>,
      %broadcast_in_dim3A_44 = arith.constant 1.000000e+00 : f32
      %broadcast_in_dim3A_45 = vector.broadcast %broadcast_in_dim3A_44 : f32 to vector<16xf32>
      %swap3A_46 = arith.index_cast %scan3A_31 : i32 to index
      %swap3A_47 = arith.constant 32 : index
      %swap3A_48 = tpu.vector_load %arg5[%swap3A_46, %swap3A_47] {strides = array<i32>} : memref<80x128xf32, #tpu.memory_space<vmem>>, vector<1x16xf32>,
      %swap3A_49 = vector.shape_cast %swap3A_48 : vector<1x16xf32> to vector<16xf32>
      %swap3A_50 = vector.shape_cast %broadcast_in_dim3A_45 : vector<16xf32> to vector<1x16xf32>
      tpu.vector_store %arg5[%swap3A_46, %swap3A_47], %swap3A_50 {strides = array<i32>} : memref<80x128xf32, #tpu.memory_space<vmem>>, vector<1x16xf32>,
      %broadcast_in_dim3A_51 = arith.constant 1.000000e+00 : f32
      %broadcast_in_dim3A_52 = vector.broadcast %broadcast_in_dim3A_51 : f32 to vector<16xf32>
      %swap3A_53 = arith.index_cast %scan3A_31 : i32 to index
      %swap3A_54 = arith.constant 48 : index
      %swap3A_55 = tpu.vector_load %arg5[%swap3A_53, %swap3A_54] {strides = array<i32>} : memref<80x128xf32, #tpu.memory_space<vmem>>, vector<1x16xf32>,
      %swap3A_56 = vector.shape_cast %swap3A_55 : vector<1x16xf32> to vector<16xf32>
      %swap3A_57 = vector.shape_cast %broadcast_in_dim3A_52 : vector<16xf32> to vector<1x16xf32>
      tpu.vector_store %arg5[%swap3A_53, %swap3A_54], %swap3A_57 {strides = array<i32>} : memref<80x128xf32, #tpu.memory_space<vmem>>, vector<1x16xf32>,
      %broadcast_in_dim3A_58 = arith.constant 1.000000e+00 : f32
      %broadcast_in_dim3A_59 = vector.broadcast %broadcast_in_dim3A_58 : f32 to vector<16xf32>
      %swap3A_60 = arith.index_cast %scan3A_31 : i32 to index
      %swap3A_61 = arith.constant 64 : index
      %swap3A_62 = tpu.vector_load %arg5[%swap3A_60, %swap3A_61] {strides = array<i32>} : memref<80x128xf32, #tpu.memory_space<vmem>>, vector<1x16xf32>,
      %swap3A_63 = vector.shape_cast %swap3A_62 : vector<1x16xf32> to vector<16xf32>
      %swap3A_64 = vector.shape_cast %broadcast_in_dim3A_59 : vector<16xf32> to vector<1x16xf32>
      tpu.vector_store %arg5[%swap3A_60, %swap3A_61], %swap3A_64 {strides = array<i32>} : memref<80x128xf32, #tpu.memory_space<vmem>>, vector<1x16xf32>,
      %broadcast_in_dim3A_65 = arith.constant 1.000000e+00 : f32
      %broadcast_in_dim3A_66 = vector.broadcast %broadcast_in_dim3A_65 : f32 to vector<16xf32>
      %swap3A_67 = arith.index_cast %scan3A_31 : i32 to index
      %swap3A_68 = arith.constant 80 : index
      %swap3A_69 = tpu.vector_load %arg5[%swap3A_67, %swap3A_68] {strides = array<i32>} : memref<80x128xf32, #tpu.memory_space<vmem>>, vector<1x16xf32>,
      %swap3A_70 = vector.shape_cast %swap3A_69 : vector<1x16xf32> to vector<16xf32>
      %swap3A_71 = vector.shape_cast %broadcast_in_dim3A_66 : vector<16xf32> to vector<1x16xf32>
      tpu.vector_store %arg5[%swap3A_67, %swap3A_68], %swap3A_71 {strides = array<i32>} : memref<80x128xf32, #tpu.memory_space<vmem>>, vector<1x16xf32>,
      %broadcast_in_dim3A_72 = arith.constant 1.000000e+00 : f32
      %broadcast_in_dim3A_73 = vector.broadcast %broadcast_in_dim3A_72 : f32 to vector<16xf32>
      %swap3A_74 = arith.index_cast %scan3A_31 : i32 to index
      %swap3A_75 = arith.constant 96 : index
      %swap3A_76 = tpu.vector_load %arg5[%swap3A_74, %swap3A_75] {strides = array<i32>} : memref<80x128xf32, #tpu.memory_space<vmem>>, vector<1x16xf32>,
      %swap3A_77 = vector.shape_cast %swap3A_76 : vector<1x16xf32> to vector<16xf32>
      %swap3A_78 = vector.shape_cast %broadcast_in_dim3A_73 : vector<16xf32> to vector<1x16xf32>
      tpu.vector_store %arg5[%swap3A_74, %swap3A_75], %swap3A_78 {strides = array<i32>} : memref<80x128xf32, #tpu.memory_space<vmem>>, vector<1x16xf32>,
      %broadcast_in_dim3A_79 = arith.constant 1.000000e+00 : f32
      %broadcast_in_dim3A_80 = vector.broadcast %broadcast_in_dim3A_79 : f32 to vector<16xf32>
      %swap3A_81 = arith.index_cast %scan3A_31 : i32 to index
      %swap3A_82 = arith.constant 112 : index
      %swap3A_83 = tpu.vector_load %arg5[%swap3A_81, %swap3A_82] {strides = array<i32>} : memref<80x128xf32, #tpu.memory_space<vmem>>, vector<1x16xf32>,
      %swap3A_84 = vector.shape_cast %swap3A_83 : vector<1x16xf32> to vector<16xf32>
      %swap3A_85 = vector.shape_cast %broadcast_in_dim3A_80 : vector<16xf32> to vector<1x16xf32>
      tpu.vector_store %arg5[%swap3A_81, %swap3A_82], %swap3A_85 {strides = array<i32>} : memref<80x128xf32, #tpu.memory_space<vmem>>, vector<1x16xf32>,
    }
    %scan3A_11 = arith.constant 80 : i32
    %scan3A_12 = arith.constant 0 : i32
    %scan3A_13 = arith.constant 0 : i32
    %scan3A_14 = arith.constant 5 : i32
    %scan3A_15 = arith.addi %scan3A_13, %scan3A_14 : i32
    %scan3A_16 = arith.constant 1 : i32
    scf.for %scan3A_31 = %scan3A_13 to %scan3A_15 step %scan3A_16  : i32 {
      %mul3A_32 = arith.constant 16 : i32
      %mul3A_33 = arith.muli %scan3A_31, %mul3A_32 : i32
      %add3A_34 = arith.addi %arg1, %mul3A_33 : i32
      %mul3A_35 = arith.constant 128 : i32
      %mul3A_36 = arith.muli %add3A_34, %mul3A_35 : i32
      "tpu.region"() ({
        %run_scoped3A = tpu.sem_alloc : memref<!tpu.dma_semaphore, #tpu.memory_space<semaphore_mem>>
        %dma_start3A = arith.constant 0 : i32
        %dma_start3A_37 = tpu.memref_slice %arg7[%mul3A_36, %dma_start3A] : memref<10240x128xf32, #tpu.memory_space<vmem_shared>> -> memref<128x128xf32, #tpu.memory_space<vmem_shared>>
        %dma_start3A_38 = arith.constant 0 : i32
        %dma_start3A_39 = tpu.memref_slice %arg7[%mul3A_36, %dma_start3A_38] : memref<10240x128xf32, #tpu.memory_space<vmem_shared>> -> memref<128x128xf32, #tpu.memory_space<vmem_shared>>
        tpu.enqueue_dma source(%arg6 : memref<128x128xf32, #tpu.memory_space<vmem>>) target(%dma_start3A_39 : memref<128x128xf32, #tpu.memory_space<vmem_shared>>) target_semaphore(%run_scoped3A : memref<!tpu.dma_semaphore, #tpu.memory_space<semaphore_mem>>)
        %dma_wait3A = arith.constant 0 : i32
        %dma_wait3A_40 = tpu.memref_slice %arg7[%mul3A_36, %dma_wait3A] : memref<10240x128xf32, #tpu.memory_space<vmem_shared>> -> memref<128x128xf32, #tpu.memory_space<vmem_shared>>
        %dma_wait3A_41 = arith.constant 0 : i32
        %dma_wait3A_42 = tpu.memref_slice %arg7[%mul3A_36, %dma_wait3A_41] : memref<10240x128xf32, #tpu.memory_space<vmem_shared>> -> memref<128x128xf32, #tpu.memory_space<vmem_shared>>
        tpu.wait_dma2 semaphore(%run_scoped3A : memref<!tpu.dma_semaphore, #tpu.memory_space<semaphore_mem>>) src(%arg6 : memref<128x128xf32, #tpu.memory_space<vmem>>) dst(%dma_wait3A_42 : memref<128x128xf32, #tpu.memory_space<vmem_shared>>)
        tpu.yield
      }) : () -> ()
    }
    %scan3A_17 = arith.constant 5 : i32
    %barrier3A = arith.constant 0 : index
    tpu.barrier barrier_id(%barrier3A)
    %scan3A_18 = arith.constant 0 : i32
    %scan3A_19 = arith.constant 0 : i32
    %scan3A_20 = arith.constant 125 : i32
    %scan3A_21 = arith.addi %scan3A_19, %scan3A_20 : i32
    %scan3A_22 = arith.constant 1 : i32
    scf.for %scan3A_31 = %scan3A_19 to %scan3A_21 step %scan3A_22  : i32 {
      %mul3A_32 = arith.constant 10000 : i32
      %mul3A_33 = arith.muli %add3A, %mul3A_32 : i32
      %mul3A_34 = arith.constant 80 : i32
      %mul3A_35 = arith.muli %scan3A_31, %mul3A_34 : i32
      %add3A_36 = arith.addi %mul3A_33, %mul3A_35 : i32
      "tpu.region"() ({
        %run_scoped3A = tpu.sem_alloc : memref<!tpu.dma_semaphore, #tpu.memory_space<semaphore_mem>>
        %dma_start3A = tpu.memref_slice %arg2[%add3A_36] : memref<320000xi32, #tpu.memory_space<hbm>> -> memref<80xi32, #tpu.memory_space<hbm>>
        %dma_start3A_37 = tpu.memref_slice %arg2[%add3A_36] : memref<320000xi32, #tpu.memory_space<hbm>> -> memref<80xi32, #tpu.memory_space<hbm>>
        tpu.enqueue_dma source(%dma_start3A_37 : memref<80xi32, #tpu.memory_space<hbm>>) target(%arg4 : memref<80xi32, #tpu.memory_space<vmem>>) target_semaphore(%run_scoped3A : memref<!tpu.dma_semaphore, #tpu.memory_space<semaphore_mem>>)
        %dma_wait3A = tpu.memref_slice %arg2[%add3A_36] : memref<320000xi32, #tpu.memory_space<hbm>> -> memref<80xi32, #tpu.memory_space<hbm>>
        %dma_wait3A_38 = tpu.memref_slice %arg2[%add3A_36] : memref<320000xi32, #tpu.memory_space<hbm>> -> memref<80xi32, #tpu.memory_space<hbm>>
        tpu.wait_dma2 semaphore(%run_scoped3A : memref<!tpu.dma_semaphore, #tpu.memory_space<semaphore_mem>>) src(%dma_wait3A_38 : memref<80xi32, #tpu.memory_space<hbm>>) dst(%arg4 : memref<80xi32, #tpu.memory_space<vmem>>)
        tpu.yield
      }) : () -> ()
      "tpu.region"() ({
        %run_scoped3A = tpu.sem_alloc : memref<!tpu.dma_semaphore, #tpu.memory_space<semaphore_mem>>
        %dma_start3A = arith.constant 0 : i32
        %dma_start3A_37 = arith.constant 0 : i32
        %dma_start3A_38 = tpu.memref_slice %arg7[%dma_start3A, %dma_start3A_37] : memref<10240x128xf32, #tpu.memory_space<vmem_shared>> -> memref<10240x128xf32, #tpu.memory_space<vmem_shared>>
        tpu.enqueue_indirect_dma source(%arg5 : memref<80x128xf32, #tpu.memory_space<vmem>>) target(%dma_start3A_38 : memref<10240x128xf32, #tpu.memory_space<vmem_shared>>) offsets(%arg4 : memref<80xi32, #tpu.memory_space<vmem>>) semaphore(%run_scoped3A : memref<!tpu.dma_semaphore, #tpu.memory_space<semaphore_mem>>) {add = true}
        %dma_wait3A = arith.constant 0 : i32
        %dma_wait3A_39 = arith.constant 0 : i32
        %dma_wait3A_40 = tpu.memref_slice %arg7[%dma_wait3A, %dma_wait3A_39] : memref<10240x128xf32, #tpu.memory_space<vmem_shared>> -> memref<10240x128xf32, #tpu.memory_space<vmem_shared>>
        tpu.wait_indirect_dma semaphore(%run_scoped3A : memref<!tpu.dma_semaphore, #tpu.memory_space<semaphore_mem>>) src(%arg5 : memref<80x128xf32, #tpu.memory_space<vmem>>) dst(%dma_wait3A_40 : memref<10240x128xf32, #tpu.memory_space<vmem_shared>>)
        tpu.yield
      }) : () -> ()
    }
    %scan3A_23 = arith.constant 125 : i32
    %barrier3A_24 = arith.constant 0 : index
    tpu.barrier barrier_id(%barrier3A_24)
    %scan3A_25 = arith.constant 0 : i32
    %scan3A_26 = arith.constant 0 : i32
    %scan3A_27 = arith.constant 5 : i32
    %scan3A_28 = arith.addi %scan3A_26, %scan3A_27 : i32
    %scan3A_29 = arith.constant 1 : i32
    scf.for %scan3A_31 = %scan3A_26 to %scan3A_28 step %scan3A_29  : i32 {
      %mul3A_32 = arith.constant 16 : i32
      %mul3A_33 = arith.muli %scan3A_31, %mul3A_32 : i32
      %add3A_34 = arith.addi %arg1, %mul3A_33 : i32
      %mul3A_35 = arith.constant 128 : i32
      %mul3A_36 = arith.muli %add3A_34, %mul3A_35 : i32
      "tpu.region"() ({
        %run_scoped3A = tpu.sem_alloc : memref<!tpu.dma_semaphore, #tpu.memory_space<semaphore_mem>>
        %dma_start3A = arith.constant 0 : i32
        %dma_start3A_42 = tpu.memref_slice %arg7[%mul3A_36, %dma_start3A] : memref<10240x128xf32, #tpu.memory_space<vmem_shared>> -> memref<128x128xf32, #tpu.memory_space<vmem_shared>>
        %dma_start3A_43 = arith.constant 0 : i32
        %dma_start3A_44 = tpu.memref_slice %arg7[%mul3A_36, %dma_start3A_43] : memref<10240x128xf32, #tpu.memory_space<vmem_shared>> -> memref<128x128xf32, #tpu.memory_space<vmem_shared>>
        tpu.enqueue_dma source(%dma_start3A_44 : memref<128x128xf32, #tpu.memory_space<vmem_shared>>) target(%arg6 : memref<128x128xf32, #tpu.memory_space<vmem>>) target_semaphore(%run_scoped3A : memref<!tpu.dma_semaphore, #tpu.memory_space<semaphore_mem>>)
        %dma_wait3A = arith.constant 0 : i32
        %dma_wait3A_45 = tpu.memref_slice %arg7[%mul3A_36, %dma_wait3A] : memref<10240x128xf32, #tpu.memory_space<vmem_shared>> -> memref<128x128xf32, #tpu.memory_space<vmem_shared>>
        %dma_wait3A_46 = arith.constant 0 : i32
        %dma_wait3A_47 = tpu.memref_slice %arg7[%mul3A_36, %dma_wait3A_46] : memref<10240x128xf32, #tpu.memory_space<vmem_shared>> -> memref<128x128xf32, #tpu.memory_space<vmem_shared>>
        tpu.wait_dma2 semaphore(%run_scoped3A : memref<!tpu.dma_semaphore, #tpu.memory_space<semaphore_mem>>) src(%dma_wait3A_47 : memref<128x128xf32, #tpu.memory_space<vmem_shared>>) dst(%arg6 : memref<128x128xf32, #tpu.memory_space<vmem>>)
        tpu.yield
      }) : () -> ()
      %mul3A_37 = arith.constant 10240 : i32
      %mul3A_38 = arith.muli %arg0, %mul3A_37 : i32
      %mul3A_39 = arith.constant 128 : i32
      %mul3A_40 = arith.muli %add3A_34, %mul3A_39 : i32
      %add3A_41 = arith.addi %mul3A_38, %mul3A_40 : i32
      "tpu.region"() ({
        %run_scoped3A = tpu.sem_alloc : memref<!tpu.dma_semaphore, #tpu.memory_space<semaphore_mem>>
        %dma_start3A = arith.constant 0 : i32
        %dma_start3A_42 = tpu.memref_slice %arg3[%add3A_41, %dma_start3A] : memref<20480x128xf32, #tpu.memory_space<hbm>> -> memref<128x128xf32, #tpu.memory_space<hbm>>
        %dma_start3A_43 = arith.constant 0 : i32
        %dma_start3A_44 = tpu.memref_slice %arg3[%add3A_41, %dma_start3A_43] : memref<20480x128xf32, #tpu.memory_space<hbm>> -> memref<128x128xf32, #tpu.memory_space<hbm>>
        tpu.enqueue_dma source(%arg6 : memref<128x128xf32, #tpu.memory_space<vmem>>) target(%dma_start3A_44 : memref<128x128xf32, #tpu.memory_space<hbm>>) target_semaphore(%run_scoped3A : memref<!tpu.dma_semaphore, #tpu.memory_space<semaphore_mem>>)
        %dma_wait3A = arith.constant 0 : i32
        %dma_wait3A_45 = tpu.memref_slice %arg3[%add3A_41, %dma_wait3A] : memref<20480x128xf32, #tpu.memory_space<hbm>> -> memref<128x128xf32, #tpu.memory_space<hbm>>
        %dma_wait3A_46 = arith.constant 0 : i32
        %dma_wait3A_47 = tpu.memref_slice %arg3[%add3A_41, %dma_wait3A_46] : memref<20480x128xf32, #tpu.memory_space<hbm>> -> memref<128x128xf32, #tpu.memory_space<hbm>>
        tpu.wait_dma2 semaphore(%run_scoped3A : memref<!tpu.dma_semaphore, #tpu.memory_space<semaphore_mem>>) src(%arg6 : memref<128x128xf32, #tpu.memory_space<vmem>>) dst(%dma_wait3A_47 : memref<128x128xf32, #tpu.memory_space<hbm>>)
        tpu.yield
      }) : () -> ()
    }
    %scan3A_30 = arith.constant 5 : i32
    return
  }
}

#map = affine_map<(d0, d1) -> (0, 0)>
#map1 = affine_map<(d0, d1) -> (0)>
module attributes {stable_mosaic.version = 14 : i64} {
  func.func @_agg(%arg0: i32, %arg1: i32, %arg2: memref<20000x128xf32, #tpu.memory_space<hbm>>, %arg3: memref<640000xi32, #tpu.memory_space<hbm>>, %arg4: memref<320000xi32, #tpu.memory_space<hbm>>, %arg5: memref<20000x128xf32, #tpu.memory_space<hbm>>, %arg6: memref<80xi32, #tpu.memory_space<vmem>>, %arg7: memref<80xi32, #tpu.memory_space<vmem>>, %arg8: memref<80x128xf32, #tpu.memory_space<vmem>>, %arg9: memref<200x128xf32, #tpu.memory_space<vmem>>, %arg10: memref<10000x128xf32, #tpu.memory_space<vmem_shared>>, %arg11: memref<!tpu.dma_semaphore, #tpu.memory_space<semaphore_mem>>) attributes {dimension_semantics = [#tpu.dimension_semantics<core_parallel>, #tpu.dimension_semantics<subcore_parallel>], iteration_bounds = array<i64: 2, 16>, scalar_prefetch = 0 : i64, scratch_operands = 6 : i64, tpu.core_type = #tpu.core_type<sc_vector_subcore>, window_params = [{transform_indices = #map}, {transform_indices = #map1}, {transform_indices = #map1}, {transform_indices = #map}]} {
    %scan3A = arith.constant 0 : i32
    %scan3A_0 = arith.constant 0 : i32
    %scan3A_1 = arith.constant 200 : i32
    %scan3A_2 = arith.addi %scan3A_0, %scan3A_1 : i32
    %scan3A_3 = arith.constant 1 : i32
    scf.for %scan3A_36 = %scan3A_0 to %scan3A_2 step %scan3A_3  : i32 {
      %broadcast_in_dim3A = arith.constant 0.000000e+00 : f32
      %broadcast_in_dim3A_37 = vector.broadcast %broadcast_in_dim3A : f32 to vector<16xf32>
      %swap3A = arith.index_cast %scan3A_36 : i32 to index
      %swap3A_38 = arith.constant 0 : index
      %swap3A_39 = tpu.vector_load %arg9[%swap3A, %swap3A_38] {strides = array<i32>} : memref<200x128xf32, #tpu.memory_space<vmem>>, vector<1x16xf32>,
      %swap3A_40 = vector.shape_cast %swap3A_39 : vector<1x16xf32> to vector<16xf32>
      %swap3A_41 = vector.shape_cast %broadcast_in_dim3A_37 : vector<16xf32> to vector<1x16xf32>
      tpu.vector_store %arg9[%swap3A, %swap3A_38], %swap3A_41 {strides = array<i32>} : memref<200x128xf32, #tpu.memory_space<vmem>>, vector<1x16xf32>,
      %broadcast_in_dim3A_42 = arith.constant 0.000000e+00 : f32
      %broadcast_in_dim3A_43 = vector.broadcast %broadcast_in_dim3A_42 : f32 to vector<16xf32>
      %swap3A_44 = arith.index_cast %scan3A_36 : i32 to index
      %swap3A_45 = arith.constant 16 : index
      %swap3A_46 = tpu.vector_load %arg9[%swap3A_44, %swap3A_45] {strides = array<i32>} : memref<200x128xf32, #tpu.memory_space<vmem>>, vector<1x16xf32>,
      %swap3A_47 = vector.shape_cast %swap3A_46 : vector<1x16xf32> to vector<16xf32>
      %swap3A_48 = vector.shape_cast %broadcast_in_dim3A_43 : vector<16xf32> to vector<1x16xf32>
      tpu.vector_store %arg9[%swap3A_44, %swap3A_45], %swap3A_48 {strides = array<i32>} : memref<200x128xf32, #tpu.memory_space<vmem>>, vector<1x16xf32>,
      %broadcast_in_dim3A_49 = arith.constant 0.000000e+00 : f32
      %broadcast_in_dim3A_50 = vector.broadcast %broadcast_in_dim3A_49 : f32 to vector<16xf32>
      %swap3A_51 = arith.index_cast %scan3A_36 : i32 to index
      %swap3A_52 = arith.constant 32 : index
      %swap3A_53 = tpu.vector_load %arg9[%swap3A_51, %swap3A_52] {strides = array<i32>} : memref<200x128xf32, #tpu.memory_space<vmem>>, vector<1x16xf32>,
      %swap3A_54 = vector.shape_cast %swap3A_53 : vector<1x16xf32> to vector<16xf32>
      %swap3A_55 = vector.shape_cast %broadcast_in_dim3A_50 : vector<16xf32> to vector<1x16xf32>
      tpu.vector_store %arg9[%swap3A_51, %swap3A_52], %swap3A_55 {strides = array<i32>} : memref<200x128xf32, #tpu.memory_space<vmem>>, vector<1x16xf32>,
      %broadcast_in_dim3A_56 = arith.constant 0.000000e+00 : f32
      %broadcast_in_dim3A_57 = vector.broadcast %broadcast_in_dim3A_56 : f32 to vector<16xf32>
      %swap3A_58 = arith.index_cast %scan3A_36 : i32 to index
      %swap3A_59 = arith.constant 48 : index
      %swap3A_60 = tpu.vector_load %arg9[%swap3A_58, %swap3A_59] {strides = array<i32>} : memref<200x128xf32, #tpu.memory_space<vmem>>, vector<1x16xf32>,
      %swap3A_61 = vector.shape_cast %swap3A_60 : vector<1x16xf32> to vector<16xf32>
      %swap3A_62 = vector.shape_cast %broadcast_in_dim3A_57 : vector<16xf32> to vector<1x16xf32>
      tpu.vector_store %arg9[%swap3A_58, %swap3A_59], %swap3A_62 {strides = array<i32>} : memref<200x128xf32, #tpu.memory_space<vmem>>, vector<1x16xf32>,
      %broadcast_in_dim3A_63 = arith.constant 0.000000e+00 : f32
      %broadcast_in_dim3A_64 = vector.broadcast %broadcast_in_dim3A_63 : f32 to vector<16xf32>
      %swap3A_65 = arith.index_cast %scan3A_36 : i32 to index
      %swap3A_66 = arith.constant 64 : index
      %swap3A_67 = tpu.vector_load %arg9[%swap3A_65, %swap3A_66] {strides = array<i32>} : memref<200x128xf32, #tpu.memory_space<vmem>>, vector<1x16xf32>,
      %swap3A_68 = vector.shape_cast %swap3A_67 : vector<1x16xf32> to vector<16xf32>
      %swap3A_69 = vector.shape_cast %broadcast_in_dim3A_64 : vector<16xf32> to vector<1x16xf32>
      tpu.vector_store %arg9[%swap3A_65, %swap3A_66], %swap3A_69 {strides = array<i32>} : memref<200x128xf32, #tpu.memory_space<vmem>>, vector<1x16xf32>,
      %broadcast_in_dim3A_70 = arith.constant 0.000000e+00 : f32
      %broadcast_in_dim3A_71 = vector.broadcast %broadcast_in_dim3A_70 : f32 to vector<16xf32>
      %swap3A_72 = arith.index_cast %scan3A_36 : i32 to index
      %swap3A_73 = arith.constant 80 : index
      %swap3A_74 = tpu.vector_load %arg9[%swap3A_72, %swap3A_73] {strides = array<i32>} : memref<200x128xf32, #tpu.memory_space<vmem>>, vector<1x16xf32>,
      %swap3A_75 = vector.shape_cast %swap3A_74 : vector<1x16xf32> to vector<16xf32>
      %swap3A_76 = vector.shape_cast %broadcast_in_dim3A_71 : vector<16xf32> to vector<1x16xf32>
      tpu.vector_store %arg9[%swap3A_72, %swap3A_73], %swap3A_76 {strides = array<i32>} : memref<200x128xf32, #tpu.memory_space<vmem>>, vector<1x16xf32>,
      %broadcast_in_dim3A_77 = arith.constant 0.000000e+00 : f32
      %broadcast_in_dim3A_78 = vector.broadcast %broadcast_in_dim3A_77 : f32 to vector<16xf32>
      %swap3A_79 = arith.index_cast %scan3A_36 : i32 to index
      %swap3A_80 = arith.constant 96 : index
      %swap3A_81 = tpu.vector_load %arg9[%swap3A_79, %swap3A_80] {strides = array<i32>} : memref<200x128xf32, #tpu.memory_space<vmem>>, vector<1x16xf32>,
      %swap3A_82 = vector.shape_cast %swap3A_81 : vector<1x16xf32> to vector<16xf32>
      %swap3A_83 = vector.shape_cast %broadcast_in_dim3A_78 : vector<16xf32> to vector<1x16xf32>
      tpu.vector_store %arg9[%swap3A_79, %swap3A_80], %swap3A_83 {strides = array<i32>} : memref<200x128xf32, #tpu.memory_space<vmem>>, vector<1x16xf32>,
      %broadcast_in_dim3A_84 = arith.constant 0.000000e+00 : f32
      %broadcast_in_dim3A_85 = vector.broadcast %broadcast_in_dim3A_84 : f32 to vector<16xf32>
      %swap3A_86 = arith.index_cast %scan3A_36 : i32 to index
      %swap3A_87 = arith.constant 112 : index
      %swap3A_88 = tpu.vector_load %arg9[%swap3A_86, %swap3A_87] {strides = array<i32>} : memref<200x128xf32, #tpu.memory_space<vmem>>, vector<1x16xf32>,
      %swap3A_89 = vector.shape_cast %swap3A_88 : vector<1x16xf32> to vector<16xf32>
      %swap3A_90 = vector.shape_cast %broadcast_in_dim3A_85 : vector<16xf32> to vector<1x16xf32>
      tpu.vector_store %arg9[%swap3A_86, %swap3A_87], %swap3A_90 {strides = array<i32>} : memref<200x128xf32, #tpu.memory_space<vmem>>, vector<1x16xf32>,
    }
    %scan3A_4 = arith.constant 200 : i32
    %lt3A = arith.constant 2 : i32
    %lt3A_5 = arith.cmpi slt, %arg1, %lt3A : i32
    %jit3A = arith.constant 4 : i32
    %jit3A_6 = arith.constant 3 : i32
    %select_n3A = arith.select %lt3A_5, %jit3A, %jit3A_6 : i32
    %while3A = arith.constant 0 : i32
    %while3A_7 = arith.constant 0 : i32
    %while3A_8 = arith.subi %select_n3A, %while3A_7 : i32
    %while3A_9 = arith.addi %while3A_7, %while3A_8 : i32
    %while3A_10 = arith.constant 1 : i32
    %while3A_11 = arith.divsi %while3A_8, %while3A_10 : i32
    %while3A_12 = arith.muli %while3A_11, %while3A_10 : i32
    %while3A_13 = arith.addi %while3A_7, %while3A_12 : i32
    %while3A_14 = arith.constant 1 : i32
    scf.for %while3A_36 = %while3A_7 to %while3A_13 step %while3A_14  : i32 {
      %mul3A_37 = arith.constant 16 : i32
      %mul3A_38 = arith.muli %while3A_36, %mul3A_37 : i32
      %add3A_39 = arith.addi %arg1, %mul3A_38 : i32
      %mul3A_40 = arith.constant 200 : i32
      %mul3A_41 = arith.muli %add3A_39, %mul3A_40 : i32
      "tpu.region"() ({
        %run_scoped3A = tpu.sem_alloc : memref<!tpu.dma_semaphore, #tpu.memory_space<semaphore_mem>>
        %dma_start3A = arith.constant 0 : i32
        %dma_start3A_42 = tpu.memref_slice %arg10[%mul3A_41, %dma_start3A] : memref<10000x128xf32, #tpu.memory_space<vmem_shared>> -> memref<200x128xf32, #tpu.memory_space<vmem_shared>>
        %dma_start3A_43 = arith.constant 0 : i32
        %dma_start3A_44 = tpu.memref_slice %arg10[%mul3A_41, %dma_start3A_43] : memref<10000x128xf32, #tpu.memory_space<vmem_shared>> -> memref<200x128xf32, #tpu.memory_space<vmem_shared>>
        tpu.enqueue_dma source(%arg9 : memref<200x128xf32, #tpu.memory_space<vmem>>) target(%dma_start3A_44 : memref<200x128xf32, #tpu.memory_space<vmem_shared>>) target_semaphore(%run_scoped3A : memref<!tpu.dma_semaphore, #tpu.memory_space<semaphore_mem>>)
        %dma_wait3A = arith.constant 0 : i32
        %dma_wait3A_45 = tpu.memref_slice %arg10[%mul3A_41, %dma_wait3A] : memref<10000x128xf32, #tpu.memory_space<vmem_shared>> -> memref<200x128xf32, #tpu.memory_space<vmem_shared>>
        %dma_wait3A_46 = arith.constant 0 : i32
        %dma_wait3A_47 = tpu.memref_slice %arg10[%mul3A_41, %dma_wait3A_46] : memref<10000x128xf32, #tpu.memory_space<vmem_shared>> -> memref<200x128xf32, #tpu.memory_space<vmem_shared>>
        tpu.wait_dma2 semaphore(%run_scoped3A : memref<!tpu.dma_semaphore, #tpu.memory_space<semaphore_mem>>) src(%arg9 : memref<200x128xf32, #tpu.memory_space<vmem>>) dst(%dma_wait3A_47 : memref<200x128xf32, #tpu.memory_space<vmem_shared>>)
        tpu.yield
      }) : () -> ()
    }
    %while3A_15 = arith.constant 1 : i32
    scf.for %while3A_36 = %while3A_13 to %while3A_9 step %while3A_15  : i32 {
      %mul3A_37 = arith.constant 16 : i32
      %mul3A_38 = arith.muli %while3A_36, %mul3A_37 : i32
      %add3A_39 = arith.addi %arg1, %mul3A_38 : i32
      %mul3A_40 = arith.constant 200 : i32
      %mul3A_41 = arith.muli %add3A_39, %mul3A_40 : i32
      "tpu.region"() ({
        %run_scoped3A = tpu.sem_alloc : memref<!tpu.dma_semaphore, #tpu.memory_space<semaphore_mem>>
        %dma_start3A = arith.constant 0 : i32
        %dma_start3A_42 = tpu.memref_slice %arg10[%mul3A_41, %dma_start3A] : memref<10000x128xf32, #tpu.memory_space<vmem_shared>> -> memref<200x128xf32, #tpu.memory_space<vmem_shared>>
        %dma_start3A_43 = arith.constant 0 : i32
        %dma_start3A_44 = tpu.memref_slice %arg10[%mul3A_41, %dma_start3A_43] : memref<10000x128xf32, #tpu.memory_space<vmem_shared>> -> memref<200x128xf32, #tpu.memory_space<vmem_shared>>
        tpu.enqueue_dma source(%arg9 : memref<200x128xf32, #tpu.memory_space<vmem>>) target(%dma_start3A_44 : memref<200x128xf32, #tpu.memory_space<vmem_shared>>) target_semaphore(%run_scoped3A : memref<!tpu.dma_semaphore, #tpu.memory_space<semaphore_mem>>)
        %dma_wait3A = arith.constant 0 : i32
        %dma_wait3A_45 = tpu.memref_slice %arg10[%mul3A_41, %dma_wait3A] : memref<10000x128xf32, #tpu.memory_space<vmem_shared>> -> memref<200x128xf32, #tpu.memory_space<vmem_shared>>
        %dma_wait3A_46 = arith.constant 0 : i32
        %dma_wait3A_47 = tpu.memref_slice %arg10[%mul3A_41, %dma_wait3A_46] : memref<10000x128xf32, #tpu.memory_space<vmem_shared>> -> memref<200x128xf32, #tpu.memory_space<vmem_shared>>
        tpu.wait_dma2 semaphore(%run_scoped3A : memref<!tpu.dma_semaphore, #tpu.memory_space<semaphore_mem>>) src(%arg9 : memref<200x128xf32, #tpu.memory_space<vmem>>) dst(%dma_wait3A_47 : memref<200x128xf32, #tpu.memory_space<vmem_shared>>)
        tpu.yield
      }) : () -> ()
    }
    %barrier3A = arith.constant 0 : index
    tpu.barrier barrier_id(%barrier3A)
    %mul3A = arith.constant 20000 : i32
    %mul3A_16 = arith.muli %arg1, %mul3A : i32
    %mul3A_17 = arith.constant 320000 : i32
    %mul3A_18 = arith.muli %arg0, %mul3A_17 : i32
    %add3A = arith.addi %mul3A_18, %mul3A_16 : i32
    %scan3A_19 = arith.constant 0 : i32
    %scan3A_20 = arith.constant 0 : i32
    %scan3A_21 = arith.constant 250 : i32
    %scan3A_22 = arith.addi %scan3A_20, %scan3A_21 : i32
    %scan3A_23 = arith.constant 1 : i32
    scf.for %scan3A_36 = %scan3A_20 to %scan3A_22 step %scan3A_23  : i32 {
      %mul3A_37 = arith.constant 80 : i32
      %mul3A_38 = arith.muli %scan3A_36, %mul3A_37 : i32
      %add3A_39 = arith.addi %add3A, %mul3A_38 : i32
      "tpu.region"() ({
        %run_scoped3A = tpu.sem_alloc : memref<!tpu.dma_semaphore, #tpu.memory_space<semaphore_mem>>
        %dma_start3A_47 = tpu.memref_slice %arg3[%add3A_39] : memref<640000xi32, #tpu.memory_space<hbm>> -> memref<80xi32, #tpu.memory_space<hbm>>
        %dma_start3A_48 = tpu.memref_slice %arg3[%add3A_39] : memref<640000xi32, #tpu.memory_space<hbm>> -> memref<80xi32, #tpu.memory_space<hbm>>
        tpu.enqueue_dma source(%dma_start3A_48 : memref<80xi32, #tpu.memory_space<hbm>>) target(%arg6 : memref<80xi32, #tpu.memory_space<vmem>>) target_semaphore(%run_scoped3A : memref<!tpu.dma_semaphore, #tpu.memory_space<semaphore_mem>>)
        %dma_wait3A_49 = tpu.memref_slice %arg3[%add3A_39] : memref<640000xi32, #tpu.memory_space<hbm>> -> memref<80xi32, #tpu.memory_space<hbm>>
        %dma_wait3A_50 = tpu.memref_slice %arg3[%add3A_39] : memref<640000xi32, #tpu.memory_space<hbm>> -> memref<80xi32, #tpu.memory_space<hbm>>
        tpu.wait_dma2 semaphore(%run_scoped3A : memref<!tpu.dma_semaphore, #tpu.memory_space<semaphore_mem>>) src(%dma_wait3A_50 : memref<80xi32, #tpu.memory_space<hbm>>) dst(%arg6 : memref<80xi32, #tpu.memory_space<vmem>>)
        tpu.yield
      }) : () -> ()
      %dma_start3A = arith.constant 0 : i32
      %dma_start3A_40 = arith.constant 0 : i32
      %dma_start3A_41 = tpu.memref_slice %arg2[%dma_start3A, %dma_start3A_40] : memref<20000x128xf32, #tpu.memory_space<hbm>> -> memref<20000x128xf32, #tpu.memory_space<hbm>>
      tpu.enqueue_indirect_dma source(%dma_start3A_41 : memref<20000x128xf32, #tpu.memory_space<hbm>>) target(%arg8 : memref<80x128xf32, #tpu.memory_space<vmem>>) offsets(%arg6 : memref<80xi32, #tpu.memory_space<vmem>>) semaphore(%arg11 : memref<!tpu.dma_semaphore, #tpu.memory_space<semaphore_mem>>)
      %mul3A_42 = arith.constant 80 : i32
      %mul3A_43 = arith.muli %scan3A_36, %mul3A_42 : i32
      %add3A_44 = arith.addi %mul3A_16, %mul3A_43 : i32
      "tpu.region"() ({
        %run_scoped3A = tpu.sem_alloc : memref<!tpu.dma_semaphore, #tpu.memory_space<semaphore_mem>>
        %dma_start3A_47 = tpu.memref_slice %arg4[%add3A_44] : memref<320000xi32, #tpu.memory_space<hbm>> -> memref<80xi32, #tpu.memory_space<hbm>>
        %dma_start3A_48 = tpu.memref_slice %arg4[%add3A_44] : memref<320000xi32, #tpu.memory_space<hbm>> -> memref<80xi32, #tpu.memory_space<hbm>>
        tpu.enqueue_dma source(%dma_start3A_48 : memref<80xi32, #tpu.memory_space<hbm>>) target(%arg7 : memref<80xi32, #tpu.memory_space<vmem>>) target_semaphore(%run_scoped3A : memref<!tpu.dma_semaphore, #tpu.memory_space<semaphore_mem>>)
        %dma_wait3A_49 = tpu.memref_slice %arg4[%add3A_44] : memref<320000xi32, #tpu.memory_space<hbm>> -> memref<80xi32, #tpu.memory_space<hbm>>
        %dma_wait3A_50 = tpu.memref_slice %arg4[%add3A_44] : memref<320000xi32, #tpu.memory_space<hbm>> -> memref<80xi32, #tpu.memory_space<hbm>>
        tpu.wait_dma2 semaphore(%run_scoped3A : memref<!tpu.dma_semaphore, #tpu.memory_space<semaphore_mem>>) src(%dma_wait3A_50 : memref<80xi32, #tpu.memory_space<hbm>>) dst(%arg7 : memref<80xi32, #tpu.memory_space<vmem>>)
        tpu.yield
      }) : () -> ()
      %dma_wait3A = arith.constant 0 : i32
      %dma_wait3A_45 = arith.constant 0 : i32
      %dma_wait3A_46 = tpu.memref_slice %arg2[%dma_wait3A, %dma_wait3A_45] : memref<20000x128xf32, #tpu.memory_space<hbm>> -> memref<20000x128xf32, #tpu.memory_space<hbm>>
      tpu.wait_indirect_dma semaphore(%arg11 : memref<!tpu.dma_semaphore, #tpu.memory_space<semaphore_mem>>) src(%dma_wait3A_46 : memref<20000x128xf32, #tpu.memory_space<hbm>>) dst(%arg8 : memref<80x128xf32, #tpu.memory_space<vmem>>)
      "tpu.region"() ({
        %run_scoped3A = tpu.sem_alloc : memref<!tpu.dma_semaphore, #tpu.memory_space<semaphore_mem>>
        %dma_start3A_47 = arith.constant 0 : i32
        %dma_start3A_48 = arith.constant 0 : i32
        %dma_start3A_49 = tpu.memref_slice %arg10[%dma_start3A_47, %dma_start3A_48] : memref<10000x128xf32, #tpu.memory_space<vmem_shared>> -> memref<10000x128xf32, #tpu.memory_space<vmem_shared>>
        tpu.enqueue_indirect_dma source(%arg8 : memref<80x128xf32, #tpu.memory_space<vmem>>) target(%dma_start3A_49 : memref<10000x128xf32, #tpu.memory_space<vmem_shared>>) offsets(%arg7 : memref<80xi32, #tpu.memory_space<vmem>>) semaphore(%run_scoped3A : memref<!tpu.dma_semaphore, #tpu.memory_space<semaphore_mem>>) {add = true}
        %dma_wait3A_50 = arith.constant 0 : i32
        %dma_wait3A_51 = arith.constant 0 : i32
        %dma_wait3A_52 = tpu.memref_slice %arg10[%dma_wait3A_50, %dma_wait3A_51] : memref<10000x128xf32, #tpu.memory_space<vmem_shared>> -> memref<10000x128xf32, #tpu.memory_space<vmem_shared>>
        tpu.wait_indirect_dma semaphore(%run_scoped3A : memref<!tpu.dma_semaphore, #tpu.memory_space<semaphore_mem>>) src(%arg8 : memref<80x128xf32, #tpu.memory_space<vmem>>) dst(%dma_wait3A_52 : memref<10000x128xf32, #tpu.memory_space<vmem_shared>>)
        tpu.yield
      }) : () -> ()
    }
    %scan3A_24 = arith.constant 250 : i32
    %barrier3A_25 = arith.constant 0 : index
    tpu.barrier barrier_id(%barrier3A_25)
    %while3A_26 = arith.constant 0 : i32
    %while3A_27 = arith.constant 0 : i32
    %while3A_28 = arith.subi %select_n3A, %while3A_27 : i32
    %while3A_29 = arith.addi %while3A_27, %while3A_28 : i32
    %while3A_30 = arith.constant 1 : i32
    %while3A_31 = arith.divsi %while3A_28, %while3A_30 : i32
    %while3A_32 = arith.muli %while3A_31, %while3A_30 : i32
    %while3A_33 = arith.addi %while3A_27, %while3A_32 : i32
    %while3A_34 = arith.constant 1 : i32
    scf.for %while3A_36 = %while3A_27 to %while3A_33 step %while3A_34  : i32 {
      %mul3A_37 = arith.constant 16 : i32
      %mul3A_38 = arith.muli %while3A_36, %mul3A_37 : i32
      %add3A_39 = arith.addi %arg1, %mul3A_38 : i32
      %mul3A_40 = arith.constant 200 : i32
      %mul3A_41 = arith.muli %add3A_39, %mul3A_40 : i32
      "tpu.region"() ({
        %run_scoped3A = tpu.sem_alloc : memref<!tpu.dma_semaphore, #tpu.memory_space<semaphore_mem>>
        %dma_start3A = arith.constant 0 : i32
        %dma_start3A_47 = tpu.memref_slice %arg10[%mul3A_41, %dma_start3A] : memref<10000x128xf32, #tpu.memory_space<vmem_shared>> -> memref<200x128xf32, #tpu.memory_space<vmem_shared>>
        %dma_start3A_48 = arith.constant 0 : i32
        %dma_start3A_49 = tpu.memref_slice %arg10[%mul3A_41, %dma_start3A_48] : memref<10000x128xf32, #tpu.memory_space<vmem_shared>> -> memref<200x128xf32, #tpu.memory_space<vmem_shared>>
        tpu.enqueue_dma source(%dma_start3A_49 : memref<200x128xf32, #tpu.memory_space<vmem_shared>>) target(%arg9 : memref<200x128xf32, #tpu.memory_space<vmem>>) target_semaphore(%run_scoped3A : memref<!tpu.dma_semaphore, #tpu.memory_space<semaphore_mem>>)
        %dma_wait3A = arith.constant 0 : i32
        %dma_wait3A_50 = tpu.memref_slice %arg10[%mul3A_41, %dma_wait3A] : memref<10000x128xf32, #tpu.memory_space<vmem_shared>> -> memref<200x128xf32, #tpu.memory_space<vmem_shared>>
        %dma_wait3A_51 = arith.constant 0 : i32
        %dma_wait3A_52 = tpu.memref_slice %arg10[%mul3A_41, %dma_wait3A_51] : memref<10000x128xf32, #tpu.memory_space<vmem_shared>> -> memref<200x128xf32, #tpu.memory_space<vmem_shared>>
        tpu.wait_dma2 semaphore(%run_scoped3A : memref<!tpu.dma_semaphore, #tpu.memory_space<semaphore_mem>>) src(%dma_wait3A_52 : memref<200x128xf32, #tpu.memory_space<vmem_shared>>) dst(%arg9 : memref<200x128xf32, #tpu.memory_space<vmem>>)
        tpu.yield
      }) : () -> ()
      %mul3A_42 = arith.constant 10000 : i32
      %mul3A_43 = arith.muli %arg0, %mul3A_42 : i32
      %mul3A_44 = arith.constant 200 : i32
      %mul3A_45 = arith.muli %add3A_39, %mul3A_44 : i32
      %add3A_46 = arith.addi %mul3A_43, %mul3A_45 : i32
      "tpu.region"() ({
        %run_scoped3A = tpu.sem_alloc : memref<!tpu.dma_semaphore, #tpu.memory_space<semaphore_mem>>
        %dma_start3A = arith.constant 0 : i32
        %dma_start3A_47 = tpu.memref_slice %arg5[%add3A_46, %dma_start3A] : memref<20000x128xf32, #tpu.memory_space<hbm>> -> memref<200x128xf32, #tpu.memory_space<hbm>>
        %dma_start3A_48 = arith.constant 0 : i32
        %dma_start3A_49 = tpu.memref_slice %arg5[%add3A_46, %dma_start3A_48] : memref<20000x128xf32, #tpu.memory_space<hbm>> -> memref<200x128xf32, #tpu.memory_space<hbm>>
        tpu.enqueue_dma source(%arg9 : memref<200x128xf32, #tpu.memory_space<vmem>>) target(%dma_start3A_49 : memref<200x128xf32, #tpu.memory_space<hbm>>) target_semaphore(%run_scoped3A : memref<!tpu.dma_semaphore, #tpu.memory_space<semaphore_mem>>)
        %dma_wait3A = arith.constant 0 : i32
        %dma_wait3A_50 = tpu.memref_slice %arg5[%add3A_46, %dma_wait3A] : memref<20000x128xf32, #tpu.memory_space<hbm>> -> memref<200x128xf32, #tpu.memory_space<hbm>>
        %dma_wait3A_51 = arith.constant 0 : i32
        %dma_wait3A_52 = tpu.memref_slice %arg5[%add3A_46, %dma_wait3A_51] : memref<20000x128xf32, #tpu.memory_space<hbm>> -> memref<200x128xf32, #tpu.memory_space<hbm>>
        tpu.wait_dma2 semaphore(%run_scoped3A : memref<!tpu.dma_semaphore, #tpu.memory_space<semaphore_mem>>) src(%arg9 : memref<200x128xf32, #tpu.memory_space<vmem>>) dst(%dma_wait3A_52 : memref<200x128xf32, #tpu.memory_space<hbm>>)
        tpu.yield
      }) : () -> ()
    }
    %while3A_35 = arith.constant 1 : i32
    scf.for %while3A_36 = %while3A_33 to %while3A_29 step %while3A_35  : i32 {
      %mul3A_37 = arith.constant 16 : i32
      %mul3A_38 = arith.muli %while3A_36, %mul3A_37 : i32
      %add3A_39 = arith.addi %arg1, %mul3A_38 : i32
      %mul3A_40 = arith.constant 200 : i32
      %mul3A_41 = arith.muli %add3A_39, %mul3A_40 : i32
      "tpu.region"() ({
        %run_scoped3A = tpu.sem_alloc : memref<!tpu.dma_semaphore, #tpu.memory_space<semaphore_mem>>
        %dma_start3A = arith.constant 0 : i32
        %dma_start3A_47 = tpu.memref_slice %arg10[%mul3A_41, %dma_start3A] : memref<10000x128xf32, #tpu.memory_space<vmem_shared>> -> memref<200x128xf32, #tpu.memory_space<vmem_shared>>
        %dma_start3A_48 = arith.constant 0 : i32
        %dma_start3A_49 = tpu.memref_slice %arg10[%mul3A_41, %dma_start3A_48] : memref<10000x128xf32, #tpu.memory_space<vmem_shared>> -> memref<200x128xf32, #tpu.memory_space<vmem_shared>>
        tpu.enqueue_dma source(%dma_start3A_49 : memref<200x128xf32, #tpu.memory_space<vmem_shared>>) target(%arg9 : memref<200x128xf32, #tpu.memory_space<vmem>>) target_semaphore(%run_scoped3A : memref<!tpu.dma_semaphore, #tpu.memory_space<semaphore_mem>>)
        %dma_wait3A = arith.constant 0 : i32
        %dma_wait3A_50 = tpu.memref_slice %arg10[%mul3A_41, %dma_wait3A] : memref<10000x128xf32, #tpu.memory_space<vmem_shared>> -> memref<200x128xf32, #tpu.memory_space<vmem_shared>>
        %dma_wait3A_51 = arith.constant 0 : i32
        %dma_wait3A_52 = tpu.memref_slice %arg10[%mul3A_41, %dma_wait3A_51] : memref<10000x128xf32, #tpu.memory_space<vmem_shared>> -> memref<200x128xf32, #tpu.memory_space<vmem_shared>>
        tpu.wait_dma2 semaphore(%run_scoped3A : memref<!tpu.dma_semaphore, #tpu.memory_space<semaphore_mem>>) src(%dma_wait3A_52 : memref<200x128xf32, #tpu.memory_space<vmem_shared>>) dst(%arg9 : memref<200x128xf32, #tpu.memory_space<vmem>>)
        tpu.yield
      }) : () -> ()
      %mul3A_42 = arith.constant 10000 : i32
      %mul3A_43 = arith.muli %arg0, %mul3A_42 : i32
      %mul3A_44 = arith.constant 200 : i32
      %mul3A_45 = arith.muli %add3A_39, %mul3A_44 : i32
      %add3A_46 = arith.addi %mul3A_43, %mul3A_45 : i32
      "tpu.region"() ({
        %run_scoped3A = tpu.sem_alloc : memref<!tpu.dma_semaphore, #tpu.memory_space<semaphore_mem>>
        %dma_start3A = arith.constant 0 : i32
        %dma_start3A_47 = tpu.memref_slice %arg5[%add3A_46, %dma_start3A] : memref<20000x128xf32, #tpu.memory_space<hbm>> -> memref<200x128xf32, #tpu.memory_space<hbm>>
        %dma_start3A_48 = arith.constant 0 : i32
        %dma_start3A_49 = tpu.memref_slice %arg5[%add3A_46, %dma_start3A_48] : memref<20000x128xf32, #tpu.memory_space<hbm>> -> memref<200x128xf32, #tpu.memory_space<hbm>>
        tpu.enqueue_dma source(%arg9 : memref<200x128xf32, #tpu.memory_space<vmem>>) target(%dma_start3A_49 : memref<200x128xf32, #tpu.memory_space<hbm>>) target_semaphore(%run_scoped3A : memref<!tpu.dma_semaphore, #tpu.memory_space<semaphore_mem>>)
        %dma_wait3A = arith.constant 0 : i32
        %dma_wait3A_50 = tpu.memref_slice %arg5[%add3A_46, %dma_wait3A] : memref<20000x128xf32, #tpu.memory_space<hbm>> -> memref<200x128xf32, #tpu.memory_space<hbm>>
        %dma_wait3A_51 = arith.constant 0 : i32
        %dma_wait3A_52 = tpu.memref_slice %arg5[%add3A_46, %dma_wait3A_51] : memref<20000x128xf32, #tpu.memory_space<hbm>> -> memref<200x128xf32, #tpu.memory_space<hbm>>
        tpu.wait_dma2 semaphore(%run_scoped3A : memref<!tpu.dma_semaphore, #tpu.memory_space<semaphore_mem>>) src(%arg9 : memref<200x128xf32, #tpu.memory_space<vmem>>) dst(%dma_wait3A_52 : memref<200x128xf32, #tpu.memory_space<hbm>>)
        tpu.yield
      }) : () -> ()
    }
    return
  }
}

#map = affine_map<(d0, d1) -> (0, 0)>
#map1 = affine_map<(d0, d1) -> (0)>
module attributes {stable_mosaic.version = 14 : i64} {
  func.func @_agg(%arg0: i32, %arg1: i32, %arg2: memref<20000x128xf32, #tpu.memory_space<hbm>>, %arg3: memref<640000xi32, #tpu.memory_space<hbm>>, %arg4: memref<320000xi32, #tpu.memory_space<hbm>>, %arg5: memref<20000x128xf32, #tpu.memory_space<hbm>>, %arg6: memref<80xi32, #tpu.memory_space<vmem>>, %arg7: memref<80xi32, #tpu.memory_space<vmem>>, %arg8: memref<80x128xf32, #tpu.memory_space<vmem>>, %arg9: memref<200x128xf32, #tpu.memory_space<vmem>>, %arg10: memref<10000x128xf32, #tpu.memory_space<vmem_shared>>, %arg11: memref<!tpu.dma_semaphore, #tpu.memory_space<semaphore_mem>>) attributes {dimension_semantics = [#tpu.dimension_semantics<core_parallel>, #tpu.dimension_semantics<subcore_parallel>], iteration_bounds = array<i64: 2, 16>, scalar_prefetch = 0 : i64, scratch_operands = 6 : i64, tpu.core_type = #tpu.core_type<sc_vector_subcore>, window_params = [{transform_indices = #map}, {transform_indices = #map1}, {transform_indices = #map1}, {transform_indices = #map}]} {
    %scan3A = arith.constant 0 : i32
    %scan3A_0 = arith.constant 0 : i32
    %scan3A_1 = arith.constant 200 : i32
    %scan3A_2 = arith.addi %scan3A_0, %scan3A_1 : i32
    %scan3A_3 = arith.constant 1 : i32
    scf.for %scan3A_36 = %scan3A_0 to %scan3A_2 step %scan3A_3  : i32 {
      %broadcast_in_dim3A = arith.constant 0.000000e+00 : f32
      %broadcast_in_dim3A_37 = vector.broadcast %broadcast_in_dim3A : f32 to vector<16xf32>
      %swap3A = arith.index_cast %scan3A_36 : i32 to index
      %swap3A_38 = arith.constant 0 : index
      %swap3A_39 = tpu.vector_load %arg9[%swap3A, %swap3A_38] {strides = array<i32>} : memref<200x128xf32, #tpu.memory_space<vmem>>, vector<1x16xf32>,
      %swap3A_40 = vector.shape_cast %swap3A_39 : vector<1x16xf32> to vector<16xf32>
      %swap3A_41 = vector.shape_cast %broadcast_in_dim3A_37 : vector<16xf32> to vector<1x16xf32>
      tpu.vector_store %arg9[%swap3A, %swap3A_38], %swap3A_41 {strides = array<i32>} : memref<200x128xf32, #tpu.memory_space<vmem>>, vector<1x16xf32>,
      %broadcast_in_dim3A_42 = arith.constant 0.000000e+00 : f32
      %broadcast_in_dim3A_43 = vector.broadcast %broadcast_in_dim3A_42 : f32 to vector<16xf32>
      %swap3A_44 = arith.index_cast %scan3A_36 : i32 to index
      %swap3A_45 = arith.constant 16 : index
      %swap3A_46 = tpu.vector_load %arg9[%swap3A_44, %swap3A_45] {strides = array<i32>} : memref<200x128xf32, #tpu.memory_space<vmem>>, vector<1x16xf32>,
      %swap3A_47 = vector.shape_cast %swap3A_46 : vector<1x16xf32> to vector<16xf32>
      %swap3A_48 = vector.shape_cast %broadcast_in_dim3A_43 : vector<16xf32> to vector<1x16xf32>
      tpu.vector_store %arg9[%swap3A_44, %swap3A_45], %swap3A_48 {strides = array<i32>} : memref<200x128xf32, #tpu.memory_space<vmem>>, vector<1x16xf32>,
      %broadcast_in_dim3A_49 = arith.constant 0.000000e+00 : f32
      %broadcast_in_dim3A_50 = vector.broadcast %broadcast_in_dim3A_49 : f32 to vector<16xf32>
      %swap3A_51 = arith.index_cast %scan3A_36 : i32 to index
      %swap3A_52 = arith.constant 32 : index
      %swap3A_53 = tpu.vector_load %arg9[%swap3A_51, %swap3A_52] {strides = array<i32>} : memref<200x128xf32, #tpu.memory_space<vmem>>, vector<1x16xf32>,
      %swap3A_54 = vector.shape_cast %swap3A_53 : vector<1x16xf32> to vector<16xf32>
      %swap3A_55 = vector.shape_cast %broadcast_in_dim3A_50 : vector<16xf32> to vector<1x16xf32>
      tpu.vector_store %arg9[%swap3A_51, %swap3A_52], %swap3A_55 {strides = array<i32>} : memref<200x128xf32, #tpu.memory_space<vmem>>, vector<1x16xf32>,
      %broadcast_in_dim3A_56 = arith.constant 0.000000e+00 : f32
      %broadcast_in_dim3A_57 = vector.broadcast %broadcast_in_dim3A_56 : f32 to vector<16xf32>
      %swap3A_58 = arith.index_cast %scan3A_36 : i32 to index
      %swap3A_59 = arith.constant 48 : index
      %swap3A_60 = tpu.vector_load %arg9[%swap3A_58, %swap3A_59] {strides = array<i32>} : memref<200x128xf32, #tpu.memory_space<vmem>>, vector<1x16xf32>,
      %swap3A_61 = vector.shape_cast %swap3A_60 : vector<1x16xf32> to vector<16xf32>
      %swap3A_62 = vector.shape_cast %broadcast_in_dim3A_57 : vector<16xf32> to vector<1x16xf32>
      tpu.vector_store %arg9[%swap3A_58, %swap3A_59], %swap3A_62 {strides = array<i32>} : memref<200x128xf32, #tpu.memory_space<vmem>>, vector<1x16xf32>,
      %broadcast_in_dim3A_63 = arith.constant 0.000000e+00 : f32
      %broadcast_in_dim3A_64 = vector.broadcast %broadcast_in_dim3A_63 : f32 to vector<16xf32>
      %swap3A_65 = arith.index_cast %scan3A_36 : i32 to index
      %swap3A_66 = arith.constant 64 : index
      %swap3A_67 = tpu.vector_load %arg9[%swap3A_65, %swap3A_66] {strides = array<i32>} : memref<200x128xf32, #tpu.memory_space<vmem>>, vector<1x16xf32>,
      %swap3A_68 = vector.shape_cast %swap3A_67 : vector<1x16xf32> to vector<16xf32>
      %swap3A_69 = vector.shape_cast %broadcast_in_dim3A_64 : vector<16xf32> to vector<1x16xf32>
      tpu.vector_store %arg9[%swap3A_65, %swap3A_66], %swap3A_69 {strides = array<i32>} : memref<200x128xf32, #tpu.memory_space<vmem>>, vector<1x16xf32>,
      %broadcast_in_dim3A_70 = arith.constant 0.000000e+00 : f32
      %broadcast_in_dim3A_71 = vector.broadcast %broadcast_in_dim3A_70 : f32 to vector<16xf32>
      %swap3A_72 = arith.index_cast %scan3A_36 : i32 to index
      %swap3A_73 = arith.constant 80 : index
      %swap3A_74 = tpu.vector_load %arg9[%swap3A_72, %swap3A_73] {strides = array<i32>} : memref<200x128xf32, #tpu.memory_space<vmem>>, vector<1x16xf32>,
      %swap3A_75 = vector.shape_cast %swap3A_74 : vector<1x16xf32> to vector<16xf32>
      %swap3A_76 = vector.shape_cast %broadcast_in_dim3A_71 : vector<16xf32> to vector<1x16xf32>
      tpu.vector_store %arg9[%swap3A_72, %swap3A_73], %swap3A_76 {strides = array<i32>} : memref<200x128xf32, #tpu.memory_space<vmem>>, vector<1x16xf32>,
      %broadcast_in_dim3A_77 = arith.constant 0.000000e+00 : f32
      %broadcast_in_dim3A_78 = vector.broadcast %broadcast_in_dim3A_77 : f32 to vector<16xf32>
      %swap3A_79 = arith.index_cast %scan3A_36 : i32 to index
      %swap3A_80 = arith.constant 96 : index
      %swap3A_81 = tpu.vector_load %arg9[%swap3A_79, %swap3A_80] {strides = array<i32>} : memref<200x128xf32, #tpu.memory_space<vmem>>, vector<1x16xf32>,
      %swap3A_82 = vector.shape_cast %swap3A_81 : vector<1x16xf32> to vector<16xf32>
      %swap3A_83 = vector.shape_cast %broadcast_in_dim3A_78 : vector<16xf32> to vector<1x16xf32>
      tpu.vector_store %arg9[%swap3A_79, %swap3A_80], %swap3A_83 {strides = array<i32>} : memref<200x128xf32, #tpu.memory_space<vmem>>, vector<1x16xf32>,
      %broadcast_in_dim3A_84 = arith.constant 0.000000e+00 : f32
      %broadcast_in_dim3A_85 = vector.broadcast %broadcast_in_dim3A_84 : f32 to vector<16xf32>
      %swap3A_86 = arith.index_cast %scan3A_36 : i32 to index
      %swap3A_87 = arith.constant 112 : index
      %swap3A_88 = tpu.vector_load %arg9[%swap3A_86, %swap3A_87] {strides = array<i32>} : memref<200x128xf32, #tpu.memory_space<vmem>>, vector<1x16xf32>,
      %swap3A_89 = vector.shape_cast %swap3A_88 : vector<1x16xf32> to vector<16xf32>
      %swap3A_90 = vector.shape_cast %broadcast_in_dim3A_85 : vector<16xf32> to vector<1x16xf32>
      tpu.vector_store %arg9[%swap3A_86, %swap3A_87], %swap3A_90 {strides = array<i32>} : memref<200x128xf32, #tpu.memory_space<vmem>>, vector<1x16xf32>,
    }
    %scan3A_4 = arith.constant 200 : i32
    %lt3A = arith.constant 2 : i32
    %lt3A_5 = arith.cmpi slt, %arg1, %lt3A : i32
    %jit3A = arith.constant 4 : i32
    %jit3A_6 = arith.constant 3 : i32
    %select_n3A = arith.select %lt3A_5, %jit3A, %jit3A_6 : i32
    %while3A = arith.constant 0 : i32
    %while3A_7 = arith.constant 0 : i32
    %while3A_8 = arith.subi %select_n3A, %while3A_7 : i32
    %while3A_9 = arith.addi %while3A_7, %while3A_8 : i32
    %while3A_10 = arith.constant 1 : i32
    %while3A_11 = arith.divsi %while3A_8, %while3A_10 : i32
    %while3A_12 = arith.muli %while3A_11, %while3A_10 : i32
    %while3A_13 = arith.addi %while3A_7, %while3A_12 : i32
    %while3A_14 = arith.constant 1 : i32
    scf.for %while3A_36 = %while3A_7 to %while3A_13 step %while3A_14  : i32 {
      %mul3A_37 = arith.constant 16 : i32
      %mul3A_38 = arith.muli %while3A_36, %mul3A_37 : i32
      %add3A_39 = arith.addi %arg1, %mul3A_38 : i32
      %mul3A_40 = arith.constant 200 : i32
      %mul3A_41 = arith.muli %add3A_39, %mul3A_40 : i32
      "tpu.region"() ({
        %run_scoped3A = tpu.sem_alloc : memref<!tpu.dma_semaphore, #tpu.memory_space<semaphore_mem>>
        %dma_start3A = arith.constant 0 : i32
        %dma_start3A_42 = tpu.memref_slice %arg10[%mul3A_41, %dma_start3A] : memref<10000x128xf32, #tpu.memory_space<vmem_shared>> -> memref<200x128xf32, #tpu.memory_space<vmem_shared>>
        %dma_start3A_43 = arith.constant 0 : i32
        %dma_start3A_44 = tpu.memref_slice %arg10[%mul3A_41, %dma_start3A_43] : memref<10000x128xf32, #tpu.memory_space<vmem_shared>> -> memref<200x128xf32, #tpu.memory_space<vmem_shared>>
        tpu.enqueue_dma source(%arg9 : memref<200x128xf32, #tpu.memory_space<vmem>>) target(%dma_start3A_44 : memref<200x128xf32, #tpu.memory_space<vmem_shared>>) target_semaphore(%run_scoped3A : memref<!tpu.dma_semaphore, #tpu.memory_space<semaphore_mem>>)
        %dma_wait3A = arith.constant 0 : i32
        %dma_wait3A_45 = tpu.memref_slice %arg10[%mul3A_41, %dma_wait3A] : memref<10000x128xf32, #tpu.memory_space<vmem_shared>> -> memref<200x128xf32, #tpu.memory_space<vmem_shared>>
        %dma_wait3A_46 = arith.constant 0 : i32
        %dma_wait3A_47 = tpu.memref_slice %arg10[%mul3A_41, %dma_wait3A_46] : memref<10000x128xf32, #tpu.memory_space<vmem_shared>> -> memref<200x128xf32, #tpu.memory_space<vmem_shared>>
        tpu.wait_dma2 semaphore(%run_scoped3A : memref<!tpu.dma_semaphore, #tpu.memory_space<semaphore_mem>>) src(%arg9 : memref<200x128xf32, #tpu.memory_space<vmem>>) dst(%dma_wait3A_47 : memref<200x128xf32, #tpu.memory_space<vmem_shared>>)
        tpu.yield
      }) : () -> ()
    }
    %while3A_15 = arith.constant 1 : i32
    scf.for %while3A_36 = %while3A_13 to %while3A_9 step %while3A_15  : i32 {
      %mul3A_37 = arith.constant 16 : i32
      %mul3A_38 = arith.muli %while3A_36, %mul3A_37 : i32
      %add3A_39 = arith.addi %arg1, %mul3A_38 : i32
      %mul3A_40 = arith.constant 200 : i32
      %mul3A_41 = arith.muli %add3A_39, %mul3A_40 : i32
      "tpu.region"() ({
        %run_scoped3A = tpu.sem_alloc : memref<!tpu.dma_semaphore, #tpu.memory_space<semaphore_mem>>
        %dma_start3A = arith.constant 0 : i32
        %dma_start3A_42 = tpu.memref_slice %arg10[%mul3A_41, %dma_start3A] : memref<10000x128xf32, #tpu.memory_space<vmem_shared>> -> memref<200x128xf32, #tpu.memory_space<vmem_shared>>
        %dma_start3A_43 = arith.constant 0 : i32
        %dma_start3A_44 = tpu.memref_slice %arg10[%mul3A_41, %dma_start3A_43] : memref<10000x128xf32, #tpu.memory_space<vmem_shared>> -> memref<200x128xf32, #tpu.memory_space<vmem_shared>>
        tpu.enqueue_dma source(%arg9 : memref<200x128xf32, #tpu.memory_space<vmem>>) target(%dma_start3A_44 : memref<200x128xf32, #tpu.memory_space<vmem_shared>>) target_semaphore(%run_scoped3A : memref<!tpu.dma_semaphore, #tpu.memory_space<semaphore_mem>>)
        %dma_wait3A = arith.constant 0 : i32
        %dma_wait3A_45 = tpu.memref_slice %arg10[%mul3A_41, %dma_wait3A] : memref<10000x128xf32, #tpu.memory_space<vmem_shared>> -> memref<200x128xf32, #tpu.memory_space<vmem_shared>>
        %dma_wait3A_46 = arith.constant 0 : i32
        %dma_wait3A_47 = tpu.memref_slice %arg10[%mul3A_41, %dma_wait3A_46] : memref<10000x128xf32, #tpu.memory_space<vmem_shared>> -> memref<200x128xf32, #tpu.memory_space<vmem_shared>>
        tpu.wait_dma2 semaphore(%run_scoped3A : memref<!tpu.dma_semaphore, #tpu.memory_space<semaphore_mem>>) src(%arg9 : memref<200x128xf32, #tpu.memory_space<vmem>>) dst(%dma_wait3A_47 : memref<200x128xf32, #tpu.memory_space<vmem_shared>>)
        tpu.yield
      }) : () -> ()
    }
    %barrier3A = arith.constant 0 : index
    tpu.barrier barrier_id(%barrier3A)
    %mul3A = arith.constant 20000 : i32
    %mul3A_16 = arith.muli %arg1, %mul3A : i32
    %mul3A_17 = arith.constant 320000 : i32
    %mul3A_18 = arith.muli %arg0, %mul3A_17 : i32
    %add3A = arith.addi %mul3A_18, %mul3A_16 : i32
    %scan3A_19 = arith.constant 0 : i32
    %scan3A_20 = arith.constant 0 : i32
    %scan3A_21 = arith.constant 250 : i32
    %scan3A_22 = arith.addi %scan3A_20, %scan3A_21 : i32
    %scan3A_23 = arith.constant 1 : i32
    scf.for %scan3A_36 = %scan3A_20 to %scan3A_22 step %scan3A_23  : i32 {
      %mul3A_37 = arith.constant 80 : i32
      %mul3A_38 = arith.muli %scan3A_36, %mul3A_37 : i32
      %add3A_39 = arith.addi %add3A, %mul3A_38 : i32
      "tpu.region"() ({
        %run_scoped3A = tpu.sem_alloc : memref<!tpu.dma_semaphore, #tpu.memory_space<semaphore_mem>>
        %dma_start3A_47 = tpu.memref_slice %arg3[%add3A_39] : memref<640000xi32, #tpu.memory_space<hbm>> -> memref<80xi32, #tpu.memory_space<hbm>>
        %dma_start3A_48 = tpu.memref_slice %arg3[%add3A_39] : memref<640000xi32, #tpu.memory_space<hbm>> -> memref<80xi32, #tpu.memory_space<hbm>>
        tpu.enqueue_dma source(%dma_start3A_48 : memref<80xi32, #tpu.memory_space<hbm>>) target(%arg6 : memref<80xi32, #tpu.memory_space<vmem>>) target_semaphore(%run_scoped3A : memref<!tpu.dma_semaphore, #tpu.memory_space<semaphore_mem>>)
        %dma_wait3A_49 = tpu.memref_slice %arg3[%add3A_39] : memref<640000xi32, #tpu.memory_space<hbm>> -> memref<80xi32, #tpu.memory_space<hbm>>
        %dma_wait3A_50 = tpu.memref_slice %arg3[%add3A_39] : memref<640000xi32, #tpu.memory_space<hbm>> -> memref<80xi32, #tpu.memory_space<hbm>>
        tpu.wait_dma2 semaphore(%run_scoped3A : memref<!tpu.dma_semaphore, #tpu.memory_space<semaphore_mem>>) src(%dma_wait3A_50 : memref<80xi32, #tpu.memory_space<hbm>>) dst(%arg6 : memref<80xi32, #tpu.memory_space<vmem>>)
        tpu.yield
      }) : () -> ()
      %dma_start3A = arith.constant 0 : i32
      %dma_start3A_40 = arith.constant 0 : i32
      %dma_start3A_41 = tpu.memref_slice %arg2[%dma_start3A, %dma_start3A_40] : memref<20000x128xf32, #tpu.memory_space<hbm>> -> memref<20000x128xf32, #tpu.memory_space<hbm>>
      tpu.enqueue_indirect_dma source(%dma_start3A_41 : memref<20000x128xf32, #tpu.memory_space<hbm>>) target(%arg8 : memref<80x128xf32, #tpu.memory_space<vmem>>) offsets(%arg6 : memref<80xi32, #tpu.memory_space<vmem>>) semaphore(%arg11 : memref<!tpu.dma_semaphore, #tpu.memory_space<semaphore_mem>>)
      %mul3A_42 = arith.constant 80 : i32
      %mul3A_43 = arith.muli %scan3A_36, %mul3A_42 : i32
      %add3A_44 = arith.addi %mul3A_16, %mul3A_43 : i32
      "tpu.region"() ({
        %run_scoped3A = tpu.sem_alloc : memref<!tpu.dma_semaphore, #tpu.memory_space<semaphore_mem>>
        %dma_start3A_47 = tpu.memref_slice %arg4[%add3A_44] : memref<320000xi32, #tpu.memory_space<hbm>> -> memref<80xi32, #tpu.memory_space<hbm>>
        %dma_start3A_48 = tpu.memref_slice %arg4[%add3A_44] : memref<320000xi32, #tpu.memory_space<hbm>> -> memref<80xi32, #tpu.memory_space<hbm>>
        tpu.enqueue_dma source(%dma_start3A_48 : memref<80xi32, #tpu.memory_space<hbm>>) target(%arg7 : memref<80xi32, #tpu.memory_space<vmem>>) target_semaphore(%run_scoped3A : memref<!tpu.dma_semaphore, #tpu.memory_space<semaphore_mem>>)
        %dma_wait3A_49 = tpu.memref_slice %arg4[%add3A_44] : memref<320000xi32, #tpu.memory_space<hbm>> -> memref<80xi32, #tpu.memory_space<hbm>>
        %dma_wait3A_50 = tpu.memref_slice %arg4[%add3A_44] : memref<320000xi32, #tpu.memory_space<hbm>> -> memref<80xi32, #tpu.memory_space<hbm>>
        tpu.wait_dma2 semaphore(%run_scoped3A : memref<!tpu.dma_semaphore, #tpu.memory_space<semaphore_mem>>) src(%dma_wait3A_50 : memref<80xi32, #tpu.memory_space<hbm>>) dst(%arg7 : memref<80xi32, #tpu.memory_space<vmem>>)
        tpu.yield
      }) : () -> ()
      %dma_wait3A = arith.constant 0 : i32
      %dma_wait3A_45 = arith.constant 0 : i32
      %dma_wait3A_46 = tpu.memref_slice %arg2[%dma_wait3A, %dma_wait3A_45] : memref<20000x128xf32, #tpu.memory_space<hbm>> -> memref<20000x128xf32, #tpu.memory_space<hbm>>
      tpu.wait_indirect_dma semaphore(%arg11 : memref<!tpu.dma_semaphore, #tpu.memory_space<semaphore_mem>>) src(%dma_wait3A_46 : memref<20000x128xf32, #tpu.memory_space<hbm>>) dst(%arg8 : memref<80x128xf32, #tpu.memory_space<vmem>>)
      "tpu.region"() ({
        %run_scoped3A = tpu.sem_alloc : memref<!tpu.dma_semaphore, #tpu.memory_space<semaphore_mem>>
        %dma_start3A_47 = arith.constant 0 : i32
        %dma_start3A_48 = arith.constant 0 : i32
        %dma_start3A_49 = tpu.memref_slice %arg10[%dma_start3A_47, %dma_start3A_48] : memref<10000x128xf32, #tpu.memory_space<vmem_shared>> -> memref<10000x128xf32, #tpu.memory_space<vmem_shared>>
        tpu.enqueue_indirect_dma source(%arg8 : memref<80x128xf32, #tpu.memory_space<vmem>>) target(%dma_start3A_49 : memref<10000x128xf32, #tpu.memory_space<vmem_shared>>) offsets(%arg7 : memref<80xi32, #tpu.memory_space<vmem>>) semaphore(%run_scoped3A : memref<!tpu.dma_semaphore, #tpu.memory_space<semaphore_mem>>) {add = true}
        %dma_wait3A_50 = arith.constant 0 : i32
        %dma_wait3A_51 = arith.constant 0 : i32
        %dma_wait3A_52 = tpu.memref_slice %arg10[%dma_wait3A_50, %dma_wait3A_51] : memref<10000x128xf32, #tpu.memory_space<vmem_shared>> -> memref<10000x128xf32, #tpu.memory_space<vmem_shared>>
        tpu.wait_indirect_dma semaphore(%run_scoped3A : memref<!tpu.dma_semaphore, #tpu.memory_space<semaphore_mem>>) src(%arg8 : memref<80x128xf32, #tpu.memory_space<vmem>>) dst(%dma_wait3A_52 : memref<10000x128xf32, #tpu.memory_space<vmem_shared>>)
        tpu.yield
      }) : () -> ()
    }
    %scan3A_24 = arith.constant 250 : i32
    %barrier3A_25 = arith.constant 0 : index
    tpu.barrier barrier_id(%barrier3A_25)
    %while3A_26 = arith.constant 0 : i32
    %while3A_27 = arith.constant 0 : i32
    %while3A_28 = arith.subi %select_n3A, %while3A_27 : i32
    %while3A_29 = arith.addi %while3A_27, %while3A_28 : i32
    %while3A_30 = arith.constant 1 : i32
    %while3A_31 = arith.divsi %while3A_28, %while3A_30 : i32
    %while3A_32 = arith.muli %while3A_31, %while3A_30 : i32
    %while3A_33 = arith.addi %while3A_27, %while3A_32 : i32
    %while3A_34 = arith.constant 1 : i32
    scf.for %while3A_36 = %while3A_27 to %while3A_33 step %while3A_34  : i32 {
      %mul3A_37 = arith.constant 16 : i32
      %mul3A_38 = arith.muli %while3A_36, %mul3A_37 : i32
      %add3A_39 = arith.addi %arg1, %mul3A_38 : i32
      %mul3A_40 = arith.constant 200 : i32
      %mul3A_41 = arith.muli %add3A_39, %mul3A_40 : i32
      "tpu.region"() ({
        %run_scoped3A = tpu.sem_alloc : memref<!tpu.dma_semaphore, #tpu.memory_space<semaphore_mem>>
        %dma_start3A = arith.constant 0 : i32
        %dma_start3A_47 = tpu.memref_slice %arg10[%mul3A_41, %dma_start3A] : memref<10000x128xf32, #tpu.memory_space<vmem_shared>> -> memref<200x128xf32, #tpu.memory_space<vmem_shared>>
        %dma_start3A_48 = arith.constant 0 : i32
        %dma_start3A_49 = tpu.memref_slice %arg10[%mul3A_41, %dma_start3A_48] : memref<10000x128xf32, #tpu.memory_space<vmem_shared>> -> memref<200x128xf32, #tpu.memory_space<vmem_shared>>
        tpu.enqueue_dma source(%dma_start3A_49 : memref<200x128xf32, #tpu.memory_space<vmem_shared>>) target(%arg9 : memref<200x128xf32, #tpu.memory_space<vmem>>) target_semaphore(%run_scoped3A : memref<!tpu.dma_semaphore, #tpu.memory_space<semaphore_mem>>)
        %dma_wait3A = arith.constant 0 : i32
        %dma_wait3A_50 = tpu.memref_slice %arg10[%mul3A_41, %dma_wait3A] : memref<10000x128xf32, #tpu.memory_space<vmem_shared>> -> memref<200x128xf32, #tpu.memory_space<vmem_shared>>
        %dma_wait3A_51 = arith.constant 0 : i32
        %dma_wait3A_52 = tpu.memref_slice %arg10[%mul3A_41, %dma_wait3A_51] : memref<10000x128xf32, #tpu.memory_space<vmem_shared>> -> memref<200x128xf32, #tpu.memory_space<vmem_shared>>
        tpu.wait_dma2 semaphore(%run_scoped3A : memref<!tpu.dma_semaphore, #tpu.memory_space<semaphore_mem>>) src(%dma_wait3A_52 : memref<200x128xf32, #tpu.memory_space<vmem_shared>>) dst(%arg9 : memref<200x128xf32, #tpu.memory_space<vmem>>)
        tpu.yield
      }) : () -> ()
      %mul3A_42 = arith.constant 10000 : i32
      %mul3A_43 = arith.muli %arg0, %mul3A_42 : i32
      %mul3A_44 = arith.constant 200 : i32
      %mul3A_45 = arith.muli %add3A_39, %mul3A_44 : i32
      %add3A_46 = arith.addi %mul3A_43, %mul3A_45 : i32
      "tpu.region"() ({
        %run_scoped3A = tpu.sem_alloc : memref<!tpu.dma_semaphore, #tpu.memory_space<semaphore_mem>>
        %dma_start3A = arith.constant 0 : i32
        %dma_start3A_47 = tpu.memref_slice %arg5[%add3A_46, %dma_start3A] : memref<20000x128xf32, #tpu.memory_space<hbm>> -> memref<200x128xf32, #tpu.memory_space<hbm>>
        %dma_start3A_48 = arith.constant 0 : i32
        %dma_start3A_49 = tpu.memref_slice %arg5[%add3A_46, %dma_start3A_48] : memref<20000x128xf32, #tpu.memory_space<hbm>> -> memref<200x128xf32, #tpu.memory_space<hbm>>
        tpu.enqueue_dma source(%arg9 : memref<200x128xf32, #tpu.memory_space<vmem>>) target(%dma_start3A_49 : memref<200x128xf32, #tpu.memory_space<hbm>>) target_semaphore(%run_scoped3A : memref<!tpu.dma_semaphore, #tpu.memory_space<semaphore_mem>>)
        %dma_wait3A = arith.constant 0 : i32
        %dma_wait3A_50 = tpu.memref_slice %arg5[%add3A_46, %dma_wait3A] : memref<20000x128xf32, #tpu.memory_space<hbm>> -> memref<200x128xf32, #tpu.memory_space<hbm>>
        %dma_wait3A_51 = arith.constant 0 : i32
        %dma_wait3A_52 = tpu.memref_slice %arg5[%add3A_46, %dma_wait3A_51] : memref<20000x128xf32, #tpu.memory_space<hbm>> -> memref<200x128xf32, #tpu.memory_space<hbm>>
        tpu.wait_dma2 semaphore(%run_scoped3A : memref<!tpu.dma_semaphore, #tpu.memory_space<semaphore_mem>>) src(%arg9 : memref<200x128xf32, #tpu.memory_space<vmem>>) dst(%dma_wait3A_52 : memref<200x128xf32, #tpu.memory_space<hbm>>)
        tpu.yield
      }) : () -> ()
    }
    %while3A_35 = arith.constant 1 : i32
    scf.for %while3A_36 = %while3A_33 to %while3A_29 step %while3A_35  : i32 {
      %mul3A_37 = arith.constant 16 : i32
      %mul3A_38 = arith.muli %while3A_36, %mul3A_37 : i32
      %add3A_39 = arith.addi %arg1, %mul3A_38 : i32
      %mul3A_40 = arith.constant 200 : i32
      %mul3A_41 = arith.muli %add3A_39, %mul3A_40 : i32
      "tpu.region"() ({
        %run_scoped3A = tpu.sem_alloc : memref<!tpu.dma_semaphore, #tpu.memory_space<semaphore_mem>>
        %dma_start3A = arith.constant 0 : i32
        %dma_start3A_47 = tpu.memref_slice %arg10[%mul3A_41, %dma_start3A] : memref<10000x128xf32, #tpu.memory_space<vmem_shared>> -> memref<200x128xf32, #tpu.memory_space<vmem_shared>>
        %dma_start3A_48 = arith.constant 0 : i32
        %dma_start3A_49 = tpu.memref_slice %arg10[%mul3A_41, %dma_start3A_48] : memref<10000x128xf32, #tpu.memory_space<vmem_shared>> -> memref<200x128xf32, #tpu.memory_space<vmem_shared>>
        tpu.enqueue_dma source(%dma_start3A_49 : memref<200x128xf32, #tpu.memory_space<vmem_shared>>) target(%arg9 : memref<200x128xf32, #tpu.memory_space<vmem>>) target_semaphore(%run_scoped3A : memref<!tpu.dma_semaphore, #tpu.memory_space<semaphore_mem>>)
        %dma_wait3A = arith.constant 0 : i32
        %dma_wait3A_50 = tpu.memref_slice %arg10[%mul3A_41, %dma_wait3A] : memref<10000x128xf32, #tpu.memory_space<vmem_shared>> -> memref<200x128xf32, #tpu.memory_space<vmem_shared>>
        %dma_wait3A_51 = arith.constant 0 : i32
        %dma_wait3A_52 = tpu.memref_slice %arg10[%mul3A_41, %dma_wait3A_51] : memref<10000x128xf32, #tpu.memory_space<vmem_shared>> -> memref<200x128xf32, #tpu.memory_space<vmem_shared>>
        tpu.wait_dma2 semaphore(%run_scoped3A : memref<!tpu.dma_semaphore, #tpu.memory_space<semaphore_mem>>) src(%dma_wait3A_52 : memref<200x128xf32, #tpu.memory_space<vmem_shared>>) dst(%arg9 : memref<200x128xf32, #tpu.memory_space<vmem>>)
        tpu.yield
      }) : () -> ()
      %mul3A_42 = arith.constant 10000 : i32
      %mul3A_43 = arith.muli %arg0, %mul3A_42 : i32
      %mul3A_44 = arith.constant 200 : i32
      %mul3A_45 = arith.muli %add3A_39, %mul3A_44 : i32
      %add3A_46 = arith.addi %mul3A_43, %mul3A_45 : i32
      "tpu.region"() ({
        %run_scoped3A = tpu.sem_alloc : memref<!tpu.dma_semaphore, #tpu.memory_space<semaphore_mem>>
        %dma_start3A = arith.constant 0 : i32
        %dma_start3A_47 = tpu.memref_slice %arg5[%add3A_46, %dma_start3A] : memref<20000x128xf32, #tpu.memory_space<hbm>> -> memref<200x128xf32, #tpu.memory_space<hbm>>
        %dma_start3A_48 = arith.constant 0 : i32
        %dma_start3A_49 = tpu.memref_slice %arg5[%add3A_46, %dma_start3A_48] : memref<20000x128xf32, #tpu.memory_space<hbm>> -> memref<200x128xf32, #tpu.memory_space<hbm>>
        tpu.enqueue_dma source(%arg9 : memref<200x128xf32, #tpu.memory_space<vmem>>) target(%dma_start3A_49 : memref<200x128xf32, #tpu.memory_space<hbm>>) target_semaphore(%run_scoped3A : memref<!tpu.dma_semaphore, #tpu.memory_space<semaphore_mem>>)
        %dma_wait3A = arith.constant 0 : i32
        %dma_wait3A_50 = tpu.memref_slice %arg5[%add3A_46, %dma_wait3A] : memref<20000x128xf32, #tpu.memory_space<hbm>> -> memref<200x128xf32, #tpu.memory_space<hbm>>
        %dma_wait3A_51 = arith.constant 0 : i32
        %dma_wait3A_52 = tpu.memref_slice %arg5[%add3A_46, %dma_wait3A_51] : memref<20000x128xf32, #tpu.memory_space<hbm>> -> memref<200x128xf32, #tpu.memory_space<hbm>>
        tpu.wait_dma2 semaphore(%run_scoped3A : memref<!tpu.dma_semaphore, #tpu.memory_space<semaphore_mem>>) src(%arg9 : memref<200x128xf32, #tpu.memory_space<vmem>>) dst(%dma_wait3A_52 : memref<200x128xf32, #tpu.memory_space<hbm>>)
        tpu.yield
      }) : () -> ()
    }
    return
  }
}

#map = affine_map<(d0, d1) -> (0)>
#map1 = affine_map<(d0, d1) -> (0, 0)>
module attributes {stable_mosaic.version = 14 : i64} {
  func.func @_deg_kernel(%arg0: i32, %arg1: i32, %arg2: memref<320000xi32, #tpu.memory_space<hbm>>, %arg3: memref<20480x128xf32, #tpu.memory_space<hbm>>, %arg4: memref<80xi32, #tpu.memory_space<vmem>>, %arg5: memref<80x128xf32, #tpu.memory_space<vmem>>, %arg6: memref<128x128xf32, #tpu.memory_space<vmem>>, %arg7: memref<10240x128xf32, #tpu.memory_space<vmem_shared>>) attributes {dimension_semantics = [#tpu.dimension_semantics<core_parallel>, #tpu.dimension_semantics<subcore_parallel>], iteration_bounds = array<i64: 2, 16>, scalar_prefetch = 0 : i64, scratch_operands = 4 : i64, tpu.core_type = #tpu.core_type<sc_vector_subcore>, window_params = [{transform_indices = #map}, {transform_indices = #map1}]} {
    %mul3A = arith.constant 2 : i32
    %mul3A_0 = arith.muli %arg1, %mul3A : i32
    %add3A = arith.addi %mul3A_0, %arg0 : i32
    %scan3A = arith.constant 0 : i32
    %scan3A_1 = arith.constant 0 : i32
    %scan3A_2 = arith.constant 128 : i32
    %scan3A_3 = arith.addi %scan3A_1, %scan3A_2 : i32
    %scan3A_4 = arith.constant 1 : i32
    scf.for %scan3A_31 = %scan3A_1 to %scan3A_3 step %scan3A_4  : i32 {
      %broadcast_in_dim3A = arith.constant 0.000000e+00 : f32
      %broadcast_in_dim3A_32 = vector.broadcast %broadcast_in_dim3A : f32 to vector<16xf32>
      %swap3A = arith.index_cast %scan3A_31 : i32 to index
      %swap3A_33 = arith.constant 0 : index
      %swap3A_34 = tpu.vector_load %arg6[%swap3A, %swap3A_33] {strides = array<i32>} : memref<128x128xf32, #tpu.memory_space<vmem>>, vector<1x16xf32>,
      %swap3A_35 = vector.shape_cast %swap3A_34 : vector<1x16xf32> to vector<16xf32>
      %swap3A_36 = vector.shape_cast %broadcast_in_dim3A_32 : vector<16xf32> to vector<1x16xf32>
      tpu.vector_store %arg6[%swap3A, %swap3A_33], %swap3A_36 {strides = array<i32>} : memref<128x128xf32, #tpu.memory_space<vmem>>, vector<1x16xf32>,
      %broadcast_in_dim3A_37 = arith.constant 0.000000e+00 : f32
      %broadcast_in_dim3A_38 = vector.broadcast %broadcast_in_dim3A_37 : f32 to vector<16xf32>
      %swap3A_39 = arith.index_cast %scan3A_31 : i32 to index
      %swap3A_40 = arith.constant 16 : index
      %swap3A_41 = tpu.vector_load %arg6[%swap3A_39, %swap3A_40] {strides = array<i32>} : memref<128x128xf32, #tpu.memory_space<vmem>>, vector<1x16xf32>,
      %swap3A_42 = vector.shape_cast %swap3A_41 : vector<1x16xf32> to vector<16xf32>
      %swap3A_43 = vector.shape_cast %broadcast_in_dim3A_38 : vector<16xf32> to vector<1x16xf32>
      tpu.vector_store %arg6[%swap3A_39, %swap3A_40], %swap3A_43 {strides = array<i32>} : memref<128x128xf32, #tpu.memory_space<vmem>>, vector<1x16xf32>,
      %broadcast_in_dim3A_44 = arith.constant 0.000000e+00 : f32
      %broadcast_in_dim3A_45 = vector.broadcast %broadcast_in_dim3A_44 : f32 to vector<16xf32>
      %swap3A_46 = arith.index_cast %scan3A_31 : i32 to index
      %swap3A_47 = arith.constant 32 : index
      %swap3A_48 = tpu.vector_load %arg6[%swap3A_46, %swap3A_47] {strides = array<i32>} : memref<128x128xf32, #tpu.memory_space<vmem>>, vector<1x16xf32>,
      %swap3A_49 = vector.shape_cast %swap3A_48 : vector<1x16xf32> to vector<16xf32>
      %swap3A_50 = vector.shape_cast %broadcast_in_dim3A_45 : vector<16xf32> to vector<1x16xf32>
      tpu.vector_store %arg6[%swap3A_46, %swap3A_47], %swap3A_50 {strides = array<i32>} : memref<128x128xf32, #tpu.memory_space<vmem>>, vector<1x16xf32>,
      %broadcast_in_dim3A_51 = arith.constant 0.000000e+00 : f32
      %broadcast_in_dim3A_52 = vector.broadcast %broadcast_in_dim3A_51 : f32 to vector<16xf32>
      %swap3A_53 = arith.index_cast %scan3A_31 : i32 to index
      %swap3A_54 = arith.constant 48 : index
      %swap3A_55 = tpu.vector_load %arg6[%swap3A_53, %swap3A_54] {strides = array<i32>} : memref<128x128xf32, #tpu.memory_space<vmem>>, vector<1x16xf32>,
      %swap3A_56 = vector.shape_cast %swap3A_55 : vector<1x16xf32> to vector<16xf32>
      %swap3A_57 = vector.shape_cast %broadcast_in_dim3A_52 : vector<16xf32> to vector<1x16xf32>
      tpu.vector_store %arg6[%swap3A_53, %swap3A_54], %swap3A_57 {strides = array<i32>} : memref<128x128xf32, #tpu.memory_space<vmem>>, vector<1x16xf32>,
      %broadcast_in_dim3A_58 = arith.constant 0.000000e+00 : f32
      %broadcast_in_dim3A_59 = vector.broadcast %broadcast_in_dim3A_58 : f32 to vector<16xf32>
      %swap3A_60 = arith.index_cast %scan3A_31 : i32 to index
      %swap3A_61 = arith.constant 64 : index
      %swap3A_62 = tpu.vector_load %arg6[%swap3A_60, %swap3A_61] {strides = array<i32>} : memref<128x128xf32, #tpu.memory_space<vmem>>, vector<1x16xf32>,
      %swap3A_63 = vector.shape_cast %swap3A_62 : vector<1x16xf32> to vector<16xf32>
      %swap3A_64 = vector.shape_cast %broadcast_in_dim3A_59 : vector<16xf32> to vector<1x16xf32>
      tpu.vector_store %arg6[%swap3A_60, %swap3A_61], %swap3A_64 {strides = array<i32>} : memref<128x128xf32, #tpu.memory_space<vmem>>, vector<1x16xf32>,
      %broadcast_in_dim3A_65 = arith.constant 0.000000e+00 : f32
      %broadcast_in_dim3A_66 = vector.broadcast %broadcast_in_dim3A_65 : f32 to vector<16xf32>
      %swap3A_67 = arith.index_cast %scan3A_31 : i32 to index
      %swap3A_68 = arith.constant 80 : index
      %swap3A_69 = tpu.vector_load %arg6[%swap3A_67, %swap3A_68] {strides = array<i32>} : memref<128x128xf32, #tpu.memory_space<vmem>>, vector<1x16xf32>,
      %swap3A_70 = vector.shape_cast %swap3A_69 : vector<1x16xf32> to vector<16xf32>
      %swap3A_71 = vector.shape_cast %broadcast_in_dim3A_66 : vector<16xf32> to vector<1x16xf32>
      tpu.vector_store %arg6[%swap3A_67, %swap3A_68], %swap3A_71 {strides = array<i32>} : memref<128x128xf32, #tpu.memory_space<vmem>>, vector<1x16xf32>,
      %broadcast_in_dim3A_72 = arith.constant 0.000000e+00 : f32
      %broadcast_in_dim3A_73 = vector.broadcast %broadcast_in_dim3A_72 : f32 to vector<16xf32>
      %swap3A_74 = arith.index_cast %scan3A_31 : i32 to index
      %swap3A_75 = arith.constant 96 : index
      %swap3A_76 = tpu.vector_load %arg6[%swap3A_74, %swap3A_75] {strides = array<i32>} : memref<128x128xf32, #tpu.memory_space<vmem>>, vector<1x16xf32>,
      %swap3A_77 = vector.shape_cast %swap3A_76 : vector<1x16xf32> to vector<16xf32>
      %swap3A_78 = vector.shape_cast %broadcast_in_dim3A_73 : vector<16xf32> to vector<1x16xf32>
      tpu.vector_store %arg6[%swap3A_74, %swap3A_75], %swap3A_78 {strides = array<i32>} : memref<128x128xf32, #tpu.memory_space<vmem>>, vector<1x16xf32>,
      %broadcast_in_dim3A_79 = arith.constant 0.000000e+00 : f32
      %broadcast_in_dim3A_80 = vector.broadcast %broadcast_in_dim3A_79 : f32 to vector<16xf32>
      %swap3A_81 = arith.index_cast %scan3A_31 : i32 to index
      %swap3A_82 = arith.constant 112 : index
      %swap3A_83 = tpu.vector_load %arg6[%swap3A_81, %swap3A_82] {strides = array<i32>} : memref<128x128xf32, #tpu.memory_space<vmem>>, vector<1x16xf32>,
      %swap3A_84 = vector.shape_cast %swap3A_83 : vector<1x16xf32> to vector<16xf32>
      %swap3A_85 = vector.shape_cast %broadcast_in_dim3A_80 : vector<16xf32> to vector<1x16xf32>
      tpu.vector_store %arg6[%swap3A_81, %swap3A_82], %swap3A_85 {strides = array<i32>} : memref<128x128xf32, #tpu.memory_space<vmem>>, vector<1x16xf32>,
    }
    %scan3A_5 = arith.constant 128 : i32
    %scan3A_6 = arith.constant 0 : i32
    %scan3A_7 = arith.constant 0 : i32
    %scan3A_8 = arith.constant 80 : i32
    %scan3A_9 = arith.addi %scan3A_7, %scan3A_8 : i32
    %scan3A_10 = arith.constant 1 : i32
    scf.for %scan3A_31 = %scan3A_7 to %scan3A_9 step %scan3A_10  : i32 {
      %broadcast_in_dim3A = arith.constant 1.000000e+00 : f32
      %broadcast_in_dim3A_32 = vector.broadcast %broadcast_in_dim3A : f32 to vector<16xf32>
      %swap3A = arith.index_cast %scan3A_31 : i32 to index
      %swap3A_33 = arith.constant 0 : index
      %swap3A_34 = tpu.vector_load %arg5[%swap3A, %swap3A_33] {strides = array<i32>} : memref<80x128xf32, #tpu.memory_space<vmem>>, vector<1x16xf32>,
      %swap3A_35 = vector.shape_cast %swap3A_34 : vector<1x16xf32> to vector<16xf32>
      %swap3A_36 = vector.shape_cast %broadcast_in_dim3A_32 : vector<16xf32> to vector<1x16xf32>
      tpu.vector_store %arg5[%swap3A, %swap3A_33], %swap3A_36 {strides = array<i32>} : memref<80x128xf32, #tpu.memory_space<vmem>>, vector<1x16xf32>,
      %broadcast_in_dim3A_37 = arith.constant 1.000000e+00 : f32
      %broadcast_in_dim3A_38 = vector.broadcast %broadcast_in_dim3A_37 : f32 to vector<16xf32>
      %swap3A_39 = arith.index_cast %scan3A_31 : i32 to index
      %swap3A_40 = arith.constant 16 : index
      %swap3A_41 = tpu.vector_load %arg5[%swap3A_39, %swap3A_40] {strides = array<i32>} : memref<80x128xf32, #tpu.memory_space<vmem>>, vector<1x16xf32>,
      %swap3A_42 = vector.shape_cast %swap3A_41 : vector<1x16xf32> to vector<16xf32>
      %swap3A_43 = vector.shape_cast %broadcast_in_dim3A_38 : vector<16xf32> to vector<1x16xf32>
      tpu.vector_store %arg5[%swap3A_39, %swap3A_40], %swap3A_43 {strides = array<i32>} : memref<80x128xf32, #tpu.memory_space<vmem>>, vector<1x16xf32>,
      %broadcast_in_dim3A_44 = arith.constant 1.000000e+00 : f32
      %broadcast_in_dim3A_45 = vector.broadcast %broadcast_in_dim3A_44 : f32 to vector<16xf32>
      %swap3A_46 = arith.index_cast %scan3A_31 : i32 to index
      %swap3A_47 = arith.constant 32 : index
      %swap3A_48 = tpu.vector_load %arg5[%swap3A_46, %swap3A_47] {strides = array<i32>} : memref<80x128xf32, #tpu.memory_space<vmem>>, vector<1x16xf32>,
      %swap3A_49 = vector.shape_cast %swap3A_48 : vector<1x16xf32> to vector<16xf32>
      %swap3A_50 = vector.shape_cast %broadcast_in_dim3A_45 : vector<16xf32> to vector<1x16xf32>
      tpu.vector_store %arg5[%swap3A_46, %swap3A_47], %swap3A_50 {strides = array<i32>} : memref<80x128xf32, #tpu.memory_space<vmem>>, vector<1x16xf32>,
      %broadcast_in_dim3A_51 = arith.constant 1.000000e+00 : f32
      %broadcast_in_dim3A_52 = vector.broadcast %broadcast_in_dim3A_51 : f32 to vector<16xf32>
      %swap3A_53 = arith.index_cast %scan3A_31 : i32 to index
      %swap3A_54 = arith.constant 48 : index
      %swap3A_55 = tpu.vector_load %arg5[%swap3A_53, %swap3A_54] {strides = array<i32>} : memref<80x128xf32, #tpu.memory_space<vmem>>, vector<1x16xf32>,
      %swap3A_56 = vector.shape_cast %swap3A_55 : vector<1x16xf32> to vector<16xf32>
      %swap3A_57 = vector.shape_cast %broadcast_in_dim3A_52 : vector<16xf32> to vector<1x16xf32>
      tpu.vector_store %arg5[%swap3A_53, %swap3A_54], %swap3A_57 {strides = array<i32>} : memref<80x128xf32, #tpu.memory_space<vmem>>, vector<1x16xf32>,
      %broadcast_in_dim3A_58 = arith.constant 1.000000e+00 : f32
      %broadcast_in_dim3A_59 = vector.broadcast %broadcast_in_dim3A_58 : f32 to vector<16xf32>
      %swap3A_60 = arith.index_cast %scan3A_31 : i32 to index
      %swap3A_61 = arith.constant 64 : index
      %swap3A_62 = tpu.vector_load %arg5[%swap3A_60, %swap3A_61] {strides = array<i32>} : memref<80x128xf32, #tpu.memory_space<vmem>>, vector<1x16xf32>,
      %swap3A_63 = vector.shape_cast %swap3A_62 : vector<1x16xf32> to vector<16xf32>
      %swap3A_64 = vector.shape_cast %broadcast_in_dim3A_59 : vector<16xf32> to vector<1x16xf32>
      tpu.vector_store %arg5[%swap3A_60, %swap3A_61], %swap3A_64 {strides = array<i32>} : memref<80x128xf32, #tpu.memory_space<vmem>>, vector<1x16xf32>,
      %broadcast_in_dim3A_65 = arith.constant 1.000000e+00 : f32
      %broadcast_in_dim3A_66 = vector.broadcast %broadcast_in_dim3A_65 : f32 to vector<16xf32>
      %swap3A_67 = arith.index_cast %scan3A_31 : i32 to index
      %swap3A_68 = arith.constant 80 : index
      %swap3A_69 = tpu.vector_load %arg5[%swap3A_67, %swap3A_68] {strides = array<i32>} : memref<80x128xf32, #tpu.memory_space<vmem>>, vector<1x16xf32>,
      %swap3A_70 = vector.shape_cast %swap3A_69 : vector<1x16xf32> to vector<16xf32>
      %swap3A_71 = vector.shape_cast %broadcast_in_dim3A_66 : vector<16xf32> to vector<1x16xf32>
      tpu.vector_store %arg5[%swap3A_67, %swap3A_68], %swap3A_71 {strides = array<i32>} : memref<80x128xf32, #tpu.memory_space<vmem>>, vector<1x16xf32>,
      %broadcast_in_dim3A_72 = arith.constant 1.000000e+00 : f32
      %broadcast_in_dim3A_73 = vector.broadcast %broadcast_in_dim3A_72 : f32 to vector<16xf32>
      %swap3A_74 = arith.index_cast %scan3A_31 : i32 to index
      %swap3A_75 = arith.constant 96 : index
      %swap3A_76 = tpu.vector_load %arg5[%swap3A_74, %swap3A_75] {strides = array<i32>} : memref<80x128xf32, #tpu.memory_space<vmem>>, vector<1x16xf32>,
      %swap3A_77 = vector.shape_cast %swap3A_76 : vector<1x16xf32> to vector<16xf32>
      %swap3A_78 = vector.shape_cast %broadcast_in_dim3A_73 : vector<16xf32> to vector<1x16xf32>
      tpu.vector_store %arg5[%swap3A_74, %swap3A_75], %swap3A_78 {strides = array<i32>} : memref<80x128xf32, #tpu.memory_space<vmem>>, vector<1x16xf32>,
      %broadcast_in_dim3A_79 = arith.constant 1.000000e+00 : f32
      %broadcast_in_dim3A_80 = vector.broadcast %broadcast_in_dim3A_79 : f32 to vector<16xf32>
      %swap3A_81 = arith.index_cast %scan3A_31 : i32 to index
      %swap3A_82 = arith.constant 112 : index
      %swap3A_83 = tpu.vector_load %arg5[%swap3A_81, %swap3A_82] {strides = array<i32>} : memref<80x128xf32, #tpu.memory_space<vmem>>, vector<1x16xf32>,
      %swap3A_84 = vector.shape_cast %swap3A_83 : vector<1x16xf32> to vector<16xf32>
      %swap3A_85 = vector.shape_cast %broadcast_in_dim3A_80 : vector<16xf32> to vector<1x16xf32>
      tpu.vector_store %arg5[%swap3A_81, %swap3A_82], %swap3A_85 {strides = array<i32>} : memref<80x128xf32, #tpu.memory_space<vmem>>, vector<1x16xf32>,
    }
    %scan3A_11 = arith.constant 80 : i32
    %scan3A_12 = arith.constant 0 : i32
    %scan3A_13 = arith.constant 0 : i32
    %scan3A_14 = arith.constant 5 : i32
    %scan3A_15 = arith.addi %scan3A_13, %scan3A_14 : i32
    %scan3A_16 = arith.constant 1 : i32
    scf.for %scan3A_31 = %scan3A_13 to %scan3A_15 step %scan3A_16  : i32 {
      %mul3A_32 = arith.constant 16 : i32
      %mul3A_33 = arith.muli %scan3A_31, %mul3A_32 : i32
      %add3A_34 = arith.addi %arg1, %mul3A_33 : i32
      %mul3A_35 = arith.constant 128 : i32
      %mul3A_36 = arith.muli %add3A_34, %mul3A_35 : i32
      "tpu.region"() ({
        %run_scoped3A = tpu.sem_alloc : memref<!tpu.dma_semaphore, #tpu.memory_space<semaphore_mem>>
        %dma_start3A = arith.constant 0 : i32
        %dma_start3A_37 = tpu.memref_slice %arg7[%mul3A_36, %dma_start3A] : memref<10240x128xf32, #tpu.memory_space<vmem_shared>> -> memref<128x128xf32, #tpu.memory_space<vmem_shared>>
        %dma_start3A_38 = arith.constant 0 : i32
        %dma_start3A_39 = tpu.memref_slice %arg7[%mul3A_36, %dma_start3A_38] : memref<10240x128xf32, #tpu.memory_space<vmem_shared>> -> memref<128x128xf32, #tpu.memory_space<vmem_shared>>
        tpu.enqueue_dma source(%arg6 : memref<128x128xf32, #tpu.memory_space<vmem>>) target(%dma_start3A_39 : memref<128x128xf32, #tpu.memory_space<vmem_shared>>) target_semaphore(%run_scoped3A : memref<!tpu.dma_semaphore, #tpu.memory_space<semaphore_mem>>)
        %dma_wait3A = arith.constant 0 : i32
        %dma_wait3A_40 = tpu.memref_slice %arg7[%mul3A_36, %dma_wait3A] : memref<10240x128xf32, #tpu.memory_space<vmem_shared>> -> memref<128x128xf32, #tpu.memory_space<vmem_shared>>
        %dma_wait3A_41 = arith.constant 0 : i32
        %dma_wait3A_42 = tpu.memref_slice %arg7[%mul3A_36, %dma_wait3A_41] : memref<10240x128xf32, #tpu.memory_space<vmem_shared>> -> memref<128x128xf32, #tpu.memory_space<vmem_shared>>
        tpu.wait_dma2 semaphore(%run_scoped3A : memref<!tpu.dma_semaphore, #tpu.memory_space<semaphore_mem>>) src(%arg6 : memref<128x128xf32, #tpu.memory_space<vmem>>) dst(%dma_wait3A_42 : memref<128x128xf32, #tpu.memory_space<vmem_shared>>)
        tpu.yield
      }) : () -> ()
    }
    %scan3A_17 = arith.constant 5 : i32
    %barrier3A = arith.constant 0 : index
    tpu.barrier barrier_id(%barrier3A)
    %scan3A_18 = arith.constant 0 : i32
    %scan3A_19 = arith.constant 0 : i32
    %scan3A_20 = arith.constant 125 : i32
    %scan3A_21 = arith.addi %scan3A_19, %scan3A_20 : i32
    %scan3A_22 = arith.constant 1 : i32
    scf.for %scan3A_31 = %scan3A_19 to %scan3A_21 step %scan3A_22  : i32 {
      %mul3A_32 = arith.constant 10000 : i32
      %mul3A_33 = arith.muli %add3A, %mul3A_32 : i32
      %mul3A_34 = arith.constant 80 : i32
      %mul3A_35 = arith.muli %scan3A_31, %mul3A_34 : i32
      %add3A_36 = arith.addi %mul3A_33, %mul3A_35 : i32
      "tpu.region"() ({
        %run_scoped3A = tpu.sem_alloc : memref<!tpu.dma_semaphore, #tpu.memory_space<semaphore_mem>>
        %dma_start3A = tpu.memref_slice %arg2[%add3A_36] : memref<320000xi32, #tpu.memory_space<hbm>> -> memref<80xi32, #tpu.memory_space<hbm>>
        %dma_start3A_37 = tpu.memref_slice %arg2[%add3A_36] : memref<320000xi32, #tpu.memory_space<hbm>> -> memref<80xi32, #tpu.memory_space<hbm>>
        tpu.enqueue_dma source(%dma_start3A_37 : memref<80xi32, #tpu.memory_space<hbm>>) target(%arg4 : memref<80xi32, #tpu.memory_space<vmem>>) target_semaphore(%run_scoped3A : memref<!tpu.dma_semaphore, #tpu.memory_space<semaphore_mem>>)
        %dma_wait3A = tpu.memref_slice %arg2[%add3A_36] : memref<320000xi32, #tpu.memory_space<hbm>> -> memref<80xi32, #tpu.memory_space<hbm>>
        %dma_wait3A_38 = tpu.memref_slice %arg2[%add3A_36] : memref<320000xi32, #tpu.memory_space<hbm>> -> memref<80xi32, #tpu.memory_space<hbm>>
        tpu.wait_dma2 semaphore(%run_scoped3A : memref<!tpu.dma_semaphore, #tpu.memory_space<semaphore_mem>>) src(%dma_wait3A_38 : memref<80xi32, #tpu.memory_space<hbm>>) dst(%arg4 : memref<80xi32, #tpu.memory_space<vmem>>)
        tpu.yield
      }) : () -> ()
      "tpu.region"() ({
        %run_scoped3A = tpu.sem_alloc : memref<!tpu.dma_semaphore, #tpu.memory_space<semaphore_mem>>
        %dma_start3A = arith.constant 0 : i32
        %dma_start3A_37 = arith.constant 0 : i32
        %dma_start3A_38 = tpu.memref_slice %arg7[%dma_start3A, %dma_start3A_37] : memref<10240x128xf32, #tpu.memory_space<vmem_shared>> -> memref<10240x128xf32, #tpu.memory_space<vmem_shared>>
        tpu.enqueue_indirect_dma source(%arg5 : memref<80x128xf32, #tpu.memory_space<vmem>>) target(%dma_start3A_38 : memref<10240x128xf32, #tpu.memory_space<vmem_shared>>) offsets(%arg4 : memref<80xi32, #tpu.memory_space<vmem>>) semaphore(%run_scoped3A : memref<!tpu.dma_semaphore, #tpu.memory_space<semaphore_mem>>) {add = true}
        %dma_wait3A = arith.constant 0 : i32
        %dma_wait3A_39 = arith.constant 0 : i32
        %dma_wait3A_40 = tpu.memref_slice %arg7[%dma_wait3A, %dma_wait3A_39] : memref<10240x128xf32, #tpu.memory_space<vmem_shared>> -> memref<10240x128xf32, #tpu.memory_space<vmem_shared>>
        tpu.wait_indirect_dma semaphore(%run_scoped3A : memref<!tpu.dma_semaphore, #tpu.memory_space<semaphore_mem>>) src(%arg5 : memref<80x128xf32, #tpu.memory_space<vmem>>) dst(%dma_wait3A_40 : memref<10240x128xf32, #tpu.memory_space<vmem_shared>>)
        tpu.yield
      }) : () -> ()
    }
    %scan3A_23 = arith.constant 125 : i32
    %barrier3A_24 = arith.constant 0 : index
    tpu.barrier barrier_id(%barrier3A_24)
    %scan3A_25 = arith.constant 0 : i32
    %scan3A_26 = arith.constant 0 : i32
    %scan3A_27 = arith.constant 5 : i32
    %scan3A_28 = arith.addi %scan3A_26, %scan3A_27 : i32
    %scan3A_29 = arith.constant 1 : i32
    scf.for %scan3A_31 = %scan3A_26 to %scan3A_28 step %scan3A_29  : i32 {
      %mul3A_32 = arith.constant 16 : i32
      %mul3A_33 = arith.muli %scan3A_31, %mul3A_32 : i32
      %add3A_34 = arith.addi %arg1, %mul3A_33 : i32
      %mul3A_35 = arith.constant 128 : i32
      %mul3A_36 = arith.muli %add3A_34, %mul3A_35 : i32
      "tpu.region"() ({
        %run_scoped3A = tpu.sem_alloc : memref<!tpu.dma_semaphore, #tpu.memory_space<semaphore_mem>>
        %dma_start3A = arith.constant 0 : i32
        %dma_start3A_42 = tpu.memref_slice %arg7[%mul3A_36, %dma_start3A] : memref<10240x128xf32, #tpu.memory_space<vmem_shared>> -> memref<128x128xf32, #tpu.memory_space<vmem_shared>>
        %dma_start3A_43 = arith.constant 0 : i32
        %dma_start3A_44 = tpu.memref_slice %arg7[%mul3A_36, %dma_start3A_43] : memref<10240x128xf32, #tpu.memory_space<vmem_shared>> -> memref<128x128xf32, #tpu.memory_space<vmem_shared>>
        tpu.enqueue_dma source(%dma_start3A_44 : memref<128x128xf32, #tpu.memory_space<vmem_shared>>) target(%arg6 : memref<128x128xf32, #tpu.memory_space<vmem>>) target_semaphore(%run_scoped3A : memref<!tpu.dma_semaphore, #tpu.memory_space<semaphore_mem>>)
        %dma_wait3A = arith.constant 0 : i32
        %dma_wait3A_45 = tpu.memref_slice %arg7[%mul3A_36, %dma_wait3A] : memref<10240x128xf32, #tpu.memory_space<vmem_shared>> -> memref<128x128xf32, #tpu.memory_space<vmem_shared>>
        %dma_wait3A_46 = arith.constant 0 : i32
        %dma_wait3A_47 = tpu.memref_slice %arg7[%mul3A_36, %dma_wait3A_46] : memref<10240x128xf32, #tpu.memory_space<vmem_shared>> -> memref<128x128xf32, #tpu.memory_space<vmem_shared>>
        tpu.wait_dma2 semaphore(%run_scoped3A : memref<!tpu.dma_semaphore, #tpu.memory_space<semaphore_mem>>) src(%dma_wait3A_47 : memref<128x128xf32, #tpu.memory_space<vmem_shared>>) dst(%arg6 : memref<128x128xf32, #tpu.memory_space<vmem>>)
        tpu.yield
      }) : () -> ()
      %mul3A_37 = arith.constant 10240 : i32
      %mul3A_38 = arith.muli %arg0, %mul3A_37 : i32
      %mul3A_39 = arith.constant 128 : i32
      %mul3A_40 = arith.muli %add3A_34, %mul3A_39 : i32
      %add3A_41 = arith.addi %mul3A_38, %mul3A_40 : i32
      "tpu.region"() ({
        %run_scoped3A = tpu.sem_alloc : memref<!tpu.dma_semaphore, #tpu.memory_space<semaphore_mem>>
        %dma_start3A = arith.constant 0 : i32
        %dma_start3A_42 = tpu.memref_slice %arg3[%add3A_41, %dma_start3A] : memref<20480x128xf32, #tpu.memory_space<hbm>> -> memref<128x128xf32, #tpu.memory_space<hbm>>
        %dma_start3A_43 = arith.constant 0 : i32
        %dma_start3A_44 = tpu.memref_slice %arg3[%add3A_41, %dma_start3A_43] : memref<20480x128xf32, #tpu.memory_space<hbm>> -> memref<128x128xf32, #tpu.memory_space<hbm>>
        tpu.enqueue_dma source(%arg6 : memref<128x128xf32, #tpu.memory_space<vmem>>) target(%dma_start3A_44 : memref<128x128xf32, #tpu.memory_space<hbm>>) target_semaphore(%run_scoped3A : memref<!tpu.dma_semaphore, #tpu.memory_space<semaphore_mem>>)
        %dma_wait3A = arith.constant 0 : i32
        %dma_wait3A_45 = tpu.memref_slice %arg3[%add3A_41, %dma_wait3A] : memref<20480x128xf32, #tpu.memory_space<hbm>> -> memref<128x128xf32, #tpu.memory_space<hbm>>
        %dma_wait3A_46 = arith.constant 0 : i32
        %dma_wait3A_47 = tpu.memref_slice %arg3[%add3A_41, %dma_wait3A_46] : memref<20480x128xf32, #tpu.memory_space<hbm>> -> memref<128x128xf32, #tpu.memory_space<hbm>>
        tpu.wait_dma2 semaphore(%run_scoped3A : memref<!tpu.dma_semaphore, #tpu.memory_space<semaphore_mem>>) src(%arg6 : memref<128x128xf32, #tpu.memory_space<vmem>>) dst(%dma_wait3A_47 : memref<128x128xf32, #tpu.memory_space<hbm>>)
        tpu.yield
      }) : () -> ()
    }
    %scan3A_30 = arith.constant 5 : i32
    return
  }
}

#map = affine_map<(d0, d1) -> (0, 0)>
#map1 = affine_map<(d0, d1) -> (0)>
module attributes {stable_mosaic.version = 14 : i64} {
  func.func @_agg(%arg0: i32, %arg1: i32, %arg2: memref<20000x128xf32, #tpu.memory_space<hbm>>, %arg3: memref<640000xi32, #tpu.memory_space<hbm>>, %arg4: memref<320000xi32, #tpu.memory_space<hbm>>, %arg5: memref<20000x128xf32, #tpu.memory_space<hbm>>, %arg6: memref<80xi32, #tpu.memory_space<vmem>>, %arg7: memref<80xi32, #tpu.memory_space<vmem>>, %arg8: memref<80x128xf32, #tpu.memory_space<vmem>>, %arg9: memref<200x128xf32, #tpu.memory_space<vmem>>, %arg10: memref<10000x128xf32, #tpu.memory_space<vmem_shared>>, %arg11: memref<!tpu.dma_semaphore, #tpu.memory_space<semaphore_mem>>) attributes {dimension_semantics = [#tpu.dimension_semantics<core_parallel>, #tpu.dimension_semantics<subcore_parallel>], iteration_bounds = array<i64: 2, 16>, scalar_prefetch = 0 : i64, scratch_operands = 6 : i64, tpu.core_type = #tpu.core_type<sc_vector_subcore>, window_params = [{transform_indices = #map}, {transform_indices = #map1}, {transform_indices = #map1}, {transform_indices = #map}]} {
    %scan3A = arith.constant 0 : i32
    %scan3A_0 = arith.constant 0 : i32
    %scan3A_1 = arith.constant 200 : i32
    %scan3A_2 = arith.addi %scan3A_0, %scan3A_1 : i32
    %scan3A_3 = arith.constant 1 : i32
    scf.for %scan3A_36 = %scan3A_0 to %scan3A_2 step %scan3A_3  : i32 {
      %broadcast_in_dim3A = arith.constant 0.000000e+00 : f32
      %broadcast_in_dim3A_37 = vector.broadcast %broadcast_in_dim3A : f32 to vector<16xf32>
      %swap3A = arith.index_cast %scan3A_36 : i32 to index
      %swap3A_38 = arith.constant 0 : index
      %swap3A_39 = tpu.vector_load %arg9[%swap3A, %swap3A_38] {strides = array<i32>} : memref<200x128xf32, #tpu.memory_space<vmem>>, vector<1x16xf32>,
      %swap3A_40 = vector.shape_cast %swap3A_39 : vector<1x16xf32> to vector<16xf32>
      %swap3A_41 = vector.shape_cast %broadcast_in_dim3A_37 : vector<16xf32> to vector<1x16xf32>
      tpu.vector_store %arg9[%swap3A, %swap3A_38], %swap3A_41 {strides = array<i32>} : memref<200x128xf32, #tpu.memory_space<vmem>>, vector<1x16xf32>,
      %broadcast_in_dim3A_42 = arith.constant 0.000000e+00 : f32
      %broadcast_in_dim3A_43 = vector.broadcast %broadcast_in_dim3A_42 : f32 to vector<16xf32>
      %swap3A_44 = arith.index_cast %scan3A_36 : i32 to index
      %swap3A_45 = arith.constant 16 : index
      %swap3A_46 = tpu.vector_load %arg9[%swap3A_44, %swap3A_45] {strides = array<i32>} : memref<200x128xf32, #tpu.memory_space<vmem>>, vector<1x16xf32>,
      %swap3A_47 = vector.shape_cast %swap3A_46 : vector<1x16xf32> to vector<16xf32>
      %swap3A_48 = vector.shape_cast %broadcast_in_dim3A_43 : vector<16xf32> to vector<1x16xf32>
      tpu.vector_store %arg9[%swap3A_44, %swap3A_45], %swap3A_48 {strides = array<i32>} : memref<200x128xf32, #tpu.memory_space<vmem>>, vector<1x16xf32>,
      %broadcast_in_dim3A_49 = arith.constant 0.000000e+00 : f32
      %broadcast_in_dim3A_50 = vector.broadcast %broadcast_in_dim3A_49 : f32 to vector<16xf32>
      %swap3A_51 = arith.index_cast %scan3A_36 : i32 to index
      %swap3A_52 = arith.constant 32 : index
      %swap3A_53 = tpu.vector_load %arg9[%swap3A_51, %swap3A_52] {strides = array<i32>} : memref<200x128xf32, #tpu.memory_space<vmem>>, vector<1x16xf32>,
      %swap3A_54 = vector.shape_cast %swap3A_53 : vector<1x16xf32> to vector<16xf32>
      %swap3A_55 = vector.shape_cast %broadcast_in_dim3A_50 : vector<16xf32> to vector<1x16xf32>
      tpu.vector_store %arg9[%swap3A_51, %swap3A_52], %swap3A_55 {strides = array<i32>} : memref<200x128xf32, #tpu.memory_space<vmem>>, vector<1x16xf32>,
      %broadcast_in_dim3A_56 = arith.constant 0.000000e+00 : f32
      %broadcast_in_dim3A_57 = vector.broadcast %broadcast_in_dim3A_56 : f32 to vector<16xf32>
      %swap3A_58 = arith.index_cast %scan3A_36 : i32 to index
      %swap3A_59 = arith.constant 48 : index
      %swap3A_60 = tpu.vector_load %arg9[%swap3A_58, %swap3A_59] {strides = array<i32>} : memref<200x128xf32, #tpu.memory_space<vmem>>, vector<1x16xf32>,
      %swap3A_61 = vector.shape_cast %swap3A_60 : vector<1x16xf32> to vector<16xf32>
      %swap3A_62 = vector.shape_cast %broadcast_in_dim3A_57 : vector<16xf32> to vector<1x16xf32>
      tpu.vector_store %arg9[%swap3A_58, %swap3A_59], %swap3A_62 {strides = array<i32>} : memref<200x128xf32, #tpu.memory_space<vmem>>, vector<1x16xf32>,
      %broadcast_in_dim3A_63 = arith.constant 0.000000e+00 : f32
      %broadcast_in_dim3A_64 = vector.broadcast %broadcast_in_dim3A_63 : f32 to vector<16xf32>
      %swap3A_65 = arith.index_cast %scan3A_36 : i32 to index
      %swap3A_66 = arith.constant 64 : index
      %swap3A_67 = tpu.vector_load %arg9[%swap3A_65, %swap3A_66] {strides = array<i32>} : memref<200x128xf32, #tpu.memory_space<vmem>>, vector<1x16xf32>,
      %swap3A_68 = vector.shape_cast %swap3A_67 : vector<1x16xf32> to vector<16xf32>
      %swap3A_69 = vector.shape_cast %broadcast_in_dim3A_64 : vector<16xf32> to vector<1x16xf32>
      tpu.vector_store %arg9[%swap3A_65, %swap3A_66], %swap3A_69 {strides = array<i32>} : memref<200x128xf32, #tpu.memory_space<vmem>>, vector<1x16xf32>,
      %broadcast_in_dim3A_70 = arith.constant 0.000000e+00 : f32
      %broadcast_in_dim3A_71 = vector.broadcast %broadcast_in_dim3A_70 : f32 to vector<16xf32>
      %swap3A_72 = arith.index_cast %scan3A_36 : i32 to index
      %swap3A_73 = arith.constant 80 : index
      %swap3A_74 = tpu.vector_load %arg9[%swap3A_72, %swap3A_73] {strides = array<i32>} : memref<200x128xf32, #tpu.memory_space<vmem>>, vector<1x16xf32>,
      %swap3A_75 = vector.shape_cast %swap3A_74 : vector<1x16xf32> to vector<16xf32>
      %swap3A_76 = vector.shape_cast %broadcast_in_dim3A_71 : vector<16xf32> to vector<1x16xf32>
      tpu.vector_store %arg9[%swap3A_72, %swap3A_73], %swap3A_76 {strides = array<i32>} : memref<200x128xf32, #tpu.memory_space<vmem>>, vector<1x16xf32>,
      %broadcast_in_dim3A_77 = arith.constant 0.000000e+00 : f32
      %broadcast_in_dim3A_78 = vector.broadcast %broadcast_in_dim3A_77 : f32 to vector<16xf32>
      %swap3A_79 = arith.index_cast %scan3A_36 : i32 to index
      %swap3A_80 = arith.constant 96 : index
      %swap3A_81 = tpu.vector_load %arg9[%swap3A_79, %swap3A_80] {strides = array<i32>} : memref<200x128xf32, #tpu.memory_space<vmem>>, vector<1x16xf32>,
      %swap3A_82 = vector.shape_cast %swap3A_81 : vector<1x16xf32> to vector<16xf32>
      %swap3A_83 = vector.shape_cast %broadcast_in_dim3A_78 : vector<16xf32> to vector<1x16xf32>
      tpu.vector_store %arg9[%swap3A_79, %swap3A_80], %swap3A_83 {strides = array<i32>} : memref<200x128xf32, #tpu.memory_space<vmem>>, vector<1x16xf32>,
      %broadcast_in_dim3A_84 = arith.constant 0.000000e+00 : f32
      %broadcast_in_dim3A_85 = vector.broadcast %broadcast_in_dim3A_84 : f32 to vector<16xf32>
      %swap3A_86 = arith.index_cast %scan3A_36 : i32 to index
      %swap3A_87 = arith.constant 112 : index
      %swap3A_88 = tpu.vector_load %arg9[%swap3A_86, %swap3A_87] {strides = array<i32>} : memref<200x128xf32, #tpu.memory_space<vmem>>, vector<1x16xf32>,
      %swap3A_89 = vector.shape_cast %swap3A_88 : vector<1x16xf32> to vector<16xf32>
      %swap3A_90 = vector.shape_cast %broadcast_in_dim3A_85 : vector<16xf32> to vector<1x16xf32>
      tpu.vector_store %arg9[%swap3A_86, %swap3A_87], %swap3A_90 {strides = array<i32>} : memref<200x128xf32, #tpu.memory_space<vmem>>, vector<1x16xf32>,
    }
    %scan3A_4 = arith.constant 200 : i32
    %lt3A = arith.constant 2 : i32
    %lt3A_5 = arith.cmpi slt, %arg1, %lt3A : i32
    %jit3A = arith.constant 4 : i32
    %jit3A_6 = arith.constant 3 : i32
    %select_n3A = arith.select %lt3A_5, %jit3A, %jit3A_6 : i32
    %while3A = arith.constant 0 : i32
    %while3A_7 = arith.constant 0 : i32
    %while3A_8 = arith.subi %select_n3A, %while3A_7 : i32
    %while3A_9 = arith.addi %while3A_7, %while3A_8 : i32
    %while3A_10 = arith.constant 1 : i32
    %while3A_11 = arith.divsi %while3A_8, %while3A_10 : i32
    %while3A_12 = arith.muli %while3A_11, %while3A_10 : i32
    %while3A_13 = arith.addi %while3A_7, %while3A_12 : i32
    %while3A_14 = arith.constant 1 : i32
    scf.for %while3A_36 = %while3A_7 to %while3A_13 step %while3A_14  : i32 {
      %mul3A_37 = arith.constant 16 : i32
      %mul3A_38 = arith.muli %while3A_36, %mul3A_37 : i32
      %add3A_39 = arith.addi %arg1, %mul3A_38 : i32
      %mul3A_40 = arith.constant 200 : i32
      %mul3A_41 = arith.muli %add3A_39, %mul3A_40 : i32
      "tpu.region"() ({
        %run_scoped3A = tpu.sem_alloc : memref<!tpu.dma_semaphore, #tpu.memory_space<semaphore_mem>>
        %dma_start3A = arith.constant 0 : i32
        %dma_start3A_42 = tpu.memref_slice %arg10[%mul3A_41, %dma_start3A] : memref<10000x128xf32, #tpu.memory_space<vmem_shared>> -> memref<200x128xf32, #tpu.memory_space<vmem_shared>>
        %dma_start3A_43 = arith.constant 0 : i32
        %dma_start3A_44 = tpu.memref_slice %arg10[%mul3A_41, %dma_start3A_43] : memref<10000x128xf32, #tpu.memory_space<vmem_shared>> -> memref<200x128xf32, #tpu.memory_space<vmem_shared>>
        tpu.enqueue_dma source(%arg9 : memref<200x128xf32, #tpu.memory_space<vmem>>) target(%dma_start3A_44 : memref<200x128xf32, #tpu.memory_space<vmem_shared>>) target_semaphore(%run_scoped3A : memref<!tpu.dma_semaphore, #tpu.memory_space<semaphore_mem>>)
        %dma_wait3A = arith.constant 0 : i32
        %dma_wait3A_45 = tpu.memref_slice %arg10[%mul3A_41, %dma_wait3A] : memref<10000x128xf32, #tpu.memory_space<vmem_shared>> -> memref<200x128xf32, #tpu.memory_space<vmem_shared>>
        %dma_wait3A_46 = arith.constant 0 : i32
        %dma_wait3A_47 = tpu.memref_slice %arg10[%mul3A_41, %dma_wait3A_46] : memref<10000x128xf32, #tpu.memory_space<vmem_shared>> -> memref<200x128xf32, #tpu.memory_space<vmem_shared>>
        tpu.wait_dma2 semaphore(%run_scoped3A : memref<!tpu.dma_semaphore, #tpu.memory_space<semaphore_mem>>) src(%arg9 : memref<200x128xf32, #tpu.memory_space<vmem>>) dst(%dma_wait3A_47 : memref<200x128xf32, #tpu.memory_space<vmem_shared>>)
        tpu.yield
      }) : () -> ()
    }
    %while3A_15 = arith.constant 1 : i32
    scf.for %while3A_36 = %while3A_13 to %while3A_9 step %while3A_15  : i32 {
      %mul3A_37 = arith.constant 16 : i32
      %mul3A_38 = arith.muli %while3A_36, %mul3A_37 : i32
      %add3A_39 = arith.addi %arg1, %mul3A_38 : i32
      %mul3A_40 = arith.constant 200 : i32
      %mul3A_41 = arith.muli %add3A_39, %mul3A_40 : i32
      "tpu.region"() ({
        %run_scoped3A = tpu.sem_alloc : memref<!tpu.dma_semaphore, #tpu.memory_space<semaphore_mem>>
        %dma_start3A = arith.constant 0 : i32
        %dma_start3A_42 = tpu.memref_slice %arg10[%mul3A_41, %dma_start3A] : memref<10000x128xf32, #tpu.memory_space<vmem_shared>> -> memref<200x128xf32, #tpu.memory_space<vmem_shared>>
        %dma_start3A_43 = arith.constant 0 : i32
        %dma_start3A_44 = tpu.memref_slice %arg10[%mul3A_41, %dma_start3A_43] : memref<10000x128xf32, #tpu.memory_space<vmem_shared>> -> memref<200x128xf32, #tpu.memory_space<vmem_shared>>
        tpu.enqueue_dma source(%arg9 : memref<200x128xf32, #tpu.memory_space<vmem>>) target(%dma_start3A_44 : memref<200x128xf32, #tpu.memory_space<vmem_shared>>) target_semaphore(%run_scoped3A : memref<!tpu.dma_semaphore, #tpu.memory_space<semaphore_mem>>)
        %dma_wait3A = arith.constant 0 : i32
        %dma_wait3A_45 = tpu.memref_slice %arg10[%mul3A_41, %dma_wait3A] : memref<10000x128xf32, #tpu.memory_space<vmem_shared>> -> memref<200x128xf32, #tpu.memory_space<vmem_shared>>
        %dma_wait3A_46 = arith.constant 0 : i32
        %dma_wait3A_47 = tpu.memref_slice %arg10[%mul3A_41, %dma_wait3A_46] : memref<10000x128xf32, #tpu.memory_space<vmem_shared>> -> memref<200x128xf32, #tpu.memory_space<vmem_shared>>
        tpu.wait_dma2 semaphore(%run_scoped3A : memref<!tpu.dma_semaphore, #tpu.memory_space<semaphore_mem>>) src(%arg9 : memref<200x128xf32, #tpu.memory_space<vmem>>) dst(%dma_wait3A_47 : memref<200x128xf32, #tpu.memory_space<vmem_shared>>)
        tpu.yield
      }) : () -> ()
    }
    %barrier3A = arith.constant 0 : index
    tpu.barrier barrier_id(%barrier3A)
    %mul3A = arith.constant 20000 : i32
    %mul3A_16 = arith.muli %arg1, %mul3A : i32
    %mul3A_17 = arith.constant 320000 : i32
    %mul3A_18 = arith.muli %arg0, %mul3A_17 : i32
    %add3A = arith.addi %mul3A_18, %mul3A_16 : i32
    %scan3A_19 = arith.constant 0 : i32
    %scan3A_20 = arith.constant 0 : i32
    %scan3A_21 = arith.constant 250 : i32
    %scan3A_22 = arith.addi %scan3A_20, %scan3A_21 : i32
    %scan3A_23 = arith.constant 1 : i32
    scf.for %scan3A_36 = %scan3A_20 to %scan3A_22 step %scan3A_23  : i32 {
      %mul3A_37 = arith.constant 80 : i32
      %mul3A_38 = arith.muli %scan3A_36, %mul3A_37 : i32
      %add3A_39 = arith.addi %add3A, %mul3A_38 : i32
      "tpu.region"() ({
        %run_scoped3A = tpu.sem_alloc : memref<!tpu.dma_semaphore, #tpu.memory_space<semaphore_mem>>
        %dma_start3A_47 = tpu.memref_slice %arg3[%add3A_39] : memref<640000xi32, #tpu.memory_space<hbm>> -> memref<80xi32, #tpu.memory_space<hbm>>
        %dma_start3A_48 = tpu.memref_slice %arg3[%add3A_39] : memref<640000xi32, #tpu.memory_space<hbm>> -> memref<80xi32, #tpu.memory_space<hbm>>
        tpu.enqueue_dma source(%dma_start3A_48 : memref<80xi32, #tpu.memory_space<hbm>>) target(%arg6 : memref<80xi32, #tpu.memory_space<vmem>>) target_semaphore(%run_scoped3A : memref<!tpu.dma_semaphore, #tpu.memory_space<semaphore_mem>>)
        %dma_wait3A_49 = tpu.memref_slice %arg3[%add3A_39] : memref<640000xi32, #tpu.memory_space<hbm>> -> memref<80xi32, #tpu.memory_space<hbm>>
        %dma_wait3A_50 = tpu.memref_slice %arg3[%add3A_39] : memref<640000xi32, #tpu.memory_space<hbm>> -> memref<80xi32, #tpu.memory_space<hbm>>
        tpu.wait_dma2 semaphore(%run_scoped3A : memref<!tpu.dma_semaphore, #tpu.memory_space<semaphore_mem>>) src(%dma_wait3A_50 : memref<80xi32, #tpu.memory_space<hbm>>) dst(%arg6 : memref<80xi32, #tpu.memory_space<vmem>>)
        tpu.yield
      }) : () -> ()
      %dma_start3A = arith.constant 0 : i32
      %dma_start3A_40 = arith.constant 0 : i32
      %dma_start3A_41 = tpu.memref_slice %arg2[%dma_start3A, %dma_start3A_40] : memref<20000x128xf32, #tpu.memory_space<hbm>> -> memref<20000x128xf32, #tpu.memory_space<hbm>>
      tpu.enqueue_indirect_dma source(%dma_start3A_41 : memref<20000x128xf32, #tpu.memory_space<hbm>>) target(%arg8 : memref<80x128xf32, #tpu.memory_space<vmem>>) offsets(%arg6 : memref<80xi32, #tpu.memory_space<vmem>>) semaphore(%arg11 : memref<!tpu.dma_semaphore, #tpu.memory_space<semaphore_mem>>)
      %mul3A_42 = arith.constant 80 : i32
      %mul3A_43 = arith.muli %scan3A_36, %mul3A_42 : i32
      %add3A_44 = arith.addi %mul3A_16, %mul3A_43 : i32
      "tpu.region"() ({
        %run_scoped3A = tpu.sem_alloc : memref<!tpu.dma_semaphore, #tpu.memory_space<semaphore_mem>>
        %dma_start3A_47 = tpu.memref_slice %arg4[%add3A_44] : memref<320000xi32, #tpu.memory_space<hbm>> -> memref<80xi32, #tpu.memory_space<hbm>>
        %dma_start3A_48 = tpu.memref_slice %arg4[%add3A_44] : memref<320000xi32, #tpu.memory_space<hbm>> -> memref<80xi32, #tpu.memory_space<hbm>>
        tpu.enqueue_dma source(%dma_start3A_48 : memref<80xi32, #tpu.memory_space<hbm>>) target(%arg7 : memref<80xi32, #tpu.memory_space<vmem>>) target_semaphore(%run_scoped3A : memref<!tpu.dma_semaphore, #tpu.memory_space<semaphore_mem>>)
        %dma_wait3A_49 = tpu.memref_slice %arg4[%add3A_44] : memref<320000xi32, #tpu.memory_space<hbm>> -> memref<80xi32, #tpu.memory_space<hbm>>
        %dma_wait3A_50 = tpu.memref_slice %arg4[%add3A_44] : memref<320000xi32, #tpu.memory_space<hbm>> -> memref<80xi32, #tpu.memory_space<hbm>>
        tpu.wait_dma2 semaphore(%run_scoped3A : memref<!tpu.dma_semaphore, #tpu.memory_space<semaphore_mem>>) src(%dma_wait3A_50 : memref<80xi32, #tpu.memory_space<hbm>>) dst(%arg7 : memref<80xi32, #tpu.memory_space<vmem>>)
        tpu.yield
      }) : () -> ()
      %dma_wait3A = arith.constant 0 : i32
      %dma_wait3A_45 = arith.constant 0 : i32
      %dma_wait3A_46 = tpu.memref_slice %arg2[%dma_wait3A, %dma_wait3A_45] : memref<20000x128xf32, #tpu.memory_space<hbm>> -> memref<20000x128xf32, #tpu.memory_space<hbm>>
      tpu.wait_indirect_dma semaphore(%arg11 : memref<!tpu.dma_semaphore, #tpu.memory_space<semaphore_mem>>) src(%dma_wait3A_46 : memref<20000x128xf32, #tpu.memory_space<hbm>>) dst(%arg8 : memref<80x128xf32, #tpu.memory_space<vmem>>)
      "tpu.region"() ({
        %run_scoped3A = tpu.sem_alloc : memref<!tpu.dma_semaphore, #tpu.memory_space<semaphore_mem>>
        %dma_start3A_47 = arith.constant 0 : i32
        %dma_start3A_48 = arith.constant 0 : i32
        %dma_start3A_49 = tpu.memref_slice %arg10[%dma_start3A_47, %dma_start3A_48] : memref<10000x128xf32, #tpu.memory_space<vmem_shared>> -> memref<10000x128xf32, #tpu.memory_space<vmem_shared>>
        tpu.enqueue_indirect_dma source(%arg8 : memref<80x128xf32, #tpu.memory_space<vmem>>) target(%dma_start3A_49 : memref<10000x128xf32, #tpu.memory_space<vmem_shared>>) offsets(%arg7 : memref<80xi32, #tpu.memory_space<vmem>>) semaphore(%run_scoped3A : memref<!tpu.dma_semaphore, #tpu.memory_space<semaphore_mem>>) {add = true}
        %dma_wait3A_50 = arith.constant 0 : i32
        %dma_wait3A_51 = arith.constant 0 : i32
        %dma_wait3A_52 = tpu.memref_slice %arg10[%dma_wait3A_50, %dma_wait3A_51] : memref<10000x128xf32, #tpu.memory_space<vmem_shared>> -> memref<10000x128xf32, #tpu.memory_space<vmem_shared>>
        tpu.wait_indirect_dma semaphore(%run_scoped3A : memref<!tpu.dma_semaphore, #tpu.memory_space<semaphore_mem>>) src(%arg8 : memref<80x128xf32, #tpu.memory_space<vmem>>) dst(%dma_wait3A_52 : memref<10000x128xf32, #tpu.memory_space<vmem_shared>>)
        tpu.yield
      }) : () -> ()
    }
    %scan3A_24 = arith.constant 250 : i32
    %barrier3A_25 = arith.constant 0 : index
    tpu.barrier barrier_id(%barrier3A_25)
    %while3A_26 = arith.constant 0 : i32
    %while3A_27 = arith.constant 0 : i32
    %while3A_28 = arith.subi %select_n3A, %while3A_27 : i32
    %while3A_29 = arith.addi %while3A_27, %while3A_28 : i32
    %while3A_30 = arith.constant 1 : i32
    %while3A_31 = arith.divsi %while3A_28, %while3A_30 : i32
    %while3A_32 = arith.muli %while3A_31, %while3A_30 : i32
    %while3A_33 = arith.addi %while3A_27, %while3A_32 : i32
    %while3A_34 = arith.constant 1 : i32
    scf.for %while3A_36 = %while3A_27 to %while3A_33 step %while3A_34  : i32 {
      %mul3A_37 = arith.constant 16 : i32
      %mul3A_38 = arith.muli %while3A_36, %mul3A_37 : i32
      %add3A_39 = arith.addi %arg1, %mul3A_38 : i32
      %mul3A_40 = arith.constant 200 : i32
      %mul3A_41 = arith.muli %add3A_39, %mul3A_40 : i32
      "tpu.region"() ({
        %run_scoped3A = tpu.sem_alloc : memref<!tpu.dma_semaphore, #tpu.memory_space<semaphore_mem>>
        %dma_start3A = arith.constant 0 : i32
        %dma_start3A_47 = tpu.memref_slice %arg10[%mul3A_41, %dma_start3A] : memref<10000x128xf32, #tpu.memory_space<vmem_shared>> -> memref<200x128xf32, #tpu.memory_space<vmem_shared>>
        %dma_start3A_48 = arith.constant 0 : i32
        %dma_start3A_49 = tpu.memref_slice %arg10[%mul3A_41, %dma_start3A_48] : memref<10000x128xf32, #tpu.memory_space<vmem_shared>> -> memref<200x128xf32, #tpu.memory_space<vmem_shared>>
        tpu.enqueue_dma source(%dma_start3A_49 : memref<200x128xf32, #tpu.memory_space<vmem_shared>>) target(%arg9 : memref<200x128xf32, #tpu.memory_space<vmem>>) target_semaphore(%run_scoped3A : memref<!tpu.dma_semaphore, #tpu.memory_space<semaphore_mem>>)
        %dma_wait3A = arith.constant 0 : i32
        %dma_wait3A_50 = tpu.memref_slice %arg10[%mul3A_41, %dma_wait3A] : memref<10000x128xf32, #tpu.memory_space<vmem_shared>> -> memref<200x128xf32, #tpu.memory_space<vmem_shared>>
        %dma_wait3A_51 = arith.constant 0 : i32
        %dma_wait3A_52 = tpu.memref_slice %arg10[%mul3A_41, %dma_wait3A_51] : memref<10000x128xf32, #tpu.memory_space<vmem_shared>> -> memref<200x128xf32, #tpu.memory_space<vmem_shared>>
        tpu.wait_dma2 semaphore(%run_scoped3A : memref<!tpu.dma_semaphore, #tpu.memory_space<semaphore_mem>>) src(%dma_wait3A_52 : memref<200x128xf32, #tpu.memory_space<vmem_shared>>) dst(%arg9 : memref<200x128xf32, #tpu.memory_space<vmem>>)
        tpu.yield
      }) : () -> ()
      %mul3A_42 = arith.constant 10000 : i32
      %mul3A_43 = arith.muli %arg0, %mul3A_42 : i32
      %mul3A_44 = arith.constant 200 : i32
      %mul3A_45 = arith.muli %add3A_39, %mul3A_44 : i32
      %add3A_46 = arith.addi %mul3A_43, %mul3A_45 : i32
      "tpu.region"() ({
        %run_scoped3A = tpu.sem_alloc : memref<!tpu.dma_semaphore, #tpu.memory_space<semaphore_mem>>
        %dma_start3A = arith.constant 0 : i32
        %dma_start3A_47 = tpu.memref_slice %arg5[%add3A_46, %dma_start3A] : memref<20000x128xf32, #tpu.memory_space<hbm>> -> memref<200x128xf32, #tpu.memory_space<hbm>>
        %dma_start3A_48 = arith.constant 0 : i32
        %dma_start3A_49 = tpu.memref_slice %arg5[%add3A_46, %dma_start3A_48] : memref<20000x128xf32, #tpu.memory_space<hbm>> -> memref<200x128xf32, #tpu.memory_space<hbm>>
        tpu.enqueue_dma source(%arg9 : memref<200x128xf32, #tpu.memory_space<vmem>>) target(%dma_start3A_49 : memref<200x128xf32, #tpu.memory_space<hbm>>) target_semaphore(%run_scoped3A : memref<!tpu.dma_semaphore, #tpu.memory_space<semaphore_mem>>)
        %dma_wait3A = arith.constant 0 : i32
        %dma_wait3A_50 = tpu.memref_slice %arg5[%add3A_46, %dma_wait3A] : memref<20000x128xf32, #tpu.memory_space<hbm>> -> memref<200x128xf32, #tpu.memory_space<hbm>>
        %dma_wait3A_51 = arith.constant 0 : i32
        %dma_wait3A_52 = tpu.memref_slice %arg5[%add3A_46, %dma_wait3A_51] : memref<20000x128xf32, #tpu.memory_space<hbm>> -> memref<200x128xf32, #tpu.memory_space<hbm>>
        tpu.wait_dma2 semaphore(%run_scoped3A : memref<!tpu.dma_semaphore, #tpu.memory_space<semaphore_mem>>) src(%arg9 : memref<200x128xf32, #tpu.memory_space<vmem>>) dst(%dma_wait3A_52 : memref<200x128xf32, #tpu.memory_space<hbm>>)
        tpu.yield
      }) : () -> ()
    }
    %while3A_35 = arith.constant 1 : i32
    scf.for %while3A_36 = %while3A_33 to %while3A_29 step %while3A_35  : i32 {
      %mul3A_37 = arith.constant 16 : i32
      %mul3A_38 = arith.muli %while3A_36, %mul3A_37 : i32
      %add3A_39 = arith.addi %arg1, %mul3A_38 : i32
      %mul3A_40 = arith.constant 200 : i32
      %mul3A_41 = arith.muli %add3A_39, %mul3A_40 : i32
      "tpu.region"() ({
        %run_scoped3A = tpu.sem_alloc : memref<!tpu.dma_semaphore, #tpu.memory_space<semaphore_mem>>
        %dma_start3A = arith.constant 0 : i32
        %dma_start3A_47 = tpu.memref_slice %arg10[%mul3A_41, %dma_start3A] : memref<10000x128xf32, #tpu.memory_space<vmem_shared>> -> memref<200x128xf32, #tpu.memory_space<vmem_shared>>
        %dma_start3A_48 = arith.constant 0 : i32
        %dma_start3A_49 = tpu.memref_slice %arg10[%mul3A_41, %dma_start3A_48] : memref<10000x128xf32, #tpu.memory_space<vmem_shared>> -> memref<200x128xf32, #tpu.memory_space<vmem_shared>>
        tpu.enqueue_dma source(%dma_start3A_49 : memref<200x128xf32, #tpu.memory_space<vmem_shared>>) target(%arg9 : memref<200x128xf32, #tpu.memory_space<vmem>>) target_semaphore(%run_scoped3A : memref<!tpu.dma_semaphore, #tpu.memory_space<semaphore_mem>>)
        %dma_wait3A = arith.constant 0 : i32
        %dma_wait3A_50 = tpu.memref_slice %arg10[%mul3A_41, %dma_wait3A] : memref<10000x128xf32, #tpu.memory_space<vmem_shared>> -> memref<200x128xf32, #tpu.memory_space<vmem_shared>>
        %dma_wait3A_51 = arith.constant 0 : i32
        %dma_wait3A_52 = tpu.memref_slice %arg10[%mul3A_41, %dma_wait3A_51] : memref<10000x128xf32, #tpu.memory_space<vmem_shared>> -> memref<200x128xf32, #tpu.memory_space<vmem_shared>>
        tpu.wait_dma2 semaphore(%run_scoped3A : memref<!tpu.dma_semaphore, #tpu.memory_space<semaphore_mem>>) src(%dma_wait3A_52 : memref<200x128xf32, #tpu.memory_space<vmem_shared>>) dst(%arg9 : memref<200x128xf32, #tpu.memory_space<vmem>>)
        tpu.yield
      }) : () -> ()
      %mul3A_42 = arith.constant 10000 : i32
      %mul3A_43 = arith.muli %arg0, %mul3A_42 : i32
      %mul3A_44 = arith.constant 200 : i32
      %mul3A_45 = arith.muli %add3A_39, %mul3A_44 : i32
      %add3A_46 = arith.addi %mul3A_43, %mul3A_45 : i32
      "tpu.region"() ({
        %run_scoped3A = tpu.sem_alloc : memref<!tpu.dma_semaphore, #tpu.memory_space<semaphore_mem>>
        %dma_start3A = arith.constant 0 : i32
        %dma_start3A_47 = tpu.memref_slice %arg5[%add3A_46, %dma_start3A] : memref<20000x128xf32, #tpu.memory_space<hbm>> -> memref<200x128xf32, #tpu.memory_space<hbm>>
        %dma_start3A_48 = arith.constant 0 : i32
        %dma_start3A_49 = tpu.memref_slice %arg5[%add3A_46, %dma_start3A_48] : memref<20000x128xf32, #tpu.memory_space<hbm>> -> memref<200x128xf32, #tpu.memory_space<hbm>>
        tpu.enqueue_dma source(%arg9 : memref<200x128xf32, #tpu.memory_space<vmem>>) target(%dma_start3A_49 : memref<200x128xf32, #tpu.memory_space<hbm>>) target_semaphore(%run_scoped3A : memref<!tpu.dma_semaphore, #tpu.memory_space<semaphore_mem>>)
        %dma_wait3A = arith.constant 0 : i32
        %dma_wait3A_50 = tpu.memref_slice %arg5[%add3A_46, %dma_wait3A] : memref<20000x128xf32, #tpu.memory_space<hbm>> -> memref<200x128xf32, #tpu.memory_space<hbm>>
        %dma_wait3A_51 = arith.constant 0 : i32
        %dma_wait3A_52 = tpu.memref_slice %arg5[%add3A_46, %dma_wait3A_51] : memref<20000x128xf32, #tpu.memory_space<hbm>> -> memref<200x128xf32, #tpu.memory_space<hbm>>
        tpu.wait_dma2 semaphore(%run_scoped3A : memref<!tpu.dma_semaphore, #tpu.memory_space<semaphore_mem>>) src(%arg9 : memref<200x128xf32, #tpu.memory_space<vmem>>) dst(%dma_wait3A_52 : memref<200x128xf32, #tpu.memory_space<hbm>>)
        tpu.yield
      }) : () -> ()
    }
    return
  }
}

#map = affine_map<(d0, d1) -> (0, 0)>
#map1 = affine_map<(d0, d1) -> (0)>
module attributes {stable_mosaic.version = 14 : i64} {
  func.func @_agg(%arg0: i32, %arg1: i32, %arg2: memref<10000x128xf32, #tpu.memory_space<hbm>>, %arg3: memref<320000xi32, #tpu.memory_space<hbm>>, %arg4: memref<320000xi32, #tpu.memory_space<hbm>>, %arg5: memref<20000x128xf32, #tpu.memory_space<hbm>>, %arg6: memref<80xi32, #tpu.memory_space<vmem>>, %arg7: memref<80xi32, #tpu.memory_space<vmem>>, %arg8: memref<80x128xf32, #tpu.memory_space<vmem>>, %arg9: memref<200x128xf32, #tpu.memory_space<vmem>>, %arg10: memref<10000x128xf32, #tpu.memory_space<vmem_shared>>, %arg11: memref<!tpu.dma_semaphore, #tpu.memory_space<semaphore_mem>>) attributes {dimension_semantics = [#tpu.dimension_semantics<core_parallel>, #tpu.dimension_semantics<subcore_parallel>], iteration_bounds = array<i64: 2, 16>, scalar_prefetch = 0 : i64, scratch_operands = 6 : i64, tpu.core_type = #tpu.core_type<sc_vector_subcore>, window_params = [{transform_indices = #map}, {transform_indices = #map1}, {transform_indices = #map1}, {transform_indices = #map}]} {
    %scan3A = arith.constant 0 : i32
    %scan3A_0 = arith.constant 0 : i32
    %scan3A_1 = arith.constant 200 : i32
    %scan3A_2 = arith.addi %scan3A_0, %scan3A_1 : i32
    %scan3A_3 = arith.constant 1 : i32
    scf.for %scan3A_36 = %scan3A_0 to %scan3A_2 step %scan3A_3  : i32 {
      %broadcast_in_dim3A = arith.constant 0.000000e+00 : f32
      %broadcast_in_dim3A_37 = vector.broadcast %broadcast_in_dim3A : f32 to vector<16xf32>
      %swap3A = arith.index_cast %scan3A_36 : i32 to index
      %swap3A_38 = arith.constant 0 : index
      %swap3A_39 = tpu.vector_load %arg9[%swap3A, %swap3A_38] {strides = array<i32>} : memref<200x128xf32, #tpu.memory_space<vmem>>, vector<1x16xf32>,
      %swap3A_40 = vector.shape_cast %swap3A_39 : vector<1x16xf32> to vector<16xf32>
      %swap3A_41 = vector.shape_cast %broadcast_in_dim3A_37 : vector<16xf32> to vector<1x16xf32>
      tpu.vector_store %arg9[%swap3A, %swap3A_38], %swap3A_41 {strides = array<i32>} : memref<200x128xf32, #tpu.memory_space<vmem>>, vector<1x16xf32>,
      %broadcast_in_dim3A_42 = arith.constant 0.000000e+00 : f32
      %broadcast_in_dim3A_43 = vector.broadcast %broadcast_in_dim3A_42 : f32 to vector<16xf32>
      %swap3A_44 = arith.index_cast %scan3A_36 : i32 to index
      %swap3A_45 = arith.constant 16 : index
      %swap3A_46 = tpu.vector_load %arg9[%swap3A_44, %swap3A_45] {strides = array<i32>} : memref<200x128xf32, #tpu.memory_space<vmem>>, vector<1x16xf32>,
      %swap3A_47 = vector.shape_cast %swap3A_46 : vector<1x16xf32> to vector<16xf32>
      %swap3A_48 = vector.shape_cast %broadcast_in_dim3A_43 : vector<16xf32> to vector<1x16xf32>
      tpu.vector_store %arg9[%swap3A_44, %swap3A_45], %swap3A_48 {strides = array<i32>} : memref<200x128xf32, #tpu.memory_space<vmem>>, vector<1x16xf32>,
      %broadcast_in_dim3A_49 = arith.constant 0.000000e+00 : f32
      %broadcast_in_dim3A_50 = vector.broadcast %broadcast_in_dim3A_49 : f32 to vector<16xf32>
      %swap3A_51 = arith.index_cast %scan3A_36 : i32 to index
      %swap3A_52 = arith.constant 32 : index
      %swap3A_53 = tpu.vector_load %arg9[%swap3A_51, %swap3A_52] {strides = array<i32>} : memref<200x128xf32, #tpu.memory_space<vmem>>, vector<1x16xf32>,
      %swap3A_54 = vector.shape_cast %swap3A_53 : vector<1x16xf32> to vector<16xf32>
      %swap3A_55 = vector.shape_cast %broadcast_in_dim3A_50 : vector<16xf32> to vector<1x16xf32>
      tpu.vector_store %arg9[%swap3A_51, %swap3A_52], %swap3A_55 {strides = array<i32>} : memref<200x128xf32, #tpu.memory_space<vmem>>, vector<1x16xf32>,
      %broadcast_in_dim3A_56 = arith.constant 0.000000e+00 : f32
      %broadcast_in_dim3A_57 = vector.broadcast %broadcast_in_dim3A_56 : f32 to vector<16xf32>
      %swap3A_58 = arith.index_cast %scan3A_36 : i32 to index
      %swap3A_59 = arith.constant 48 : index
      %swap3A_60 = tpu.vector_load %arg9[%swap3A_58, %swap3A_59] {strides = array<i32>} : memref<200x128xf32, #tpu.memory_space<vmem>>, vector<1x16xf32>,
      %swap3A_61 = vector.shape_cast %swap3A_60 : vector<1x16xf32> to vector<16xf32>
      %swap3A_62 = vector.shape_cast %broadcast_in_dim3A_57 : vector<16xf32> to vector<1x16xf32>
      tpu.vector_store %arg9[%swap3A_58, %swap3A_59], %swap3A_62 {strides = array<i32>} : memref<200x128xf32, #tpu.memory_space<vmem>>, vector<1x16xf32>,
      %broadcast_in_dim3A_63 = arith.constant 0.000000e+00 : f32
      %broadcast_in_dim3A_64 = vector.broadcast %broadcast_in_dim3A_63 : f32 to vector<16xf32>
      %swap3A_65 = arith.index_cast %scan3A_36 : i32 to index
      %swap3A_66 = arith.constant 64 : index
      %swap3A_67 = tpu.vector_load %arg9[%swap3A_65, %swap3A_66] {strides = array<i32>} : memref<200x128xf32, #tpu.memory_space<vmem>>, vector<1x16xf32>,
      %swap3A_68 = vector.shape_cast %swap3A_67 : vector<1x16xf32> to vector<16xf32>
      %swap3A_69 = vector.shape_cast %broadcast_in_dim3A_64 : vector<16xf32> to vector<1x16xf32>
      tpu.vector_store %arg9[%swap3A_65, %swap3A_66], %swap3A_69 {strides = array<i32>} : memref<200x128xf32, #tpu.memory_space<vmem>>, vector<1x16xf32>,
      %broadcast_in_dim3A_70 = arith.constant 0.000000e+00 : f32
      %broadcast_in_dim3A_71 = vector.broadcast %broadcast_in_dim3A_70 : f32 to vector<16xf32>
      %swap3A_72 = arith.index_cast %scan3A_36 : i32 to index
      %swap3A_73 = arith.constant 80 : index
      %swap3A_74 = tpu.vector_load %arg9[%swap3A_72, %swap3A_73] {strides = array<i32>} : memref<200x128xf32, #tpu.memory_space<vmem>>, vector<1x16xf32>,
      %swap3A_75 = vector.shape_cast %swap3A_74 : vector<1x16xf32> to vector<16xf32>
      %swap3A_76 = vector.shape_cast %broadcast_in_dim3A_71 : vector<16xf32> to vector<1x16xf32>
      tpu.vector_store %arg9[%swap3A_72, %swap3A_73], %swap3A_76 {strides = array<i32>} : memref<200x128xf32, #tpu.memory_space<vmem>>, vector<1x16xf32>,
      %broadcast_in_dim3A_77 = arith.constant 0.000000e+00 : f32
      %broadcast_in_dim3A_78 = vector.broadcast %broadcast_in_dim3A_77 : f32 to vector<16xf32>
      %swap3A_79 = arith.index_cast %scan3A_36 : i32 to index
      %swap3A_80 = arith.constant 96 : index
      %swap3A_81 = tpu.vector_load %arg9[%swap3A_79, %swap3A_80] {strides = array<i32>} : memref<200x128xf32, #tpu.memory_space<vmem>>, vector<1x16xf32>,
      %swap3A_82 = vector.shape_cast %swap3A_81 : vector<1x16xf32> to vector<16xf32>
      %swap3A_83 = vector.shape_cast %broadcast_in_dim3A_78 : vector<16xf32> to vector<1x16xf32>
      tpu.vector_store %arg9[%swap3A_79, %swap3A_80], %swap3A_83 {strides = array<i32>} : memref<200x128xf32, #tpu.memory_space<vmem>>, vector<1x16xf32>,
      %broadcast_in_dim3A_84 = arith.constant 0.000000e+00 : f32
      %broadcast_in_dim3A_85 = vector.broadcast %broadcast_in_dim3A_84 : f32 to vector<16xf32>
      %swap3A_86 = arith.index_cast %scan3A_36 : i32 to index
      %swap3A_87 = arith.constant 112 : index
      %swap3A_88 = tpu.vector_load %arg9[%swap3A_86, %swap3A_87] {strides = array<i32>} : memref<200x128xf32, #tpu.memory_space<vmem>>, vector<1x16xf32>,
      %swap3A_89 = vector.shape_cast %swap3A_88 : vector<1x16xf32> to vector<16xf32>
      %swap3A_90 = vector.shape_cast %broadcast_in_dim3A_85 : vector<16xf32> to vector<1x16xf32>
      tpu.vector_store %arg9[%swap3A_86, %swap3A_87], %swap3A_90 {strides = array<i32>} : memref<200x128xf32, #tpu.memory_space<vmem>>, vector<1x16xf32>,
    }
    %scan3A_4 = arith.constant 200 : i32
    %lt3A = arith.constant 2 : i32
    %lt3A_5 = arith.cmpi slt, %arg1, %lt3A : i32
    %jit3A = arith.constant 4 : i32
    %jit3A_6 = arith.constant 3 : i32
    %select_n3A = arith.select %lt3A_5, %jit3A, %jit3A_6 : i32
    %while3A = arith.constant 0 : i32
    %while3A_7 = arith.constant 0 : i32
    %while3A_8 = arith.subi %select_n3A, %while3A_7 : i32
    %while3A_9 = arith.addi %while3A_7, %while3A_8 : i32
    %while3A_10 = arith.constant 1 : i32
    %while3A_11 = arith.divsi %while3A_8, %while3A_10 : i32
    %while3A_12 = arith.muli %while3A_11, %while3A_10 : i32
    %while3A_13 = arith.addi %while3A_7, %while3A_12 : i32
    %while3A_14 = arith.constant 1 : i32
    scf.for %while3A_36 = %while3A_7 to %while3A_13 step %while3A_14  : i32 {
      %mul3A_37 = arith.constant 16 : i32
      %mul3A_38 = arith.muli %while3A_36, %mul3A_37 : i32
      %add3A_39 = arith.addi %arg1, %mul3A_38 : i32
      %mul3A_40 = arith.constant 200 : i32
      %mul3A_41 = arith.muli %add3A_39, %mul3A_40 : i32
      "tpu.region"() ({
        %run_scoped3A = tpu.sem_alloc : memref<!tpu.dma_semaphore, #tpu.memory_space<semaphore_mem>>
        %dma_start3A = arith.constant 0 : i32
        %dma_start3A_42 = tpu.memref_slice %arg10[%mul3A_41, %dma_start3A] : memref<10000x128xf32, #tpu.memory_space<vmem_shared>> -> memref<200x128xf32, #tpu.memory_space<vmem_shared>>
        %dma_start3A_43 = arith.constant 0 : i32
        %dma_start3A_44 = tpu.memref_slice %arg10[%mul3A_41, %dma_start3A_43] : memref<10000x128xf32, #tpu.memory_space<vmem_shared>> -> memref<200x128xf32, #tpu.memory_space<vmem_shared>>
        tpu.enqueue_dma source(%arg9 : memref<200x128xf32, #tpu.memory_space<vmem>>) target(%dma_start3A_44 : memref<200x128xf32, #tpu.memory_space<vmem_shared>>) target_semaphore(%run_scoped3A : memref<!tpu.dma_semaphore, #tpu.memory_space<semaphore_mem>>)
        %dma_wait3A = arith.constant 0 : i32
        %dma_wait3A_45 = tpu.memref_slice %arg10[%mul3A_41, %dma_wait3A] : memref<10000x128xf32, #tpu.memory_space<vmem_shared>> -> memref<200x128xf32, #tpu.memory_space<vmem_shared>>
        %dma_wait3A_46 = arith.constant 0 : i32
        %dma_wait3A_47 = tpu.memref_slice %arg10[%mul3A_41, %dma_wait3A_46] : memref<10000x128xf32, #tpu.memory_space<vmem_shared>> -> memref<200x128xf32, #tpu.memory_space<vmem_shared>>
        tpu.wait_dma2 semaphore(%run_scoped3A : memref<!tpu.dma_semaphore, #tpu.memory_space<semaphore_mem>>) src(%arg9 : memref<200x128xf32, #tpu.memory_space<vmem>>) dst(%dma_wait3A_47 : memref<200x128xf32, #tpu.memory_space<vmem_shared>>)
        tpu.yield
      }) : () -> ()
    }
    %while3A_15 = arith.constant 1 : i32
    scf.for %while3A_36 = %while3A_13 to %while3A_9 step %while3A_15  : i32 {
      %mul3A_37 = arith.constant 16 : i32
      %mul3A_38 = arith.muli %while3A_36, %mul3A_37 : i32
      %add3A_39 = arith.addi %arg1, %mul3A_38 : i32
      %mul3A_40 = arith.constant 200 : i32
      %mul3A_41 = arith.muli %add3A_39, %mul3A_40 : i32
      "tpu.region"() ({
        %run_scoped3A = tpu.sem_alloc : memref<!tpu.dma_semaphore, #tpu.memory_space<semaphore_mem>>
        %dma_start3A = arith.constant 0 : i32
        %dma_start3A_42 = tpu.memref_slice %arg10[%mul3A_41, %dma_start3A] : memref<10000x128xf32, #tpu.memory_space<vmem_shared>> -> memref<200x128xf32, #tpu.memory_space<vmem_shared>>
        %dma_start3A_43 = arith.constant 0 : i32
        %dma_start3A_44 = tpu.memref_slice %arg10[%mul3A_41, %dma_start3A_43] : memref<10000x128xf32, #tpu.memory_space<vmem_shared>> -> memref<200x128xf32, #tpu.memory_space<vmem_shared>>
        tpu.enqueue_dma source(%arg9 : memref<200x128xf32, #tpu.memory_space<vmem>>) target(%dma_start3A_44 : memref<200x128xf32, #tpu.memory_space<vmem_shared>>) target_semaphore(%run_scoped3A : memref<!tpu.dma_semaphore, #tpu.memory_space<semaphore_mem>>)
        %dma_wait3A = arith.constant 0 : i32
        %dma_wait3A_45 = tpu.memref_slice %arg10[%mul3A_41, %dma_wait3A] : memref<10000x128xf32, #tpu.memory_space<vmem_shared>> -> memref<200x128xf32, #tpu.memory_space<vmem_shared>>
        %dma_wait3A_46 = arith.constant 0 : i32
        %dma_wait3A_47 = tpu.memref_slice %arg10[%mul3A_41, %dma_wait3A_46] : memref<10000x128xf32, #tpu.memory_space<vmem_shared>> -> memref<200x128xf32, #tpu.memory_space<vmem_shared>>
        tpu.wait_dma2 semaphore(%run_scoped3A : memref<!tpu.dma_semaphore, #tpu.memory_space<semaphore_mem>>) src(%arg9 : memref<200x128xf32, #tpu.memory_space<vmem>>) dst(%dma_wait3A_47 : memref<200x128xf32, #tpu.memory_space<vmem_shared>>)
        tpu.yield
      }) : () -> ()
    }
    %barrier3A = arith.constant 0 : index
    tpu.barrier barrier_id(%barrier3A)
    %mul3A = arith.constant 2 : i32
    %mul3A_16 = arith.muli %arg1, %mul3A : i32
    %add3A = arith.addi %mul3A_16, %arg0 : i32
    %mul3A_17 = arith.constant 10000 : i32
    %mul3A_18 = arith.muli %add3A, %mul3A_17 : i32
    %scan3A_19 = arith.constant 0 : i32
    %scan3A_20 = arith.constant 0 : i32
    %scan3A_21 = arith.constant 125 : i32
    %scan3A_22 = arith.addi %scan3A_20, %scan3A_21 : i32
    %scan3A_23 = arith.constant 1 : i32
    scf.for %scan3A_36 = %scan3A_20 to %scan3A_22 step %scan3A_23  : i32 {
      %mul3A_37 = arith.constant 80 : i32
      %mul3A_38 = arith.muli %scan3A_36, %mul3A_37 : i32
      %add3A_39 = arith.addi %mul3A_18, %mul3A_38 : i32
      "tpu.region"() ({
        %run_scoped3A = tpu.sem_alloc : memref<!tpu.dma_semaphore, #tpu.memory_space<semaphore_mem>>
        %dma_start3A_47 = tpu.memref_slice %arg3[%add3A_39] : memref<320000xi32, #tpu.memory_space<hbm>> -> memref<80xi32, #tpu.memory_space<hbm>>
        %dma_start3A_48 = tpu.memref_slice %arg3[%add3A_39] : memref<320000xi32, #tpu.memory_space<hbm>> -> memref<80xi32, #tpu.memory_space<hbm>>
        tpu.enqueue_dma source(%dma_start3A_48 : memref<80xi32, #tpu.memory_space<hbm>>) target(%arg6 : memref<80xi32, #tpu.memory_space<vmem>>) target_semaphore(%run_scoped3A : memref<!tpu.dma_semaphore, #tpu.memory_space<semaphore_mem>>)
        %dma_wait3A_49 = tpu.memref_slice %arg3[%add3A_39] : memref<320000xi32, #tpu.memory_space<hbm>> -> memref<80xi32, #tpu.memory_space<hbm>>
        %dma_wait3A_50 = tpu.memref_slice %arg3[%add3A_39] : memref<320000xi32, #tpu.memory_space<hbm>> -> memref<80xi32, #tpu.memory_space<hbm>>
        tpu.wait_dma2 semaphore(%run_scoped3A : memref<!tpu.dma_semaphore, #tpu.memory_space<semaphore_mem>>) src(%dma_wait3A_50 : memref<80xi32, #tpu.memory_space<hbm>>) dst(%arg6 : memref<80xi32, #tpu.memory_space<vmem>>)
        tpu.yield
      }) : () -> ()
      %dma_start3A = arith.constant 0 : i32
      %dma_start3A_40 = arith.constant 0 : i32
      %dma_start3A_41 = tpu.memref_slice %arg2[%dma_start3A, %dma_start3A_40] : memref<10000x128xf32, #tpu.memory_space<hbm>> -> memref<10000x128xf32, #tpu.memory_space<hbm>>
      tpu.enqueue_indirect_dma source(%dma_start3A_41 : memref<10000x128xf32, #tpu.memory_space<hbm>>) target(%arg8 : memref<80x128xf32, #tpu.memory_space<vmem>>) offsets(%arg6 : memref<80xi32, #tpu.memory_space<vmem>>) semaphore(%arg11 : memref<!tpu.dma_semaphore, #tpu.memory_space<semaphore_mem>>)
      %mul3A_42 = arith.constant 80 : i32
      %mul3A_43 = arith.muli %scan3A_36, %mul3A_42 : i32
      %add3A_44 = arith.addi %mul3A_18, %mul3A_43 : i32
      "tpu.region"() ({
        %run_scoped3A = tpu.sem_alloc : memref<!tpu.dma_semaphore, #tpu.memory_space<semaphore_mem>>
        %dma_start3A_47 = tpu.memref_slice %arg4[%add3A_44] : memref<320000xi32, #tpu.memory_space<hbm>> -> memref<80xi32, #tpu.memory_space<hbm>>
        %dma_start3A_48 = tpu.memref_slice %arg4[%add3A_44] : memref<320000xi32, #tpu.memory_space<hbm>> -> memref<80xi32, #tpu.memory_space<hbm>>
        tpu.enqueue_dma source(%dma_start3A_48 : memref<80xi32, #tpu.memory_space<hbm>>) target(%arg7 : memref<80xi32, #tpu.memory_space<vmem>>) target_semaphore(%run_scoped3A : memref<!tpu.dma_semaphore, #tpu.memory_space<semaphore_mem>>)
        %dma_wait3A_49 = tpu.memref_slice %arg4[%add3A_44] : memref<320000xi32, #tpu.memory_space<hbm>> -> memref<80xi32, #tpu.memory_space<hbm>>
        %dma_wait3A_50 = tpu.memref_slice %arg4[%add3A_44] : memref<320000xi32, #tpu.memory_space<hbm>> -> memref<80xi32, #tpu.memory_space<hbm>>
        tpu.wait_dma2 semaphore(%run_scoped3A : memref<!tpu.dma_semaphore, #tpu.memory_space<semaphore_mem>>) src(%dma_wait3A_50 : memref<80xi32, #tpu.memory_space<hbm>>) dst(%arg7 : memref<80xi32, #tpu.memory_space<vmem>>)
        tpu.yield
      }) : () -> ()
      %dma_wait3A = arith.constant 0 : i32
      %dma_wait3A_45 = arith.constant 0 : i32
      %dma_wait3A_46 = tpu.memref_slice %arg2[%dma_wait3A, %dma_wait3A_45] : memref<10000x128xf32, #tpu.memory_space<hbm>> -> memref<10000x128xf32, #tpu.memory_space<hbm>>
      tpu.wait_indirect_dma semaphore(%arg11 : memref<!tpu.dma_semaphore, #tpu.memory_space<semaphore_mem>>) src(%dma_wait3A_46 : memref<10000x128xf32, #tpu.memory_space<hbm>>) dst(%arg8 : memref<80x128xf32, #tpu.memory_space<vmem>>)
      "tpu.region"() ({
        %run_scoped3A = tpu.sem_alloc : memref<!tpu.dma_semaphore, #tpu.memory_space<semaphore_mem>>
        %dma_start3A_47 = arith.constant 0 : i32
        %dma_start3A_48 = arith.constant 0 : i32
        %dma_start3A_49 = tpu.memref_slice %arg10[%dma_start3A_47, %dma_start3A_48] : memref<10000x128xf32, #tpu.memory_space<vmem_shared>> -> memref<10000x128xf32, #tpu.memory_space<vmem_shared>>
        tpu.enqueue_indirect_dma source(%arg8 : memref<80x128xf32, #tpu.memory_space<vmem>>) target(%dma_start3A_49 : memref<10000x128xf32, #tpu.memory_space<vmem_shared>>) offsets(%arg7 : memref<80xi32, #tpu.memory_space<vmem>>) semaphore(%run_scoped3A : memref<!tpu.dma_semaphore, #tpu.memory_space<semaphore_mem>>) {add = true}
        %dma_wait3A_50 = arith.constant 0 : i32
        %dma_wait3A_51 = arith.constant 0 : i32
        %dma_wait3A_52 = tpu.memref_slice %arg10[%dma_wait3A_50, %dma_wait3A_51] : memref<10000x128xf32, #tpu.memory_space<vmem_shared>> -> memref<10000x128xf32, #tpu.memory_space<vmem_shared>>
        tpu.wait_indirect_dma semaphore(%run_scoped3A : memref<!tpu.dma_semaphore, #tpu.memory_space<semaphore_mem>>) src(%arg8 : memref<80x128xf32, #tpu.memory_space<vmem>>) dst(%dma_wait3A_52 : memref<10000x128xf32, #tpu.memory_space<vmem_shared>>)
        tpu.yield
      }) : () -> ()
    }
    %scan3A_24 = arith.constant 125 : i32
    %barrier3A_25 = arith.constant 0 : index
    tpu.barrier barrier_id(%barrier3A_25)
    %while3A_26 = arith.constant 0 : i32
    %while3A_27 = arith.constant 0 : i32
    %while3A_28 = arith.subi %select_n3A, %while3A_27 : i32
    %while3A_29 = arith.addi %while3A_27, %while3A_28 : i32
    %while3A_30 = arith.constant 1 : i32
    %while3A_31 = arith.divsi %while3A_28, %while3A_30 : i32
    %while3A_32 = arith.muli %while3A_31, %while3A_30 : i32
    %while3A_33 = arith.addi %while3A_27, %while3A_32 : i32
    %while3A_34 = arith.constant 1 : i32
    scf.for %while3A_36 = %while3A_27 to %while3A_33 step %while3A_34  : i32 {
      %mul3A_37 = arith.constant 16 : i32
      %mul3A_38 = arith.muli %while3A_36, %mul3A_37 : i32
      %add3A_39 = arith.addi %arg1, %mul3A_38 : i32
      %mul3A_40 = arith.constant 200 : i32
      %mul3A_41 = arith.muli %add3A_39, %mul3A_40 : i32
      "tpu.region"() ({
        %run_scoped3A = tpu.sem_alloc : memref<!tpu.dma_semaphore, #tpu.memory_space<semaphore_mem>>
        %dma_start3A = arith.constant 0 : i32
        %dma_start3A_47 = tpu.memref_slice %arg10[%mul3A_41, %dma_start3A] : memref<10000x128xf32, #tpu.memory_space<vmem_shared>> -> memref<200x128xf32, #tpu.memory_space<vmem_shared>>
        %dma_start3A_48 = arith.constant 0 : i32
        %dma_start3A_49 = tpu.memref_slice %arg10[%mul3A_41, %dma_start3A_48] : memref<10000x128xf32, #tpu.memory_space<vmem_shared>> -> memref<200x128xf32, #tpu.memory_space<vmem_shared>>
        tpu.enqueue_dma source(%dma_start3A_49 : memref<200x128xf32, #tpu.memory_space<vmem_shared>>) target(%arg9 : memref<200x128xf32, #tpu.memory_space<vmem>>) target_semaphore(%run_scoped3A : memref<!tpu.dma_semaphore, #tpu.memory_space<semaphore_mem>>)
        %dma_wait3A = arith.constant 0 : i32
        %dma_wait3A_50 = tpu.memref_slice %arg10[%mul3A_41, %dma_wait3A] : memref<10000x128xf32, #tpu.memory_space<vmem_shared>> -> memref<200x128xf32, #tpu.memory_space<vmem_shared>>
        %dma_wait3A_51 = arith.constant 0 : i32
        %dma_wait3A_52 = tpu.memref_slice %arg10[%mul3A_41, %dma_wait3A_51] : memref<10000x128xf32, #tpu.memory_space<vmem_shared>> -> memref<200x128xf32, #tpu.memory_space<vmem_shared>>
        tpu.wait_dma2 semaphore(%run_scoped3A : memref<!tpu.dma_semaphore, #tpu.memory_space<semaphore_mem>>) src(%dma_wait3A_52 : memref<200x128xf32, #tpu.memory_space<vmem_shared>>) dst(%arg9 : memref<200x128xf32, #tpu.memory_space<vmem>>)
        tpu.yield
      }) : () -> ()
      %mul3A_42 = arith.constant 10000 : i32
      %mul3A_43 = arith.muli %arg0, %mul3A_42 : i32
      %mul3A_44 = arith.constant 200 : i32
      %mul3A_45 = arith.muli %add3A_39, %mul3A_44 : i32
      %add3A_46 = arith.addi %mul3A_43, %mul3A_45 : i32
      "tpu.region"() ({
        %run_scoped3A = tpu.sem_alloc : memref<!tpu.dma_semaphore, #tpu.memory_space<semaphore_mem>>
        %dma_start3A = arith.constant 0 : i32
        %dma_start3A_47 = tpu.memref_slice %arg5[%add3A_46, %dma_start3A] : memref<20000x128xf32, #tpu.memory_space<hbm>> -> memref<200x128xf32, #tpu.memory_space<hbm>>
        %dma_start3A_48 = arith.constant 0 : i32
        %dma_start3A_49 = tpu.memref_slice %arg5[%add3A_46, %dma_start3A_48] : memref<20000x128xf32, #tpu.memory_space<hbm>> -> memref<200x128xf32, #tpu.memory_space<hbm>>
        tpu.enqueue_dma source(%arg9 : memref<200x128xf32, #tpu.memory_space<vmem>>) target(%dma_start3A_49 : memref<200x128xf32, #tpu.memory_space<hbm>>) target_semaphore(%run_scoped3A : memref<!tpu.dma_semaphore, #tpu.memory_space<semaphore_mem>>)
        %dma_wait3A = arith.constant 0 : i32
        %dma_wait3A_50 = tpu.memref_slice %arg5[%add3A_46, %dma_wait3A] : memref<20000x128xf32, #tpu.memory_space<hbm>> -> memref<200x128xf32, #tpu.memory_space<hbm>>
        %dma_wait3A_51 = arith.constant 0 : i32
        %dma_wait3A_52 = tpu.memref_slice %arg5[%add3A_46, %dma_wait3A_51] : memref<20000x128xf32, #tpu.memory_space<hbm>> -> memref<200x128xf32, #tpu.memory_space<hbm>>
        tpu.wait_dma2 semaphore(%run_scoped3A : memref<!tpu.dma_semaphore, #tpu.memory_space<semaphore_mem>>) src(%arg9 : memref<200x128xf32, #tpu.memory_space<vmem>>) dst(%dma_wait3A_52 : memref<200x128xf32, #tpu.memory_space<hbm>>)
        tpu.yield
      }) : () -> ()
    }
    %while3A_35 = arith.constant 1 : i32
    scf.for %while3A_36 = %while3A_33 to %while3A_29 step %while3A_35  : i32 {
      %mul3A_37 = arith.constant 16 : i32
      %mul3A_38 = arith.muli %while3A_36, %mul3A_37 : i32
      %add3A_39 = arith.addi %arg1, %mul3A_38 : i32
      %mul3A_40 = arith.constant 200 : i32
      %mul3A_41 = arith.muli %add3A_39, %mul3A_40 : i32
      "tpu.region"() ({
        %run_scoped3A = tpu.sem_alloc : memref<!tpu.dma_semaphore, #tpu.memory_space<semaphore_mem>>
        %dma_start3A = arith.constant 0 : i32
        %dma_start3A_47 = tpu.memref_slice %arg10[%mul3A_41, %dma_start3A] : memref<10000x128xf32, #tpu.memory_space<vmem_shared>> -> memref<200x128xf32, #tpu.memory_space<vmem_shared>>
        %dma_start3A_48 = arith.constant 0 : i32
        %dma_start3A_49 = tpu.memref_slice %arg10[%mul3A_41, %dma_start3A_48] : memref<10000x128xf32, #tpu.memory_space<vmem_shared>> -> memref<200x128xf32, #tpu.memory_space<vmem_shared>>
        tpu.enqueue_dma source(%dma_start3A_49 : memref<200x128xf32, #tpu.memory_space<vmem_shared>>) target(%arg9 : memref<200x128xf32, #tpu.memory_space<vmem>>) target_semaphore(%run_scoped3A : memref<!tpu.dma_semaphore, #tpu.memory_space<semaphore_mem>>)
        %dma_wait3A = arith.constant 0 : i32
        %dma_wait3A_50 = tpu.memref_slice %arg10[%mul3A_41, %dma_wait3A] : memref<10000x128xf32, #tpu.memory_space<vmem_shared>> -> memref<200x128xf32, #tpu.memory_space<vmem_shared>>
        %dma_wait3A_51 = arith.constant 0 : i32
        %dma_wait3A_52 = tpu.memref_slice %arg10[%mul3A_41, %dma_wait3A_51] : memref<10000x128xf32, #tpu.memory_space<vmem_shared>> -> memref<200x128xf32, #tpu.memory_space<vmem_shared>>
        tpu.wait_dma2 semaphore(%run_scoped3A : memref<!tpu.dma_semaphore, #tpu.memory_space<semaphore_mem>>) src(%dma_wait3A_52 : memref<200x128xf32, #tpu.memory_space<vmem_shared>>) dst(%arg9 : memref<200x128xf32, #tpu.memory_space<vmem>>)
        tpu.yield
      }) : () -> ()
      %mul3A_42 = arith.constant 10000 : i32
      %mul3A_43 = arith.muli %arg0, %mul3A_42 : i32
      %mul3A_44 = arith.constant 200 : i32
      %mul3A_45 = arith.muli %add3A_39, %mul3A_44 : i32
      %add3A_46 = arith.addi %mul3A_43, %mul3A_45 : i32
      "tpu.region"() ({
        %run_scoped3A = tpu.sem_alloc : memref<!tpu.dma_semaphore, #tpu.memory_space<semaphore_mem>>
        %dma_start3A = arith.constant 0 : i32
        %dma_start3A_47 = tpu.memref_slice %arg5[%add3A_46, %dma_start3A] : memref<20000x128xf32, #tpu.memory_space<hbm>> -> memref<200x128xf32, #tpu.memory_space<hbm>>
        %dma_start3A_48 = arith.constant 0 : i32
        %dma_start3A_49 = tpu.memref_slice %arg5[%add3A_46, %dma_start3A_48] : memref<20000x128xf32, #tpu.memory_space<hbm>> -> memref<200x128xf32, #tpu.memory_space<hbm>>
        tpu.enqueue_dma source(%arg9 : memref<200x128xf32, #tpu.memory_space<vmem>>) target(%dma_start3A_49 : memref<200x128xf32, #tpu.memory_space<hbm>>) target_semaphore(%run_scoped3A : memref<!tpu.dma_semaphore, #tpu.memory_space<semaphore_mem>>)
        %dma_wait3A = arith.constant 0 : i32
        %dma_wait3A_50 = tpu.memref_slice %arg5[%add3A_46, %dma_wait3A] : memref<20000x128xf32, #tpu.memory_space<hbm>> -> memref<200x128xf32, #tpu.memory_space<hbm>>
        %dma_wait3A_51 = arith.constant 0 : i32
        %dma_wait3A_52 = tpu.memref_slice %arg5[%add3A_46, %dma_wait3A_51] : memref<20000x128xf32, #tpu.memory_space<hbm>> -> memref<200x128xf32, #tpu.memory_space<hbm>>
        tpu.wait_dma2 semaphore(%run_scoped3A : memref<!tpu.dma_semaphore, #tpu.memory_space<semaphore_mem>>) src(%arg9 : memref<200x128xf32, #tpu.memory_space<vmem>>) dst(%dma_wait3A_52 : memref<200x128xf32, #tpu.memory_space<hbm>>)
        tpu.yield
      }) : () -> ()
    }
    return
  }
}

#map = affine_map<(d0, d1) -> (0, 0)>
#map1 = affine_map<(d0, d1) -> (0)>
module attributes {stable_mosaic.version = 14 : i64} {
  func.func @_agg(%arg0: i32, %arg1: i32, %arg2: memref<10000x128xf32, #tpu.memory_space<hbm>>, %arg3: memref<320000xi32, #tpu.memory_space<hbm>>, %arg4: memref<320000xi32, #tpu.memory_space<hbm>>, %arg5: memref<20000x128xf32, #tpu.memory_space<hbm>>, %arg6: memref<80xi32, #tpu.memory_space<vmem>>, %arg7: memref<80xi32, #tpu.memory_space<vmem>>, %arg8: memref<80x128xf32, #tpu.memory_space<vmem>>, %arg9: memref<200x128xf32, #tpu.memory_space<vmem>>, %arg10: memref<10000x128xf32, #tpu.memory_space<vmem_shared>>, %arg11: memref<!tpu.dma_semaphore, #tpu.memory_space<semaphore_mem>>) attributes {dimension_semantics = [#tpu.dimension_semantics<core_parallel>, #tpu.dimension_semantics<subcore_parallel>], iteration_bounds = array<i64: 2, 16>, scalar_prefetch = 0 : i64, scratch_operands = 6 : i64, tpu.core_type = #tpu.core_type<sc_vector_subcore>, window_params = [{transform_indices = #map}, {transform_indices = #map1}, {transform_indices = #map1}, {transform_indices = #map}]} {
    %scan3A = arith.constant 0 : i32
    %scan3A_0 = arith.constant 0 : i32
    %scan3A_1 = arith.constant 200 : i32
    %scan3A_2 = arith.addi %scan3A_0, %scan3A_1 : i32
    %scan3A_3 = arith.constant 1 : i32
    scf.for %scan3A_36 = %scan3A_0 to %scan3A_2 step %scan3A_3  : i32 {
      %broadcast_in_dim3A = arith.constant 0.000000e+00 : f32
      %broadcast_in_dim3A_37 = vector.broadcast %broadcast_in_dim3A : f32 to vector<16xf32>
      %swap3A = arith.index_cast %scan3A_36 : i32 to index
      %swap3A_38 = arith.constant 0 : index
      %swap3A_39 = tpu.vector_load %arg9[%swap3A, %swap3A_38] {strides = array<i32>} : memref<200x128xf32, #tpu.memory_space<vmem>>, vector<1x16xf32>,
      %swap3A_40 = vector.shape_cast %swap3A_39 : vector<1x16xf32> to vector<16xf32>
      %swap3A_41 = vector.shape_cast %broadcast_in_dim3A_37 : vector<16xf32> to vector<1x16xf32>
      tpu.vector_store %arg9[%swap3A, %swap3A_38], %swap3A_41 {strides = array<i32>} : memref<200x128xf32, #tpu.memory_space<vmem>>, vector<1x16xf32>,
      %broadcast_in_dim3A_42 = arith.constant 0.000000e+00 : f32
      %broadcast_in_dim3A_43 = vector.broadcast %broadcast_in_dim3A_42 : f32 to vector<16xf32>
      %swap3A_44 = arith.index_cast %scan3A_36 : i32 to index
      %swap3A_45 = arith.constant 16 : index
      %swap3A_46 = tpu.vector_load %arg9[%swap3A_44, %swap3A_45] {strides = array<i32>} : memref<200x128xf32, #tpu.memory_space<vmem>>, vector<1x16xf32>,
      %swap3A_47 = vector.shape_cast %swap3A_46 : vector<1x16xf32> to vector<16xf32>
      %swap3A_48 = vector.shape_cast %broadcast_in_dim3A_43 : vector<16xf32> to vector<1x16xf32>
      tpu.vector_store %arg9[%swap3A_44, %swap3A_45], %swap3A_48 {strides = array<i32>} : memref<200x128xf32, #tpu.memory_space<vmem>>, vector<1x16xf32>,
      %broadcast_in_dim3A_49 = arith.constant 0.000000e+00 : f32
      %broadcast_in_dim3A_50 = vector.broadcast %broadcast_in_dim3A_49 : f32 to vector<16xf32>
      %swap3A_51 = arith.index_cast %scan3A_36 : i32 to index
      %swap3A_52 = arith.constant 32 : index
      %swap3A_53 = tpu.vector_load %arg9[%swap3A_51, %swap3A_52] {strides = array<i32>} : memref<200x128xf32, #tpu.memory_space<vmem>>, vector<1x16xf32>,
      %swap3A_54 = vector.shape_cast %swap3A_53 : vector<1x16xf32> to vector<16xf32>
      %swap3A_55 = vector.shape_cast %broadcast_in_dim3A_50 : vector<16xf32> to vector<1x16xf32>
      tpu.vector_store %arg9[%swap3A_51, %swap3A_52], %swap3A_55 {strides = array<i32>} : memref<200x128xf32, #tpu.memory_space<vmem>>, vector<1x16xf32>,
      %broadcast_in_dim3A_56 = arith.constant 0.000000e+00 : f32
      %broadcast_in_dim3A_57 = vector.broadcast %broadcast_in_dim3A_56 : f32 to vector<16xf32>
      %swap3A_58 = arith.index_cast %scan3A_36 : i32 to index
      %swap3A_59 = arith.constant 48 : index
      %swap3A_60 = tpu.vector_load %arg9[%swap3A_58, %swap3A_59] {strides = array<i32>} : memref<200x128xf32, #tpu.memory_space<vmem>>, vector<1x16xf32>,
      %swap3A_61 = vector.shape_cast %swap3A_60 : vector<1x16xf32> to vector<16xf32>
      %swap3A_62 = vector.shape_cast %broadcast_in_dim3A_57 : vector<16xf32> to vector<1x16xf32>
      tpu.vector_store %arg9[%swap3A_58, %swap3A_59], %swap3A_62 {strides = array<i32>} : memref<200x128xf32, #tpu.memory_space<vmem>>, vector<1x16xf32>,
      %broadcast_in_dim3A_63 = arith.constant 0.000000e+00 : f32
      %broadcast_in_dim3A_64 = vector.broadcast %broadcast_in_dim3A_63 : f32 to vector<16xf32>
      %swap3A_65 = arith.index_cast %scan3A_36 : i32 to index
      %swap3A_66 = arith.constant 64 : index
      %swap3A_67 = tpu.vector_load %arg9[%swap3A_65, %swap3A_66] {strides = array<i32>} : memref<200x128xf32, #tpu.memory_space<vmem>>, vector<1x16xf32>,
      %swap3A_68 = vector.shape_cast %swap3A_67 : vector<1x16xf32> to vector<16xf32>
      %swap3A_69 = vector.shape_cast %broadcast_in_dim3A_64 : vector<16xf32> to vector<1x16xf32>
      tpu.vector_store %arg9[%swap3A_65, %swap3A_66], %swap3A_69 {strides = array<i32>} : memref<200x128xf32, #tpu.memory_space<vmem>>, vector<1x16xf32>,
      %broadcast_in_dim3A_70 = arith.constant 0.000000e+00 : f32
      %broadcast_in_dim3A_71 = vector.broadcast %broadcast_in_dim3A_70 : f32 to vector<16xf32>
      %swap3A_72 = arith.index_cast %scan3A_36 : i32 to index
      %swap3A_73 = arith.constant 80 : index
      %swap3A_74 = tpu.vector_load %arg9[%swap3A_72, %swap3A_73] {strides = array<i32>} : memref<200x128xf32, #tpu.memory_space<vmem>>, vector<1x16xf32>,
      %swap3A_75 = vector.shape_cast %swap3A_74 : vector<1x16xf32> to vector<16xf32>
      %swap3A_76 = vector.shape_cast %broadcast_in_dim3A_71 : vector<16xf32> to vector<1x16xf32>
      tpu.vector_store %arg9[%swap3A_72, %swap3A_73], %swap3A_76 {strides = array<i32>} : memref<200x128xf32, #tpu.memory_space<vmem>>, vector<1x16xf32>,
      %broadcast_in_dim3A_77 = arith.constant 0.000000e+00 : f32
      %broadcast_in_dim3A_78 = vector.broadcast %broadcast_in_dim3A_77 : f32 to vector<16xf32>
      %swap3A_79 = arith.index_cast %scan3A_36 : i32 to index
      %swap3A_80 = arith.constant 96 : index
      %swap3A_81 = tpu.vector_load %arg9[%swap3A_79, %swap3A_80] {strides = array<i32>} : memref<200x128xf32, #tpu.memory_space<vmem>>, vector<1x16xf32>,
      %swap3A_82 = vector.shape_cast %swap3A_81 : vector<1x16xf32> to vector<16xf32>
      %swap3A_83 = vector.shape_cast %broadcast_in_dim3A_78 : vector<16xf32> to vector<1x16xf32>
      tpu.vector_store %arg9[%swap3A_79, %swap3A_80], %swap3A_83 {strides = array<i32>} : memref<200x128xf32, #tpu.memory_space<vmem>>, vector<1x16xf32>,
      %broadcast_in_dim3A_84 = arith.constant 0.000000e+00 : f32
      %broadcast_in_dim3A_85 = vector.broadcast %broadcast_in_dim3A_84 : f32 to vector<16xf32>
      %swap3A_86 = arith.index_cast %scan3A_36 : i32 to index
      %swap3A_87 = arith.constant 112 : index
      %swap3A_88 = tpu.vector_load %arg9[%swap3A_86, %swap3A_87] {strides = array<i32>} : memref<200x128xf32, #tpu.memory_space<vmem>>, vector<1x16xf32>,
      %swap3A_89 = vector.shape_cast %swap3A_88 : vector<1x16xf32> to vector<16xf32>
      %swap3A_90 = vector.shape_cast %broadcast_in_dim3A_85 : vector<16xf32> to vector<1x16xf32>
      tpu.vector_store %arg9[%swap3A_86, %swap3A_87], %swap3A_90 {strides = array<i32>} : memref<200x128xf32, #tpu.memory_space<vmem>>, vector<1x16xf32>,
    }
    %scan3A_4 = arith.constant 200 : i32
    %lt3A = arith.constant 2 : i32
    %lt3A_5 = arith.cmpi slt, %arg1, %lt3A : i32
    %jit3A = arith.constant 4 : i32
    %jit3A_6 = arith.constant 3 : i32
    %select_n3A = arith.select %lt3A_5, %jit3A, %jit3A_6 : i32
    %while3A = arith.constant 0 : i32
    %while3A_7 = arith.constant 0 : i32
    %while3A_8 = arith.subi %select_n3A, %while3A_7 : i32
    %while3A_9 = arith.addi %while3A_7, %while3A_8 : i32
    %while3A_10 = arith.constant 1 : i32
    %while3A_11 = arith.divsi %while3A_8, %while3A_10 : i32
    %while3A_12 = arith.muli %while3A_11, %while3A_10 : i32
    %while3A_13 = arith.addi %while3A_7, %while3A_12 : i32
    %while3A_14 = arith.constant 1 : i32
    scf.for %while3A_36 = %while3A_7 to %while3A_13 step %while3A_14  : i32 {
      %mul3A_37 = arith.constant 16 : i32
      %mul3A_38 = arith.muli %while3A_36, %mul3A_37 : i32
      %add3A_39 = arith.addi %arg1, %mul3A_38 : i32
      %mul3A_40 = arith.constant 200 : i32
      %mul3A_41 = arith.muli %add3A_39, %mul3A_40 : i32
      "tpu.region"() ({
        %run_scoped3A = tpu.sem_alloc : memref<!tpu.dma_semaphore, #tpu.memory_space<semaphore_mem>>
        %dma_start3A = arith.constant 0 : i32
        %dma_start3A_42 = tpu.memref_slice %arg10[%mul3A_41, %dma_start3A] : memref<10000x128xf32, #tpu.memory_space<vmem_shared>> -> memref<200x128xf32, #tpu.memory_space<vmem_shared>>
        %dma_start3A_43 = arith.constant 0 : i32
        %dma_start3A_44 = tpu.memref_slice %arg10[%mul3A_41, %dma_start3A_43] : memref<10000x128xf32, #tpu.memory_space<vmem_shared>> -> memref<200x128xf32, #tpu.memory_space<vmem_shared>>
        tpu.enqueue_dma source(%arg9 : memref<200x128xf32, #tpu.memory_space<vmem>>) target(%dma_start3A_44 : memref<200x128xf32, #tpu.memory_space<vmem_shared>>) target_semaphore(%run_scoped3A : memref<!tpu.dma_semaphore, #tpu.memory_space<semaphore_mem>>)
        %dma_wait3A = arith.constant 0 : i32
        %dma_wait3A_45 = tpu.memref_slice %arg10[%mul3A_41, %dma_wait3A] : memref<10000x128xf32, #tpu.memory_space<vmem_shared>> -> memref<200x128xf32, #tpu.memory_space<vmem_shared>>
        %dma_wait3A_46 = arith.constant 0 : i32
        %dma_wait3A_47 = tpu.memref_slice %arg10[%mul3A_41, %dma_wait3A_46] : memref<10000x128xf32, #tpu.memory_space<vmem_shared>> -> memref<200x128xf32, #tpu.memory_space<vmem_shared>>
        tpu.wait_dma2 semaphore(%run_scoped3A : memref<!tpu.dma_semaphore, #tpu.memory_space<semaphore_mem>>) src(%arg9 : memref<200x128xf32, #tpu.memory_space<vmem>>) dst(%dma_wait3A_47 : memref<200x128xf32, #tpu.memory_space<vmem_shared>>)
        tpu.yield
      }) : () -> ()
    }
    %while3A_15 = arith.constant 1 : i32
    scf.for %while3A_36 = %while3A_13 to %while3A_9 step %while3A_15  : i32 {
      %mul3A_37 = arith.constant 16 : i32
      %mul3A_38 = arith.muli %while3A_36, %mul3A_37 : i32
      %add3A_39 = arith.addi %arg1, %mul3A_38 : i32
      %mul3A_40 = arith.constant 200 : i32
      %mul3A_41 = arith.muli %add3A_39, %mul3A_40 : i32
      "tpu.region"() ({
        %run_scoped3A = tpu.sem_alloc : memref<!tpu.dma_semaphore, #tpu.memory_space<semaphore_mem>>
        %dma_start3A = arith.constant 0 : i32
        %dma_start3A_42 = tpu.memref_slice %arg10[%mul3A_41, %dma_start3A] : memref<10000x128xf32, #tpu.memory_space<vmem_shared>> -> memref<200x128xf32, #tpu.memory_space<vmem_shared>>
        %dma_start3A_43 = arith.constant 0 : i32
        %dma_start3A_44 = tpu.memref_slice %arg10[%mul3A_41, %dma_start3A_43] : memref<10000x128xf32, #tpu.memory_space<vmem_shared>> -> memref<200x128xf32, #tpu.memory_space<vmem_shared>>
        tpu.enqueue_dma source(%arg9 : memref<200x128xf32, #tpu.memory_space<vmem>>) target(%dma_start3A_44 : memref<200x128xf32, #tpu.memory_space<vmem_shared>>) target_semaphore(%run_scoped3A : memref<!tpu.dma_semaphore, #tpu.memory_space<semaphore_mem>>)
        %dma_wait3A = arith.constant 0 : i32
        %dma_wait3A_45 = tpu.memref_slice %arg10[%mul3A_41, %dma_wait3A] : memref<10000x128xf32, #tpu.memory_space<vmem_shared>> -> memref<200x128xf32, #tpu.memory_space<vmem_shared>>
        %dma_wait3A_46 = arith.constant 0 : i32
        %dma_wait3A_47 = tpu.memref_slice %arg10[%mul3A_41, %dma_wait3A_46] : memref<10000x128xf32, #tpu.memory_space<vmem_shared>> -> memref<200x128xf32, #tpu.memory_space<vmem_shared>>
        tpu.wait_dma2 semaphore(%run_scoped3A : memref<!tpu.dma_semaphore, #tpu.memory_space<semaphore_mem>>) src(%arg9 : memref<200x128xf32, #tpu.memory_space<vmem>>) dst(%dma_wait3A_47 : memref<200x128xf32, #tpu.memory_space<vmem_shared>>)
        tpu.yield
      }) : () -> ()
    }
    %barrier3A = arith.constant 0 : index
    tpu.barrier barrier_id(%barrier3A)
    %mul3A = arith.constant 2 : i32
    %mul3A_16 = arith.muli %arg1, %mul3A : i32
    %add3A = arith.addi %mul3A_16, %arg0 : i32
    %mul3A_17 = arith.constant 10000 : i32
    %mul3A_18 = arith.muli %add3A, %mul3A_17 : i32
    %scan3A_19 = arith.constant 0 : i32
    %scan3A_20 = arith.constant 0 : i32
    %scan3A_21 = arith.constant 125 : i32
    %scan3A_22 = arith.addi %scan3A_20, %scan3A_21 : i32
    %scan3A_23 = arith.constant 1 : i32
    scf.for %scan3A_36 = %scan3A_20 to %scan3A_22 step %scan3A_23  : i32 {
      %mul3A_37 = arith.constant 80 : i32
      %mul3A_38 = arith.muli %scan3A_36, %mul3A_37 : i32
      %add3A_39 = arith.addi %mul3A_18, %mul3A_38 : i32
      "tpu.region"() ({
        %run_scoped3A = tpu.sem_alloc : memref<!tpu.dma_semaphore, #tpu.memory_space<semaphore_mem>>
        %dma_start3A_47 = tpu.memref_slice %arg3[%add3A_39] : memref<320000xi32, #tpu.memory_space<hbm>> -> memref<80xi32, #tpu.memory_space<hbm>>
        %dma_start3A_48 = tpu.memref_slice %arg3[%add3A_39] : memref<320000xi32, #tpu.memory_space<hbm>> -> memref<80xi32, #tpu.memory_space<hbm>>
        tpu.enqueue_dma source(%dma_start3A_48 : memref<80xi32, #tpu.memory_space<hbm>>) target(%arg6 : memref<80xi32, #tpu.memory_space<vmem>>) target_semaphore(%run_scoped3A : memref<!tpu.dma_semaphore, #tpu.memory_space<semaphore_mem>>)
        %dma_wait3A_49 = tpu.memref_slice %arg3[%add3A_39] : memref<320000xi32, #tpu.memory_space<hbm>> -> memref<80xi32, #tpu.memory_space<hbm>>
        %dma_wait3A_50 = tpu.memref_slice %arg3[%add3A_39] : memref<320000xi32, #tpu.memory_space<hbm>> -> memref<80xi32, #tpu.memory_space<hbm>>
        tpu.wait_dma2 semaphore(%run_scoped3A : memref<!tpu.dma_semaphore, #tpu.memory_space<semaphore_mem>>) src(%dma_wait3A_50 : memref<80xi32, #tpu.memory_space<hbm>>) dst(%arg6 : memref<80xi32, #tpu.memory_space<vmem>>)
        tpu.yield
      }) : () -> ()
      %dma_start3A = arith.constant 0 : i32
      %dma_start3A_40 = arith.constant 0 : i32
      %dma_start3A_41 = tpu.memref_slice %arg2[%dma_start3A, %dma_start3A_40] : memref<10000x128xf32, #tpu.memory_space<hbm>> -> memref<10000x128xf32, #tpu.memory_space<hbm>>
      tpu.enqueue_indirect_dma source(%dma_start3A_41 : memref<10000x128xf32, #tpu.memory_space<hbm>>) target(%arg8 : memref<80x128xf32, #tpu.memory_space<vmem>>) offsets(%arg6 : memref<80xi32, #tpu.memory_space<vmem>>) semaphore(%arg11 : memref<!tpu.dma_semaphore, #tpu.memory_space<semaphore_mem>>)
      %mul3A_42 = arith.constant 80 : i32
      %mul3A_43 = arith.muli %scan3A_36, %mul3A_42 : i32
      %add3A_44 = arith.addi %mul3A_18, %mul3A_43 : i32
      "tpu.region"() ({
        %run_scoped3A = tpu.sem_alloc : memref<!tpu.dma_semaphore, #tpu.memory_space<semaphore_mem>>
        %dma_start3A_47 = tpu.memref_slice %arg4[%add3A_44] : memref<320000xi32, #tpu.memory_space<hbm>> -> memref<80xi32, #tpu.memory_space<hbm>>
        %dma_start3A_48 = tpu.memref_slice %arg4[%add3A_44] : memref<320000xi32, #tpu.memory_space<hbm>> -> memref<80xi32, #tpu.memory_space<hbm>>
        tpu.enqueue_dma source(%dma_start3A_48 : memref<80xi32, #tpu.memory_space<hbm>>) target(%arg7 : memref<80xi32, #tpu.memory_space<vmem>>) target_semaphore(%run_scoped3A : memref<!tpu.dma_semaphore, #tpu.memory_space<semaphore_mem>>)
        %dma_wait3A_49 = tpu.memref_slice %arg4[%add3A_44] : memref<320000xi32, #tpu.memory_space<hbm>> -> memref<80xi32, #tpu.memory_space<hbm>>
        %dma_wait3A_50 = tpu.memref_slice %arg4[%add3A_44] : memref<320000xi32, #tpu.memory_space<hbm>> -> memref<80xi32, #tpu.memory_space<hbm>>
        tpu.wait_dma2 semaphore(%run_scoped3A : memref<!tpu.dma_semaphore, #tpu.memory_space<semaphore_mem>>) src(%dma_wait3A_50 : memref<80xi32, #tpu.memory_space<hbm>>) dst(%arg7 : memref<80xi32, #tpu.memory_space<vmem>>)
        tpu.yield
      }) : () -> ()
      %dma_wait3A = arith.constant 0 : i32
      %dma_wait3A_45 = arith.constant 0 : i32
      %dma_wait3A_46 = tpu.memref_slice %arg2[%dma_wait3A, %dma_wait3A_45] : memref<10000x128xf32, #tpu.memory_space<hbm>> -> memref<10000x128xf32, #tpu.memory_space<hbm>>
      tpu.wait_indirect_dma semaphore(%arg11 : memref<!tpu.dma_semaphore, #tpu.memory_space<semaphore_mem>>) src(%dma_wait3A_46 : memref<10000x128xf32, #tpu.memory_space<hbm>>) dst(%arg8 : memref<80x128xf32, #tpu.memory_space<vmem>>)
      "tpu.region"() ({
        %run_scoped3A = tpu.sem_alloc : memref<!tpu.dma_semaphore, #tpu.memory_space<semaphore_mem>>
        %dma_start3A_47 = arith.constant 0 : i32
        %dma_start3A_48 = arith.constant 0 : i32
        %dma_start3A_49 = tpu.memref_slice %arg10[%dma_start3A_47, %dma_start3A_48] : memref<10000x128xf32, #tpu.memory_space<vmem_shared>> -> memref<10000x128xf32, #tpu.memory_space<vmem_shared>>
        tpu.enqueue_indirect_dma source(%arg8 : memref<80x128xf32, #tpu.memory_space<vmem>>) target(%dma_start3A_49 : memref<10000x128xf32, #tpu.memory_space<vmem_shared>>) offsets(%arg7 : memref<80xi32, #tpu.memory_space<vmem>>) semaphore(%run_scoped3A : memref<!tpu.dma_semaphore, #tpu.memory_space<semaphore_mem>>) {add = true}
        %dma_wait3A_50 = arith.constant 0 : i32
        %dma_wait3A_51 = arith.constant 0 : i32
        %dma_wait3A_52 = tpu.memref_slice %arg10[%dma_wait3A_50, %dma_wait3A_51] : memref<10000x128xf32, #tpu.memory_space<vmem_shared>> -> memref<10000x128xf32, #tpu.memory_space<vmem_shared>>
        tpu.wait_indirect_dma semaphore(%run_scoped3A : memref<!tpu.dma_semaphore, #tpu.memory_space<semaphore_mem>>) src(%arg8 : memref<80x128xf32, #tpu.memory_space<vmem>>) dst(%dma_wait3A_52 : memref<10000x128xf32, #tpu.memory_space<vmem_shared>>)
        tpu.yield
      }) : () -> ()
    }
    %scan3A_24 = arith.constant 125 : i32
    %barrier3A_25 = arith.constant 0 : index
    tpu.barrier barrier_id(%barrier3A_25)
    %while3A_26 = arith.constant 0 : i32
    %while3A_27 = arith.constant 0 : i32
    %while3A_28 = arith.subi %select_n3A, %while3A_27 : i32
    %while3A_29 = arith.addi %while3A_27, %while3A_28 : i32
    %while3A_30 = arith.constant 1 : i32
    %while3A_31 = arith.divsi %while3A_28, %while3A_30 : i32
    %while3A_32 = arith.muli %while3A_31, %while3A_30 : i32
    %while3A_33 = arith.addi %while3A_27, %while3A_32 : i32
    %while3A_34 = arith.constant 1 : i32
    scf.for %while3A_36 = %while3A_27 to %while3A_33 step %while3A_34  : i32 {
      %mul3A_37 = arith.constant 16 : i32
      %mul3A_38 = arith.muli %while3A_36, %mul3A_37 : i32
      %add3A_39 = arith.addi %arg1, %mul3A_38 : i32
      %mul3A_40 = arith.constant 200 : i32
      %mul3A_41 = arith.muli %add3A_39, %mul3A_40 : i32
      "tpu.region"() ({
        %run_scoped3A = tpu.sem_alloc : memref<!tpu.dma_semaphore, #tpu.memory_space<semaphore_mem>>
        %dma_start3A = arith.constant 0 : i32
        %dma_start3A_47 = tpu.memref_slice %arg10[%mul3A_41, %dma_start3A] : memref<10000x128xf32, #tpu.memory_space<vmem_shared>> -> memref<200x128xf32, #tpu.memory_space<vmem_shared>>
        %dma_start3A_48 = arith.constant 0 : i32
        %dma_start3A_49 = tpu.memref_slice %arg10[%mul3A_41, %dma_start3A_48] : memref<10000x128xf32, #tpu.memory_space<vmem_shared>> -> memref<200x128xf32, #tpu.memory_space<vmem_shared>>
        tpu.enqueue_dma source(%dma_start3A_49 : memref<200x128xf32, #tpu.memory_space<vmem_shared>>) target(%arg9 : memref<200x128xf32, #tpu.memory_space<vmem>>) target_semaphore(%run_scoped3A : memref<!tpu.dma_semaphore, #tpu.memory_space<semaphore_mem>>)
        %dma_wait3A = arith.constant 0 : i32
        %dma_wait3A_50 = tpu.memref_slice %arg10[%mul3A_41, %dma_wait3A] : memref<10000x128xf32, #tpu.memory_space<vmem_shared>> -> memref<200x128xf32, #tpu.memory_space<vmem_shared>>
        %dma_wait3A_51 = arith.constant 0 : i32
        %dma_wait3A_52 = tpu.memref_slice %arg10[%mul3A_41, %dma_wait3A_51] : memref<10000x128xf32, #tpu.memory_space<vmem_shared>> -> memref<200x128xf32, #tpu.memory_space<vmem_shared>>
        tpu.wait_dma2 semaphore(%run_scoped3A : memref<!tpu.dma_semaphore, #tpu.memory_space<semaphore_mem>>) src(%dma_wait3A_52 : memref<200x128xf32, #tpu.memory_space<vmem_shared>>) dst(%arg9 : memref<200x128xf32, #tpu.memory_space<vmem>>)
        tpu.yield
      }) : () -> ()
      %mul3A_42 = arith.constant 10000 : i32
      %mul3A_43 = arith.muli %arg0, %mul3A_42 : i32
      %mul3A_44 = arith.constant 200 : i32
      %mul3A_45 = arith.muli %add3A_39, %mul3A_44 : i32
      %add3A_46 = arith.addi %mul3A_43, %mul3A_45 : i32
      "tpu.region"() ({
        %run_scoped3A = tpu.sem_alloc : memref<!tpu.dma_semaphore, #tpu.memory_space<semaphore_mem>>
        %dma_start3A = arith.constant 0 : i32
        %dma_start3A_47 = tpu.memref_slice %arg5[%add3A_46, %dma_start3A] : memref<20000x128xf32, #tpu.memory_space<hbm>> -> memref<200x128xf32, #tpu.memory_space<hbm>>
        %dma_start3A_48 = arith.constant 0 : i32
        %dma_start3A_49 = tpu.memref_slice %arg5[%add3A_46, %dma_start3A_48] : memref<20000x128xf32, #tpu.memory_space<hbm>> -> memref<200x128xf32, #tpu.memory_space<hbm>>
        tpu.enqueue_dma source(%arg9 : memref<200x128xf32, #tpu.memory_space<vmem>>) target(%dma_start3A_49 : memref<200x128xf32, #tpu.memory_space<hbm>>) target_semaphore(%run_scoped3A : memref<!tpu.dma_semaphore, #tpu.memory_space<semaphore_mem>>)
        %dma_wait3A = arith.constant 0 : i32
        %dma_wait3A_50 = tpu.memref_slice %arg5[%add3A_46, %dma_wait3A] : memref<20000x128xf32, #tpu.memory_space<hbm>> -> memref<200x128xf32, #tpu.memory_space<hbm>>
        %dma_wait3A_51 = arith.constant 0 : i32
        %dma_wait3A_52 = tpu.memref_slice %arg5[%add3A_46, %dma_wait3A_51] : memref<20000x128xf32, #tpu.memory_space<hbm>> -> memref<200x128xf32, #tpu.memory_space<hbm>>
        tpu.wait_dma2 semaphore(%run_scoped3A : memref<!tpu.dma_semaphore, #tpu.memory_space<semaphore_mem>>) src(%arg9 : memref<200x128xf32, #tpu.memory_space<vmem>>) dst(%dma_wait3A_52 : memref<200x128xf32, #tpu.memory_space<hbm>>)
        tpu.yield
      }) : () -> ()
    }
    %while3A_35 = arith.constant 1 : i32
    scf.for %while3A_36 = %while3A_33 to %while3A_29 step %while3A_35  : i32 {
      %mul3A_37 = arith.constant 16 : i32
      %mul3A_38 = arith.muli %while3A_36, %mul3A_37 : i32
      %add3A_39 = arith.addi %arg1, %mul3A_38 : i32
      %mul3A_40 = arith.constant 200 : i32
      %mul3A_41 = arith.muli %add3A_39, %mul3A_40 : i32
      "tpu.region"() ({
        %run_scoped3A = tpu.sem_alloc : memref<!tpu.dma_semaphore, #tpu.memory_space<semaphore_mem>>
        %dma_start3A = arith.constant 0 : i32
        %dma_start3A_47 = tpu.memref_slice %arg10[%mul3A_41, %dma_start3A] : memref<10000x128xf32, #tpu.memory_space<vmem_shared>> -> memref<200x128xf32, #tpu.memory_space<vmem_shared>>
        %dma_start3A_48 = arith.constant 0 : i32
        %dma_start3A_49 = tpu.memref_slice %arg10[%mul3A_41, %dma_start3A_48] : memref<10000x128xf32, #tpu.memory_space<vmem_shared>> -> memref<200x128xf32, #tpu.memory_space<vmem_shared>>
        tpu.enqueue_dma source(%dma_start3A_49 : memref<200x128xf32, #tpu.memory_space<vmem_shared>>) target(%arg9 : memref<200x128xf32, #tpu.memory_space<vmem>>) target_semaphore(%run_scoped3A : memref<!tpu.dma_semaphore, #tpu.memory_space<semaphore_mem>>)
        %dma_wait3A = arith.constant 0 : i32
        %dma_wait3A_50 = tpu.memref_slice %arg10[%mul3A_41, %dma_wait3A] : memref<10000x128xf32, #tpu.memory_space<vmem_shared>> -> memref<200x128xf32, #tpu.memory_space<vmem_shared>>
        %dma_wait3A_51 = arith.constant 0 : i32
        %dma_wait3A_52 = tpu.memref_slice %arg10[%mul3A_41, %dma_wait3A_51] : memref<10000x128xf32, #tpu.memory_space<vmem_shared>> -> memref<200x128xf32, #tpu.memory_space<vmem_shared>>
        tpu.wait_dma2 semaphore(%run_scoped3A : memref<!tpu.dma_semaphore, #tpu.memory_space<semaphore_mem>>) src(%dma_wait3A_52 : memref<200x128xf32, #tpu.memory_space<vmem_shared>>) dst(%arg9 : memref<200x128xf32, #tpu.memory_space<vmem>>)
        tpu.yield
      }) : () -> ()
      %mul3A_42 = arith.constant 10000 : i32
      %mul3A_43 = arith.muli %arg0, %mul3A_42 : i32
      %mul3A_44 = arith.constant 200 : i32
      %mul3A_45 = arith.muli %add3A_39, %mul3A_44 : i32
      %add3A_46 = arith.addi %mul3A_43, %mul3A_45 : i32
      "tpu.region"() ({
        %run_scoped3A = tpu.sem_alloc : memref<!tpu.dma_semaphore, #tpu.memory_space<semaphore_mem>>
        %dma_start3A = arith.constant 0 : i32
        %dma_start3A_47 = tpu.memref_slice %arg5[%add3A_46, %dma_start3A] : memref<20000x128xf32, #tpu.memory_space<hbm>> -> memref<200x128xf32, #tpu.memory_space<hbm>>
        %dma_start3A_48 = arith.constant 0 : i32
        %dma_start3A_49 = tpu.memref_slice %arg5[%add3A_46, %dma_start3A_48] : memref<20000x128xf32, #tpu.memory_space<hbm>> -> memref<200x128xf32, #tpu.memory_space<hbm>>
        tpu.enqueue_dma source(%arg9 : memref<200x128xf32, #tpu.memory_space<vmem>>) target(%dma_start3A_49 : memref<200x128xf32, #tpu.memory_space<hbm>>) target_semaphore(%run_scoped3A : memref<!tpu.dma_semaphore, #tpu.memory_space<semaphore_mem>>)
        %dma_wait3A = arith.constant 0 : i32
        %dma_wait3A_50 = tpu.memref_slice %arg5[%add3A_46, %dma_wait3A] : memref<20000x128xf32, #tpu.memory_space<hbm>> -> memref<200x128xf32, #tpu.memory_space<hbm>>
        %dma_wait3A_51 = arith.constant 0 : i32
        %dma_wait3A_52 = tpu.memref_slice %arg5[%add3A_46, %dma_wait3A_51] : memref<20000x128xf32, #tpu.memory_space<hbm>> -> memref<200x128xf32, #tpu.memory_space<hbm>>
        tpu.wait_dma2 semaphore(%run_scoped3A : memref<!tpu.dma_semaphore, #tpu.memory_space<semaphore_mem>>) src(%arg9 : memref<200x128xf32, #tpu.memory_space<vmem>>) dst(%dma_wait3A_52 : memref<200x128xf32, #tpu.memory_space<hbm>>)
        tpu.yield
      }) : () -> ()
    }
    return
  }
}

module attributes {stable_mosaic.version = 14 : i64} {
  func.func @_x_body(%arg0: i32, %arg1: memref<400x128xf32, #tpu.memory_space<vmem>>, %arg2: memref<128x256xf32, #tpu.memory_space<vmem>>, %arg3: memref<1x256xf32, #tpu.memory_space<vmem>>, %arg4: memref<400x256xf32, #tpu.memory_space<vmem>>) attributes {dimension_semantics = [#tpu.dimension_semantics<arbitrary>], iteration_bounds = array<i64: 25>, scalar_prefetch = 0 : i64, scratch_operands = 0 : i64, tpu.core_type = #tpu.core_type<tc>, window_params = [{transform_indices = @transform_0, window_bounds = array<i64: 400, 128>}, {pipeline_mode = #tpu.pipeline_mode<synchronous>, transform_indices = @transform_1, window_bounds = array<i64: 128, 256>}, {pipeline_mode = #tpu.pipeline_mode<synchronous>, transform_indices = @transform_2, window_bounds = array<i64: 1, 256>}, {transform_indices = @transform_3, window_bounds = array<i64: 400, 256>}]} {
    %get3A = arith.constant 0 : index
    %get3A_0 = arith.constant 0 : index
    %get3A_1 = vector.load %arg1[%get3A, %get3A_0] : memref<400x128xf32, #tpu.memory_space<vmem>>, vector<400x128xf32>
    %get3A_2 = arith.constant 0 : index
    %get3A_3 = arith.constant 0 : index
    %get3A_4 = vector.load %arg2[%get3A_2, %get3A_3] : memref<128x256xf32, #tpu.memory_space<vmem>>, vector<128x256xf32>
    %dot_general3A = arith.constant dense<0.000000e+00> : vector<400x256xf32>
    %dot_general3A_5 = tpu.matmul %get3A_1, %get3A_4, %dot_general3A {dimension_numbers = #tpu.dot_dimension_numbers<[1], [0], [0], [1], [0, 0, 1, 1], [], []>, transpose_lhs_hint = false} : vector<400x128xf32>, vector<128x256xf32>, vector<400x256xf32> -> vector<400x256xf32>
    %get3A_6 = arith.constant 0 : index
    %get3A_7 = arith.constant 0 : index
    %get3A_8 = vector.load %arg3[%get3A_6, %get3A_7] : memref<1x256xf32, #tpu.memory_space<vmem>>, vector<1x256xf32>
    %add3A = vector.broadcast %get3A_8 : vector<1x256xf32> to vector<400x256xf32>
    %add3A_9 = arith.addf %dot_general3A_5, %add3A : vector<400x256xf32>
    %max3A = arith.constant 0.000000e+00 : f32
    %max3A_10 = vector.broadcast %max3A : f32 to vector<400x256xf32>
    %max3A_11 = arith.maximumf %add3A_9, %max3A_10 : vector<400x256xf32>
    %swap3A = arith.constant 0 : index
    %swap3A_12 = arith.constant 0 : index
    %swap3A_13 = vector.load %arg4[%swap3A, %swap3A_12] : memref<400x256xf32, #tpu.memory_space<vmem>>, vector<400x256xf32>
    tpu.vector_store %arg4[%swap3A, %swap3A_12], %max3A_11 {strides = array<i32>} : memref<400x256xf32, #tpu.memory_space<vmem>>, vector<400x256xf32>,
    return
  }
  func.func @transform_0(%arg0: i32) -> (i32, i32) {
    %c0_i32 = arith.constant 0 : i32
    %c0_i32_0 = arith.constant 0 : i32
    return %arg0, %c0_i32 : i32, i32
  }
  func.func @transform_1(%arg0: i32) -> (i32, i32) {
    %c0_i32 = arith.constant 0 : i32
    %c0_i32_0 = arith.constant 0 : i32
    %c0_i32_1 = arith.constant 0 : i32
    return %c0_i32, %c0_i32_0 : i32, i32
  }
  func.func @transform_2(%arg0: i32) -> (i32, i32) {
    %c0_i32 = arith.constant 0 : i32
    %c0_i32_0 = arith.constant 0 : i32
    %c0_i32_1 = arith.constant 0 : i32
    return %c0_i32, %c0_i32_0 : i32, i32
  }
  func.func @transform_3(%arg0: i32) -> (i32, i32) {
    %c0_i32 = arith.constant 0 : i32
    %c0_i32_0 = arith.constant 0 : i32
    return %arg0, %c0_i32 : i32, i32
  }
}

module attributes {stable_mosaic.version = 14 : i64} {
  func.func @_dinv_body(%arg0: i32, %arg1: memref<2x1280x128xf32, #tpu.memory_space<vmem>>, %arg2: memref<1280x1xf32, #tpu.memory_space<vmem>>) attributes {dimension_semantics = [#tpu.dimension_semantics<arbitrary>], iteration_bounds = array<i64: 8>, scalar_prefetch = 0 : i64, scratch_operands = 0 : i64, tpu.core_type = #tpu.core_type<tc>, window_params = [{transform_indices = @transform_0, window_bounds = array<i64: 2, 1280, 128>}, {transform_indices = @transform_1, window_bounds = array<i64: 1280, 1>}]} {
    %get3A = arith.constant 0 : index
    %get3A_0 = arith.constant 0 : index
    %get3A_1 = arith.constant 0 : index
    %get3A_2 = vector.load %arg1[%get3A, %get3A_0, %get3A_1] : memref<2x1280x128xf32, #tpu.memory_space<vmem>>, vector<1x1280x128xf32>
    %get3A_3 = vector.shape_cast %get3A_2 : vector<1x1280x128xf32> to vector<1280x128xf32>
    %get3A_4 = arith.constant 1 : index
    %get3A_5 = arith.constant 0 : index
    %get3A_6 = arith.constant 0 : index
    %get3A_7 = vector.load %arg1[%get3A_4, %get3A_5, %get3A_6] : memref<2x1280x128xf32, #tpu.memory_space<vmem>>, vector<1x1280x128xf32>
    %get3A_8 = vector.shape_cast %get3A_7 : vector<1x1280x128xf32> to vector<1280x128xf32>
    %add3A = arith.addf %get3A_3, %get3A_8 : vector<1280x128xf32>
    %reduce_sum3A = arith.constant dense<0.000000e+00> : vector<1280xf32>
    %reduce_sum3A_9 = vector.multi_reduction <add>, %add3A, %reduce_sum3A [1] : vector<1280x128xf32> to vector<1280xf32>
    %mul3A = arith.constant 7.812500e-03 : f32
    %mul3A_10 = vector.broadcast %mul3A : f32 to vector<1280xf32>
    %mul3A_11 = arith.mulf %reduce_sum3A_9, %mul3A_10 : vector<1280xf32>
    %add3A_12 = arith.constant 1.000000e+00 : f32
    %add3A_13 = vector.broadcast %add3A_12 : f32 to vector<1280xf32>
    %add3A_14 = arith.addf %add3A_13, %mul3A_11 : vector<1280xf32>
    %rsqrt3A = math.rsqrt %add3A_14 : vector<1280xf32>
    %broadcast_in_dim3A = vector.shape_cast %rsqrt3A : vector<1280xf32> to vector<1280x1xf32>
    %swap3A = arith.constant 0 : index
    %swap3A_15 = arith.constant 0 : index
    %swap3A_16 = vector.load %arg2[%swap3A, %swap3A_15] : memref<1280x1xf32, #tpu.memory_space<vmem>>, vector<1280x1xf32>
    tpu.vector_store %arg2[%swap3A, %swap3A_15], %broadcast_in_dim3A {strides = array<i32>} : memref<1280x1xf32, #tpu.memory_space<vmem>>, vector<1280x1xf32>,
    return
  }
  func.func @transform_0(%arg0: i32) -> (i32, i32, i32) {
    %c0_i32 = arith.constant 0 : i32
    %c0_i32_0 = arith.constant 0 : i32
    %c0_i32_1 = arith.constant 0 : i32
    return %c0_i32, %arg0, %c0_i32_0 : i32, i32, i32
  }
  func.func @transform_1(%arg0: i32) -> (i32, i32) {
    %c0_i32 = arith.constant 0 : i32
    %c0_i32_0 = arith.constant 0 : i32
    return %arg0, %c0_i32 : i32, i32
  }
}

module attributes {stable_mosaic.version = 14 : i64} {
  func.func @_y2_body(%arg0: i32, %arg1: memref<2x400x128xf32, #tpu.memory_space<vmem>>, %arg2: memref<2x400x128xf32, #tpu.memory_space<vmem>>, %arg3: memref<400x1xf32, #tpu.memory_space<vmem>>, %arg4: memref<1x256xf32, #tpu.memory_space<vmem>>, %arg5: memref<256x128xf32, #tpu.memory_space<vmem>>, %arg6: memref<400x128xf32, #tpu.memory_space<vmem>>) attributes {dimension_semantics = [#tpu.dimension_semantics<arbitrary>], iteration_bounds = array<i64: 25>, scalar_prefetch = 0 : i64, scratch_operands = 0 : i64, tpu.core_type = #tpu.core_type<tc>, window_params = [{transform_indices = @transform_0, window_bounds = array<i64: 2, 400, 128>}, {transform_indices = @transform_1, window_bounds = array<i64: 2, 400, 128>}, {transform_indices = @transform_2, window_bounds = array<i64: 400, 1>}, {pipeline_mode = #tpu.pipeline_mode<synchronous>, transform_indices = @transform_3, window_bounds = array<i64: 1, 256>}, {pipeline_mode = #tpu.pipeline_mode<synchronous>, transform_indices = @transform_4, window_bounds = array<i64: 256, 128>}, {transform_indices = @transform_5, window_bounds = array<i64: 400, 128>}]} {
    %get3A = arith.constant 0 : index
    %get3A_0 = arith.constant 0 : index
    %get3A_1 = arith.constant 0 : index
    %get3A_2 = vector.load %arg1[%get3A, %get3A_0, %get3A_1] : memref<2x400x128xf32, #tpu.memory_space<vmem>>, vector<2x400x128xf32>
    %get3A_3 = arith.constant 0 : index
    %get3A_4 = arith.constant 0 : index
    %get3A_5 = arith.constant 0 : index
    %get3A_6 = vector.load %arg2[%get3A_3, %get3A_4, %get3A_5] : memref<2x400x128xf32, #tpu.memory_space<vmem>>, vector<2x400x128xf32>
    %add3A = arith.addf %get3A_2, %get3A_6 : vector<2x400x128xf32>
    %slice3A = vector.extract_strided_slice %add3A {offsets = [0, 0, 0], sizes = [1, 400, 128], strides = [1, 1, 1]} : vector<2x400x128xf32> to vector<1x400x128xf32>
    %squeeze3A = vector.shape_cast %slice3A : vector<1x400x128xf32> to vector<400x128xf32>
    %slice3A_7 = vector.extract_strided_slice %add3A {offsets = [1, 0, 0], sizes = [1, 400, 128], strides = [1, 1, 1]} : vector<2x400x128xf32> to vector<1x400x128xf32>
    %squeeze3A_8 = vector.shape_cast %slice3A_7 : vector<1x400x128xf32> to vector<400x128xf32>
    %concatenate3A = tpu.concatenate %squeeze3A, %squeeze3A_8 in 1 : vector<400x128xf32>, vector<400x128xf32> -> vector<400x256xf32>
    %get3A_9 = arith.constant 0 : index
    %get3A_10 = arith.constant 0 : index
    %get3A_11 = vector.load %arg3[%get3A_9, %get3A_10] : memref<400x1xf32, #tpu.memory_space<vmem>>, vector<400x1xf32>
    %mul3A = vector.broadcast %get3A_11 : vector<400x1xf32> to vector<400x256xf32>
    %mul3A_12 = arith.mulf %mul3A, %concatenate3A : vector<400x256xf32>
    %get3A_13 = arith.constant 0 : index
    %get3A_14 = arith.constant 0 : index
    %get3A_15 = vector.load %arg4[%get3A_13, %get3A_14] : memref<1x256xf32, #tpu.memory_space<vmem>>, vector<1x256xf32>
    %add3A_16 = vector.broadcast %get3A_15 : vector<1x256xf32> to vector<400x256xf32>
    %add3A_17 = arith.addf %mul3A_12, %add3A_16 : vector<400x256xf32>
    %max3A = arith.constant 0.000000e+00 : f32
    %max3A_18 = vector.broadcast %max3A : f32 to vector<400x256xf32>
    %max3A_19 = arith.maximumf %add3A_17, %max3A_18 : vector<400x256xf32>
    %get3A_20 = arith.constant 0 : index
    %get3A_21 = arith.constant 0 : index
    %get3A_22 = vector.load %arg5[%get3A_20, %get3A_21] : memref<256x128xf32, #tpu.memory_space<vmem>>, vector<256x128xf32>
    %dot_general3A = arith.constant dense<0.000000e+00> : vector<400x128xf32>
    %dot_general3A_23 = tpu.matmul %max3A_19, %get3A_22, %dot_general3A {dimension_numbers = #tpu.dot_dimension_numbers<[1], [0], [0], [1], [0, 0, 1, 1], [], []>, transpose_lhs_hint = false} : vector<400x256xf32>, vector<256x128xf32>, vector<400x128xf32> -> vector<400x128xf32>
    %mul3A_24 = vector.broadcast %get3A_11 : vector<400x1xf32> to vector<400x128xf32>
    %mul3A_25 = arith.mulf %mul3A_24, %dot_general3A_23 : vector<400x128xf32>
    %swap3A = arith.constant 0 : index
    %swap3A_26 = arith.constant 0 : index
    %swap3A_27 = vector.load %arg6[%swap3A, %swap3A_26] : memref<400x128xf32, #tpu.memory_space<vmem>>, vector<400x128xf32>
    tpu.vector_store %arg6[%swap3A, %swap3A_26], %mul3A_25 {strides = array<i32>} : memref<400x128xf32, #tpu.memory_space<vmem>>, vector<400x128xf32>,
    return
  }
  func.func @transform_0(%arg0: i32) -> (i32, i32, i32) {
    %c0_i32 = arith.constant 0 : i32
    %c0_i32_0 = arith.constant 0 : i32
    %c0_i32_1 = arith.constant 0 : i32
    return %c0_i32, %arg0, %c0_i32_0 : i32, i32, i32
  }
  func.func @transform_1(%arg0: i32) -> (i32, i32, i32) {
    %c0_i32 = arith.constant 0 : i32
    %c0_i32_0 = arith.constant 0 : i32
    %c0_i32_1 = arith.constant 0 : i32
    return %c0_i32, %arg0, %c0_i32_0 : i32, i32, i32
  }
  func.func @transform_2(%arg0: i32) -> (i32, i32) {
    %c0_i32 = arith.constant 0 : i32
    %c0_i32_0 = arith.constant 0 : i32
    return %arg0, %c0_i32 : i32, i32
  }
  func.func @transform_3(%arg0: i32) -> (i32, i32) {
    %c0_i32 = arith.constant 0 : i32
    %c0_i32_0 = arith.constant 0 : i32
    %c0_i32_1 = arith.constant 0 : i32
    return %c0_i32, %c0_i32_0 : i32, i32
  }
  func.func @transform_4(%arg0: i32) -> (i32, i32) {
    %c0_i32 = arith.constant 0 : i32
    %c0_i32_0 = arith.constant 0 : i32
    %c0_i32_1 = arith.constant 0 : i32
    return %c0_i32, %c0_i32_0 : i32, i32
  }
  func.func @transform_5(%arg0: i32) -> (i32, i32) {
    %c0_i32 = arith.constant 0 : i32
    %c0_i32_0 = arith.constant 0 : i32
    return %arg0, %c0_i32 : i32, i32
  }
}

module attributes {stable_mosaic.version = 14 : i64} {
  func.func @_y1_body(%arg0: i32, %arg1: i32, %arg2: memref<400x256xf32, #tpu.memory_space<vmem>>, %arg3: memref<400x256xf32, #tpu.memory_space<vmem>>, %arg4: memref<512x128xf32, #tpu.memory_space<vmem>>, %arg5: memref<400x1xf32, #tpu.memory_space<vmem>>, %arg6: memref<1x400x128xf32, #tpu.memory_space<vmem>>) attributes {dimension_semantics = [#tpu.dimension_semantics<arbitrary>, #tpu.dimension_semantics<arbitrary>], iteration_bounds = array<i64: 25, 2>, scalar_prefetch = 0 : i64, scratch_operands = 0 : i64, tpu.core_type = #tpu.core_type<tc>, window_params = [{transform_indices = @transform_0, window_bounds = array<i64: 400, 256>}, {transform_indices = @transform_1, window_bounds = array<i64: 400, 256>}, {transform_indices = @transform_2, window_bounds = array<i64: 512, 128>}, {transform_indices = @transform_3, window_bounds = array<i64: 400, 1>}, {transform_indices = @transform_4, window_bounds = array<i64: 1, 400, 128>}]} {
    %get3A = arith.constant 0 : index
    %get3A_0 = arith.constant 0 : index
    %get3A_1 = vector.load %arg4[%get3A, %get3A_0] : memref<512x128xf32, #tpu.memory_space<vmem>>, vector<512x128xf32>
    %get3A_2 = arith.constant 0 : index
    %get3A_3 = arith.constant 0 : index
    %get3A_4 = vector.load %arg2[%get3A_2, %get3A_3] : memref<400x256xf32, #tpu.memory_space<vmem>>, vector<400x256xf32>
    %slice3A = vector.extract_strided_slice %get3A_1 {offsets = [0, 0], sizes = [256, 128], strides = [1, 1]} : vector<512x128xf32> to vector<256x128xf32>
    %dot_general3A = arith.constant dense<0.000000e+00> : vector<400x128xf32>
    %dot_general3A_5 = tpu.matmul %get3A_4, %slice3A, %dot_general3A {dimension_numbers = #tpu.dot_dimension_numbers<[1], [0], [0], [1], [0, 0, 1, 1], [], []>, transpose_lhs_hint = false} : vector<400x256xf32>, vector<256x128xf32>, vector<400x128xf32> -> vector<400x128xf32>
    %get3A_6 = arith.constant 0 : index
    %get3A_7 = arith.constant 0 : index
    %get3A_8 = vector.load %arg3[%get3A_6, %get3A_7] : memref<400x256xf32, #tpu.memory_space<vmem>>, vector<400x256xf32>
    %slice3A_9 = vector.extract_strided_slice %get3A_1 {offsets = [256, 0], sizes = [256, 128], strides = [1, 1]} : vector<512x128xf32> to vector<256x128xf32>
    %dot_general3A_10 = arith.constant dense<0.000000e+00> : vector<400x128xf32>
    %dot_general3A_11 = tpu.matmul %get3A_8, %slice3A_9, %dot_general3A_10 {dimension_numbers = #tpu.dot_dimension_numbers<[1], [0], [0], [1], [0, 0, 1, 1], [], []>, transpose_lhs_hint = false} : vector<400x256xf32>, vector<256x128xf32>, vector<400x128xf32> -> vector<400x128xf32>
    %add3A = arith.addf %dot_general3A_5, %dot_general3A_11 : vector<400x128xf32>
    %get3A_12 = arith.constant 0 : index
    %get3A_13 = arith.constant 0 : index
    %get3A_14 = vector.load %arg5[%get3A_12, %get3A_13] : memref<400x1xf32, #tpu.memory_space<vmem>>, vector<400x1xf32>
    %mul3A = vector.broadcast %get3A_14 : vector<400x1xf32> to vector<400x128xf32>
    %mul3A_15 = arith.mulf %mul3A, %add3A : vector<400x128xf32>
    %broadcast_in_dim3A = vector.shape_cast %mul3A_15 : vector<400x128xf32> to vector<1x400x128xf32>
    %swap3A = arith.constant 0 : index
    %swap3A_16 = arith.constant 0 : index
    %swap3A_17 = arith.constant 0 : index
    %swap3A_18 = vector.load %arg6[%swap3A, %swap3A_16, %swap3A_17] : memref<1x400x128xf32, #tpu.memory_space<vmem>>, vector<1x400x128xf32>
    tpu.vector_store %arg6[%swap3A, %swap3A_16, %swap3A_17], %broadcast_in_dim3A {strides = array<i32>} : memref<1x400x128xf32, #tpu.memory_space<vmem>>, vector<1x400x128xf32>,
    return
  }
  func.func @transform_0(%arg0: i32, %arg1: i32) -> (i32, i32) {
    %c0_i32 = arith.constant 0 : i32
    %c0_i32_0 = arith.constant 0 : i32
    return %arg0, %c0_i32 : i32, i32
  }
  func.func @transform_1(%arg0: i32, %arg1: i32) -> (i32, i32) {
    %c0_i32 = arith.constant 0 : i32
    %c0_i32_0 = arith.constant 0 : i32
    return %arg0, %c0_i32 : i32, i32
  }
  func.func @transform_2(%arg0: i32, %arg1: i32) -> (i32, i32) {
    %c0_i32 = arith.constant 0 : i32
    %c0_i32_0 = arith.constant 0 : i32
    return %c0_i32, %arg1 : i32, i32
  }
  func.func @transform_3(%arg0: i32, %arg1: i32) -> (i32, i32) {
    %c0_i32 = arith.constant 0 : i32
    %c0_i32_0 = arith.constant 0 : i32
    return %arg0, %c0_i32 : i32, i32
  }
  func.func @transform_4(%arg0: i32, %arg1: i32) -> (i32, i32, i32) {
    %c0_i32 = arith.constant 0 : i32
    %c0_i32_0 = arith.constant 0 : i32
    return %arg1, %arg0, %c0_i32 : i32, i32, i32
  }
}

module attributes {stable_mosaic.version = 14 : i64} {
  func.func @_zu_body(%arg0: i32, %arg1: memref<2x400x128xf32, #tpu.memory_space<vmem>>, %arg2: memref<400x128xf32, #tpu.memory_space<vmem>>, %arg3: memref<400x1xf32, #tpu.memory_space<vmem>>, %arg4: memref<1x128xf32, #tpu.memory_space<vmem>>, %arg5: memref<128x256xf32, #tpu.memory_space<vmem>>, %arg6: memref<1x256xf32, #tpu.memory_space<vmem>>, %arg7: memref<400x128xf32, #tpu.memory_space<vmem>>, %arg8: memref<400x256xf32, #tpu.memory_space<vmem>>) attributes {dimension_semantics = [#tpu.dimension_semantics<arbitrary>], iteration_bounds = array<i64: 25>, scalar_prefetch = 0 : i64, scratch_operands = 0 : i64, tpu.core_type = #tpu.core_type<tc>, window_params = [{transform_indices = @transform_0, window_bounds = array<i64: 2, 400, 128>}, {transform_indices = @transform_1, window_bounds = array<i64: 400, 128>}, {transform_indices = @transform_2, window_bounds = array<i64: 400, 1>}, {pipeline_mode = #tpu.pipeline_mode<synchronous>, transform_indices = @transform_3, window_bounds = array<i64: 1, 128>}, {pipeline_mode = #tpu.pipeline_mode<synchronous>, transform_indices = @transform_4, window_bounds = array<i64: 128, 256>}, {pipeline_mode = #tpu.pipeline_mode<synchronous>, transform_indices = @transform_5, window_bounds = array<i64: 1, 256>}, {transform_indices = @transform_6, window_bounds = array<i64: 400, 128>}, {transform_indices = @transform_7, window_bounds = array<i64: 400, 256>}]} {
    %get3A = arith.constant 0 : index
    %get3A_0 = arith.constant 0 : index
    %get3A_1 = arith.constant 0 : index
    %get3A_2 = vector.load %arg1[%get3A, %get3A_0, %get3A_1] : memref<2x400x128xf32, #tpu.memory_space<vmem>>, vector<2x400x128xf32>
    %get3A_3 = arith.constant 0 : index
    %get3A_4 = arith.constant 0 : index
    %get3A_5 = vector.load %arg3[%get3A_3, %get3A_4] : memref<400x1xf32, #tpu.memory_space<vmem>>, vector<400x1xf32>
    %slice3A = vector.extract_strided_slice %get3A_2 {offsets = [0, 0, 0], sizes = [1, 400, 128], strides = [1, 1, 1]} : vector<2x400x128xf32> to vector<1x400x128xf32>
    %squeeze3A = vector.shape_cast %slice3A : vector<1x400x128xf32> to vector<400x128xf32>
    %slice3A_6 = vector.extract_strided_slice %get3A_2 {offsets = [1, 0, 0], sizes = [1, 400, 128], strides = [1, 1, 1]} : vector<2x400x128xf32> to vector<1x400x128xf32>
    %squeeze3A_7 = vector.shape_cast %slice3A_6 : vector<1x400x128xf32> to vector<400x128xf32>
    %add3A = arith.addf %squeeze3A, %squeeze3A_7 : vector<400x128xf32>
    %get3A_8 = arith.constant 0 : index
    %get3A_9 = arith.constant 0 : index
    %get3A_10 = vector.load %arg2[%get3A_8, %get3A_9] : memref<400x128xf32, #tpu.memory_space<vmem>>, vector<400x128xf32>
    %add3A_11 = arith.addf %add3A, %get3A_10 : vector<400x128xf32>
    %mul3A = vector.broadcast %get3A_5 : vector<400x1xf32> to vector<400x128xf32>
    %mul3A_12 = arith.mulf %mul3A, %add3A_11 : vector<400x128xf32>
    %get3A_13 = arith.constant 0 : index
    %get3A_14 = arith.constant 0 : index
    %get3A_15 = vector.load %arg4[%get3A_13, %get3A_14] : memref<1x128xf32, #tpu.memory_space<vmem>>, vector<1x128xf32>
    %add3A_16 = vector.broadcast %get3A_15 : vector<1x128xf32> to vector<400x128xf32>
    %add3A_17 = arith.addf %mul3A_12, %add3A_16 : vector<400x128xf32>
    %swap3A = arith.constant 0 : index
    %swap3A_18 = arith.constant 0 : index
    %swap3A_19 = vector.load %arg7[%swap3A, %swap3A_18] : memref<400x128xf32, #tpu.memory_space<vmem>>, vector<400x128xf32>
    tpu.vector_store %arg7[%swap3A, %swap3A_18], %add3A_17 {strides = array<i32>} : memref<400x128xf32, #tpu.memory_space<vmem>>, vector<400x128xf32>,
    %get3A_20 = arith.constant 0 : index
    %get3A_21 = arith.constant 0 : index
    %get3A_22 = vector.load %arg5[%get3A_20, %get3A_21] : memref<128x256xf32, #tpu.memory_space<vmem>>, vector<128x256xf32>
    %dot_general3A = arith.constant dense<0.000000e+00> : vector<400x256xf32>
    %dot_general3A_23 = tpu.matmul %add3A_17, %get3A_22, %dot_general3A {dimension_numbers = #tpu.dot_dimension_numbers<[1], [0], [0], [1], [0, 0, 1, 1], [], []>, transpose_lhs_hint = false} : vector<400x128xf32>, vector<128x256xf32>, vector<400x256xf32> -> vector<400x256xf32>
    %get3A_24 = arith.constant 0 : index
    %get3A_25 = arith.constant 0 : index
    %get3A_26 = vector.load %arg6[%get3A_24, %get3A_25] : memref<1x256xf32, #tpu.memory_space<vmem>>, vector<1x256xf32>
    %add3A_27 = vector.broadcast %get3A_26 : vector<1x256xf32> to vector<400x256xf32>
    %add3A_28 = arith.addf %dot_general3A_23, %add3A_27 : vector<400x256xf32>
    %max3A = arith.constant 0.000000e+00 : f32
    %max3A_29 = vector.broadcast %max3A : f32 to vector<400x256xf32>
    %max3A_30 = arith.maximumf %add3A_28, %max3A_29 : vector<400x256xf32>
    %swap3A_31 = arith.constant 0 : index
    %swap3A_32 = arith.constant 0 : index
    %swap3A_33 = vector.load %arg8[%swap3A_31, %swap3A_32] : memref<400x256xf32, #tpu.memory_space<vmem>>, vector<400x256xf32>
    tpu.vector_store %arg8[%swap3A_31, %swap3A_32], %max3A_30 {strides = array<i32>} : memref<400x256xf32, #tpu.memory_space<vmem>>, vector<400x256xf32>,
    return
  }
  func.func @transform_0(%arg0: i32) -> (i32, i32, i32) {
    %c0_i32 = arith.constant 0 : i32
    %c0_i32_0 = arith.constant 0 : i32
    %c0_i32_1 = arith.constant 0 : i32
    return %c0_i32, %arg0, %c0_i32_0 : i32, i32, i32
  }
  func.func @transform_1(%arg0: i32) -> (i32, i32) {
    %c0_i32 = arith.constant 0 : i32
    %c0_i32_0 = arith.constant 0 : i32
    return %arg0, %c0_i32 : i32, i32
  }
  func.func @transform_2(%arg0: i32) -> (i32, i32) {
    %c0_i32 = arith.constant 0 : i32
    %c0_i32_0 = arith.constant 0 : i32
    return %arg0, %c0_i32 : i32, i32
  }
  func.func @transform_3(%arg0: i32) -> (i32, i32) {
    %c0_i32 = arith.constant 0 : i32
    %c0_i32_0 = arith.constant 0 : i32
    %c0_i32_1 = arith.constant 0 : i32
    return %c0_i32, %c0_i32_0 : i32, i32
  }
  func.func @transform_4(%arg0: i32) -> (i32, i32) {
    %c0_i32 = arith.constant 0 : i32
    %c0_i32_0 = arith.constant 0 : i32
    %c0_i32_1 = arith.constant 0 : i32
    return %c0_i32, %c0_i32_0 : i32, i32
  }
  func.func @transform_5(%arg0: i32) -> (i32, i32) {
    %c0_i32 = arith.constant 0 : i32
    %c0_i32_0 = arith.constant 0 : i32
    %c0_i32_1 = arith.constant 0 : i32
    return %c0_i32, %c0_i32_0 : i32, i32
  }
  func.func @transform_6(%arg0: i32) -> (i32, i32) {
    %c0_i32 = arith.constant 0 : i32
    %c0_i32_0 = arith.constant 0 : i32
    return %arg0, %c0_i32 : i32, i32
  }
  func.func @transform_7(%arg0: i32) -> (i32, i32) {
    %c0_i32 = arith.constant 0 : i32
    %c0_i32_0 = arith.constant 0 : i32
    return %arg0, %c0_i32 : i32, i32
  }
}

module attributes {stable_mosaic.version = 14 : i64} {
  func.func @_gru_body(%arg0: i32, %arg1: memref<400x256xf32, #tpu.memory_space<vmem>>, %arg2: memref<400x256xf32, #tpu.memory_space<vmem>>, %arg3: memref<400x256xf32, #tpu.memory_space<vmem>>, %arg4: memref<512x768xf32, #tpu.memory_space<vmem>>, %arg5: memref<1x768xf32, #tpu.memory_space<vmem>>, %arg6: memref<256x768xf32, #tpu.memory_space<vmem>>, %arg7: memref<1x768xf32, #tpu.memory_space<vmem>>, %arg8: memref<400x256xf32, #tpu.memory_space<vmem>>) attributes {dimension_semantics = [#tpu.dimension_semantics<arbitrary>], iteration_bounds = array<i64: 25>, scalar_prefetch = 0 : i64, scratch_operands = 0 : i64, tpu.core_type = #tpu.core_type<tc>, window_params = [{transform_indices = @transform_0, window_bounds = array<i64: 400, 256>}, {transform_indices = @transform_1, window_bounds = array<i64: 400, 256>}, {transform_indices = @transform_2, window_bounds = array<i64: 400, 256>}, {pipeline_mode = #tpu.pipeline_mode<synchronous>, transform_indices = @transform_3, window_bounds = array<i64: 512, 768>}, {pipeline_mode = #tpu.pipeline_mode<synchronous>, transform_indices = @transform_4, window_bounds = array<i64: 1, 768>}, {pipeline_mode = #tpu.pipeline_mode<synchronous>, transform_indices = @transform_5, window_bounds = array<i64: 256, 768>}, {pipeline_mode = #tpu.pipeline_mode<synchronous>, transform_indices = @transform_6, window_bounds = array<i64: 1, 768>}, {transform_indices = @transform_7, window_bounds = array<i64: 400, 256>}]} {
    %get3A = arith.constant 0 : index
    %get3A_0 = arith.constant 0 : index
    %get3A_1 = vector.load %arg4[%get3A, %get3A_0] : memref<512x768xf32, #tpu.memory_space<vmem>>, vector<512x768xf32>
    %get3A_2 = arith.constant 0 : index
    %get3A_3 = arith.constant 0 : index
    %get3A_4 = vector.load %arg3[%get3A_2, %get3A_3] : memref<400x256xf32, #tpu.memory_space<vmem>>, vector<400x256xf32>
    %get3A_5 = arith.constant 0 : index
    %get3A_6 = arith.constant 0 : index
    %get3A_7 = vector.load %arg1[%get3A_5, %get3A_6] : memref<400x256xf32, #tpu.memory_space<vmem>>, vector<400x256xf32>
    %slice3A = vector.extract_strided_slice %get3A_1 {offsets = [0, 0], sizes = [256, 768], strides = [1, 1]} : vector<512x768xf32> to vector<256x768xf32>
    %dot_general3A = arith.constant dense<0.000000e+00> : vector<400x768xf32>
    %dot_general3A_8 = tpu.matmul %get3A_7, %slice3A, %dot_general3A {dimension_numbers = #tpu.dot_dimension_numbers<[1], [0], [0], [1], [0, 0, 1, 1], [], []>, transpose_lhs_hint = false} : vector<400x256xf32>, vector<256x768xf32>, vector<400x768xf32> -> vector<400x768xf32>
    %get3A_9 = arith.constant 0 : index
    %get3A_10 = arith.constant 0 : index
    %get3A_11 = vector.load %arg2[%get3A_9, %get3A_10] : memref<400x256xf32, #tpu.memory_space<vmem>>, vector<400x256xf32>
    %slice3A_12 = vector.extract_strided_slice %get3A_1 {offsets = [256, 0], sizes = [256, 768], strides = [1, 1]} : vector<512x768xf32> to vector<256x768xf32>
    %dot_general3A_13 = arith.constant dense<0.000000e+00> : vector<400x768xf32>
    %dot_general3A_14 = tpu.matmul %get3A_11, %slice3A_12, %dot_general3A_13 {dimension_numbers = #tpu.dot_dimension_numbers<[1], [0], [0], [1], [0, 0, 1, 1], [], []>, transpose_lhs_hint = false} : vector<400x256xf32>, vector<256x768xf32>, vector<400x768xf32> -> vector<400x768xf32>
    %add3A = arith.addf %dot_general3A_8, %dot_general3A_14 : vector<400x768xf32>
    %get3A_15 = arith.constant 0 : index
    %get3A_16 = arith.constant 0 : index
    %get3A_17 = vector.load %arg5[%get3A_15, %get3A_16] : memref<1x768xf32, #tpu.memory_space<vmem>>, vector<1x768xf32>
    %add3A_18 = vector.broadcast %get3A_17 : vector<1x768xf32> to vector<400x768xf32>
    %add3A_19 = arith.addf %add3A, %add3A_18 : vector<400x768xf32>
    %get3A_20 = arith.constant 0 : index
    %get3A_21 = arith.constant 0 : index
    %get3A_22 = vector.load %arg6[%get3A_20, %get3A_21] : memref<256x768xf32, #tpu.memory_space<vmem>>, vector<256x768xf32>
    %dot_general3A_23 = arith.constant dense<0.000000e+00> : vector<400x768xf32>
    %dot_general3A_24 = tpu.matmul %get3A_4, %get3A_22, %dot_general3A_23 {dimension_numbers = #tpu.dot_dimension_numbers<[1], [0], [0], [1], [0, 0, 1, 1], [], []>, transpose_lhs_hint = false} : vector<400x256xf32>, vector<256x768xf32>, vector<400x768xf32> -> vector<400x768xf32>
    %get3A_25 = arith.constant 0 : index
    %get3A_26 = arith.constant 0 : index
    %get3A_27 = vector.load %arg7[%get3A_25, %get3A_26] : memref<1x768xf32, #tpu.memory_space<vmem>>, vector<1x768xf32>
    %add3A_28 = vector.broadcast %get3A_27 : vector<1x768xf32> to vector<400x768xf32>
    %add3A_29 = arith.addf %dot_general3A_24, %add3A_28 : vector<400x768xf32>
    %slice3A_30 = vector.extract_strided_slice %add3A_19 {offsets = [0, 0], sizes = [400, 256], strides = [1, 1]} : vector<400x768xf32> to vector<400x256xf32>
    %slice3A_31 = vector.extract_strided_slice %add3A_29 {offsets = [0, 0], sizes = [400, 256], strides = [1, 1]} : vector<400x768xf32> to vector<400x256xf32>
    %add3A_32 = arith.addf %slice3A_30, %slice3A_31 : vector<400x256xf32>
    %logistic3A = arith.negf %add3A_32 : vector<400x256xf32>
    %logistic3A_33 = math.exp %logistic3A : vector<400x256xf32>
    %logistic3A_34 = arith.constant 1.000000e+00 : f32
    %logistic3A_35 = vector.broadcast %logistic3A_34 : f32 to vector<400x256xf32>
    %logistic3A_36 = arith.addf %logistic3A_35, %logistic3A_33 : vector<400x256xf32>
    %logistic3A_37 = arith.divf %logistic3A_35, %logistic3A_36 : vector<400x256xf32>
    %slice3A_38 = vector.extract_strided_slice %add3A_19 {offsets = [0, 256], sizes = [400, 256], strides = [1, 1]} : vector<400x768xf32> to vector<400x256xf32>
    %slice3A_39 = vector.extract_strided_slice %add3A_29 {offsets = [0, 256], sizes = [400, 256], strides = [1, 1]} : vector<400x768xf32> to vector<400x256xf32>
    %add3A_40 = arith.addf %slice3A_38, %slice3A_39 : vector<400x256xf32>
    %logistic3A_41 = arith.negf %add3A_40 : vector<400x256xf32>
    %logistic3A_42 = math.exp %logistic3A_41 : vector<400x256xf32>
    %logistic3A_43 = arith.constant 1.000000e+00 : f32
    %logistic3A_44 = vector.broadcast %logistic3A_43 : f32 to vector<400x256xf32>
    %logistic3A_45 = arith.addf %logistic3A_44, %logistic3A_42 : vector<400x256xf32>
    %logistic3A_46 = arith.divf %logistic3A_44, %logistic3A_45 : vector<400x256xf32>
    %slice3A_47 = vector.extract_strided_slice %add3A_19 {offsets = [0, 512], sizes = [400, 256], strides = [1, 1]} : vector<400x768xf32> to vector<400x256xf32>
    %slice3A_48 = vector.extract_strided_slice %add3A_29 {offsets = [0, 512], sizes = [400, 256], strides = [1, 1]} : vector<400x768xf32> to vector<400x256xf32>
    %mul3A = arith.mulf %logistic3A_37, %slice3A_48 : vector<400x256xf32>
    %add3A_49 = arith.addf %slice3A_47, %mul3A : vector<400x256xf32>
    %tanh3A = math.tanh %add3A_49 : vector<400x256xf32>
    %sub3A = arith.constant 1.000000e+00 : f32
    %sub3A_50 = vector.broadcast %sub3A : f32 to vector<400x256xf32>
    %sub3A_51 = arith.subf %sub3A_50, %logistic3A_46 : vector<400x256xf32>
    %mul3A_52 = arith.mulf %sub3A_51, %tanh3A : vector<400x256xf32>
    %mul3A_53 = arith.mulf %logistic3A_46, %get3A_4 : vector<400x256xf32>
    %add3A_54 = arith.addf %mul3A_52, %mul3A_53 : vector<400x256xf32>
    %swap3A = arith.constant 0 : index
    %swap3A_55 = arith.constant 0 : index
    %swap3A_56 = vector.load %arg8[%swap3A, %swap3A_55] : memref<400x256xf32, #tpu.memory_space<vmem>>, vector<400x256xf32>
    tpu.vector_store %arg8[%swap3A, %swap3A_55], %add3A_54 {strides = array<i32>} : memref<400x256xf32, #tpu.memory_space<vmem>>, vector<400x256xf32>,
    return
  }
  func.func @transform_0(%arg0: i32) -> (i32, i32) {
    %c0_i32 = arith.constant 0 : i32
    %c0_i32_0 = arith.constant 0 : i32
    return %arg0, %c0_i32 : i32, i32
  }
  func.func @transform_1(%arg0: i32) -> (i32, i32) {
    %c0_i32 = arith.constant 0 : i32
    %c0_i32_0 = arith.constant 0 : i32
    return %arg0, %c0_i32 : i32, i32
  }
  func.func @transform_2(%arg0: i32) -> (i32, i32) {
    %c0_i32 = arith.constant 0 : i32
    %c0_i32_0 = arith.constant 0 : i32
    return %arg0, %c0_i32 : i32, i32
  }
  func.func @transform_3(%arg0: i32) -> (i32, i32) {
    %c0_i32 = arith.constant 0 : i32
    %c0_i32_0 = arith.constant 0 : i32
    %c0_i32_1 = arith.constant 0 : i32
    return %c0_i32, %c0_i32_0 : i32, i32
  }
  func.func @transform_4(%arg0: i32) -> (i32, i32) {
    %c0_i32 = arith.constant 0 : i32
    %c0_i32_0 = arith.constant 0 : i32
    %c0_i32_1 = arith.constant 0 : i32
    return %c0_i32, %c0_i32_0 : i32, i32
  }
  func.func @transform_5(%arg0: i32) -> (i32, i32) {
    %c0_i32 = arith.constant 0 : i32
    %c0_i32_0 = arith.constant 0 : i32
    %c0_i32_1 = arith.constant 0 : i32
    return %c0_i32, %c0_i32_0 : i32, i32
  }
  func.func @transform_6(%arg0: i32) -> (i32, i32) {
    %c0_i32 = arith.constant 0 : i32
    %c0_i32_0 = arith.constant 0 : i32
    %c0_i32_1 = arith.constant 0 : i32
    return %c0_i32, %c0_i32_0 : i32, i32
  }
  func.func @transform_7(%arg0: i32) -> (i32, i32) {
    %c0_i32 = arith.constant 0 : i32
    %c0_i32_0 = arith.constant 0 : i32
    return %arg0, %c0_i32 : i32, i32
  }
}

</mosaic_0001>

<sc_bundles>
// kernel: kernel.26.cloned.1.call-start
scs
__scs_entry_jumppad:
0x0: {  	(pc) =	sbr.rel $0x88, $3  }
0x1: {  	(tag) =	ssettag $0x0;
	lr =	simm.s32 $0x1  }
0x2: {  	[smem:$0x3F93] =	sst lr;
	_ =	strace $0xD0000000  }
0x3: {  	_ = 	snop  }
0x4: {  	_ = 	snop  }
0x5: {  	_ = 	snop  }
0x6: {  	_ = 	snop  }
0x7: {  	_ = 	snop  }
__scs_overlays_trampoline_lowered:
0x8: {  	[smem:$0x3FA2] =	sst s0  }
0x9: {  	[smem:$0x3FA3] =	sst s1  }
0xa: {  	[smem:$0x3FA4] =	sst s2  }
0xb: {  	[smem:$0x3FA5] =	sst s3  }
0xc: {  	[smem:$0x3FA6] =	sst s4  }
0xd: {  	[smem:$0x3FA7] =	sst s5  }
0xe: {  	[smem:$0x3FA8] =	sst s6  }
0xf: {  	[smem:$0x3FA9] =	sst s7  }
0x10: {  	[smem:$0x3FAA] =	sst s8  }
0x11: {  	[smem:$0x3FAB] =	sst s9;
	s0 =	simm.s32 @!p0 $0x0  }
0x12: {  	s1 =	sld [smem:$0x3F91];
	s0 =	simm.s32 @p0 $0x1  }
0x13: {  	[smem:$0x3FAC] =	sst s0;
	s0 =	simm.s32 @!p1 $0x0  }
0x14: {  	s2 =	sld [smem:$0x3F90];
	s0 =	simm.s32 @p1 $0x1  }
0x15: {  	[smem:$0x3FAD] =	sst s0;
	s0 =	simm.s32 @!p2 $0x0  }
0x16: {  	s3 =	sld [smem:$0x3FDB];
	s0 =	simm.s32 @p2 $0x1  }
0x17: {  	s4 =	simm.s32 $0x1BF5;
	[smem:$0x3FAF] =	sst s0  }
0x18: {  	s0 =	sld [smem:$0x3F92];
	_ =	swait.ge [sflag:s4], $0x0  }
0x19: {  	s7 =	sld [smem:$0x3F93]  }
0x1a: {  	s8 =	sadd.s32 $0xFFFFE003, lr  }
0x1b: {  	s9 =	sadd.s32 $0xFFFFFEF7, lr;
	s5 =	simm.s32 $0xFFFFFFFF;
	p2 =	slt.u32 s8, $0xFFFFF086  }
0x1c: {  	p1 =	slt.u32 s9, $0xF7A;
	s5 =	simm.s32 @!p2 $0x0  }
0x1d: {  	s5 =	simm.s32 @p1 $0x1;
	p0 =	seq.s32 s7, s2  }
0x1e: {  	s7 =	smul.u32 @!p0 $0xF7A, s2;
	p2 =	seq.s32 @!p0 s5, $0x0  }
0x1f: {  	s9 =	smul.u32 $0xF7A, s1;
	s8 =	simm.s32 @!p0 $0x1BF5;
	p2 =	por !p2, p0  }
0x20: {  	[sflag:s8] =	ssyncset.s32 @!p0 $0xFFFFF086;
	s6 =	sadd.s32 @!p0 s3, s7;
	s7 =	simm.s32 @!p0 $0x108  }
0x21: {  	s3 =	sadd.s32 s3, s9;
	s6 =	sadd.s32 @!p0 $0x88, s6;
	s7 =	simm.s32 @p2 $0x1082  }
0x22: {  	[simem:s7], [sflag:s8] =	dma.local @!p0 [hbm:s6], $0xF7A  }
0x23: {  	s9 =	sor.u32 $0xD0000000, s2;
	s6 =	simm.s32 $0x108;
	_ =	swait.ge @!p0 [sflag:s8], $0x0  }
0x24: {  	s3 =	sadd.s32 $0x88, s3;
	s6 =	simm.s32 @!p1 $0x1082;
	[sflag:s4] =	ssyncset.s32 $0xFFFFF086  }
0x25: {  	[simem:s6], [sflag:s4] =	dma.local [hbm:s3], $0xF7A  }
0x26: {  	[smem:$0x3F93] =	sst s1;
	(tag) =	ssettag s2;
	_ =	strace s9  }
0x27: {  	s1 =	sld [smem:$0x3FA3]  }
0x28: {  	s2 =	sld [smem:$0x3FA4]  }
0x29: {  	s4 =	sld [smem:$0x3FA6]  }
0x2a: {  	p0 =	seq.s32 s5, $0x0;
	s5 =	sld [smem:$0x3FA7]  }
0x2b: {  	s6 =	sld [smem:$0x3FA8]  }
0x2c: {  	s7 =	sld [smem:$0x3FA9]  }
0x2d: {  	s3 =	simm.s32 $0x108;
	s8 =	sld [smem:$0x3FAA]  }
0x2e: {  	s3 =	simm.s32 @!p0 $0x1082;
	s9 =	sld [smem:$0x3FAB]  }
0x2f: {  	lr =	sadd.s32 s0, s3;
	s0 =	sld [smem:$0x3FA2]  }
0x30: {  	s3 =	sld [smem:$0x3FA5]  }
0x31: {  	[smem:$0x3FAE] =	sst s10  }
0x32: {  	s10 =	sld [smem:$0x3FAC];
	_ =	sdelay $0x3  }
0x33: {  	p0 =	seq.s32 s10, $0x1;
	s10 =	sld [smem:$0x3FAE];
	_ =	sdelay $0x3  }
0x34: {  	[smem:$0x3FAE] =	sst s10  }
0x35: {  	s10 =	sld [smem:$0x3FAD];
	_ =	sdelay $0x3  }
0x36: {  	p1 =	seq.s32 s10, $0x1;
	s10 =	sld [smem:$0x3FAE];
	_ =	sdelay $0x3  }
0x37: {  	[smem:$0x3FAE] =	sst s10  }
0x38: {  	s10 =	sld [smem:$0x3FAF]  }
0x39: {  	_ = 	snop;
	(pc) =	sbr.ind lr, $3  }
0x3a: {  	_ = 	snop  }
0x3b: {  	_ = 	snop  }
0x3c: {  	p2 =	seq.s32 s10, $0x1;
	s10 =	sld [smem:$0x3FAE]  }
0x3d: {  	_ =	shalt  }
0x3e: {  	_ =	shalt  }
0x3f: {  	_ =	shalt  }
0x40: {  	_ =	shalt  }
0x41: {  	_ =	shalt  }
0x42: {  	_ =	shalt  }
0x43: {  	_ =	shalt  }
0x44: {  	_ =	shalt  }
0x45: {  	_ =	shalt  }
0x46: {  	_ =	shalt  }
0x47: {  	_ =	shalt  }
0x48: {  	_ =	shalt  }
0x49: {  	_ =	shalt  }
0x4a: {  	_ =	shalt  }
0x4b: {  	_ =	shalt  }
0x4c: {  	_ =	shalt  }
0x4d: {  	_ =	shalt  }
0x4e: {  	_ =	shalt  }
0x4f: {  	_ =	shalt  }
0x50: {  	_ =	shalt  }
0x51: {  	_ =	shalt  }
0x52: {  	_ =	shalt  }
0x53: {  	_ =	shalt  }
0x54: {  	_ =	shalt  }
0x55: {  	_ =	shalt  }
0x56: {  	_ =	shalt  }
0x57: {  	_ =	shalt  }
0x58: {  	_ =	shalt  }
0x59: {  	_ =	shalt  }
0x5a: {  	_ =	shalt  }
0x5b: {  	_ =	shalt  }
0x5c: {  	_ =	shalt  }
0x5d: {  	_ =	shalt  }
0x5e: {  	_ =	shalt  }
0x5f: {  	_ =	shalt  }
0x60: {  	_ =	shalt  }
0x61: {  	_ =	shalt  }
0x62: {  	_ =	shalt  }
0x63: {  	_ =	shalt  }
0x64: {  	_ =	shalt  }
0x65: {  	_ =	shalt  }
0x66: {  	_ =	shalt  }
0x67: {  	_ =	shalt  }
0x68: {  	_ =	shalt  }
0x69: {  	_ =	shalt  }
0x6a: {  	_ =	shalt  }
0x6b: {  	_ =	shalt  }
0x6c: {  	_ =	shalt  }
0x6d: {  	_ =	shalt  }
0x6e: {  	_ =	shalt  }
0x6f: {  	_ =	shalt  }
0x70: {  	_ =	shalt  }
0x71: {  	_ =	shalt  }
0x72: {  	_ =	shalt  }
0x73: {  	_ =	shalt  }
0x74: {  	_ =	shalt  }
0x75: {  	_ =	shalt  }
0x76: {  	_ =	shalt  }
0x77: {  	_ =	shalt  }
0x78: {  	_ =	shalt  }
0x79: {  	_ =	shalt  }
0x7a: {  	_ =	shalt  }
0x7b: {  	_ =	shalt  }
0x7c: {  	_ =	shalt  }
0x7d: {  	_ =	shalt  }
0x7e: {  	_ =	shalt  }
0x7f: {  	_ =	shalt  }
0x80: {  	_ =	shalt  }
0x81: {  	_ =	shalt  }
0x82: {  	_ =	shalt  }
0x83: {  	_ =	shalt  }
0x84: {  	_ =	shalt  }
0x85: {  	_ =	shalt  }
0x86: {  	_ =	shalt  }
0x87: {  	_ =	shalt  }
.Lfunc_end0:
.L_simem_size_0:
called_computation_lowered:
.L_overlay_start_0:
0x88: {  	s2 =	sld [smem:$0x3FD9]  }
0x89: {  	s3 =	sld [smem:$0x3FFE];
	_ =	sdelay $0x1  }
0x8a: {  	s1 =	srdreg.scid  }
0x8b: {  	s0 =	sand.u32 $0x1, s1  }
0x8c: {  	s17 =	sshll.u32 s0, $0xA;
	s2 =	sadd.s32 s3, s2  }
0x8d: {  	s2 =	sadd.s32 s2, s17  }
0x8e: {  	[smem:$0x3FBA] =	sst s2  }
0x8f: {  	_ = 	snop  }
0x90: {  	s2 =	sld [smem:$0x3FD0];
	(tm) =	ssettm $0x1  }
0x91: {  	s18 =	sld [smem:$0x3FFB];
	_ =	sdelay $0x3  }
0x92: {  	_ =	strace s18  }
0x93: {  	s3 =	sld [smem:$0x3FFC];
	_ =	sdelay $0x3  }
0x94: {  	_ =	strace s3  }
0x95: {  	s3 =	sld [smem:$0x3FFD];
	_ =	sdelay $0x3  }
0x96: {  	_ =	strace s3  }
0x97: {  	_ =	strace $0x8FFFFFFF  }
0x98: {  	s19 =	sld [smem:$0x3FDB];
	_ =	sdelay $0x1  }
0x99: {  	s4 =	simm.s32 $_scs_section_size  }
0x9a: {  	s5 =	simm.s32 $_size__tile_overlayer_lowered;
	s6 =	simm.s32 $_tile_overlayer_lowered  }
0x9b: {  	s22 =	simm.s32 $0x1BFF;
	s21 =	sshll.u32 s6, $0x1;
	s3 =	sadd.s32 s4, s19  }
0x9c: {  	s7 =	simm.s32 $0x0;
	s20 =	sshll.u32 s5, $0x1;
	s5 =	sadd.s32 s21, s3  }
0x9d: {  	[timem:s7], [sflag:s22] =	dma.local [hbm:s5], s20  }
0x9e: {  	_ =	swait.ge [sflag:s22], s20  }
0x9f: {  	s4 =	ssub.s32 $0x0, s20;
	[sflag:s22] =	ssyncset.done $0x0  }
0xa0: {  	[sflag:s22] =	ssyncadd.s32 s4;
	_ =	sdelay $0x1  }
0xa1: {  	s23 =	simm.s32 $0x1B8B  }
0xa2: {  	_ =	swait.ge [sflag:s23], $0x1  }
0xa3: {  	[sflag:s23] =	ssyncset.done $0x0  }
0xa4: {  	s25 =	simm.s32 $0x1B8E;
	s24 =	sld [smem:$0x3FFE];
	[sflag:s23] =	ssyncadd.s32 $0xFFFFFFFF  }
0xa5: {  	s26 =	simm.s32 $execute0_lowered;
	[smem:$0x3FD2] =	sst s25  }
0xa6: {  	s5 =	sshll.u32 s26, $0x1;
	_ =	strace $0x80000046;
	[dreg:$0x1] =	wrdreg $0xFFFFFFFF  }
0xa7: {  	s28 =	simm.s32 $_size_execute0_lowered;
	s3 =	sadd.s32 s3, s5;
	[dreg:$0x0] =	wrdreg $0x0  }
0xa8: {  	s5 =	sshll.u32 s28, $0x1;
	[dreg:$0x2] =	wrdreg s3  }
0xa9: {  	[dreg:$0x3] =	wrdreg s5  }
0xaa: {  	[dreg:$0x4] =	wrdreg $0xC0  }
0xab: {  	_ =	task [dreg:s7], $0x5FFFF  }
0xac: {  	[dreg:$0x1] =	wrdreg $0xFFFFFFFF  }
0xad: {  	[dreg:$0x0] =	wrdreg $0x60  }
0xae: {  	[dreg:$0x2] =	wrdreg s24  }
0xaf: {  	[dreg:$0x3] =	wrdreg s2  }
0xb0: {  	[dreg:$0x4] =	wrdreg $0x68800  }
0xb1: {  	[dreg:$0x5] =	wrdreg $0x9  }
0xb2: {  	_ =	task.clear_ibuf [dreg:s7], $0x6FFFF;
	_ =	strace $0x90000046  }
0xb3: {  	s29 =	simm.s32 $0x9;
	_ =	strace $0x80000048  }
0xb4: {  	_ =	swait.ge [sflag:s29], $0x1  }
0xb5: {  	[sflag:s29] =	ssyncadd.s32 $0xFFFFFFFF  }
0xb6: {  	_ =	strace $0x90000048  }
0xb7: {  	_ =	sfence  }
0xb8: {  	s30 =	sld [smem:$0x0];
	_ =	sdelay $0x2  }
0xb9: {  	s31 =	sshll.u32 s1, $0xD;
	s1 =	sshrl.u32 s1, $0x2  }
0xba: {  	s3 =	sand.u32 $0x4000, s31;
	s1 =	sadd.s32 s1, s30  }
0xbb: {  	s0 =	sor.u32 s3, s0;
	s1 =	sshll.u32 s1, $0x11  }
0xbc: {  	s0 =	sor.u32 s1, s0  }
0xbd: {  	s0 =	sadd.s32 $0x8F2B, s0  }
0xbe: {  	[sflag:s0] =	ssyncadd.remote.s32 $0x1  }
0xbf: {  	_ =	sfence.sel $0xFFFF  }
0xc0: {  	[dreg:$0x0] =	wrdreg $0xFFFFFFFF;
	(pc) =	sbr.abs _section_cstart, $3  }
0xc1: {  	[dreg:$0x1] =	wrdreg $0xFFFFFFFF  }
0xc2: {  	_ =	task.clear_ibuf [dreg:s7], $0x2FFFF;
	_ =	strace $0x9FFFFFFF  }
0xc3: {  	(tm) =	ssettm $0x7FFFFFFF  }
tec
execute0_lowered:
.L_overlay_start_1:
0x0: {  	(tag) =	ssettag $0x1  }
0x1: {  	s4 =	rddreg [dreg:$0x0]  }
0x2: {  	s1 =	srdreg.scid;
	s18 =	rddreg [dreg:$0x1]  }
0x3: {  	s0 =	stileid.u32;
	s2 =	rddreg [dreg:$0x2];
	s3 =	simm.s32 $0x0  }
0x4: {  	s5 =	sand.u32 $0x1, s1;
	s6 =	smul.u32 $0x4E20, s0;
	s1 =	rddreg [dreg:$0x3]  }
0x5: {  	[smem:$0x7FF] =	sst s3;
	s24 =	sshll.u32 s0, $0xE;
	s15 =	sshll.u32 s0, $0x7  }
0x6: {  	s7 =	smul.u32 $0x2710, s5;
	_ =	strace $0x80000047;
	s22 =	ssub.s32 $0x2, s5  }
0x7: {  	s16 =	smul.u32 $0x2800, s5;
	s11 =	sor.u32 $0x800, s15;
	s26 =	sor.u32 $0x1000, s15  }
0x8: {  	s29 =	sor.u32 $0x1800, s15;
	s21 =	sor.u32 $0x2000, s15;
	s23 =	sshrl.u32 s22, $0x1  }
0x9: {  	s12 =	sshll.u32 s11, $0x7;
	s14 =	sshll.u32 s26, $0x7;
	s20 =	sshll.u32 s29, $0x7  }
0xa: {  	s30 =	sshll.u32 s21, $0x7;
	s6 =	sadd.s32 s7, s6;
	s7 =	ssub.s32 s22, s23  }
0xb: {  	s10 =	sor.u32 s16, s15;
	s13 =	sadd.s32 s16, s11;
	s11 =	sadd.s32 s12, s2  }
0xc: {  	s17 =	sadd.s32 s16, s26;
	s15 =	sadd.s32 s20, s2;
	s20 =	simm.s32 $0x2880  }
0xd: {  	s22 =	simm.s32 $0x50;
	s23 =	simm.s32 $0x80;
	s6 =	sshrl.u32 s6, $0x3  }
0xe: {  	s5 =	smax.u32 s7, $0x1;
	s10 =	sshll.u32 s10, $0x4;
	s25 =	sshll.u32 s13, $0x4  }
0xf: {  	s13 =	sadd.s32 s14, s2;
	s28 =	sshll.u32 s17, $0x4;
	s17 =	sadd.s32 s16, s29  }
0x10: {  	s16 =	sadd.s32 s16, s21;
	s21 =	simm.s32 $0x1;
	s19 =	sadd.s32 s6, s4  }
0x11: {  	s4 =	sadd.s32 s24, s2;
	s10 =	sadd.s32 s18, s10;
	s12 =	sadd.s32 s18, s25  }
0x12: {  	s14 =	sadd.s32 s18, s28;
	s17 =	sshll.u32 s17, $0x4;
	s31 =	sshll.u32 s16, $0x4  }
0x13: {  	s24 =	simm.s32 $0x0;
	s6 =	sadd.s32 $0x40000, s4;
	s7 =	sadd.s32 $0x80000, s4  }
0x14: {  	s8 =	sadd.s32 $0xC0000, s4;
	s9 =	sadd.s32 $0x100000, s4;
	s16 =	sadd.s32 s18, s17  }
0x15: {  	v0 =	vimm.f32 $0.0e+00;
	v1 =	vimm.f32 $1.000000000e+00;
	s17 =	sadd.s32 s30, s2;
	s18 =	sadd.s32 s18, s31;
	s19 =	sadd.s32 $0xAE00, s19  }
.LBB2_1:
0x16: {  	s25 =	simm.s32 $0x0;
	s26 =	simm.s32 $0x200  }
.LBB2_2:
0x17: {  	p0 =	sne.s32 s26, $0xFE00;
	[tilespmem:s25+$0x28F0] =	vst v0  }
0x18: {  	[tilespmem:s25+$0x2880] =	vst v0  }
0x19: {  	[tilespmem:s25+$0x2890] =	vst v0  }
.Ltmp0:
0x1a: {  	[tilespmem:s25+$0x28A0] =	vst v0;
	(pc) =	sbr.rel @p0 .LBB2_2-.Ltmp0, $4  }
0x1b: {  	[tilespmem:s25+$0x28B0] =	vst v0  }
0x1c: {  	[tilespmem:s25+$0x28C0] =	vst v0  }
0x1d: {  	[tilespmem:s25+$0x28D0] =	vst v0  }
0x1e: {  	[tilespmem:s25+$0x28E0] =	vst v0;
	s25 =	sshra.s32 s26, $0x2;
	s26 =	sadd.s32 $0x200, s26  }
0x1f: {  	[tilespmem:s25+$0x28F0] =	vst v0  }
0x20: {  	[tilespmem:s25+$0x2880] =	vst v0  }
0x21: {  	[tilespmem:s25+$0x2890] =	vst v0  }
0x22: {  	[tilespmem:s25+$0x28A0] =	vst v0  }
0x23: {  	[tilespmem:s25+$0x28B0] =	vst v0  }
0x24: {  	[tilespmem:s25+$0x28C0] =	vst v0  }
0x25: {  	[tilespmem:s25+$0x28D0] =	vst v0  }
0x26: {  	[tilespmem:s25+$0x28E0] =	vst v0;
	s25 =	simm.s32 $0x0;
	s26 =	simm.s32 $0x200  }
.LBB2_4:
0x27: {  	p0 =	sne.s32 s26, $0x9E00;
	[tilespmem:s25+$0xF0] =	vst v1  }
0x28: {  	[tilespmem:s25+$0x80] =	vst v1  }
0x29: {  	[tilespmem:s25+$0x90] =	vst v1  }
.Ltmp1:
0x2a: {  	[tilespmem:s25+$0xA0] =	vst v1;
	(pc) =	sbr.rel @p0 .LBB2_4-.Ltmp1, $4  }
0x2b: {  	[tilespmem:s25+$0xB0] =	vst v1  }
0x2c: {  	[tilespmem:s25+$0xC0] =	vst v1  }
0x2d: {  	[tilespmem:s25+$0xD0] =	vst v1  }
0x2e: {  	[tilespmem:s25+$0xE0] =	vst v1;
	s25 =	sshra.s32 s26, $0x2;
	s26 =	sadd.s32 $0x200, s26  }
0x2f: {  	[tilespmem:s25+$0xF0] =	vst v1  }
0x30: {  	[tilespmem:s25+$0x80] =	vst v1  }
0x31: {  	[tilespmem:s25+$0x90] =	vst v1  }
0x32: {  	[tilespmem:s25+$0xA0] =	vst v1  }
0x33: {  	[tilespmem:s25+$0xB0] =	vst v1  }
0x34: {  	[tilespmem:s25+$0xC0] =	vst v1  }
0x35: {  	[tilespmem:s25+$0xD0] =	vst v1  }
0x36: {  	[tilespmem:s25+$0xE0] =	vst v1  }
0x37: {  	[spmem:s4] =	stream.linear.scatter [tilespmem:s20], [sflag:$0x1], $0x4000, $0x38;
	[tilespmem:$0x1A880] =	vst v63  }
0x38: {  	_ =	swait.ge [sflag:s21], $0x4000  }
0x39: {  	[sflag:s21] =	ssyncset.done $0x0  }
0x3a: {  	[sflag:s21] =	ssyncadd.s32 $0xFFFFC000  }
0x3b: {  	[spmem:s6] =	stream.linear.scatter [tilespmem:s20], [sflag:$0x1], $0x4000, $0x38;
	[tilespmem:$0x1A880] =	vst v63  }
0x3c: {  	_ =	swait.ge [sflag:s21], $0x4000  }
0x3d: {  	[sflag:s21] =	ssyncset.done $0x0  }
0x3e: {  	[sflag:s21] =	ssyncadd.s32 $0xFFFFC000  }
0x3f: {  	[spmem:s7] =	stream.linear.scatter [tilespmem:s20], [sflag:$0x1], $0x4000, $0x38;
	[tilespmem:$0x1A880] =	vst v63  }
0x40: {  	_ =	swait.ge [sflag:s21], $0x4000  }
0x41: {  	[sflag:s21] =	ssyncset.done $0x0  }
0x42: {  	[sflag:s21] =	ssyncadd.s32 $0xFFFFC000  }
0x43: {  	[spmem:s8] =	stream.linear.scatter [tilespmem:s20], [sflag:$0x1], $0x4000, $0x38;
	[tilespmem:$0x1A880] =	vst v63  }
0x44: {  	_ =	swait.ge [sflag:s21], $0x4000  }
0x45: {  	[sflag:s21] =	ssyncset.done $0x0  }
0x46: {  	[sflag:s21] =	ssyncadd.s32 $0xFFFFC000  }
0x47: {  	[spmem:s9] =	stream.linear.scatter [tilespmem:s20], [sflag:$0x1], $0x4000, $0x38;
	[tilespmem:$0x1A880] =	vst v63  }
0x48: {  	_ =	swait.ge [sflag:s21], $0x4000  }
0x49: {  	[sflag:s21] =	ssyncset.done $0x0  }
0x4a: {  	[sflag:s21] =	ssyncadd.s32 $0xFFFFC000  }
0x4b: {  	s31 =	sadd.s32 $0x0, s19;
	[bflag:$0x0] =	sbarrier.arrive $0xFFFF  }
0x4c: {  	[tilespmem:s3], [sflag:$0x1] =	stream.linear.gather [hbm4b:s31+s3], $0x50, $0x38;
	[tilespmem:$0x1A880] =	vst v63  }
0x4d: {  	_ =	swait.ge [sflag:s21], $0x50  }
0x4e: {  	[sflag:s21] =	ssyncset.done $0x0  }
0x4f: {  	[sflag:s21] =	ssyncadd.s32 $0xFFFFFFB0  }
0x50: {  	[spmem:s2] =	stream.indirect.scatter.add.f32 [tilespmem:s23], [sflag:$0x1], $0x80, s3, s22, $0xb8;
	[tilespmem:$0x1A880] =	vst v63  }
0x51: {  	_ =	swait.ge [sflag:s21], $0x2800  }
0x52: {  	s25 =	simm.s32 $0xA;
	s26 =	simm.s32 $0x14;
	[sflag:s21] =	ssyncset.done $0x0  }
.LBB2_6:
0x53: {  	s28 =	sadd.s32 s25, s19  }
0x54: {  	[sflag:s21] =	ssyncadd.s32 $0xFFFFD800;
	s25 =	smov.u32 s26;
	s29 =	sadd.s32 $0xA, s26  }
0x55: {  	[tilespmem:s3], [sflag:$0x1] =	stream.linear.gather [hbm4b:s28+s3], $0x50, $0x38;
	[tilespmem:$0x1A880] =	vst v63  }
0x56: {  	p0 =	sne.s32 s26, $0x4D8;
	_ =	swait.ge [sflag:s21], $0x50  }
.Ltmp2:
0x57: {  	[sflag:s21] =	ssyncset.done $0x0;
	(pc) =	sbr.rel @p0 .LBB2_6-.Ltmp2, $4  }
0x58: {  	[sflag:s21] =	ssyncadd.s32 $0xFFFFFFB0  }
0x59: {  	[spmem:s2] =	stream.indirect.scatter.add.f32 [tilespmem:s23], [sflag:$0x1], $0x80, s3, s22, $0xb8;
	[tilespmem:$0x1A880] =	vst v63  }
0x5a: {  	_ =	swait.ge [sflag:s21], $0x2800  }
0x5b: {  	s26 =	smov.u32 s29;
	[sflag:s21] =	ssyncset.done $0x0  }
0x5c: {  	s25 =	sadd.s32 s25, s19;
	[sflag:s21] =	ssyncadd.s32 $0xFFFFD800  }
0x5d: {  	[tilespmem:s3], [sflag:$0x1] =	stream.linear.gather [hbm4b:s25+s3], $0x50, $0x38;
	[tilespmem:$0x1A880] =	vst v63  }
0x5e: {  	_ =	swait.ge [sflag:s21], $0x50  }
0x5f: {  	[sflag:s21] =	ssyncset.done $0x0  }
0x60: {  	[sflag:s21] =	ssyncadd.s32 $0xFFFFFFB0  }
0x61: {  	[spmem:s2] =	stream.indirect.scatter.add.f32 [tilespmem:s23], [sflag:$0x1], $0x80, s3, s22, $0xb8;
	[tilespmem:$0x1A880] =	vst v63  }
0x62: {  	_ =	swait.ge [sflag:s21], $0x2800  }
0x63: {  	[sflag:s21] =	ssyncset.done $0x0  }
0x64: {  	[sflag:s21] =	ssyncadd.s32 $0xFFFFD800  }
0x65: {  	[bflag:$0x0] =	sbarrier.arrive $0xFFFF  }
0x66: {  	[tilespmem:s20], [sflag:$0x1] =	stream.linear.gather [spmem:s4], $0x4000, $0x38;
	[tilespmem:$0x1A880] =	vst v63  }
0x67: {  	_ =	swait.ge [sflag:s21], $0x4000  }
0x68: {  	[sflag:s21] =	ssyncset.done $0x0  }
0x69: {  	[sflag:s21] =	ssyncadd.s32 $0xFFFFC000  }
0x6a: {  	[hbm4b:s10+s3] =	stream.linear.scatter [tilespmem:s20], [sflag:$0x1], $0x4000, $0x38;
	[tilespmem:$0x1A880] =	vst v63  }
0x6b: {  	_ =	swait.ge [sflag:s21], $0x4000  }
0x6c: {  	[sflag:s21] =	ssyncset.done $0x0  }
0x6d: {  	[sflag:s21] =	ssyncadd.s32 $0xFFFFC000  }
0x6e: {  	[tilespmem:s20], [sflag:$0x1] =	stream.linear.gather [spmem:s11], $0x4000, $0x38;
	[tilespmem:$0x1A880] =	vst v63  }
0x6f: {  	_ =	swait.ge [sflag:s21], $0x4000  }
0x70: {  	[sflag:s21] =	ssyncset.done $0x0  }
0x71: {  	[sflag:s21] =	ssyncadd.s32 $0xFFFFC000  }
0x72: {  	[hbm4b:s12+s3] =	stream.linear.scatter [tilespmem:s20], [sflag:$0x1], $0x4000, $0x38;
	[tilespmem:$0x1A880] =	vst v63  }
0x73: {  	_ =	swait.ge [sflag:s21], $0x4000  }
0x74: {  	[sflag:s21] =	ssyncset.done $0x0  }
0x75: {  	[sflag:s21] =	ssyncadd.s32 $0xFFFFC000  }
0x76: {  	[tilespmem:s20], [sflag:$0x1] =	stream.linear.gather [spmem:s13], $0x4000, $0x38;
	[tilespmem:$0x1A880] =	vst v63  }
0x77: {  	_ =	swait.ge [sflag:s21], $0x4000  }
0x78: {  	[sflag:s21] =	ssyncset.done $0x0  }
0x79: {  	[sflag:s21] =	ssyncadd.s32 $0xFFFFC000  }
0x7a: {  	[hbm4b:s14+s3] =	stream.linear.scatter [tilespmem:s20], [sflag:$0x1], $0x4000, $0x38;
	[tilespmem:$0x1A880] =	vst v63  }
0x7b: {  	_ =	swait.ge [sflag:s21], $0x4000  }
0x7c: {  	[sflag:s21] =	ssyncset.done $0x0  }
0x7d: {  	[sflag:s21] =	ssyncadd.s32 $0xFFFFC000  }
0x7e: {  	[tilespmem:s20], [sflag:$0x1] =	stream.linear.gather [spmem:s15], $0x4000, $0x38;
	[tilespmem:$0x1A880] =	vst v63  }
0x7f: {  	_ =	swait.ge [sflag:s21], $0x4000  }
0x80: {  	[sflag:s21] =	ssyncset.done $0x0  }
0x81: {  	[sflag:s21] =	ssyncadd.s32 $0xFFFFC000  }
0x82: {  	[hbm4b:s16+s3] =	stream.linear.scatter [tilespmem:s20], [sflag:$0x1], $0x4000, $0x38;
	[tilespmem:$0x1A880] =	vst v63  }
0x83: {  	_ =	swait.ge [sflag:s21], $0x4000  }
0x84: {  	[sflag:s21] =	ssyncset.done $0x0  }
0x85: {  	[sflag:s21] =	ssyncadd.s32 $0xFFFFC000  }
0x86: {  	[tilespmem:s20], [sflag:$0x1] =	stream.linear.gather [spmem:s17], $0x4000, $0x38;
	[tilespmem:$0x1A880] =	vst v63  }
0x87: {  	s24 =	sadd.s32 $0x1, s24;
	_ =	swait.ge [sflag:s21], $0x4000  }
0x88: {  	p0 =	sne.s32 s24, s5;
	[sflag:s21] =	ssyncset.done $0x0  }
.Ltmp3:
0x89: {  	[sflag:s21] =	ssyncadd.s32 $0xFFFFC000;
	(pc) =	sbr.rel @p0 .LBB2_1-.Ltmp3, $4  }
0x8a: {  	[hbm4b:s18+s3] =	stream.linear.scatter [tilespmem:s20], [sflag:$0x1], $0x4000, $0x38;
	[tilespmem:$0x1A880] =	vst v63  }
0x8b: {  	_ =	swait.ge [sflag:s21], $0x4000  }
0x8c: {  	[sflag:s21] =	ssyncset.done $0x0  }
0x8d: {  	[sflag:s21] =	ssyncadd.s32 $0xFFFFC000  }
0x8e: {  	_ =	sfence.sel $0x180000  }
0x8f: {  	[bflag:$0x0] =	sbarrier.arrive $0xFFFF  }
0x90: {  	p0 =	sne.s32 s0, $0x0;
	_ =	strace $0x90000047  }
0x91: {  	s0 =	sadd.s32 @!p0 $0x100000, s1;
	[bflag:$0x2] =	sbarrier.arrive $0xFFFF  }
0x92: {  	[sflag:s0] =	ssyncadd.tile.s32 @!p0 $0x1;
	_ =	shalt  }
.Lfunc_end2:
_tile_overlayer_lowered:
.L_overlay_start_2:
0x93: {  	(tag) =	ssettag $0x2  }
0x94: {  	s0 =	rddreg [dreg:$0x0];
	s2 =	stileid.u32  }
0x95: {  	s1 =	rddreg [dreg:$0x1];
	p0 =	sne.s32 s2, $0x0  }
0x96: {  	s3 =	rddreg [dreg:$0x2];
	[bflag:$0x3] =	sbarrier.arrive $0xFFFF;
	s2 =	simm.s32 @!p0 $0x1C01  }
0x97: {  	[timem:s3], [sflag:s2] =	dma.local @!p0 [hbm:s0], s1  }
0x98: {  	s0 =	simm.s32 @!p0 $0x1  }
0x99: {  	_ =	swait.ge @!p0 [sflag:s0], s1  }
0x9a: {  	s1 =	ssub.s32 @!p0 $0x0, s1;
	[sflag:s0] =	ssyncset.done @!p0 $0x0  }
0x9b: {  	[sflag:s0] =	ssyncadd.s32 @!p0 s1  }
0x9c: {  	[bflag:$0x3] =	sbarrier.arrive $0xFFFF  }
0x9d: {  	_ =	shalt  }

// kernel: kernel.29.cloned.1.call-start
scs
__scs_entry_jumppad:
0x0: {  	(pc) =	sbr.rel $0x88, $3  }
0x1: {  	(tag) =	ssettag $0x0;
	lr =	simm.s32 $0x1  }
0x2: {  	[smem:$0x3F93] =	sst lr;
	_ =	strace $0xD0000000  }
0x3: {  	_ = 	snop  }
0x4: {  	_ = 	snop  }
0x5: {  	_ = 	snop  }
0x6: {  	_ = 	snop  }
0x7: {  	_ = 	snop  }
__scs_overlays_trampoline_lowered:
0x8: {  	[smem:$0x3FA2] =	sst s0  }
0x9: {  	[smem:$0x3FA3] =	sst s1  }
0xa: {  	[smem:$0x3FA4] =	sst s2  }
0xb: {  	[smem:$0x3FA5] =	sst s3  }
0xc: {  	[smem:$0x3FA6] =	sst s4  }
0xd: {  	[smem:$0x3FA7] =	sst s5  }
0xe: {  	[smem:$0x3FA8] =	sst s6  }
0xf: {  	[smem:$0x3FA9] =	sst s7  }
0x10: {  	[smem:$0x3FAA] =	sst s8  }
0x11: {  	[smem:$0x3FAB] =	sst s9;
	s0 =	simm.s32 @!p0 $0x0  }
0x12: {  	s1 =	sld [smem:$0x3F91];
	s0 =	simm.s32 @p0 $0x1  }
0x13: {  	[smem:$0x3FAC] =	sst s0;
	s0 =	simm.s32 @!p1 $0x0  }
0x14: {  	s2 =	sld [smem:$0x3F90];
	s0 =	simm.s32 @p1 $0x1  }
0x15: {  	[smem:$0x3FAD] =	sst s0;
	s0 =	simm.s32 @!p2 $0x0  }
0x16: {  	s3 =	sld [smem:$0x3FDB];
	s0 =	simm.s32 @p2 $0x1  }
0x17: {  	s4 =	simm.s32 $0x1BF5;
	[smem:$0x3FAF] =	sst s0  }
0x18: {  	s0 =	sld [smem:$0x3F92];
	_ =	swait.ge [sflag:s4], $0x0  }
0x19: {  	s7 =	sld [smem:$0x3F93]  }
0x1a: {  	s8 =	sadd.s32 $0xFFFFE003, lr  }
0x1b: {  	s9 =	sadd.s32 $0xFFFFFEF7, lr;
	s5 =	simm.s32 $0xFFFFFFFF;
	p2 =	slt.u32 s8, $0xFFFFF086  }
0x1c: {  	p1 =	slt.u32 s9, $0xF7A;
	s5 =	simm.s32 @!p2 $0x0  }
0x1d: {  	s5 =	simm.s32 @p1 $0x1;
	p0 =	seq.s32 s7, s2  }
0x1e: {  	s7 =	smul.u32 @!p0 $0xF7A, s2;
	p2 =	seq.s32 @!p0 s5, $0x0  }
0x1f: {  	s9 =	smul.u32 $0xF7A, s1;
	s8 =	simm.s32 @!p0 $0x1BF5;
	p2 =	por !p2, p0  }
0x20: {  	[sflag:s8] =	ssyncset.s32 @!p0 $0xFFFFF086;
	s6 =	sadd.s32 @!p0 s3, s7;
	s7 =	simm.s32 @!p0 $0x108  }
0x21: {  	s3 =	sadd.s32 s3, s9;
	s6 =	sadd.s32 @!p0 $0x88, s6;
	s7 =	simm.s32 @p2 $0x1082  }
0x22: {  	[simem:s7], [sflag:s8] =	dma.local @!p0 [hbm:s6], $0xF7A  }
0x23: {  	s9 =	sor.u32 $0xD0000000, s2;
	s6 =	simm.s32 $0x108;
	_ =	swait.ge @!p0 [sflag:s8], $0x0  }
0x24: {  	s3 =	sadd.s32 $0x88, s3;
	s6 =	simm.s32 @!p1 $0x1082;
	[sflag:s4] =	ssyncset.s32 $0xFFFFF086  }
0x25: {  	[simem:s6], [sflag:s4] =	dma.local [hbm:s3], $0xF7A  }
0x26: {  	[smem:$0x3F93] =	sst s1;
	(tag) =	ssettag s2;
	_ =	strace s9  }
0x27: {  	s1 =	sld [smem:$0x3FA3]  }
0x28: {  	s2 =	sld [smem:$0x3FA4]  }
0x29: {  	s4 =	sld [smem:$0x3FA6]  }
0x2a: {  	p0 =	seq.s32 s5, $0x0;
	s5 =	sld [smem:$0x3FA7]  }
0x2b: {  	s6 =	sld [smem:$0x3FA8]  }
0x2c: {  	s7 =	sld [smem:$0x3FA9]  }
0x2d: {  	s3 =	simm.s32 $0x108;
	s8 =	sld [smem:$0x3FAA]  }
0x2e: {  	s3 =	simm.s32 @!p0 $0x1082;
	s9 =	sld [smem:$0x3FAB]  }
0x2f: {  	lr =	sadd.s32 s0, s3;
	s0 =	sld [smem:$0x3FA2]  }
0x30: {  	s3 =	sld [smem:$0x3FA5]  }
0x31: {  	[smem:$0x3FAE] =	sst s10  }
0x32: {  	s10 =	sld [smem:$0x3FAC];
	_ =	sdelay $0x3  }
0x33: {  	p0 =	seq.s32 s10, $0x1;
	s10 =	sld [smem:$0x3FAE];
	_ =	sdelay $0x3  }
0x34: {  	[smem:$0x3FAE] =	sst s10  }
0x35: {  	s10 =	sld [smem:$0x3FAD];
	_ =	sdelay $0x3  }
0x36: {  	p1 =	seq.s32 s10, $0x1;
	s10 =	sld [smem:$0x3FAE];
	_ =	sdelay $0x3  }
0x37: {  	[smem:$0x3FAE] =	sst s10  }
0x38: {  	s10 =	sld [smem:$0x3FAF]  }
0x39: {  	_ = 	snop;
	(pc) =	sbr.ind lr, $3  }
0x3a: {  	_ = 	snop  }
0x3b: {  	_ = 	snop  }
0x3c: {  	p2 =	seq.s32 s10, $0x1;
	s10 =	sld [smem:$0x3FAE]  }
0x3d: {  	_ =	shalt  }
0x3e: {  	_ =	shalt  }
0x3f: {  	_ =	shalt  }
0x40: {  	_ =	shalt  }
0x41: {  	_ =	shalt  }
0x42: {  	_ =	shalt  }
0x43: {  	_ =	shalt  }
0x44: {  	_ =	shalt  }
0x45: {  	_ =	shalt  }
0x46: {  	_ =	shalt  }
0x47: {  	_ =	shalt  }
0x48: {  	_ =	shalt  }
0x49: {  	_ =	shalt  }
0x4a: {  	_ =	shalt  }
0x4b: {  	_ =	shalt  }
0x4c: {  	_ =	shalt  }
0x4d: {  	_ =	shalt  }
0x4e: {  	_ =	shalt  }
0x4f: {  	_ =	shalt  }
0x50: {  	_ =	shalt  }
0x51: {  	_ =	shalt  }
0x52: {  	_ =	shalt  }
0x53: {  	_ =	shalt  }
0x54: {  	_ =	shalt  }
0x55: {  	_ =	shalt  }
0x56: {  	_ =	shalt  }
0x57: {  	_ =	shalt  }
0x58: {  	_ =	shalt  }
0x59: {  	_ =	shalt  }
0x5a: {  	_ =	shalt  }
0x5b: {  	_ =	shalt  }
0x5c: {  	_ =	shalt  }
0x5d: {  	_ =	shalt  }
0x5e: {  	_ =	shalt  }
0x5f: {  	_ =	shalt  }
0x60: {  	_ =	shalt  }
0x61: {  	_ =	shalt  }
0x62: {  	_ =	shalt  }
0x63: {  	_ =	shalt  }
0x64: {  	_ =	shalt  }
0x65: {  	_ =	shalt  }
0x66: {  	_ =	shalt  }
0x67: {  	_ =	shalt  }
0x68: {  	_ =	shalt  }
0x69: {  	_ =	shalt  }
0x6a: {  	_ =	shalt  }
0x6b: {  	_ =	shalt  }
0x6c: {  	_ =	shalt  }
0x6d: {  	_ =	shalt  }
0x6e: {  	_ =	shalt  }
0x6f: {  	_ =	shalt  }
0x70: {  	_ =	shalt  }
0x71: {  	_ =	shalt  }
0x72: {  	_ =	shalt  }
0x73: {  	_ =	shalt  }
0x74: {  	_ =	shalt  }
0x75: {  	_ =	shalt  }
0x76: {  	_ =	shalt  }
0x77: {  	_ =	shalt  }
0x78: {  	_ =	shalt  }
0x79: {  	_ =	shalt  }
0x7a: {  	_ =	shalt  }
0x7b: {  	_ =	shalt  }
0x7c: {  	_ =	shalt  }
0x7d: {  	_ =	shalt  }
0x7e: {  	_ =	shalt  }
0x7f: {  	_ =	shalt  }
0x80: {  	_ =	shalt  }
0x81: {  	_ =	shalt  }
0x82: {  	_ =	shalt  }
0x83: {  	_ =	shalt  }
0x84: {  	_ =	shalt  }
0x85: {  	_ =	shalt  }
0x86: {  	_ =	shalt  }
0x87: {  	_ =	shalt  }
.Lfunc_end0:
.L_simem_size_0:
called_computation.1_lowered:
.L_overlay_start_0:
0x88: {  	s2 =	sld [smem:$0x3FD9]  }
0x89: {  	s3 =	sld [smem:$0x3FFE];
	_ =	sdelay $0x1  }
0x8a: {  	s1 =	srdreg.scid  }
0x8b: {  	s0 =	sand.u32 $0x1, s1  }
0x8c: {  	s17 =	sshll.u32 s0, $0xA;
	s2 =	sadd.s32 s3, s2  }
0x8d: {  	s2 =	sadd.s32 s2, s17  }
0x8e: {  	[smem:$0x3FBA] =	sst s2  }
0x8f: {  	_ = 	snop  }
0x90: {  	s18 =	sld [smem:$0x3FD0];
	(tm) =	ssettm $0x1  }
0x91: {  	s19 =	sld [smem:$0x3FFB];
	_ =	sdelay $0x3  }
0x92: {  	_ =	strace s19  }
0x93: {  	s2 =	sld [smem:$0x3FFC];
	_ =	sdelay $0x3  }
0x94: {  	_ =	strace s2  }
0x95: {  	s2 =	sld [smem:$0x3FFD];
	_ =	sdelay $0x3  }
0x96: {  	_ =	strace s2  }
0x97: {  	_ =	strace $0x8FFFFFFF  }
0x98: {  	s20 =	sld [smem:$0x3FDB];
	_ =	sdelay $0x1  }
0x99: {  	s4 =	simm.s32 $_scs_section_size  }
0x9a: {  	s5 =	simm.s32 $_size__tile_overlayer_lowered;
	s6 =	simm.s32 $_tile_overlayer_lowered  }
0x9b: {  	s7 =	simm.s32 $0x1BFF;
	s21 =	sshll.u32 s6, $0x1;
	s4 =	sadd.s32 s4, s20  }
0x9c: {  	s22 =	simm.s32 $0x0;
	s5 =	sshll.u32 s5, $0x1;
	s6 =	sadd.s32 s21, s4  }
0x9d: {  	[timem:s22], [sflag:s7] =	dma.local [hbm:s6], s5  }
0x9e: {  	_ =	swait.ge [sflag:s7], s5  }
0x9f: {  	s5 =	ssub.s32 $0x0, s5;
	[sflag:s7] =	ssyncset.done $0x0  }
0xa0: {  	[sflag:s7] =	ssyncadd.s32 s5;
	_ =	sdelay $0x1  }
0xa1: {  	s23 =	simm.s32 $0x1B8B  }
0xa2: {  	_ =	swait.ge [sflag:s23], $0x1  }
0xa3: {  	[sflag:s23] =	ssyncset.done $0x0  }
0xa4: {  	[sflag:s23] =	ssyncadd.s32 $0xFFFFFFFF  }
0xa5: {  	s5 =	sld [smem:$0x0]  }
0xa6: {  	s6 =	sand.u32 $0xFFFFFFFE, s1  }
0xa7: {  	p0 =	sne.s32 s1, s6  }
0xa8: {  	s6 =	sshll.u32 @p0 s6, $0xE  }
0xa9: {  	s6 =	sadd.s32 @p0 $0x11B8D, s6;
	s7 =	sshll.u32 @p0 s5, $0x11  }
0xaa: {  	s6 =	sor.u32 @p0 s7, s6  }
0xab: {  	[sflag:s6] =	ssyncadd.remote.s32 @p0 $0x1;
	_ =	sdelay $0x1  }
0xac: {  	s6 =	simm.s32 @p0 $0x1B8D  }
0xad: {  	_ =	swait.eq @p0 [sflag:s6], $0x1  }
0xae: {  	[sflag:s6] =	ssyncadd.s32 @p0 $0xFFFFFFFF  }
0xaf: {  	s7 =	sshll.u32 @!p0 s1, $0xE  }
0xb0: {  	s7 =	sor.u32 @!p0 $0x4000, s7;
	s6 =	simm.s32 @!p0 $0x1B8D  }
0xb1: {  	s5 =	sshll.u32 @!p0 s5, $0x11;
	s7 =	sadd.s32 @!p0 $0x11B8D, s7;
	_ =	swait.eq @!p0 [sflag:s6], $0x1  }
0xb2: {  	s5 =	sor.u32 @!p0 s5, s7;
	[sflag:s6] =	ssyncadd.s32 @!p0 $0xFFFFFFFF  }
0xb3: {  	s25 =	simm.s32 $0x1B8E;
	s24 =	sld [smem:$0x3FFE];
	[sflag:s5] =	ssyncadd.remote.s32 @!p0 $0x1  }
0xb4: {  	s26 =	simm.s32 $execute0_lowered;
	[smem:$0x3FD2] =	sst s25  }
0xb5: {  	s6 =	sshll.u32 s26, $0x1;
	_ =	strace $0x8000004C;
	[dreg:$0x1] =	wrdreg $0xFFFFFFFF  }
0xb6: {  	s28 =	simm.s32 $_size_execute0_lowered;
	s4 =	sadd.s32 s4, s6;
	[dreg:$0x0] =	wrdreg $0x0  }
0xb7: {  	s6 =	sshll.u32 s28, $0x1;
	[dreg:$0x2] =	wrdreg s4  }
0xb8: {  	[dreg:$0x3] =	wrdreg s6  }
0xb9: {  	[dreg:$0x4] =	wrdreg $0xC0  }
0xba: {  	_ =	task [dreg:s22], $0x5FFFF  }
0xbb: {  	[dreg:$0x1] =	wrdreg $0xFFFFFFFF  }
0xbc: {  	[dreg:$0x0] =	wrdreg $0x60  }
0xbd: {  	[dreg:$0x2] =	wrdreg s24  }
0xbe: {  	[dreg:$0x3] =	wrdreg s18  }
0xbf: {  	[dreg:$0x4] =	wrdreg $0x68800  }
0xc0: {  	[dreg:$0x5] =	wrdreg $0x9  }
0xc1: {  	_ =	task.clear_ibuf [dreg:s22], $0x6FFFF;
	_ =	strace $0x9000004C  }
0xc2: {  	s29 =	simm.s32 $0x9;
	_ =	strace $0x8000004E  }
0xc3: {  	_ =	swait.ge [sflag:s29], $0x1  }
0xc4: {  	[sflag:s29] =	ssyncadd.s32 $0xFFFFFFFF  }
0xc5: {  	_ =	strace $0x9000004E  }
0xc6: {  	_ =	sfence  }
0xc7: {  	s30 =	sld [smem:$0x0];
	_ =	sdelay $0x2  }
0xc8: {  	s31 =	sshll.u32 s1, $0xD;
	s1 =	sshrl.u32 s1, $0x2  }
0xc9: {  	s4 =	sand.u32 $0x4000, s31;
	s1 =	sadd.s32 s1, s30  }
0xca: {  	s0 =	sor.u32 s4, s0;
	s1 =	sshll.u32 s1, $0x11  }
0xcb: {  	s0 =	sor.u32 s1, s0  }
0xcc: {  	s0 =	sadd.s32 $0x8F2B, s0  }
0xcd: {  	[sflag:s0] =	ssyncadd.remote.s32 $0x1  }
0xce: {  	_ =	sfence.sel $0xFFFF  }
0xcf: {  	[dreg:$0x0] =	wrdreg $0xFFFFFFFF;
	(pc) =	sbr.abs _section_cstart, $3  }
0xd0: {  	[dreg:$0x1] =	wrdreg $0xFFFFFFFF  }
0xd1: {  	_ =	task.clear_ibuf [dreg:s22], $0x2FFFF;
	_ =	strace $0x9FFFFFFF  }
0xd2: {  	(tm) =	ssettm $0x7FFFFFFF  }
0xd3: {  	_ =	shalt  }
tec
execute0_lowered:
.L_overlay_start_1:
0x0: {  	(tag) =	ssettag $0x1  }
0x1: {  	s4 =	rddreg [dreg:$0x0]  }
0x2: {  	s1 =	srdreg.scid;
	s18 =	rddreg [dreg:$0x1]  }
0x3: {  	s0 =	stileid.u32;
	s2 =	rddreg [dreg:$0x2];
	s3 =	simm.s32 $0x0  }
0x4: {  	s5 =	sand.u32 $0x1, s1;
	s6 =	smul.u32 $0x4E20, s0;
	s1 =	rddreg [dreg:$0x3]  }
0x5: {  	[smem:$0x7FF] =	sst s3;
	s24 =	sshll.u32 s0, $0xE;
	s15 =	sshll.u32 s0, $0x7  }
0x6: {  	s7 =	smul.u32 $0x2710, s5;
	_ =	strace $0x8000004D;
	s22 =	ssub.s32 $0x2, s5  }
0x7: {  	s16 =	smul.u32 $0x2800, s5;
	s11 =	sor.u32 $0x800, s15;
	s26 =	sor.u32 $0x1000, s15  }
0x8: {  	s29 =	sor.u32 $0x1800, s15;
	s21 =	sor.u32 $0x2000, s15;
	s23 =	sshrl.u32 s22, $0x1  }
0x9: {  	s12 =	sshll.u32 s11, $0x7;
	s14 =	sshll.u32 s26, $0x7;
	s20 =	sshll.u32 s29, $0x7  }
0xa: {  	s30 =	sshll.u32 s21, $0x7;
	s6 =	sadd.s32 s7, s6;
	s7 =	ssub.s32 s22, s23  }
0xb: {  	s10 =	sor.u32 s16, s15;
	s13 =	sadd.s32 s16, s11;
	s11 =	sadd.s32 s12, s2  }
0xc: {  	s17 =	sadd.s32 s16, s26;
	s15 =	sadd.s32 s20, s2;
	s20 =	simm.s32 $0x2880  }
0xd: {  	s22 =	simm.s32 $0x50;
	s23 =	simm.s32 $0x80;
	s6 =	sshrl.u32 s6, $0x3  }
0xe: {  	s5 =	smax.u32 s7, $0x1;
	s10 =	sshll.u32 s10, $0x4;
	s25 =	sshll.u32 s13, $0x4  }
0xf: {  	s13 =	sadd.s32 s14, s2;
	s28 =	sshll.u32 s17, $0x4;
	s17 =	sadd.s32 s16, s29  }
0x10: {  	s16 =	sadd.s32 s16, s21;
	s21 =	simm.s32 $0x1;
	s19 =	sadd.s32 s6, s4  }
0x11: {  	s4 =	sadd.s32 s24, s2;
	s10 =	sadd.s32 s18, s10;
	s12 =	sadd.s32 s18, s25  }
0x12: {  	s14 =	sadd.s32 s18, s28;
	s17 =	sshll.u32 s17, $0x4;
	s31 =	sshll.u32 s16, $0x4  }
0x13: {  	s24 =	simm.s32 $0x0;
	s6 =	sadd.s32 $0x40000, s4;
	s7 =	sadd.s32 $0x80000, s4  }
0x14: {  	s8 =	sadd.s32 $0xC0000, s4;
	s9 =	sadd.s32 $0x100000, s4;
	s16 =	sadd.s32 s18, s17  }
0x15: {  	v0 =	vimm.f32 $0.0e+00;
	v1 =	vimm.f32 $1.000000000e+00;
	s17 =	sadd.s32 s30, s2;
	s18 =	sadd.s32 s18, s31;
	s19 =	sadd.s32 $0x14C00, s19  }
.LBB2_1:
0x16: {  	s25 =	simm.s32 $0x0;
	s26 =	simm.s32 $0x200  }
.LBB2_2:
0x17: {  	p0 =	sne.s32 s26, $0xFE00;
	[tilespmem:s25+$0x28F0] =	vst v0  }
0x18: {  	[tilespmem:s25+$0x2880] =	vst v0  }
0x19: {  	[tilespmem:s25+$0x2890] =	vst v0  }
.Ltmp0:
0x1a: {  	[tilespmem:s25+$0x28A0] =	vst v0;
	(pc) =	sbr.rel @p0 .LBB2_2-.Ltmp0, $4  }
0x1b: {  	[tilespmem:s25+$0x28B0] =	vst v0  }
0x1c: {  	[tilespmem:s25+$0x28C0] =	vst v0  }
0x1d: {  	[tilespmem:s25+$0x28D0] =	vst v0  }
0x1e: {  	[tilespmem:s25+$0x28E0] =	vst v0;
	s25 =	sshra.s32 s26, $0x2;
	s26 =	sadd.s32 $0x200, s26  }
0x1f: {  	[tilespmem:s25+$0x28F0] =	vst v0  }
0x20: {  	[tilespmem:s25+$0x2880] =	vst v0  }
0x21: {  	[tilespmem:s25+$0x2890] =	vst v0  }
0x22: {  	[tilespmem:s25+$0x28A0] =	vst v0  }
0x23: {  	[tilespmem:s25+$0x28B0] =	vst v0  }
0x24: {  	[tilespmem:s25+$0x28C0] =	vst v0  }
0x25: {  	[tilespmem:s25+$0x28D0] =	vst v0  }
0x26: {  	[tilespmem:s25+$0x28E0] =	vst v0;
	s25 =	simm.s32 $0x0;
	s26 =	simm.s32 $0x200  }
.LBB2_4:
0x27: {  	p0 =	sne.s32 s26, $0x9E00;
	[tilespmem:s25+$0xF0] =	vst v1  }
0x28: {  	[tilespmem:s25+$0x80] =	vst v1  }
0x29: {  	[tilespmem:s25+$0x90] =	vst v1  }
.Ltmp1:
0x2a: {  	[tilespmem:s25+$0xA0] =	vst v1;
	(pc) =	sbr.rel @p0 .LBB2_4-.Ltmp1, $4  }
0x2b: {  	[tilespmem:s25+$0xB0] =	vst v1  }
0x2c: {  	[tilespmem:s25+$0xC0] =	vst v1  }
0x2d: {  	[tilespmem:s25+$0xD0] =	vst v1  }
0x2e: {  	[tilespmem:s25+$0xE0] =	vst v1;
	s25 =	sshra.s32 s26, $0x2;
	s26 =	sadd.s32 $0x200, s26  }
0x2f: {  	[tilespmem:s25+$0xF0] =	vst v1  }
0x30: {  	[tilespmem:s25+$0x80] =	vst v1  }
0x31: {  	[tilespmem:s25+$0x90] =	vst v1  }
0x32: {  	[tilespmem:s25+$0xA0] =	vst v1  }
0x33: {  	[tilespmem:s25+$0xB0] =	vst v1  }
0x34: {  	[tilespmem:s25+$0xC0] =	vst v1  }
0x35: {  	[tilespmem:s25+$0xD0] =	vst v1  }
0x36: {  	[tilespmem:s25+$0xE0] =	vst v1  }
0x37: {  	[spmem:s4] =	stream.linear.scatter [tilespmem:s20], [sflag:$0x1], $0x4000, $0x38;
	[tilespmem:$0x1A880] =	vst v63  }
0x38: {  	_ =	swait.ge [sflag:s21], $0x4000  }
0x39: {  	[sflag:s21] =	ssyncset.done $0x0  }
0x3a: {  	[sflag:s21] =	ssyncadd.s32 $0xFFFFC000  }
0x3b: {  	[spmem:s6] =	stream.linear.scatter [tilespmem:s20], [sflag:$0x1], $0x4000, $0x38;
	[tilespmem:$0x1A880] =	vst v63  }
0x3c: {  	_ =	swait.ge [sflag:s21], $0x4000  }
0x3d: {  	[sflag:s21] =	ssyncset.done $0x0  }
0x3e: {  	[sflag:s21] =	ssyncadd.s32 $0xFFFFC000  }
0x3f: {  	[spmem:s7] =	stream.linear.scatter [tilespmem:s20], [sflag:$0x1], $0x4000, $0x38;
	[tilespmem:$0x1A880] =	vst v63  }
0x40: {  	_ =	swait.ge [sflag:s21], $0x4000  }
0x41: {  	[sflag:s21] =	ssyncset.done $0x0  }
0x42: {  	[sflag:s21] =	ssyncadd.s32 $0xFFFFC000  }
0x43: {  	[spmem:s8] =	stream.linear.scatter [tilespmem:s20], [sflag:$0x1], $0x4000, $0x38;
	[tilespmem:$0x1A880] =	vst v63  }
0x44: {  	_ =	swait.ge [sflag:s21], $0x4000  }
0x45: {  	[sflag:s21] =	ssyncset.done $0x0  }
0x46: {  	[sflag:s21] =	ssyncadd.s32 $0xFFFFC000  }
0x47: {  	[spmem:s9] =	stream.linear.scatter [tilespmem:s20], [sflag:$0x1], $0x4000, $0x38;
	[tilespmem:$0x1A880] =	vst v63  }
0x48: {  	_ =	swait.ge [sflag:s21], $0x4000  }
0x49: {  	[sflag:s21] =	ssyncset.done $0x0  }
0x4a: {  	[sflag:s21] =	ssyncadd.s32 $0xFFFFC000  }
0x4b: {  	s31 =	sadd.s32 $0x0, s19;
	[bflag:$0x0] =	sbarrier.arrive $0xFFFF  }
0x4c: {  	[tilespmem:s3], [sflag:$0x1] =	stream.linear.gather [hbm4b:s31+s3], $0x50, $0x38;
	[tilespmem:$0x1A880] =	vst v63  }
0x4d: {  	_ =	swait.ge [sflag:s21], $0x50  }
0x4e: {  	[sflag:s21] =	ssyncset.done $0x0  }
0x4f: {  	[sflag:s21] =	ssyncadd.s32 $0xFFFFFFB0  }
0x50: {  	[spmem:s2] =	stream.indirect.scatter.add.f32 [tilespmem:s23], [sflag:$0x1], $0x80, s3, s22, $0xb8;
	[tilespmem:$0x1A880] =	vst v63  }
0x51: {  	_ =	swait.ge [sflag:s21], $0x2800  }
0x52: {  	s25 =	simm.s32 $0xA;
	s26 =	simm.s32 $0x14;
	[sflag:s21] =	ssyncset.done $0x0  }
.LBB2_6:
0x53: {  	s28 =	sadd.s32 s25, s19  }
0x54: {  	[sflag:s21] =	ssyncadd.s32 $0xFFFFD800;
	s25 =	smov.u32 s26;
	s29 =	sadd.s32 $0xA, s26  }
0x55: {  	[tilespmem:s3], [sflag:$0x1] =	stream.linear.gather [hbm4b:s28+s3], $0x50, $0x38;
	[tilespmem:$0x1A880] =	vst v63  }
0x56: {  	p0 =	sne.s32 s26, $0x4D8;
	_ =	swait.ge [sflag:s21], $0x50  }
.Ltmp2:
0x57: {  	[sflag:s21] =	ssyncset.done $0x0;
	(pc) =	sbr.rel @p0 .LBB2_6-.Ltmp2, $4  }
0x58: {  	[sflag:s21] =	ssyncadd.s32 $0xFFFFFFB0  }
0x59: {  	[spmem:s2] =	stream.indirect.scatter.add.f32 [tilespmem:s23], [sflag:$0x1], $0x80, s3, s22, $0xb8;
	[tilespmem:$0x1A880] =	vst v63  }
0x5a: {  	_ =	swait.ge [sflag:s21], $0x2800  }
0x5b: {  	s26 =	smov.u32 s29;
	[sflag:s21] =	ssyncset.done $0x0  }
0x5c: {  	s25 =	sadd.s32 s25, s19;
	[sflag:s21] =	ssyncadd.s32 $0xFFFFD800  }
0x5d: {  	[tilespmem:s3], [sflag:$0x1] =	stream.linear.gather [hbm4b:s25+s3], $0x50, $0x38;
	[tilespmem:$0x1A880] =	vst v63  }
0x5e: {  	_ =	swait.ge [sflag:s21], $0x50  }
0x5f: {  	[sflag:s21] =	ssyncset.done $0x0  }
0x60: {  	[sflag:s21] =	ssyncadd.s32 $0xFFFFFFB0  }
0x61: {  	[spmem:s2] =	stream.indirect.scatter.add.f32 [tilespmem:s23], [sflag:$0x1], $0x80, s3, s22, $0xb8;
	[tilespmem:$0x1A880] =	vst v63  }
0x62: {  	_ =	swait.ge [sflag:s21], $0x2800  }
0x63: {  	[sflag:s21] =	ssyncset.done $0x0  }
0x64: {  	[sflag:s21] =	ssyncadd.s32 $0xFFFFD800  }
0x65: {  	[bflag:$0x0] =	sbarrier.arrive $0xFFFF  }
0x66: {  	[tilespmem:s20], [sflag:$0x1] =	stream.linear.gather [spmem:s4], $0x4000, $0x38;
	[tilespmem:$0x1A880] =	vst v63  }
0x67: {  	_ =	swait.ge [sflag:s21], $0x4000  }
0x68: {  	[sflag:s21] =	ssyncset.done $0x0  }
0x69: {  	[sflag:s21] =	ssyncadd.s32 $0xFFFFC000  }
0x6a: {  	[hbm4b:s10+s3] =	stream.linear.scatter [tilespmem:s20], [sflag:$0x1], $0x4000, $0x38;
	[tilespmem:$0x1A880] =	vst v63  }
0x6b: {  	_ =	swait.ge [sflag:s21], $0x4000  }
0x6c: {  	[sflag:s21] =	ssyncset.done $0x0  }
0x6d: {  	[sflag:s21] =	ssyncadd.s32 $0xFFFFC000  }
0x6e: {  	[tilespmem:s20], [sflag:$0x1] =	stream.linear.gather [spmem:s11], $0x4000, $0x38;
	[tilespmem:$0x1A880] =	vst v63  }
0x6f: {  	_ =	swait.ge [sflag:s21], $0x4000  }
0x70: {  	[sflag:s21] =	ssyncset.done $0x0  }
0x71: {  	[sflag:s21] =	ssyncadd.s32 $0xFFFFC000  }
0x72: {  	[hbm4b:s12+s3] =	stream.linear.scatter [tilespmem:s20], [sflag:$0x1], $0x4000, $0x38;
	[tilespmem:$0x1A880] =	vst v63  }
0x73: {  	_ =	swait.ge [sflag:s21], $0x4000  }
0x74: {  	[sflag:s21] =	ssyncset.done $0x0  }
0x75: {  	[sflag:s21] =	ssyncadd.s32 $0xFFFFC000  }
0x76: {  	[tilespmem:s20], [sflag:$0x1] =	stream.linear.gather [spmem:s13], $0x4000, $0x38;
	[tilespmem:$0x1A880] =	vst v63  }
0x77: {  	_ =	swait.ge [sflag:s21], $0x4000  }
0x78: {  	[sflag:s21] =	ssyncset.done $0x0  }
0x79: {  	[sflag:s21] =	ssyncadd.s32 $0xFFFFC000  }
0x7a: {  	[hbm4b:s14+s3] =	stream.linear.scatter [tilespmem:s20], [sflag:$0x1], $0x4000, $0x38;
	[tilespmem:$0x1A880] =	vst v63  }
0x7b: {  	_ =	swait.ge [sflag:s21], $0x4000  }
0x7c: {  	[sflag:s21] =	ssyncset.done $0x0  }
0x7d: {  	[sflag:s21] =	ssyncadd.s32 $0xFFFFC000  }
0x7e: {  	[tilespmem:s20], [sflag:$0x1] =	stream.linear.gather [spmem:s15], $0x4000, $0x38;
	[tilespmem:$0x1A880] =	vst v63  }
0x7f: {  	_ =	swait.ge [sflag:s21], $0x4000  }
0x80: {  	[sflag:s21] =	ssyncset.done $0x0  }
0x81: {  	[sflag:s21] =	ssyncadd.s32 $0xFFFFC000  }
0x82: {  	[hbm4b:s16+s3] =	stream.linear.scatter [tilespmem:s20], [sflag:$0x1], $0x4000, $0x38;
	[tilespmem:$0x1A880] =	vst v63  }
0x83: {  	_ =	swait.ge [sflag:s21], $0x4000  }
0x84: {  	[sflag:s21] =	ssyncset.done $0x0  }
0x85: {  	[sflag:s21] =	ssyncadd.s32 $0xFFFFC000  }
0x86: {  	[tilespmem:s20], [sflag:$0x1] =	stream.linear.gather [spmem:s17], $0x4000, $0x38;
	[tilespmem:$0x1A880] =	vst v63  }
0x87: {  	s24 =	sadd.s32 $0x1, s24;
	_ =	swait.ge [sflag:s21], $0x4000  }
0x88: {  	p0 =	sne.s32 s24, s5;
	[sflag:s21] =	ssyncset.done $0x0  }
.Ltmp3:
0x89: {  	[sflag:s21] =	ssyncadd.s32 $0xFFFFC000;
	(pc) =	sbr.rel @p0 .LBB2_1-.Ltmp3, $4  }
0x8a: {  	[hbm4b:s18+s3] =	stream.linear.scatter [tilespmem:s20], [sflag:$0x1], $0x4000, $0x38;
	[tilespmem:$0x1A880] =	vst v63  }
0x8b: {  	_ =	swait.ge [sflag:s21], $0x4000  }
0x8c: {  	[sflag:s21] =	ssyncset.done $0x0  }
0x8d: {  	[sflag:s21] =	ssyncadd.s32 $0xFFFFC000  }
0x8e: {  	_ =	sfence.sel $0x180000  }
0x8f: {  	[bflag:$0x0] =	sbarrier.arrive $0xFFFF  }
0x90: {  	p0 =	sne.s32 s0, $0x0;
	_ =	strace $0x9000004D  }
0x91: {  	s0 =	sadd.s32 @!p0 $0x100000, s1;
	[bflag:$0x2] =	sbarrier.arrive $0xFFFF  }
0x92: {  	[sflag:s0] =	ssyncadd.tile.s32 @!p0 $0x1;
	_ =	shalt  }
.Lfunc_end2:
_tile_overlayer_lowered:
.L_overlay_start_2:
0x93: {  	(tag) =	ssettag $0x2  }
0x94: {  	s0 =	rddreg [dreg:$0x0];
	s2 =	stileid.u32  }
0x95: {  	s1 =	rddreg [dreg:$0x1];
	p0 =	sne.s32 s2, $0x0  }
0x96: {  	s3 =	rddreg [dreg:$0x2];
	[bflag:$0x3] =	sbarrier.arrive $0xFFFF;
	s2 =	simm.s32 @!p0 $0x1C01  }
0x97: {  	[timem:s3], [sflag:s2] =	dma.local @!p0 [hbm:s0], s1  }
0x98: {  	s0 =	simm.s32 @!p0 $0x1  }
0x99: {  	_ =	swait.ge @!p0 [sflag:s0], s1  }
0x9a: {  	s1 =	ssub.s32 @!p0 $0x0, s1;
	[sflag:s0] =	ssyncset.done @!p0 $0x0  }
0x9b: {  	[sflag:s0] =	ssyncadd.s32 @!p0 s1  }
0x9c: {  	[bflag:$0x3] =	sbarrier.arrive $0xFFFF  }
0x9d: {  	_ =	shalt  }

// kernel: kernel.32.cloned.1.call-start
scs
__scs_entry_jumppad:
0x0: {  	(pc) =	sbr.rel $0x88, $3  }
0x1: {  	(tag) =	ssettag $0x0;
	lr =	simm.s32 $0x1  }
0x2: {  	[smem:$0x3F93] =	sst lr;
	_ =	strace $0xD0000000  }
0x3: {  	_ = 	snop  }
0x4: {  	_ = 	snop  }
0x5: {  	_ = 	snop  }
0x6: {  	_ = 	snop  }
0x7: {  	_ = 	snop  }
__scs_overlays_trampoline_lowered:
0x8: {  	[smem:$0x3FA2] =	sst s0  }
0x9: {  	[smem:$0x3FA3] =	sst s1  }
0xa: {  	[smem:$0x3FA4] =	sst s2  }
0xb: {  	[smem:$0x3FA5] =	sst s3  }
0xc: {  	[smem:$0x3FA6] =	sst s4  }
0xd: {  	[smem:$0x3FA7] =	sst s5  }
0xe: {  	[smem:$0x3FA8] =	sst s6  }
0xf: {  	[smem:$0x3FA9] =	sst s7  }
0x10: {  	[smem:$0x3FAA] =	sst s8  }
0x11: {  	[smem:$0x3FAB] =	sst s9;
	s0 =	simm.s32 @!p0 $0x0  }
0x12: {  	s1 =	sld [smem:$0x3F91];
	s0 =	simm.s32 @p0 $0x1  }
0x13: {  	[smem:$0x3FAC] =	sst s0;
	s0 =	simm.s32 @!p1 $0x0  }
0x14: {  	s2 =	sld [smem:$0x3F90];
	s0 =	simm.s32 @p1 $0x1  }
0x15: {  	[smem:$0x3FAD] =	sst s0;
	s0 =	simm.s32 @!p2 $0x0  }
0x16: {  	s3 =	sld [smem:$0x3FDB];
	s0 =	simm.s32 @p2 $0x1  }
0x17: {  	s4 =	simm.s32 $0x1BF5;
	[smem:$0x3FAF] =	sst s0  }
0x18: {  	s0 =	sld [smem:$0x3F92];
	_ =	swait.ge [sflag:s4], $0x0  }
0x19: {  	s7 =	sld [smem:$0x3F93]  }
0x1a: {  	s8 =	sadd.s32 $0xFFFFE003, lr  }
0x1b: {  	s9 =	sadd.s32 $0xFFFFFEF7, lr;
	s5 =	simm.s32 $0xFFFFFFFF;
	p2 =	slt.u32 s8, $0xFFFFF086  }
0x1c: {  	p1 =	slt.u32 s9, $0xF7A;
	s5 =	simm.s32 @!p2 $0x0  }
0x1d: {  	s5 =	simm.s32 @p1 $0x1;
	p0 =	seq.s32 s7, s2  }
0x1e: {  	s7 =	smul.u32 @!p0 $0xF7A, s2;
	p2 =	seq.s32 @!p0 s5, $0x0  }
0x1f: {  	s9 =	smul.u32 $0xF7A, s1;
	s8 =	simm.s32 @!p0 $0x1BF5;
	p2 =	por !p2, p0  }
0x20: {  	[sflag:s8] =	ssyncset.s32 @!p0 $0xFFFFF086;
	s6 =	sadd.s32 @!p0 s3, s7;
	s7 =	simm.s32 @!p0 $0x108  }
0x21: {  	s3 =	sadd.s32 s3, s9;
	s6 =	sadd.s32 @!p0 $0x88, s6;
	s7 =	simm.s32 @p2 $0x1082  }
0x22: {  	[simem:s7], [sflag:s8] =	dma.local @!p0 [hbm:s6], $0xF7A  }
0x23: {  	s9 =	sor.u32 $0xD0000000, s2;
	s6 =	simm.s32 $0x108;
	_ =	swait.ge @!p0 [sflag:s8], $0x0  }
0x24: {  	s3 =	sadd.s32 $0x88, s3;
	s6 =	simm.s32 @!p1 $0x1082;
	[sflag:s4] =	ssyncset.s32 $0xFFFFF086  }
0x25: {  	[simem:s6], [sflag:s4] =	dma.local [hbm:s3], $0xF7A  }
0x26: {  	[smem:$0x3F93] =	sst s1;
	(tag) =	ssettag s2;
	_ =	strace s9  }
0x27: {  	s1 =	sld [smem:$0x3FA3]  }
0x28: {  	s2 =	sld [smem:$0x3FA4]  }
0x29: {  	s4 =	sld [smem:$0x3FA6]  }
0x2a: {  	p0 =	seq.s32 s5, $0x0;
	s5 =	sld [smem:$0x3FA7]  }
0x2b: {  	s6 =	sld [smem:$0x3FA8]  }
0x2c: {  	s7 =	sld [smem:$0x3FA9]  }
0x2d: {  	s3 =	simm.s32 $0x108;
	s8 =	sld [smem:$0x3FAA]  }
0x2e: {  	s3 =	simm.s32 @!p0 $0x1082;
	s9 =	sld [smem:$0x3FAB]  }
0x2f: {  	lr =	sadd.s32 s0, s3;
	s0 =	sld [smem:$0x3FA2]  }
0x30: {  	s3 =	sld [smem:$0x3FA5]  }
0x31: {  	[smem:$0x3FAE] =	sst s10  }
0x32: {  	s10 =	sld [smem:$0x3FAC];
	_ =	sdelay $0x3  }
0x33: {  	p0 =	seq.s32 s10, $0x1;
	s10 =	sld [smem:$0x3FAE];
	_ =	sdelay $0x3  }
0x34: {  	[smem:$0x3FAE] =	sst s10  }
0x35: {  	s10 =	sld [smem:$0x3FAD];
	_ =	sdelay $0x3  }
0x36: {  	p1 =	seq.s32 s10, $0x1;
	s10 =	sld [smem:$0x3FAE];
	_ =	sdelay $0x3  }
0x37: {  	[smem:$0x3FAE] =	sst s10  }
0x38: {  	s10 =	sld [smem:$0x3FAF]  }
0x39: {  	_ = 	snop;
	(pc) =	sbr.ind lr, $3  }
0x3a: {  	_ = 	snop  }
0x3b: {  	_ = 	snop  }
0x3c: {  	p2 =	seq.s32 s10, $0x1;
	s10 =	sld [smem:$0x3FAE]  }
0x3d: {  	_ =	shalt  }
0x3e: {  	_ =	shalt  }
0x3f: {  	_ =	shalt  }
0x40: {  	_ =	shalt  }
0x41: {  	_ =	shalt  }
0x42: {  	_ =	shalt  }
0x43: {  	_ =	shalt  }
0x44: {  	_ =	shalt  }
0x45: {  	_ =	shalt  }
0x46: {  	_ =	shalt  }
0x47: {  	_ =	shalt  }
0x48: {  	_ =	shalt  }
0x49: {  	_ =	shalt  }
0x4a: {  	_ =	shalt  }
0x4b: {  	_ =	shalt  }
0x4c: {  	_ =	shalt  }
0x4d: {  	_ =	shalt  }
0x4e: {  	_ =	shalt  }
0x4f: {  	_ =	shalt  }
0x50: {  	_ =	shalt  }
0x51: {  	_ =	shalt  }
0x52: {  	_ =	shalt  }
0x53: {  	_ =	shalt  }
0x54: {  	_ =	shalt  }
0x55: {  	_ =	shalt  }
0x56: {  	_ =	shalt  }
0x57: {  	_ =	shalt  }
0x58: {  	_ =	shalt  }
0x59: {  	_ =	shalt  }
0x5a: {  	_ =	shalt  }
0x5b: {  	_ =	shalt  }
0x5c: {  	_ =	shalt  }
0x5d: {  	_ =	shalt  }
0x5e: {  	_ =	shalt  }
0x5f: {  	_ =	shalt  }
0x60: {  	_ =	shalt  }
0x61: {  	_ =	shalt  }
0x62: {  	_ =	shalt  }
0x63: {  	_ =	shalt  }
0x64: {  	_ =	shalt  }
0x65: {  	_ =	shalt  }
0x66: {  	_ =	shalt  }
0x67: {  	_ =	shalt  }
0x68: {  	_ =	shalt  }
0x69: {  	_ =	shalt  }
0x6a: {  	_ =	shalt  }
0x6b: {  	_ =	shalt  }
0x6c: {  	_ =	shalt  }
0x6d: {  	_ =	shalt  }
0x6e: {  	_ =	shalt  }
0x6f: {  	_ =	shalt  }
0x70: {  	_ =	shalt  }
0x71: {  	_ =	shalt  }
0x72: {  	_ =	shalt  }
0x73: {  	_ =	shalt  }
0x74: {  	_ =	shalt  }
0x75: {  	_ =	shalt  }
0x76: {  	_ =	shalt  }
0x77: {  	_ =	shalt  }
0x78: {  	_ =	shalt  }
0x79: {  	_ =	shalt  }
0x7a: {  	_ =	shalt  }
0x7b: {  	_ =	shalt  }
0x7c: {  	_ =	shalt  }
0x7d: {  	_ =	shalt  }
0x7e: {  	_ =	shalt  }
0x7f: {  	_ =	shalt  }
0x80: {  	_ =	shalt  }
0x81: {  	_ =	shalt  }
0x82: {  	_ =	shalt  }
0x83: {  	_ =	shalt  }
0x84: {  	_ =	shalt  }
0x85: {  	_ =	shalt  }
0x86: {  	_ =	shalt  }
0x87: {  	_ =	shalt  }
.Lfunc_end0:
.L_simem_size_0:
called_computation.2_lowered:
.L_overlay_start_0:
0x88: {  	s2 =	sld [smem:$0x3FD9]  }
0x89: {  	s3 =	sld [smem:$0x3FFE];
	_ =	sdelay $0x1  }
0x8a: {  	s1 =	srdreg.scid  }
0x8b: {  	s0 =	sand.u32 $0x1, s1  }
0x8c: {  	s17 =	sshll.u32 s0, $0xA;
	s2 =	sadd.s32 s3, s2  }
0x8d: {  	s2 =	sadd.s32 s2, s17  }
0x8e: {  	[smem:$0x3FBA] =	sst s2  }
0x8f: {  	_ = 	snop  }
0x90: {  	s18 =	sld [smem:$0x3FD0];
	(tm) =	ssettm $0x1  }
0x91: {  	s19 =	sld [smem:$0x3FFB];
	_ =	sdelay $0x3  }
0x92: {  	_ =	strace s19  }
0x93: {  	s2 =	sld [smem:$0x3FFC];
	_ =	sdelay $0x3  }
0x94: {  	_ =	strace s2  }
0x95: {  	s2 =	sld [smem:$0x3FFD];
	_ =	sdelay $0x3  }
0x96: {  	_ =	strace s2  }
0x97: {  	_ =	strace $0x8FFFFFFF  }
0x98: {  	s20 =	sld [smem:$0x3FDB];
	_ =	sdelay $0x1  }
0x99: {  	s4 =	simm.s32 $_scs_section_size  }
0x9a: {  	s5 =	simm.s32 $_size__tile_overlayer_lowered;
	s6 =	simm.s32 $_tile_overlayer_lowered  }
0x9b: {  	s7 =	simm.s32 $0x1BFF;
	s21 =	sshll.u32 s6, $0x1;
	s4 =	sadd.s32 s4, s20  }
0x9c: {  	s22 =	simm.s32 $0x0;
	s5 =	sshll.u32 s5, $0x1;
	s6 =	sadd.s32 s21, s4  }
0x9d: {  	[timem:s22], [sflag:s7] =	dma.local [hbm:s6], s5  }
0x9e: {  	_ =	swait.ge [sflag:s7], s5  }
0x9f: {  	s5 =	ssub.s32 $0x0, s5;
	[sflag:s7] =	ssyncset.done $0x0  }
0xa0: {  	[sflag:s7] =	ssyncadd.s32 s5;
	_ =	sdelay $0x1  }
0xa1: {  	s23 =	simm.s32 $0x1B8B  }
0xa2: {  	_ =	swait.ge [sflag:s23], $0x1  }
0xa3: {  	[sflag:s23] =	ssyncset.done $0x0  }
0xa4: {  	[sflag:s23] =	ssyncadd.s32 $0xFFFFFFFF  }
0xa5: {  	s5 =	sld [smem:$0x0]  }
0xa6: {  	s6 =	sand.u32 $0xFFFFFFFE, s1  }
0xa7: {  	p0 =	sne.s32 s1, s6  }
0xa8: {  	s6 =	sshll.u32 @p0 s6, $0xE  }
0xa9: {  	s6 =	sadd.s32 @p0 $0x11B8D, s6;
	s7 =	sshll.u32 @p0 s5, $0x11  }
0xaa: {  	s6 =	sor.u32 @p0 s7, s6  }
0xab: {  	[sflag:s6] =	ssyncadd.remote.s32 @p0 $0x1;
	_ =	sdelay $0x1  }
0xac: {  	s6 =	simm.s32 @p0 $0x1B8D  }
0xad: {  	_ =	swait.eq @p0 [sflag:s6], $0x1  }
0xae: {  	[sflag:s6] =	ssyncadd.s32 @p0 $0xFFFFFFFF  }
0xaf: {  	s7 =	sshll.u32 @!p0 s1, $0xE  }
0xb0: {  	s7 =	sor.u32 @!p0 $0x4000, s7;
	s6 =	simm.s32 @!p0 $0x1B8D  }
0xb1: {  	s5 =	sshll.u32 @!p0 s5, $0x11;
	s7 =	sadd.s32 @!p0 $0x11B8D, s7;
	_ =	swait.eq @!p0 [sflag:s6], $0x1  }
0xb2: {  	s5 =	sor.u32 @!p0 s5, s7;
	[sflag:s6] =	ssyncadd.s32 @!p0 $0xFFFFFFFF  }
0xb3: {  	s25 =	simm.s32 $0x1B8E;
	s24 =	sld [smem:$0x3FFE];
	[sflag:s5] =	ssyncadd.remote.s32 @!p0 $0x1  }
0xb4: {  	s26 =	simm.s32 $execute0_lowered;
	[smem:$0x3FD2] =	sst s25  }
0xb5: {  	s6 =	sshll.u32 s26, $0x1;
	_ =	strace $0x80000055;
	[dreg:$0x1] =	wrdreg $0xFFFFFFFF  }
0xb6: {  	s28 =	simm.s32 $_size_execute0_lowered;
	s4 =	sadd.s32 s4, s6;
	[dreg:$0x0] =	wrdreg $0x0  }
0xb7: {  	s6 =	sshll.u32 s28, $0x1;
	[dreg:$0x2] =	wrdreg s4  }
0xb8: {  	[dreg:$0x3] =	wrdreg s6  }
0xb9: {  	[dreg:$0x4] =	wrdreg $0xC0  }
0xba: {  	_ =	task [dreg:s22], $0x5FFFF  }
0xbb: {  	[dreg:$0x1] =	wrdreg $0xFFFFFFFF  }
0xbc: {  	[dreg:$0x0] =	wrdreg $0x60  }
0xbd: {  	[dreg:$0x2] =	wrdreg s24  }
0xbe: {  	[dreg:$0x3] =	wrdreg s18  }
0xbf: {  	[dreg:$0x4] =	wrdreg $0x68800  }
0xc0: {  	[dreg:$0x5] =	wrdreg $0x9  }
0xc1: {  	_ =	task.clear_ibuf [dreg:s22], $0x6FFFF;
	_ =	strace $0x90000055  }
0xc2: {  	s29 =	simm.s32 $0x9;
	_ =	strace $0x80000057  }
0xc3: {  	_ =	swait.ge [sflag:s29], $0x1  }
0xc4: {  	[sflag:s29] =	ssyncadd.s32 $0xFFFFFFFF  }
0xc5: {  	_ =	strace $0x90000057  }
0xc6: {  	_ =	sfence  }
0xc7: {  	s30 =	sld [smem:$0x0];
	_ =	sdelay $0x2  }
0xc8: {  	s31 =	sshll.u32 s1, $0xD;
	s1 =	sshrl.u32 s1, $0x2  }
0xc9: {  	s4 =	sand.u32 $0x4000, s31;
	s1 =	sadd.s32 s1, s30  }
0xca: {  	s0 =	sor.u32 s4, s0;
	s1 =	sshll.u32 s1, $0x11  }
0xcb: {  	s0 =	sor.u32 s1, s0  }
0xcc: {  	s0 =	sadd.s32 $0x8F2B, s0  }
0xcd: {  	[sflag:s0] =	ssyncadd.remote.s32 $0x1  }
0xce: {  	_ =	sfence.sel $0xFFFF  }
0xcf: {  	[dreg:$0x0] =	wrdreg $0xFFFFFFFF;
	(pc) =	sbr.abs _section_cstart, $3  }
0xd0: {  	[dreg:$0x1] =	wrdreg $0xFFFFFFFF  }
0xd1: {  	_ =	task.clear_ibuf [dreg:s22], $0x2FFFF;
	_ =	strace $0x9FFFFFFF  }
0xd2: {  	(tm) =	ssettm $0x7FFFFFFF  }
0xd3: {  	_ =	shalt  }
tec
execute0_lowered:
.L_overlay_start_1:
0x0: {  	(tag) =	ssettag $0x1  }
0x1: {  	s4 =	rddreg [dreg:$0x0]  }
0x2: {  	s1 =	srdreg.scid;
	s18 =	rddreg [dreg:$0x1]  }
0x3: {  	s0 =	stileid.u32;
	s2 =	rddreg [dreg:$0x2];
	s3 =	simm.s32 $0x0  }
0x4: {  	s5 =	sand.u32 $0x1, s1;
	s6 =	smul.u32 $0x4E20, s0;
	s1 =	rddreg [dreg:$0x3]  }
0x5: {  	[smem:$0x7FF] =	sst s3;
	s24 =	sshll.u32 s0, $0xE;
	s15 =	sshll.u32 s0, $0x7  }
0x6: {  	s7 =	smul.u32 $0x2710, s5;
	_ =	strace $0x80000056;
	s22 =	ssub.s32 $0x2, s5  }
0x7: {  	s16 =	smul.u32 $0x2800, s5;
	s11 =	sor.u32 $0x800, s15;
	s26 =	sor.u32 $0x1000, s15  }
0x8: {  	s29 =	sor.u32 $0x1800, s15;
	s21 =	sor.u32 $0x2000, s15;
	s23 =	sshrl.u32 s22, $0x1  }
0x9: {  	s12 =	sshll.u32 s11, $0x7;
	s14 =	sshll.u32 s26, $0x7;
	s20 =	sshll.u32 s29, $0x7  }
0xa: {  	s30 =	sshll.u32 s21, $0x7;
	s6 =	sadd.s32 s7, s6;
	s7 =	ssub.s32 s22, s23  }
0xb: {  	s10 =	sor.u32 s16, s15;
	s13 =	sadd.s32 s16, s11;
	s11 =	sadd.s32 s12, s2  }
0xc: {  	s17 =	sadd.s32 s16, s26;
	s15 =	sadd.s32 s20, s2;
	s20 =	simm.s32 $0x2880  }
0xd: {  	s22 =	simm.s32 $0x50;
	s23 =	simm.s32 $0x80;
	s6 =	sshrl.u32 s6, $0x3  }
0xe: {  	s5 =	smax.u32 s7, $0x1;
	s10 =	sshll.u32 s10, $0x4;
	s25 =	sshll.u32 s13, $0x4  }
0xf: {  	s13 =	sadd.s32 s14, s2;
	s28 =	sshll.u32 s17, $0x4;
	s17 =	sadd.s32 s16, s29  }
0x10: {  	s16 =	sadd.s32 s16, s21;
	s21 =	simm.s32 $0x1;
	s19 =	sadd.s32 s6, s4  }
0x11: {  	s4 =	sadd.s32 s24, s2;
	s10 =	sadd.s32 s18, s10;
	s12 =	sadd.s32 s18, s25  }
0x12: {  	s14 =	sadd.s32 s18, s28;
	s17 =	sshll.u32 s17, $0x4;
	s31 =	sshll.u32 s16, $0x4  }
0x13: {  	s24 =	simm.s32 $0x0;
	s6 =	sadd.s32 $0x40000, s4;
	s7 =	sadd.s32 $0x80000, s4  }
0x14: {  	s8 =	sadd.s32 $0xC0000, s4;
	s9 =	sadd.s32 $0x100000, s4;
	s16 =	sadd.s32 s18, s17  }
0x15: {  	v0 =	vimm.f32 $0.0e+00;
	v1 =	vimm.f32 $1.000000000e+00;
	s17 =	sadd.s32 s30, s2;
	s18 =	sadd.s32 s18, s31;
	s19 =	sadd.s32 $0x28800, s19  }
.LBB2_1:
0x16: {  	s25 =	simm.s32 $0x0;
	s26 =	simm.s32 $0x200  }
.LBB2_2:
0x17: {  	p0 =	sne.s32 s26, $0xFE00;
	[tilespmem:s25+$0x28F0] =	vst v0  }
0x18: {  	[tilespmem:s25+$0x2880] =	vst v0  }
0x19: {  	[tilespmem:s25+$0x2890] =	vst v0  }
.Ltmp0:
0x1a: {  	[tilespmem:s25+$0x28A0] =	vst v0;
	(pc) =	sbr.rel @p0 .LBB2_2-.Ltmp0, $4  }
0x1b: {  	[tilespmem:s25+$0x28B0] =	vst v0  }
0x1c: {  	[tilespmem:s25+$0x28C0] =	vst v0  }
0x1d: {  	[tilespmem:s25+$0x28D0] =	vst v0  }
0x1e: {  	[tilespmem:s25+$0x28E0] =	vst v0;
	s25 =	sshra.s32 s26, $0x2;
	s26 =	sadd.s32 $0x200, s26  }
0x1f: {  	[tilespmem:s25+$0x28F0] =	vst v0  }
0x20: {  	[tilespmem:s25+$0x2880] =	vst v0  }
0x21: {  	[tilespmem:s25+$0x2890] =	vst v0  }
0x22: {  	[tilespmem:s25+$0x28A0] =	vst v0  }
0x23: {  	[tilespmem:s25+$0x28B0] =	vst v0  }
0x24: {  	[tilespmem:s25+$0x28C0] =	vst v0  }
0x25: {  	[tilespmem:s25+$0x28D0] =	vst v0  }
0x26: {  	[tilespmem:s25+$0x28E0] =	vst v0;
	s25 =	simm.s32 $0x0;
	s26 =	simm.s32 $0x200  }
.LBB2_4:
0x27: {  	p0 =	sne.s32 s26, $0x9E00;
	[tilespmem:s25+$0xF0] =	vst v1  }
0x28: {  	[tilespmem:s25+$0x80] =	vst v1  }
0x29: {  	[tilespmem:s25+$0x90] =	vst v1  }
.Ltmp1:
0x2a: {  	[tilespmem:s25+$0xA0] =	vst v1;
	(pc) =	sbr.rel @p0 .LBB2_4-.Ltmp1, $4  }
0x2b: {  	[tilespmem:s25+$0xB0] =	vst v1  }
0x2c: {  	[tilespmem:s25+$0xC0] =	vst v1  }
0x2d: {  	[tilespmem:s25+$0xD0] =	vst v1  }
0x2e: {  	[tilespmem:s25+$0xE0] =	vst v1;
	s25 =	sshra.s32 s26, $0x2;
	s26 =	sadd.s32 $0x200, s26  }
0x2f: {  	[tilespmem:s25+$0xF0] =	vst v1  }
0x30: {  	[tilespmem:s25+$0x80] =	vst v1  }
0x31: {  	[tilespmem:s25+$0x90] =	vst v1  }
0x32: {  	[tilespmem:s25+$0xA0] =	vst v1  }
0x33: {  	[tilespmem:s25+$0xB0] =	vst v1  }
0x34: {  	[tilespmem:s25+$0xC0] =	vst v1  }
0x35: {  	[tilespmem:s25+$0xD0] =	vst v1  }
0x36: {  	[tilespmem:s25+$0xE0] =	vst v1  }
0x37: {  	[spmem:s4] =	stream.linear.scatter [tilespmem:s20], [sflag:$0x1], $0x4000, $0x38;
	[tilespmem:$0x1A880] =	vst v63  }
0x38: {  	_ =	swait.ge [sflag:s21], $0x4000  }
0x39: {  	[sflag:s21] =	ssyncset.done $0x0  }
0x3a: {  	[sflag:s21] =	ssyncadd.s32 $0xFFFFC000  }
0x3b: {  	[spmem:s6] =	stream.linear.scatter [tilespmem:s20], [sflag:$0x1], $0x4000, $0x38;
	[tilespmem:$0x1A880] =	vst v63  }
0x3c: {  	_ =	swait.ge [sflag:s21], $0x4000  }
0x3d: {  	[sflag:s21] =	ssyncset.done $0x0  }
0x3e: {  	[sflag:s21] =	ssyncadd.s32 $0xFFFFC000  }
0x3f: {  	[spmem:s7] =	stream.linear.scatter [tilespmem:s20], [sflag:$0x1], $0x4000, $0x38;
	[tilespmem:$0x1A880] =	vst v63  }
0x40: {  	_ =	swait.ge [sflag:s21], $0x4000  }
0x41: {  	[sflag:s21] =	ssyncset.done $0x0  }
0x42: {  	[sflag:s21] =	ssyncadd.s32 $0xFFFFC000  }
0x43: {  	[spmem:s8] =	stream.linear.scatter [tilespmem:s20], [sflag:$0x1], $0x4000, $0x38;
	[tilespmem:$0x1A880] =	vst v63  }
0x44: {  	_ =	swait.ge [sflag:s21], $0x4000  }
0x45: {  	[sflag:s21] =	ssyncset.done $0x0  }
0x46: {  	[sflag:s21] =	ssyncadd.s32 $0xFFFFC000  }
0x47: {  	[spmem:s9] =	stream.linear.scatter [tilespmem:s20], [sflag:$0x1], $0x4000, $0x38;
	[tilespmem:$0x1A880] =	vst v63  }
0x48: {  	_ =	swait.ge [sflag:s21], $0x4000  }
0x49: {  	[sflag:s21] =	ssyncset.done $0x0  }
0x4a: {  	[sflag:s21] =	ssyncadd.s32 $0xFFFFC000  }
0x4b: {  	s31 =	sadd.s32 $0x0, s19;
	[bflag:$0x0] =	sbarrier.arrive $0xFFFF  }
0x4c: {  	[tilespmem:s3], [sflag:$0x1] =	stream.linear.gather [hbm4b:s31+s3], $0x50, $0x38;
	[tilespmem:$0x1A880] =	vst v63  }
0x4d: {  	_ =	swait.ge [sflag:s21], $0x50  }
0x4e: {  	[sflag:s21] =	ssyncset.done $0x0  }
0x4f: {  	[sflag:s21] =	ssyncadd.s32 $0xFFFFFFB0  }
0x50: {  	[spmem:s2] =	stream.indirect.scatter.add.f32 [tilespmem:s23], [sflag:$0x1], $0x80, s3, s22, $0xb8;
	[tilespmem:$0x1A880] =	vst v63  }
0x51: {  	_ =	swait.ge [sflag:s21], $0x2800  }
0x52: {  	s25 =	simm.s32 $0xA;
	s26 =	simm.s32 $0x14;
	[sflag:s21] =	ssyncset.done $0x0  }
.LBB2_6:
0x53: {  	s28 =	sadd.s32 s25, s19  }
0x54: {  	[sflag:s21] =	ssyncadd.s32 $0xFFFFD800;
	s25 =	smov.u32 s26;
	s29 =	sadd.s32 $0xA, s26  }
0x55: {  	[tilespmem:s3], [sflag:$0x1] =	stream.linear.gather [hbm4b:s28+s3], $0x50, $0x38;
	[tilespmem:$0x1A880] =	vst v63  }
0x56: {  	p0 =	sne.s32 s26, $0x4D8;
	_ =	swait.ge [sflag:s21], $0x50  }
.Ltmp2:
0x57: {  	[sflag:s21] =	ssyncset.done $0x0;
	(pc) =	sbr.rel @p0 .LBB2_6-.Ltmp2, $4  }
0x58: {  	[sflag:s21] =	ssyncadd.s32 $0xFFFFFFB0  }
0x59: {  	[spmem:s2] =	stream.indirect.scatter.add.f32 [tilespmem:s23], [sflag:$0x1], $0x80, s3, s22, $0xb8;
	[tilespmem:$0x1A880] =	vst v63  }
0x5a: {  	_ =	swait.ge [sflag:s21], $0x2800  }
0x5b: {  	s26 =	smov.u32 s29;
	[sflag:s21] =	ssyncset.done $0x0  }
0x5c: {  	s25 =	sadd.s32 s25, s19;
	[sflag:s21] =	ssyncadd.s32 $0xFFFFD800  }
0x5d: {  	[tilespmem:s3], [sflag:$0x1] =	stream.linear.gather [hbm4b:s25+s3], $0x50, $0x38;
	[tilespmem:$0x1A880] =	vst v63  }
0x5e: {  	_ =	swait.ge [sflag:s21], $0x50  }
0x5f: {  	[sflag:s21] =	ssyncset.done $0x0  }
0x60: {  	[sflag:s21] =	ssyncadd.s32 $0xFFFFFFB0  }
0x61: {  	[spmem:s2] =	stream.indirect.scatter.add.f32 [tilespmem:s23], [sflag:$0x1], $0x80, s3, s22, $0xb8;
	[tilespmem:$0x1A880] =	vst v63  }
0x62: {  	_ =	swait.ge [sflag:s21], $0x2800  }
0x63: {  	[sflag:s21] =	ssyncset.done $0x0  }
0x64: {  	[sflag:s21] =	ssyncadd.s32 $0xFFFFD800  }
0x65: {  	[bflag:$0x0] =	sbarrier.arrive $0xFFFF  }
0x66: {  	[tilespmem:s20], [sflag:$0x1] =	stream.linear.gather [spmem:s4], $0x4000, $0x38;
	[tilespmem:$0x1A880] =	vst v63  }
0x67: {  	_ =	swait.ge [sflag:s21], $0x4000  }
0x68: {  	[sflag:s21] =	ssyncset.done $0x0  }
0x69: {  	[sflag:s21] =	ssyncadd.s32 $0xFFFFC000  }
0x6a: {  	[hbm4b:s10+s3] =	stream.linear.scatter [tilespmem:s20], [sflag:$0x1], $0x4000, $0x38;
	[tilespmem:$0x1A880] =	vst v63  }
0x6b: {  	_ =	swait.ge [sflag:s21], $0x4000  }
0x6c: {  	[sflag:s21] =	ssyncset.done $0x0  }
0x6d: {  	[sflag:s21] =	ssyncadd.s32 $0xFFFFC000  }
0x6e: {  	[tilespmem:s20], [sflag:$0x1] =	stream.linear.gather [spmem:s11], $0x4000, $0x38;
	[tilespmem:$0x1A880] =	vst v63  }
0x6f: {  	_ =	swait.ge [sflag:s21], $0x4000  }
0x70: {  	[sflag:s21] =	ssyncset.done $0x0  }
0x71: {  	[sflag:s21] =	ssyncadd.s32 $0xFFFFC000  }
0x72: {  	[hbm4b:s12+s3] =	stream.linear.scatter [tilespmem:s20], [sflag:$0x1], $0x4000, $0x38;
	[tilespmem:$0x1A880] =	vst v63  }
0x73: {  	_ =	swait.ge [sflag:s21], $0x4000  }
0x74: {  	[sflag:s21] =	ssyncset.done $0x0  }
0x75: {  	[sflag:s21] =	ssyncadd.s32 $0xFFFFC000  }
0x76: {  	[tilespmem:s20], [sflag:$0x1] =	stream.linear.gather [spmem:s13], $0x4000, $0x38;
	[tilespmem:$0x1A880] =	vst v63  }
0x77: {  	_ =	swait.ge [sflag:s21], $0x4000  }
0x78: {  	[sflag:s21] =	ssyncset.done $0x0  }
0x79: {  	[sflag:s21] =	ssyncadd.s32 $0xFFFFC000  }
0x7a: {  	[hbm4b:s14+s3] =	stream.linear.scatter [tilespmem:s20], [sflag:$0x1], $0x4000, $0x38;
	[tilespmem:$0x1A880] =	vst v63  }
0x7b: {  	_ =	swait.ge [sflag:s21], $0x4000  }
0x7c: {  	[sflag:s21] =	ssyncset.done $0x0  }
0x7d: {  	[sflag:s21] =	ssyncadd.s32 $0xFFFFC000  }
0x7e: {  	[tilespmem:s20], [sflag:$0x1] =	stream.linear.gather [spmem:s15], $0x4000, $0x38;
	[tilespmem:$0x1A880] =	vst v63  }
0x7f: {  	_ =	swait.ge [sflag:s21], $0x4000  }
0x80: {  	[sflag:s21] =	ssyncset.done $0x0  }
0x81: {  	[sflag:s21] =	ssyncadd.s32 $0xFFFFC000  }
0x82: {  	[hbm4b:s16+s3] =	stream.linear.scatter [tilespmem:s20], [sflag:$0x1], $0x4000, $0x38;
	[tilespmem:$0x1A880] =	vst v63  }
0x83: {  	_ =	swait.ge [sflag:s21], $0x4000  }
0x84: {  	[sflag:s21] =	ssyncset.done $0x0  }
0x85: {  	[sflag:s21] =	ssyncadd.s32 $0xFFFFC000  }
0x86: {  	[tilespmem:s20], [sflag:$0x1] =	stream.linear.gather [spmem:s17], $0x4000, $0x38;
	[tilespmem:$0x1A880] =	vst v63  }
0x87: {  	s24 =	sadd.s32 $0x1, s24;
	_ =	swait.ge [sflag:s21], $0x4000  }
0x88: {  	p0 =	sne.s32 s24, s5;
	[sflag:s21] =	ssyncset.done $0x0  }
.Ltmp3:
0x89: {  	[sflag:s21] =	ssyncadd.s32 $0xFFFFC000;
	(pc) =	sbr.rel @p0 .LBB2_1-.Ltmp3, $4  }
0x8a: {  	[hbm4b:s18+s3] =	stream.linear.scatter [tilespmem:s20], [sflag:$0x1], $0x4000, $0x38;
	[tilespmem:$0x1A880] =	vst v63  }
0x8b: {  	_ =	swait.ge [sflag:s21], $0x4000  }
0x8c: {  	[sflag:s21] =	ssyncset.done $0x0  }
0x8d: {  	[sflag:s21] =	ssyncadd.s32 $0xFFFFC000  }
0x8e: {  	_ =	sfence.sel $0x180000  }
0x8f: {  	[bflag:$0x0] =	sbarrier.arrive $0xFFFF  }
0x90: {  	p0 =	sne.s32 s0, $0x0;
	_ =	strace $0x90000056  }
0x91: {  	s0 =	sadd.s32 @!p0 $0x100000, s1;
	[bflag:$0x2] =	sbarrier.arrive $0xFFFF  }
0x92: {  	[sflag:s0] =	ssyncadd.tile.s32 @!p0 $0x1;
	_ =	shalt  }
.Lfunc_end2:
_tile_overlayer_lowered:
.L_overlay_start_2:
0x93: {  	(tag) =	ssettag $0x2  }
0x94: {  	s0 =	rddreg [dreg:$0x0];
	s2 =	stileid.u32  }
0x95: {  	s1 =	rddreg [dreg:$0x1];
	p0 =	sne.s32 s2, $0x0  }
0x96: {  	s3 =	rddreg [dreg:$0x2];
	[bflag:$0x3] =	sbarrier.arrive $0xFFFF;
	s2 =	simm.s32 @!p0 $0x1C01  }
0x97: {  	[timem:s3], [sflag:s2] =	dma.local @!p0 [hbm:s0], s1  }
0x98: {  	s0 =	simm.s32 @!p0 $0x1  }
0x99: {  	_ =	swait.ge @!p0 [sflag:s0], s1  }
0x9a: {  	s1 =	ssub.s32 @!p0 $0x0, s1;
	[sflag:s0] =	ssyncset.done @!p0 $0x0  }
0x9b: {  	[sflag:s0] =	ssyncadd.s32 @!p0 s1  }
0x9c: {  	[bflag:$0x3] =	sbarrier.arrive $0xFFFF  }
0x9d: {  	_ =	shalt  }

// kernel: kernel.35.cloned.1.call-start
scs
__scs_entry_jumppad:
0x0: {  	(pc) =	sbr.rel $0x88, $3  }
0x1: {  	(tag) =	ssettag $0x0;
	lr =	simm.s32 $0x1  }
0x2: {  	[smem:$0x3F93] =	sst lr;
	_ =	strace $0xD0000000  }
0x3: {  	_ = 	snop  }
0x4: {  	_ = 	snop  }
0x5: {  	_ = 	snop  }
0x6: {  	_ = 	snop  }
0x7: {  	_ = 	snop  }
__scs_overlays_trampoline_lowered:
0x8: {  	[smem:$0x3FA2] =	sst s0  }
0x9: {  	[smem:$0x3FA3] =	sst s1  }
0xa: {  	[smem:$0x3FA4] =	sst s2  }
0xb: {  	[smem:$0x3FA5] =	sst s3  }
0xc: {  	[smem:$0x3FA6] =	sst s4  }
0xd: {  	[smem:$0x3FA7] =	sst s5  }
0xe: {  	[smem:$0x3FA8] =	sst s6  }
0xf: {  	[smem:$0x3FA9] =	sst s7  }
0x10: {  	[smem:$0x3FAA] =	sst s8  }
0x11: {  	[smem:$0x3FAB] =	sst s9;
	s0 =	simm.s32 @!p0 $0x0  }
0x12: {  	s1 =	sld [smem:$0x3F91];
	s0 =	simm.s32 @p0 $0x1  }
0x13: {  	[smem:$0x3FAC] =	sst s0;
	s0 =	simm.s32 @!p1 $0x0  }
0x14: {  	s2 =	sld [smem:$0x3F90];
	s0 =	simm.s32 @p1 $0x1  }
0x15: {  	[smem:$0x3FAD] =	sst s0;
	s0 =	simm.s32 @!p2 $0x0  }
0x16: {  	s3 =	sld [smem:$0x3FDB];
	s0 =	simm.s32 @p2 $0x1  }
0x17: {  	s4 =	simm.s32 $0x1BF5;
	[smem:$0x3FAF] =	sst s0  }
0x18: {  	s0 =	sld [smem:$0x3F92];
	_ =	swait.ge [sflag:s4], $0x0  }
0x19: {  	s7 =	sld [smem:$0x3F93]  }
0x1a: {  	s8 =	sadd.s32 $0xFFFFE003, lr  }
0x1b: {  	s9 =	sadd.s32 $0xFFFFFEF7, lr;
	s5 =	simm.s32 $0xFFFFFFFF;
	p2 =	slt.u32 s8, $0xFFFFF086  }
0x1c: {  	p1 =	slt.u32 s9, $0xF7A;
	s5 =	simm.s32 @!p2 $0x0  }
0x1d: {  	s5 =	simm.s32 @p1 $0x1;
	p0 =	seq.s32 s7, s2  }
0x1e: {  	s7 =	smul.u32 @!p0 $0xF7A, s2;
	p2 =	seq.s32 @!p0 s5, $0x0  }
0x1f: {  	s9 =	smul.u32 $0xF7A, s1;
	s8 =	simm.s32 @!p0 $0x1BF5;
	p2 =	por !p2, p0  }
0x20: {  	[sflag:s8] =	ssyncset.s32 @!p0 $0xFFFFF086;
	s6 =	sadd.s32 @!p0 s3, s7;
	s7 =	simm.s32 @!p0 $0x108  }
0x21: {  	s3 =	sadd.s32 s3, s9;
	s6 =	sadd.s32 @!p0 $0x88, s6;
	s7 =	simm.s32 @p2 $0x1082  }
0x22: {  	[simem:s7], [sflag:s8] =	dma.local @!p0 [hbm:s6], $0xF7A  }
0x23: {  	s9 =	sor.u32 $0xD0000000, s2;
	s6 =	simm.s32 $0x108;
	_ =	swait.ge @!p0 [sflag:s8], $0x0  }
0x24: {  	s3 =	sadd.s32 $0x88, s3;
	s6 =	simm.s32 @!p1 $0x1082;
	[sflag:s4] =	ssyncset.s32 $0xFFFFF086  }
0x25: {  	[simem:s6], [sflag:s4] =	dma.local [hbm:s3], $0xF7A  }
0x26: {  	[smem:$0x3F93] =	sst s1;
	(tag) =	ssettag s2;
	_ =	strace s9  }
0x27: {  	s1 =	sld [smem:$0x3FA3]  }
0x28: {  	s2 =	sld [smem:$0x3FA4]  }
0x29: {  	s4 =	sld [smem:$0x3FA6]  }
0x2a: {  	p0 =	seq.s32 s5, $0x0;
	s5 =	sld [smem:$0x3FA7]  }
0x2b: {  	s6 =	sld [smem:$0x3FA8]  }
0x2c: {  	s7 =	sld [smem:$0x3FA9]  }
0x2d: {  	s3 =	simm.s32 $0x108;
	s8 =	sld [smem:$0x3FAA]  }
0x2e: {  	s3 =	simm.s32 @!p0 $0x1082;
	s9 =	sld [smem:$0x3FAB]  }
0x2f: {  	lr =	sadd.s32 s0, s3;
	s0 =	sld [smem:$0x3FA2]  }
0x30: {  	s3 =	sld [smem:$0x3FA5]  }
0x31: {  	[smem:$0x3FAE] =	sst s10  }
0x32: {  	s10 =	sld [smem:$0x3FAC];
	_ =	sdelay $0x3  }
0x33: {  	p0 =	seq.s32 s10, $0x1;
	s10 =	sld [smem:$0x3FAE];
	_ =	sdelay $0x3  }
0x34: {  	[smem:$0x3FAE] =	sst s10  }
0x35: {  	s10 =	sld [smem:$0x3FAD];
	_ =	sdelay $0x3  }
0x36: {  	p1 =	seq.s32 s10, $0x1;
	s10 =	sld [smem:$0x3FAE];
	_ =	sdelay $0x3  }
0x37: {  	[smem:$0x3FAE] =	sst s10  }
0x38: {  	s10 =	sld [smem:$0x3FAF]  }
0x39: {  	_ = 	snop;
	(pc) =	sbr.ind lr, $3  }
0x3a: {  	_ = 	snop  }
0x3b: {  	_ = 	snop  }
0x3c: {  	p2 =	seq.s32 s10, $0x1;
	s10 =	sld [smem:$0x3FAE]  }
0x3d: {  	_ =	shalt  }
0x3e: {  	_ =	shalt  }
0x3f: {  	_ =	shalt  }
0x40: {  	_ =	shalt  }
0x41: {  	_ =	shalt  }
0x42: {  	_ =	shalt  }
0x43: {  	_ =	shalt  }
0x44: {  	_ =	shalt  }
0x45: {  	_ =	shalt  }
0x46: {  	_ =	shalt  }
0x47: {  	_ =	shalt  }
0x48: {  	_ =	shalt  }
0x49: {  	_ =	shalt  }
0x4a: {  	_ =	shalt  }
0x4b: {  	_ =	shalt  }
0x4c: {  	_ =	shalt  }
0x4d: {  	_ =	shalt  }
0x4e: {  	_ =	shalt  }
0x4f: {  	_ =	shalt  }
0x50: {  	_ =	shalt  }
0x51: {  	_ =	shalt  }
0x52: {  	_ =	shalt  }
0x53: {  	_ =	shalt  }
0x54: {  	_ =	shalt  }
0x55: {  	_ =	shalt  }
0x56: {  	_ =	shalt  }
0x57: {  	_ =	shalt  }
0x58: {  	_ =	shalt  }
0x59: {  	_ =	shalt  }
0x5a: {  	_ =	shalt  }
0x5b: {  	_ =	shalt  }
0x5c: {  	_ =	shalt  }
0x5d: {  	_ =	shalt  }
0x5e: {  	_ =	shalt  }
0x5f: {  	_ =	shalt  }
0x60: {  	_ =	shalt  }
0x61: {  	_ =	shalt  }
0x62: {  	_ =	shalt  }
0x63: {  	_ =	shalt  }
0x64: {  	_ =	shalt  }
0x65: {  	_ =	shalt  }
0x66: {  	_ =	shalt  }
0x67: {  	_ =	shalt  }
0x68: {  	_ =	shalt  }
0x69: {  	_ =	shalt  }
0x6a: {  	_ =	shalt  }
0x6b: {  	_ =	shalt  }
0x6c: {  	_ =	shalt  }
0x6d: {  	_ =	shalt  }
0x6e: {  	_ =	shalt  }
0x6f: {  	_ =	shalt  }
0x70: {  	_ =	shalt  }
0x71: {  	_ =	shalt  }
0x72: {  	_ =	shalt  }
0x73: {  	_ =	shalt  }
0x74: {  	_ =	shalt  }
0x75: {  	_ =	shalt  }
0x76: {  	_ =	shalt  }
0x77: {  	_ =	shalt  }
0x78: {  	_ =	shalt  }
0x79: {  	_ =	shalt  }
0x7a: {  	_ =	shalt  }
0x7b: {  	_ =	shalt  }
0x7c: {  	_ =	shalt  }
0x7d: {  	_ =	shalt  }
0x7e: {  	_ =	shalt  }
0x7f: {  	_ =	shalt  }
0x80: {  	_ =	shalt  }
0x81: {  	_ =	shalt  }
0x82: {  	_ =	shalt  }
0x83: {  	_ =	shalt  }
0x84: {  	_ =	shalt  }
0x85: {  	_ =	shalt  }
0x86: {  	_ =	shalt  }
0x87: {  	_ =	shalt  }
.Lfunc_end0:
.L_simem_size_0:
called_computation.3_lowered:
.L_overlay_start_0:
0x88: {  	s2 =	sld [smem:$0x3FD9]  }
0x89: {  	s3 =	sld [smem:$0x3FFE];
	_ =	sdelay $0x1  }
0x8a: {  	s1 =	srdreg.scid  }
0x8b: {  	s0 =	sand.u32 $0x1, s1  }
0x8c: {  	s16 =	sshll.u32 s0, $0xA;
	s2 =	sadd.s32 s3, s2  }
0x8d: {  	s2 =	sadd.s32 s2, s16  }
0x8e: {  	[smem:$0x3FBA] =	sst s2  }
0x8f: {  	_ = 	snop  }
0x90: {  	(tm) =	ssettm $0x1  }
0x91: {  	s17 =	sld [smem:$0x3FFB];
	_ =	sdelay $0x3  }
0x92: {  	_ =	strace s17  }
0x93: {  	s2 =	sld [smem:$0x3FFC];
	_ =	sdelay $0x3  }
0x94: {  	_ =	strace s2  }
0x95: {  	s2 =	sld [smem:$0x3FFD];
	_ =	sdelay $0x3  }
0x96: {  	_ =	strace s2  }
0x97: {  	_ =	strace $0x8FFFFFFF  }
0x98: {  	s18 =	sld [smem:$0x3FDB];
	_ =	sdelay $0x1  }
0x99: {  	s19 =	simm.s32 $_scs_section_size  }
0x9a: {  	s4 =	simm.s32 $_size__tile_overlayer_lowered;
	s5 =	simm.s32 $_tile_overlayer_lowered  }
0x9b: {  	s22 =	simm.s32 $0x1BFF;
	s21 =	sshll.u32 s5, $0x1;
	s2 =	sadd.s32 s19, s18  }
0x9c: {  	s6 =	simm.s32 $0x0;
	s20 =	sshll.u32 s4, $0x1;
	s4 =	sadd.s32 s21, s2  }
0x9d: {  	[timem:s6], [sflag:s22] =	dma.local [hbm:s4], s20  }
0x9e: {  	_ =	swait.ge [sflag:s22], s20  }
0x9f: {  	s3 =	ssub.s32 $0x0, s20;
	[sflag:s22] =	ssyncset.done $0x0  }
0xa0: {  	[sflag:s22] =	ssyncadd.s32 s3;
	_ =	sdelay $0x1  }
0xa1: {  	s23 =	simm.s32 $0x1B8B  }
0xa2: {  	_ =	swait.ge [sflag:s23], $0x1  }
0xa3: {  	[sflag:s23] =	ssyncset.done $0x0  }
0xa4: {  	s25 =	simm.s32 $0x1B8E;
	s24 =	sld [smem:$0x3FFE];
	[sflag:s23] =	ssyncadd.s32 $0xFFFFFFFF  }
0xa5: {  	s26 =	simm.s32 $execute0_lowered;
	[smem:$0x3FD2] =	sst s25  }
0xa6: {  	s4 =	sshll.u32 s26, $0x1;
	_ =	strace $0x80000049;
	[dreg:$0x1] =	wrdreg $0xFFFFFFFF  }
0xa7: {  	s28 =	simm.s32 $_size_execute0_lowered;
	s2 =	sadd.s32 s2, s4;
	[dreg:$0x0] =	wrdreg $0x0  }
0xa8: {  	s4 =	sshll.u32 s28, $0x1;
	[dreg:$0x2] =	wrdreg s2  }
0xa9: {  	[dreg:$0x3] =	wrdreg s4  }
0xaa: {  	[dreg:$0x4] =	wrdreg $0xC0  }
0xab: {  	_ =	task [dreg:s6], $0x5FFFF  }
0xac: {  	[dreg:$0x1] =	wrdreg $0xFFFFFFFF  }
0xad: {  	[dreg:$0x0] =	wrdreg $0x60  }
0xae: {  	[dreg:$0x2] =	wrdreg s24  }
0xaf: {  	[dreg:$0x3] =	wrdreg $0x8D000  }
0xb0: {  	[dreg:$0x4] =	wrdreg $0xA  }
0xb1: {  	_ =	task.clear_ibuf [dreg:s6], $0x5FFFF;
	_ =	strace $0x90000049  }
0xb2: {  	s29 =	simm.s32 $0xA;
	_ =	strace $0x8000004B  }
0xb3: {  	_ =	swait.ge [sflag:s29], $0x1  }
0xb4: {  	[sflag:s29] =	ssyncadd.s32 $0xFFFFFFFF  }
0xb5: {  	_ =	strace $0x9000004B  }
0xb6: {  	_ =	sfence  }
0xb7: {  	s30 =	sld [smem:$0x0];
	_ =	sdelay $0x2  }
0xb8: {  	s31 =	sshll.u32 s1, $0xD;
	s1 =	sshrl.u32 s1, $0x2  }
0xb9: {  	s3 =	sand.u32 $0x4000, s31;
	s1 =	sadd.s32 s1, s30  }
0xba: {  	s0 =	sor.u32 s3, s0;
	s1 =	sshll.u32 s1, $0x11  }
0xbb: {  	s0 =	sor.u32 s1, s0  }
0xbc: {  	s0 =	sadd.s32 $0x8F2B, s0  }
0xbd: {  	[sflag:s0] =	ssyncadd.remote.s32 $0x1  }
0xbe: {  	_ =	sfence.sel $0xFFFF  }
0xbf: {  	[dreg:$0x0] =	wrdreg $0xFFFFFFFF;
	(pc) =	sbr.abs _section_cstart, $3  }
0xc0: {  	[dreg:$0x1] =	wrdreg $0xFFFFFFFF  }
0xc1: {  	_ =	task.clear_ibuf [dreg:s6], $0x2FFFF;
	_ =	strace $0x9FFFFFFF  }
0xc2: {  	(tm) =	ssettm $0x7FFFFFFF  }
0xc3: {  	_ =	shalt  }
tec
execute0_lowered:
.L_overlay_start_1:
0x0: {  	(tag) =	ssettag $0x1  }
0x1: {  	s5 =	rddreg [dreg:$0x0]  }
0x2: {  	s2 =	rddreg [dreg:$0x1]  }
0x3: {  	s0 =	rddreg [dreg:$0x2]  }
0x4: {  	s4 =	srdreg.scid;
	s1 =	stileid.u32  }
0x5: {  	s3 =	simm.s32 $0x0;
	s12 =	simm.s32 $0x2;
	s7 =	smul.u32 $0x4E20, s1  }
0x6: {  	s13 =	simm.s32 $0x50;
	s14 =	simm.s32 $0x100;
	s29 =	smul.u32 $0x9C4, s1  }
0x7: {  	s15 =	simm.s32 $0x80;
	s16 =	simm.s32 $0x1;
	s31 =	smul.u32 $0x19000, s1  }
0x8: {  	s17 =	simm.s32 $0x0;
	s6 =	sand.u32 $0x1, s4;
	s11 =	smul.u32 $0xC80, s1  }
0x9: {  	[smem:$0x7FF] =	sst s3;
	s4 =	sadd.s32 $0x130C00, s5;
	s8 =	smul.u32 $0x4E200, s6  }
0xa: {  	p0 =	slt.u32 s1, $0x2;
	s9 =	smul.u32 $0x27100, s6;
	s6 =	ssub.s32 $0x2, s6  }
0xb: {  	_ =	strace $0x8000004A;
	s30 =	sshrl.u32 s6, $0x1;
	s7 =	sadd.s32 s7, s8  }
0xc: {  	s8 =	sadd.s32 s29, s5;
	s9 =	sadd.s32 s9, s5;
	s6 =	ssub.s32 s6, s30  }
0xd: {  	s7 =	sshrl.u32 s7, $0x3;
	s6 =	smax.u32 s6, $0x1;
	s8 =	sadd.s32 $0xAE00, s8  }
0xe: {  	s10 =	sadd.s32 s7, s5;
	s5 =	simm.s32 $0x4;
	s7 =	sshrl.u32 s31, $0x2  }
0xf: {  	s11 =	sadd.s32 s11, s9;
	s5 =	simm.s32 @!p0 $0x3;
	s7 =	sadd.s32 s7, s2  }
0x10: {  	v0 =	vimm.f32 $0.0e+00;
	s9 =	sadd.s32 $0x94400, s10;
	s10 =	sadd.s32 $0x17EE00, s11;
	s11 =	simm.s32 $0x2900  }
.LBB2_1:
0x11: {  	s18 =	simm.s32 $0x0;
	s19 =	simm.s32 $0x200  }
.LBB2_2:
0x12: {  	p0 =	sne.s32 s19, $0x18E00;
	[tilespmem:s18+$0x2970] =	vst v0  }
0x13: {  	[tilespmem:s18+$0x2900] =	vst v0  }
0x14: {  	[tilespmem:s18+$0x2910] =	vst v0  }
.Ltmp0:
0x15: {  	[tilespmem:s18+$0x2920] =	vst v0;
	(pc) =	sbr.rel @p0 .LBB2_2-.Ltmp0, $4  }
0x16: {  	[tilespmem:s18+$0x2930] =	vst v0  }
0x17: {  	[tilespmem:s18+$0x2940] =	vst v0  }
0x18: {  	[tilespmem:s18+$0x2950] =	vst v0  }
0x19: {  	[tilespmem:s18+$0x2960] =	vst v0;
	s18 =	sshra.s32 s19, $0x2;
	s19 =	sadd.s32 $0x200, s19  }
0x1a: {  	[tilespmem:s18+$0x2970] =	vst v0  }
0x1b: {  	[tilespmem:s18+$0x2900] =	vst v0  }
0x1c: {  	[tilespmem:s18+$0x2910] =	vst v0  }
0x1d: {  	[tilespmem:s18+$0x2920] =	vst v0  }
0x1e: {  	[tilespmem:s18+$0x2930] =	vst v0  }
0x1f: {  	[tilespmem:s18+$0x2940] =	vst v0;
	p0 =	sne.s32 s5, $0x1  }
.Ltmp1:
0x20: {  	[tilespmem:s18+$0x2950] =	vst v0;
	(pc) =	sbr.rel @!p0 .LBB2_5-.Ltmp1, $4  }
0x21: {  	[tilespmem:s18+$0x2960] =	vst v0  }
0x22: {  	[spmem:s7] =	stream.linear.scatter [tilespmem:s11], [sflag:$0x2], $0x6400, $0x38;
	[tilespmem:$0x1C580] =	vst v63  }
0x23: {  	_ =	swait.ge [sflag:s12], $0x6400  }
0x24: {  	s18 =	sadd.s32 $0xFFFFFFFF, s5;
	s19 =	smov.u32 s7;
	[sflag:s12] =	ssyncset.done $0x0  }
.LBB2_4:
0x25: {  	p1 =	sne.s32 s18, $0x1;
	[sflag:s12] =	ssyncadd.s32 $0xFFFF9C00;
	s19 =	sadd.s32 $0x64000, s19  }
.Ltmp2:
0x26: {  	s18 =	sadd.s32 $0xFFFFFFFF, s18;
	(pc) =	sbr.rel @p1 .LBB2_4-.Ltmp2, $4  }
0x27: {  	_ = 	snop  }
0x28: {  	[spmem:s19] =	stream.linear.scatter [tilespmem:s11], [sflag:$0x2], $0x6400, $0x38;
	[tilespmem:$0x1C580] =	vst v63  }
0x29: {  	_ =	swait.ge [sflag:s12], $0x6400  }
0x2a: {  	[sflag:s12] =	ssyncset.done $0x0  }
.LBB2_5:
0x2b: {  	[sflag:s12] =	ssyncadd.s32 $0xFFFF9C00  }
0x2c: {  	s18 =	sadd.s32 $0x0, s9;
	[bflag:$0x0] =	sbarrier.arrive $0xFFFF  }
0x2d: {  	[tilespmem:s3], [sflag:$0x2] =	stream.linear.gather [hbm4b:s18+s3], $0x50, $0x38;
	[tilespmem:$0x1C580] =	vst v63  }
0x2e: {  	_ =	swait.ge [sflag:s12], $0x50  }
0x2f: {  	[sflag:s12] =	ssyncset.done $0x0  }
0x30: {  	[sflag:s12] =	ssyncadd.s32 $0xFFFFFFB0  }
0x31: {  	[tilespmem:s14], [sflag:$0x1] =	stream.indirect.gather [hbm4b:s4+s13], $0x80, s3, s13, $0xb8;
	[tilespmem:$0x1C580] =	vst v63  }
0x32: {  	s31 =	sadd.s32 $0x0, s8  }
0x33: {  	[tilespmem:s15], [sflag:$0x2] =	stream.linear.gather [hbm4b:s31+s3], $0x50, $0x38;
	[tilespmem:$0x1C580] =	vst v63  }
0x34: {  	_ =	swait.ge [sflag:s12], $0x50  }
0x35: {  	[sflag:s12] =	ssyncset.done $0x0  }
0x36: {  	[sflag:s12] =	ssyncadd.s32 $0xFFFFFFB0  }
0x37: {  	_ =	swait.ge [sflag:s16], $0x2800  }
0x38: {  	[sflag:s16] =	ssyncset.done $0x0  }
0x39: {  	[sflag:s16] =	ssyncadd.s32 $0xFFFFD800  }
0x3a: {  	[spmem:s2] =	stream.indirect.scatter.add.f32 [tilespmem:s14], [sflag:$0x2], $0x80, s15, s13, $0xb8;
	[tilespmem:$0x1C580] =	vst v63  }
0x3b: {  	_ =	swait.ge [sflag:s12], $0x2800  }
0x3c: {  	s19 =	simm.s32 $0x14;
	s18 =	simm.s32 $0xA;
	[sflag:s12] =	ssyncset.done $0x0  }
.LBB2_6:
0x3d: {  	s20 =	sadd.s32 s18, s9  }
0x3e: {  	[sflag:s12] =	ssyncadd.s32 $0xFFFFD800;
	s21 =	smov.u32 s19;
	s22 =	sadd.s32 $0xA, s19  }
0x3f: {  	[tilespmem:s3], [sflag:$0x2] =	stream.linear.gather [hbm4b:s20+s3], $0x50, $0x38;
	[tilespmem:$0x1C580] =	vst v63  }
0x40: {  	p1 =	sne.s32 s19, $0x9BA;
	_ =	swait.ge [sflag:s12], $0x50  }
0x41: {  	[sflag:s12] =	ssyncset.done $0x0  }
0x42: {  	[sflag:s12] =	ssyncadd.s32 $0xFFFFFFB0  }
0x43: {  	[tilespmem:s14], [sflag:$0x1] =	stream.indirect.gather [hbm4b:s4+s13], $0x80, s3, s13, $0xb8;
	[tilespmem:$0x1C580] =	vst v63  }
0x44: {  	s19 =	sadd.s32 s18, s8;
	s18 =	smov.u32 s21  }
0x45: {  	[tilespmem:s15], [sflag:$0x2] =	stream.linear.gather [hbm4b:s19+s3], $0x50, $0x38;
	[tilespmem:$0x1C580] =	vst v63  }
0x46: {  	_ =	swait.ge [sflag:s12], $0x50  }
0x47: {  	[sflag:s12] =	ssyncset.done $0x0  }
0x48: {  	[sflag:s12] =	ssyncadd.s32 $0xFFFFFFB0  }
0x49: {  	_ =	swait.ge [sflag:s16], $0x2800  }
.Ltmp3:
0x4a: {  	[sflag:s16] =	ssyncset.done $0x0;
	(pc) =	sbr.rel @p1 .LBB2_6-.Ltmp3, $4  }
0x4b: {  	[sflag:s16] =	ssyncadd.s32 $0xFFFFD800  }
0x4c: {  	[spmem:s2] =	stream.indirect.scatter.add.f32 [tilespmem:s14], [sflag:$0x2], $0x80, s15, s13, $0xb8;
	[tilespmem:$0x1C580] =	vst v63  }
0x4d: {  	_ =	swait.ge [sflag:s12], $0x2800  }
0x4e: {  	s19 =	smov.u32 s22;
	[sflag:s12] =	ssyncset.done $0x0  }
0x4f: {  	s19 =	sadd.s32 s18, s9;
	[sflag:s12] =	ssyncadd.s32 $0xFFFFD800  }
0x50: {  	[tilespmem:s3], [sflag:$0x2] =	stream.linear.gather [hbm4b:s19+s3], $0x50, $0x38;
	[tilespmem:$0x1C580] =	vst v63  }
0x51: {  	_ =	swait.ge [sflag:s12], $0x50  }
0x52: {  	[sflag:s12] =	ssyncset.done $0x0  }
0x53: {  	[sflag:s12] =	ssyncadd.s32 $0xFFFFFFB0  }
0x54: {  	[tilespmem:s14], [sflag:$0x1] =	stream.indirect.gather [hbm4b:s4+s13], $0x80, s3, s13, $0xb8;
	[tilespmem:$0x1C580] =	vst v63  }
0x55: {  	s31 =	sadd.s32 s18, s8  }
0x56: {  	[tilespmem:s15], [sflag:$0x2] =	stream.linear.gather [hbm4b:s31+s3], $0x50, $0x38;
	[tilespmem:$0x1C580] =	vst v63  }
0x57: {  	_ =	swait.ge [sflag:s12], $0x50  }
0x58: {  	[sflag:s12] =	ssyncset.done $0x0  }
0x59: {  	[sflag:s12] =	ssyncadd.s32 $0xFFFFFFB0  }
0x5a: {  	_ =	swait.ge [sflag:s16], $0x2800  }
0x5b: {  	[sflag:s16] =	ssyncset.done $0x0  }
0x5c: {  	[sflag:s16] =	ssyncadd.s32 $0xFFFFD800  }
0x5d: {  	[spmem:s2] =	stream.indirect.scatter.add.f32 [tilespmem:s14], [sflag:$0x2], $0x80, s15, s13, $0xb8;
	[tilespmem:$0x1C580] =	vst v63  }
0x5e: {  	_ =	swait.ge [sflag:s12], $0x2800  }
0x5f: {  	[sflag:s12] =	ssyncset.done $0x0  }
0x60: {  	[sflag:s12] =	ssyncadd.s32 $0xFFFFD800  }
0x61: {  	[bflag:$0x0] =	sbarrier.arrive $0xFFFF  }
0x62: {  	[tilespmem:s11], [sflag:$0x2] =	stream.linear.gather [spmem:s7], $0x6400, $0x38;
	[tilespmem:$0x1C580] =	vst v63  }
0x63: {  	_ =	swait.ge [sflag:s12], $0x6400  }
.Ltmp4:
0x64: {  	[sflag:s12] =	ssyncset.done $0x0;
	(pc) =	sbr.rel @!p0 .LBB2_9-.Ltmp4, $4  }
0x65: {  	[sflag:s12] =	ssyncadd.s32 $0xFFFF9C00  }
0x66: {  	[hbm4b:s10+s3] =	stream.linear.scatter [tilespmem:s11], [sflag:$0x2], $0x6400, $0x38;
	[tilespmem:$0x1C580] =	vst v63  }
0x67: {  	s18 =	sadd.s32 $0xFFFFFFFF, s5;
	_ =	swait.ge [sflag:s12], $0x6400  }
0x68: {  	s20 =	smov.u32 s10;
	s19 =	smov.u32 s7;
	[sflag:s12] =	ssyncset.done $0x0  }
.LBB2_8:
0x69: {  	[sflag:s12] =	ssyncadd.s32 $0xFFFF9C00;
	s19 =	sadd.s32 $0x64000, s19;
	s20 =	sadd.s32 $0xC800, s20  }
0x6a: {  	[tilespmem:s11], [sflag:$0x2] =	stream.linear.gather [spmem:s19], $0x6400, $0x38;
	[tilespmem:$0x1C580] =	vst v63  }
0x6b: {  	p0 =	sne.s32 s18, $0x1;
	s18 =	sadd.s32 $0xFFFFFFFF, s18;
	_ =	swait.ge [sflag:s12], $0x6400  }
.Ltmp5:
0x6c: {  	[sflag:s12] =	ssyncset.done $0x0;
	(pc) =	sbr.rel @p0 .LBB2_8-.Ltmp5, $4  }
0x6d: {  	[sflag:s12] =	ssyncadd.s32 $0xFFFF9C00  }
0x6e: {  	[hbm4b:s20+s3] =	stream.linear.scatter [tilespmem:s11], [sflag:$0x2], $0x6400, $0x38;
	[tilespmem:$0x1C580] =	vst v63  }
0x6f: {  	_ =	swait.ge [sflag:s12], $0x6400  }
0x70: {  	[sflag:s12] =	ssyncset.done $0x0  }
.LBB2_9:
0x71: {  	s17 =	sadd.s32 $0x1, s17  }
0x72: {  	p0 =	sne.s32 s17, s6  }
.Ltmp6:
0x73: {  	_ = 	snop;
	(pc) =	sbr.rel @p0 .LBB2_1-.Ltmp6, $2  }
0x74: {  	_ =	sdelay $0x2  }
0x75: {  	[sflag:s12] =	ssyncadd.s32 $0xFFFF9C00  }
0x76: {  	_ =	sfence.sel $0x180000  }
0x77: {  	[bflag:$0x0] =	sbarrier.arrive $0xFFFF  }
0x78: {  	p0 =	sne.s32 s1, $0x0;
	_ =	strace $0x9000004A  }
0x79: {  	s0 =	sadd.s32 @!p0 $0x100000, s0;
	[bflag:$0x2] =	sbarrier.arrive $0xFFFF  }
0x7a: {  	[sflag:s0] =	ssyncadd.tile.s32 @!p0 $0x1;
	_ =	shalt  }
.Lfunc_end2:
_tile_overlayer_lowered:
.L_overlay_start_2:
0x7b: {  	(tag) =	ssettag $0x2  }
0x7c: {  	s0 =	rddreg [dreg:$0x0];
	s2 =	stileid.u32  }
0x7d: {  	s1 =	rddreg [dreg:$0x1];
	p0 =	sne.s32 s2, $0x0  }
0x7e: {  	s3 =	rddreg [dreg:$0x2];
	[bflag:$0x3] =	sbarrier.arrive $0xFFFF;
	s2 =	simm.s32 @!p0 $0x1C02  }
0x7f: {  	[timem:s3], [sflag:s2] =	dma.local @!p0 [hbm:s0], s1  }
0x80: {  	s0 =	simm.s32 @!p0 $0x2  }
0x81: {  	_ =	swait.ge @!p0 [sflag:s0], s1  }
0x82: {  	s1 =	ssub.s32 @!p0 $0x0, s1;
	[sflag:s0] =	ssyncset.done @!p0 $0x0  }
0x83: {  	[sflag:s0] =	ssyncadd.s32 @!p0 s1  }
0x84: {  	[bflag:$0x3] =	sbarrier.arrive $0xFFFF  }
0x85: {  	_ =	shalt  }

// kernel: kernel.38.cloned.1.call-start
scs
__scs_entry_jumppad:
0x0: {  	(pc) =	sbr.rel $0x88, $3  }
0x1: {  	(tag) =	ssettag $0x0;
	lr =	simm.s32 $0x1  }
0x2: {  	[smem:$0x3F93] =	sst lr;
	_ =	strace $0xD0000000  }
0x3: {  	_ = 	snop  }
0x4: {  	_ = 	snop  }
0x5: {  	_ = 	snop  }
0x6: {  	_ = 	snop  }
0x7: {  	_ = 	snop  }
__scs_overlays_trampoline_lowered:
0x8: {  	[smem:$0x3FA2] =	sst s0  }
0x9: {  	[smem:$0x3FA3] =	sst s1  }
0xa: {  	[smem:$0x3FA4] =	sst s2  }
0xb: {  	[smem:$0x3FA5] =	sst s3  }
0xc: {  	[smem:$0x3FA6] =	sst s4  }
0xd: {  	[smem:$0x3FA7] =	sst s5  }
0xe: {  	[smem:$0x3FA8] =	sst s6  }
0xf: {  	[smem:$0x3FA9] =	sst s7  }
0x10: {  	[smem:$0x3FAA] =	sst s8  }
0x11: {  	[smem:$0x3FAB] =	sst s9;
	s0 =	simm.s32 @!p0 $0x0  }
0x12: {  	s1 =	sld [smem:$0x3F91];
	s0 =	simm.s32 @p0 $0x1  }
0x13: {  	[smem:$0x3FAC] =	sst s0;
	s0 =	simm.s32 @!p1 $0x0  }
0x14: {  	s2 =	sld [smem:$0x3F90];
	s0 =	simm.s32 @p1 $0x1  }
0x15: {  	[smem:$0x3FAD] =	sst s0;
	s0 =	simm.s32 @!p2 $0x0  }
0x16: {  	s3 =	sld [smem:$0x3FDB];
	s0 =	simm.s32 @p2 $0x1  }
0x17: {  	s4 =	simm.s32 $0x1BF5;
	[smem:$0x3FAF] =	sst s0  }
0x18: {  	s0 =	sld [smem:$0x3F92];
	_ =	swait.ge [sflag:s4], $0x0  }
0x19: {  	s7 =	sld [smem:$0x3F93]  }
0x1a: {  	s8 =	sadd.s32 $0xFFFFE003, lr  }
0x1b: {  	s9 =	sadd.s32 $0xFFFFFEF7, lr;
	s5 =	simm.s32 $0xFFFFFFFF;
	p2 =	slt.u32 s8, $0xFFFFF086  }
0x1c: {  	p1 =	slt.u32 s9, $0xF7A;
	s5 =	simm.s32 @!p2 $0x0  }
0x1d: {  	s5 =	simm.s32 @p1 $0x1;
	p0 =	seq.s32 s7, s2  }
0x1e: {  	s7 =	smul.u32 @!p0 $0xF7A, s2;
	p2 =	seq.s32 @!p0 s5, $0x0  }
0x1f: {  	s9 =	smul.u32 $0xF7A, s1;
	s8 =	simm.s32 @!p0 $0x1BF5;
	p2 =	por !p2, p0  }
0x20: {  	[sflag:s8] =	ssyncset.s32 @!p0 $0xFFFFF086;
	s6 =	sadd.s32 @!p0 s3, s7;
	s7 =	simm.s32 @!p0 $0x108  }
0x21: {  	s3 =	sadd.s32 s3, s9;
	s6 =	sadd.s32 @!p0 $0x88, s6;
	s7 =	simm.s32 @p2 $0x1082  }
0x22: {  	[simem:s7], [sflag:s8] =	dma.local @!p0 [hbm:s6], $0xF7A  }
0x23: {  	s9 =	sor.u32 $0xD0000000, s2;
	s6 =	simm.s32 $0x108;
	_ =	swait.ge @!p0 [sflag:s8], $0x0  }
0x24: {  	s3 =	sadd.s32 $0x88, s3;
	s6 =	simm.s32 @!p1 $0x1082;
	[sflag:s4] =	ssyncset.s32 $0xFFFFF086  }
0x25: {  	[simem:s6], [sflag:s4] =	dma.local [hbm:s3], $0xF7A  }
0x26: {  	[smem:$0x3F93] =	sst s1;
	(tag) =	ssettag s2;
	_ =	strace s9  }
0x27: {  	s1 =	sld [smem:$0x3FA3]  }
0x28: {  	s2 =	sld [smem:$0x3FA4]  }
0x29: {  	s4 =	sld [smem:$0x3FA6]  }
0x2a: {  	p0 =	seq.s32 s5, $0x0;
	s5 =	sld [smem:$0x3FA7]  }
0x2b: {  	s6 =	sld [smem:$0x3FA8]  }
0x2c: {  	s7 =	sld [smem:$0x3FA9]  }
0x2d: {  	s3 =	simm.s32 $0x108;
	s8 =	sld [smem:$0x3FAA]  }
0x2e: {  	s3 =	simm.s32 @!p0 $0x1082;
	s9 =	sld [smem:$0x3FAB]  }
0x2f: {  	lr =	sadd.s32 s0, s3;
	s0 =	sld [smem:$0x3FA2]  }
0x30: {  	s3 =	sld [smem:$0x3FA5]  }
0x31: {  	[smem:$0x3FAE] =	sst s10  }
0x32: {  	s10 =	sld [smem:$0x3FAC];
	_ =	sdelay $0x3  }
0x33: {  	p0 =	seq.s32 s10, $0x1;
	s10 =	sld [smem:$0x3FAE];
	_ =	sdelay $0x3  }
0x34: {  	[smem:$0x3FAE] =	sst s10  }
0x35: {  	s10 =	sld [smem:$0x3FAD];
	_ =	sdelay $0x3  }
0x36: {  	p1 =	seq.s32 s10, $0x1;
	s10 =	sld [smem:$0x3FAE];
	_ =	sdelay $0x3  }
0x37: {  	[smem:$0x3FAE] =	sst s10  }
0x38: {  	s10 =	sld [smem:$0x3FAF]  }
0x39: {  	_ = 	snop;
	(pc) =	sbr.ind lr, $3  }
0x3a: {  	_ = 	snop  }
0x3b: {  	_ = 	snop  }
0x3c: {  	p2 =	seq.s32 s10, $0x1;
	s10 =	sld [smem:$0x3FAE]  }
0x3d: {  	_ =	shalt  }
0x3e: {  	_ =	shalt  }
0x3f: {  	_ =	shalt  }
0x40: {  	_ =	shalt  }
0x41: {  	_ =	shalt  }
0x42: {  	_ =	shalt  }
0x43: {  	_ =	shalt  }
0x44: {  	_ =	shalt  }
0x45: {  	_ =	shalt  }
0x46: {  	_ =	shalt  }
0x47: {  	_ =	shalt  }
0x48: {  	_ =	shalt  }
0x49: {  	_ =	shalt  }
0x4a: {  	_ =	shalt  }
0x4b: {  	_ =	shalt  }
0x4c: {  	_ =	shalt  }
0x4d: {  	_ =	shalt  }
0x4e: {  	_ =	shalt  }
0x4f: {  	_ =	shalt  }
0x50: {  	_ =	shalt  }
0x51: {  	_ =	shalt  }
0x52: {  	_ =	shalt  }
0x53: {  	_ =	shalt  }
0x54: {  	_ =	shalt  }
0x55: {  	_ =	shalt  }
0x56: {  	_ =	shalt  }
0x57: {  	_ =	shalt  }
0x58: {  	_ =	shalt  }
0x59: {  	_ =	shalt  }
0x5a: {  	_ =	shalt  }
0x5b: {  	_ =	shalt  }
0x5c: {  	_ =	shalt  }
0x5d: {  	_ =	shalt  }
0x5e: {  	_ =	shalt  }
0x5f: {  	_ =	shalt  }
0x60: {  	_ =	shalt  }
0x61: {  	_ =	shalt  }
0x62: {  	_ =	shalt  }
0x63: {  	_ =	shalt  }
0x64: {  	_ =	shalt  }
0x65: {  	_ =	shalt  }
0x66: {  	_ =	shalt  }
0x67: {  	_ =	shalt  }
0x68: {  	_ =	shalt  }
0x69: {  	_ =	shalt  }
0x6a: {  	_ =	shalt  }
0x6b: {  	_ =	shalt  }
0x6c: {  	_ =	shalt  }
0x6d: {  	_ =	shalt  }
0x6e: {  	_ =	shalt  }
0x6f: {  	_ =	shalt  }
0x70: {  	_ =	shalt  }
0x71: {  	_ =	shalt  }
0x72: {  	_ =	shalt  }
0x73: {  	_ =	shalt  }
0x74: {  	_ =	shalt  }
0x75: {  	_ =	shalt  }
0x76: {  	_ =	shalt  }
0x77: {  	_ =	shalt  }
0x78: {  	_ =	shalt  }
0x79: {  	_ =	shalt  }
0x7a: {  	_ =	shalt  }
0x7b: {  	_ =	shalt  }
0x7c: {  	_ =	shalt  }
0x7d: {  	_ =	shalt  }
0x7e: {  	_ =	shalt  }
0x7f: {  	_ =	shalt  }
0x80: {  	_ =	shalt  }
0x81: {  	_ =	shalt  }
0x82: {  	_ =	shalt  }
0x83: {  	_ =	shalt  }
0x84: {  	_ =	shalt  }
0x85: {  	_ =	shalt  }
0x86: {  	_ =	shalt  }
0x87: {  	_ =	shalt  }
.Lfunc_end0:
.L_simem_size_0:
called_computation.4_lowered:
.L_overlay_start_0:
0x88: {  	s2 =	sld [smem:$0x3FD9]  }
0x89: {  	s3 =	sld [smem:$0x3FFE];
	_ =	sdelay $0x1  }
0x8a: {  	s1 =	srdreg.scid  }
0x8b: {  	s0 =	sand.u32 $0x1, s1  }
0x8c: {  	s17 =	sshll.u32 s0, $0xA;
	s2 =	sadd.s32 s3, s2  }
0x8d: {  	s2 =	sadd.s32 s2, s17  }
0x8e: {  	[smem:$0x3FBA] =	sst s2  }
0x8f: {  	_ = 	snop  }
0x90: {  	(tm) =	ssettm $0x1  }
0x91: {  	s18 =	sld [smem:$0x3FFB];
	_ =	sdelay $0x3  }
0x92: {  	_ =	strace s18  }
0x93: {  	s2 =	sld [smem:$0x3FFC];
	_ =	sdelay $0x3  }
0x94: {  	_ =	strace s2  }
0x95: {  	s2 =	sld [smem:$0x3FFD];
	_ =	sdelay $0x3  }
0x96: {  	_ =	strace s2  }
0x97: {  	_ =	strace $0x8FFFFFFF  }
0x98: {  	s19 =	sld [smem:$0x3FDB];
	_ =	sdelay $0x1  }
0x99: {  	s20 =	simm.s32 $_scs_section_size  }
0x9a: {  	s4 =	simm.s32 $_size__tile_overlayer_lowered;
	s5 =	simm.s32 $_tile_overlayer_lowered  }
0x9b: {  	s6 =	simm.s32 $0x1BFF;
	s21 =	sshll.u32 s5, $0x1;
	s3 =	sadd.s32 s20, s19  }
0x9c: {  	s22 =	simm.s32 $0x0;
	s4 =	sshll.u32 s4, $0x1;
	s5 =	sadd.s32 s21, s3  }
0x9d: {  	[timem:s22], [sflag:s6] =	dma.local [hbm:s5], s4  }
0x9e: {  	_ =	swait.ge [sflag:s6], s4  }
0x9f: {  	s4 =	ssub.s32 $0x0, s4;
	[sflag:s6] =	ssyncset.done $0x0  }
0xa0: {  	[sflag:s6] =	ssyncadd.s32 s4;
	_ =	sdelay $0x1  }
0xa1: {  	s23 =	simm.s32 $0x1B8B  }
0xa2: {  	_ =	swait.ge [sflag:s23], $0x1  }
0xa3: {  	[sflag:s23] =	ssyncset.done $0x0  }
0xa4: {  	[sflag:s23] =	ssyncadd.s32 $0xFFFFFFFF  }
0xa5: {  	s4 =	sld [smem:$0x0]  }
0xa6: {  	s5 =	sand.u32 $0xFFFFFFFE, s1  }
0xa7: {  	p0 =	sne.s32 s1, s5  }
0xa8: {  	s5 =	sshll.u32 @p0 s5, $0xE  }
0xa9: {  	s5 =	sadd.s32 @p0 $0x11B8D, s5;
	s6 =	sshll.u32 @p0 s4, $0x11  }
0xaa: {  	s5 =	sor.u32 @p0 s6, s5  }
0xab: {  	[sflag:s5] =	ssyncadd.remote.s32 @p0 $0x1;
	_ =	sdelay $0x1  }
0xac: {  	s5 =	simm.s32 @p0 $0x1B8D  }
0xad: {  	_ =	swait.eq @p0 [sflag:s5], $0x1  }
0xae: {  	[sflag:s5] =	ssyncadd.s32 @p0 $0xFFFFFFFF  }
0xaf: {  	s6 =	sshll.u32 @!p0 s1, $0xE  }
0xb0: {  	s6 =	sor.u32 @!p0 $0x4000, s6;
	s5 =	simm.s32 @!p0 $0x1B8D  }
0xb1: {  	s4 =	sshll.u32 @!p0 s4, $0x11;
	s6 =	sadd.s32 @!p0 $0x11B8D, s6;
	_ =	swait.eq @!p0 [sflag:s5], $0x1  }
0xb2: {  	s4 =	sor.u32 @!p0 s4, s6;
	[sflag:s5] =	ssyncadd.s32 @!p0 $0xFFFFFFFF  }
0xb3: {  	s25 =	simm.s32 $0x1B8E;
	s24 =	sld [smem:$0x3FFE];
	[sflag:s4] =	ssyncadd.remote.s32 @!p0 $0x1  }
0xb4: {  	s26 =	simm.s32 $execute0_lowered;
	[smem:$0x3FD2] =	sst s25  }
0xb5: {  	s5 =	sshll.u32 s26, $0x1;
	_ =	strace $0x8000004F;
	[dreg:$0x1] =	wrdreg $0xFFFFFFFF  }
0xb6: {  	s28 =	simm.s32 $_size_execute0_lowered;
	s3 =	sadd.s32 s3, s5;
	[dreg:$0x0] =	wrdreg $0x0  }
0xb7: {  	s5 =	sshll.u32 s28, $0x1;
	[dreg:$0x2] =	wrdreg s3  }
0xb8: {  	[dreg:$0x3] =	wrdreg s5  }
0xb9: {  	[dreg:$0x4] =	wrdreg $0xC0  }
0xba: {  	_ =	task [dreg:s22], $0x5FFFF  }
0xbb: {  	[dreg:$0x1] =	wrdreg $0xFFFFFFFF  }
0xbc: {  	[dreg:$0x0] =	wrdreg $0x60  }
0xbd: {  	[dreg:$0x2] =	wrdreg s24  }
0xbe: {  	[dreg:$0x3] =	wrdreg $0x8D000  }
0xbf: {  	[dreg:$0x4] =	wrdreg $0xA  }
0xc0: {  	_ =	task.clear_ibuf [dreg:s22], $0x5FFFF;
	_ =	strace $0x9000004F  }
0xc1: {  	s29 =	simm.s32 $0xA;
	_ =	strace $0x80000051  }
0xc2: {  	_ =	swait.ge [sflag:s29], $0x1  }
0xc3: {  	[sflag:s29] =	ssyncadd.s32 $0xFFFFFFFF  }
0xc4: {  	_ =	strace $0x90000051  }
0xc5: {  	_ =	sfence  }
0xc6: {  	s30 =	sld [smem:$0x0];
	_ =	sdelay $0x2  }
0xc7: {  	s31 =	sshll.u32 s1, $0xD;
	s1 =	sshrl.u32 s1, $0x2  }
0xc8: {  	s4 =	sand.u32 $0x4000, s31;
	s1 =	sadd.s32 s1, s30  }
0xc9: {  	s0 =	sor.u32 s4, s0;
	s1 =	sshll.u32 s1, $0x11  }
0xca: {  	s0 =	sor.u32 s1, s0  }
0xcb: {  	s0 =	sadd.s32 $0x8F2B, s0  }
0xcc: {  	[sflag:s0] =	ssyncadd.remote.s32 $0x1  }
0xcd: {  	_ =	sfence.sel $0xFFFF  }
0xce: {  	[dreg:$0x0] =	wrdreg $0xFFFFFFFF;
	(pc) =	sbr.abs _section_cstart, $3  }
0xcf: {  	[dreg:$0x1] =	wrdreg $0xFFFFFFFF  }
0xd0: {  	_ =	task.clear_ibuf [dreg:s22], $0x2FFFF;
	_ =	strace $0x9FFFFFFF  }
0xd1: {  	(tm) =	ssettm $0x7FFFFFFF  }
tec
execute0_lowered:
.L_overlay_start_1:
0x0: {  	(tag) =	ssettag $0x1  }
0x1: {  	s5 =	rddreg [dreg:$0x0]  }
0x2: {  	s1 =	srdreg.scid;
	s0 =	stileid.u32  }
0x3: {  	s2 =	rddreg [dreg:$0x1];
	s3 =	simm.s32 $0x0;
	s12 =	simm.s32 $0x2  }
0x4: {  	s13 =	simm.s32 $0x50;
	s14 =	simm.s32 $0x100;
	s6 =	smul.u32 $0x4E20, s0  }
0x5: {  	s15 =	simm.s32 $0x80;
	s16 =	simm.s32 $0x1;
	s31 =	smul.u32 $0x19000, s0  }
0x6: {  	s4 =	sand.u32 $0x1, s1;
	s1 =	rddreg [dreg:$0x2];
	s11 =	smul.u32 $0xC80, s0  }
0x7: {  	s17 =	simm.s32 $0x0;
	[smem:$0x7FF] =	sst s3;
	s7 =	smul.u32 $0x2710, s4  }
0x8: {  	p0 =	slt.u32 s0, $0x2;
	s29 =	smul.u32 $0x27100, s4;
	s8 =	ssub.s32 $0x2, s4  }
0x9: {  	_ =	strace $0x80000050;
	s4 =	sadd.s32 $0x130C00, s5;
	s30 =	sshrl.u32 s8, $0x1  }
0xa: {  	s6 =	sadd.s32 s7, s6;
	s10 =	sadd.s32 s29, s5;
	s7 =	sshrl.u32 s31, $0x2  }
0xb: {  	s6 =	sshrl.u32 s6, $0x3;
	s7 =	sadd.s32 s7, s2;
	s10 =	sadd.s32 s11, s10  }
0xc: {  	s11 =	simm.s32 $0x2900;
	s9 =	sadd.s32 s6, s5;
	s5 =	simm.s32 $0x4  }
0xd: {  	s6 =	ssub.s32 s8, s30;
	s10 =	sadd.s32 $0x157E00, s10;
	s5 =	simm.s32 @!p0 $0x3  }
0xe: {  	v0 =	vimm.f32 $0.0e+00;
	s6 =	smax.u32 s6, $0x1;
	s8 =	sadd.s32 $0xAE00, s9;
	s9 =	sadd.s32 $0x3C400, s9  }
.LBB2_1:
0xf: {  	s18 =	simm.s32 $0x0;
	s19 =	simm.s32 $0x200  }
.LBB2_2:
0x10: {  	p0 =	sne.s32 s19, $0x18E00;
	[tilespmem:s18+$0x2970] =	vst v0  }
0x11: {  	[tilespmem:s18+$0x2900] =	vst v0  }
0x12: {  	[tilespmem:s18+$0x2910] =	vst v0  }
.Ltmp0:
0x13: {  	[tilespmem:s18+$0x2920] =	vst v0;
	(pc) =	sbr.rel @p0 .LBB2_2-.Ltmp0, $4  }
0x14: {  	[tilespmem:s18+$0x2930] =	vst v0  }
0x15: {  	[tilespmem:s18+$0x2940] =	vst v0  }
0x16: {  	[tilespmem:s18+$0x2950] =	vst v0  }
0x17: {  	[tilespmem:s18+$0x2960] =	vst v0;
	s18 =	sshra.s32 s19, $0x2;
	s19 =	sadd.s32 $0x200, s19  }
0x18: {  	[tilespmem:s18+$0x2970] =	vst v0  }
0x19: {  	[tilespmem:s18+$0x2900] =	vst v0  }
0x1a: {  	[tilespmem:s18+$0x2910] =	vst v0  }
0x1b: {  	[tilespmem:s18+$0x2920] =	vst v0  }
0x1c: {  	[tilespmem:s18+$0x2930] =	vst v0  }
0x1d: {  	[tilespmem:s18+$0x2940] =	vst v0;
	p0 =	sne.s32 s5, $0x1  }
.Ltmp1:
0x1e: {  	[tilespmem:s18+$0x2950] =	vst v0;
	(pc) =	sbr.rel @!p0 .LBB2_5-.Ltmp1, $4  }
0x1f: {  	[tilespmem:s18+$0x2960] =	vst v0  }
0x20: {  	[spmem:s7] =	stream.linear.scatter [tilespmem:s11], [sflag:$0x2], $0x6400, $0x38;
	[tilespmem:$0x1C580] =	vst v63  }
0x21: {  	_ =	swait.ge [sflag:s12], $0x6400  }
0x22: {  	s18 =	sadd.s32 $0xFFFFFFFF, s5;
	s19 =	smov.u32 s7;
	[sflag:s12] =	ssyncset.done $0x0  }
.LBB2_4:
0x23: {  	p1 =	sne.s32 s18, $0x1;
	[sflag:s12] =	ssyncadd.s32 $0xFFFF9C00;
	s19 =	sadd.s32 $0x64000, s19  }
.Ltmp2:
0x24: {  	s18 =	sadd.s32 $0xFFFFFFFF, s18;
	(pc) =	sbr.rel @p1 .LBB2_4-.Ltmp2, $4  }
0x25: {  	_ = 	snop  }
0x26: {  	[spmem:s19] =	stream.linear.scatter [tilespmem:s11], [sflag:$0x2], $0x6400, $0x38;
	[tilespmem:$0x1C580] =	vst v63  }
0x27: {  	_ =	swait.ge [sflag:s12], $0x6400  }
0x28: {  	[sflag:s12] =	ssyncset.done $0x0  }
.LBB2_5:
0x29: {  	[sflag:s12] =	ssyncadd.s32 $0xFFFF9C00  }
0x2a: {  	s18 =	sadd.s32 $0x0, s9;
	[bflag:$0x0] =	sbarrier.arrive $0xFFFF  }
0x2b: {  	[tilespmem:s3], [sflag:$0x2] =	stream.linear.gather [hbm4b:s18+s3], $0x50, $0x38;
	[tilespmem:$0x1C580] =	vst v63  }
0x2c: {  	_ =	swait.ge [sflag:s12], $0x50  }
0x2d: {  	[sflag:s12] =	ssyncset.done $0x0  }
0x2e: {  	[sflag:s12] =	ssyncadd.s32 $0xFFFFFFB0  }
0x2f: {  	[tilespmem:s14], [sflag:$0x1] =	stream.indirect.gather [hbm4b:s4+s13], $0x80, s3, s13, $0xb8;
	[tilespmem:$0x1C580] =	vst v63  }
0x30: {  	s31 =	sadd.s32 $0x0, s8  }
0x31: {  	[tilespmem:s15], [sflag:$0x2] =	stream.linear.gather [hbm4b:s31+s3], $0x50, $0x38;
	[tilespmem:$0x1C580] =	vst v63  }
0x32: {  	_ =	swait.ge [sflag:s12], $0x50  }
0x33: {  	[sflag:s12] =	ssyncset.done $0x0  }
0x34: {  	[sflag:s12] =	ssyncadd.s32 $0xFFFFFFB0  }
0x35: {  	_ =	swait.ge [sflag:s16], $0x2800  }
0x36: {  	[sflag:s16] =	ssyncset.done $0x0  }
0x37: {  	[sflag:s16] =	ssyncadd.s32 $0xFFFFD800  }
0x38: {  	[spmem:s2] =	stream.indirect.scatter.add.f32 [tilespmem:s14], [sflag:$0x2], $0x80, s15, s13, $0xb8;
	[tilespmem:$0x1C580] =	vst v63  }
0x39: {  	_ =	swait.ge [sflag:s12], $0x2800  }
0x3a: {  	s19 =	simm.s32 $0x14;
	s18 =	simm.s32 $0xA;
	[sflag:s12] =	ssyncset.done $0x0  }
.LBB2_6:
0x3b: {  	s20 =	sadd.s32 s18, s9  }
0x3c: {  	[sflag:s12] =	ssyncadd.s32 $0xFFFFD800;
	s21 =	smov.u32 s19;
	s22 =	sadd.s32 $0xA, s19  }
0x3d: {  	[tilespmem:s3], [sflag:$0x2] =	stream.linear.gather [hbm4b:s20+s3], $0x50, $0x38;
	[tilespmem:$0x1C580] =	vst v63  }
0x3e: {  	p1 =	sne.s32 s19, $0x4D8;
	_ =	swait.ge [sflag:s12], $0x50  }
0x3f: {  	[sflag:s12] =	ssyncset.done $0x0  }
0x40: {  	[sflag:s12] =	ssyncadd.s32 $0xFFFFFFB0  }
0x41: {  	[tilespmem:s14], [sflag:$0x1] =	stream.indirect.gather [hbm4b:s4+s13], $0x80, s3, s13, $0xb8;
	[tilespmem:$0x1C580] =	vst v63  }
0x42: {  	s19 =	sadd.s32 s18, s8;
	s18 =	smov.u32 s21  }
0x43: {  	[tilespmem:s15], [sflag:$0x2] =	stream.linear.gather [hbm4b:s19+s3], $0x50, $0x38;
	[tilespmem:$0x1C580] =	vst v63  }
0x44: {  	_ =	swait.ge [sflag:s12], $0x50  }
0x45: {  	[sflag:s12] =	ssyncset.done $0x0  }
0x46: {  	[sflag:s12] =	ssyncadd.s32 $0xFFFFFFB0  }
0x47: {  	_ =	swait.ge [sflag:s16], $0x2800  }
.Ltmp3:
0x48: {  	[sflag:s16] =	ssyncset.done $0x0;
	(pc) =	sbr.rel @p1 .LBB2_6-.Ltmp3, $4  }
0x49: {  	[sflag:s16] =	ssyncadd.s32 $0xFFFFD800  }
0x4a: {  	[spmem:s2] =	stream.indirect.scatter.add.f32 [tilespmem:s14], [sflag:$0x2], $0x80, s15, s13, $0xb8;
	[tilespmem:$0x1C580] =	vst v63  }
0x4b: {  	_ =	swait.ge [sflag:s12], $0x2800  }
0x4c: {  	s19 =	smov.u32 s22;
	[sflag:s12] =	ssyncset.done $0x0  }
0x4d: {  	s19 =	sadd.s32 s18, s9;
	[sflag:s12] =	ssyncadd.s32 $0xFFFFD800  }
0x4e: {  	[tilespmem:s3], [sflag:$0x2] =	stream.linear.gather [hbm4b:s19+s3], $0x50, $0x38;
	[tilespmem:$0x1C580] =	vst v63  }
0x4f: {  	_ =	swait.ge [sflag:s12], $0x50  }
0x50: {  	[sflag:s12] =	ssyncset.done $0x0  }
0x51: {  	[sflag:s12] =	ssyncadd.s32 $0xFFFFFFB0  }
0x52: {  	[tilespmem:s14], [sflag:$0x1] =	stream.indirect.gather [hbm4b:s4+s13], $0x80, s3, s13, $0xb8;
	[tilespmem:$0x1C580] =	vst v63  }
0x53: {  	s31 =	sadd.s32 s18, s8  }
0x54: {  	[tilespmem:s15], [sflag:$0x2] =	stream.linear.gather [hbm4b:s31+s3], $0x50, $0x38;
	[tilespmem:$0x1C580] =	vst v63  }
0x55: {  	_ =	swait.ge [sflag:s12], $0x50  }
0x56: {  	[sflag:s12] =	ssyncset.done $0x0  }
0x57: {  	[sflag:s12] =	ssyncadd.s32 $0xFFFFFFB0  }
0x58: {  	_ =	swait.ge [sflag:s16], $0x2800  }
0x59: {  	[sflag:s16] =	ssyncset.done $0x0  }
0x5a: {  	[sflag:s16] =	ssyncadd.s32 $0xFFFFD800  }
0x5b: {  	[spmem:s2] =	stream.indirect.scatter.add.f32 [tilespmem:s14], [sflag:$0x2], $0x80, s15, s13, $0xb8;
	[tilespmem:$0x1C580] =	vst v63  }
0x5c: {  	_ =	swait.ge [sflag:s12], $0x2800  }
0x5d: {  	[sflag:s12] =	ssyncset.done $0x0  }
0x5e: {  	[sflag:s12] =	ssyncadd.s32 $0xFFFFD800  }
0x5f: {  	[bflag:$0x0] =	sbarrier.arrive $0xFFFF  }
0x60: {  	[tilespmem:s11], [sflag:$0x2] =	stream.linear.gather [spmem:s7], $0x6400, $0x38;
	[tilespmem:$0x1C580] =	vst v63  }
0x61: {  	_ =	swait.ge [sflag:s12], $0x6400  }
.Ltmp4:
0x62: {  	[sflag:s12] =	ssyncset.done $0x0;
	(pc) =	sbr.rel @!p0 .LBB2_9-.Ltmp4, $4  }
0x63: {  	[sflag:s12] =	ssyncadd.s32 $0xFFFF9C00  }
0x64: {  	[hbm4b:s10+s3] =	stream.linear.scatter [tilespmem:s11], [sflag:$0x2], $0x6400, $0x38;
	[tilespmem:$0x1C580] =	vst v63  }
0x65: {  	s18 =	sadd.s32 $0xFFFFFFFF, s5;
	_ =	swait.ge [sflag:s12], $0x6400  }
0x66: {  	s20 =	smov.u32 s10;
	s19 =	smov.u32 s7;
	[sflag:s12] =	ssyncset.done $0x0  }
.LBB2_8:
0x67: {  	[sflag:s12] =	ssyncadd.s32 $0xFFFF9C00;
	s19 =	sadd.s32 $0x64000, s19;
	s20 =	sadd.s32 $0xC800, s20  }
0x68: {  	[tilespmem:s11], [sflag:$0x2] =	stream.linear.gather [spmem:s19], $0x6400, $0x38;
	[tilespmem:$0x1C580] =	vst v63  }
0x69: {  	p0 =	sne.s32 s18, $0x1;
	s18 =	sadd.s32 $0xFFFFFFFF, s18;
	_ =	swait.ge [sflag:s12], $0x6400  }
.Ltmp5:
0x6a: {  	[sflag:s12] =	ssyncset.done $0x0;
	(pc) =	sbr.rel @p0 .LBB2_8-.Ltmp5, $4  }
0x6b: {  	[sflag:s12] =	ssyncadd.s32 $0xFFFF9C00  }
0x6c: {  	[hbm4b:s20+s3] =	stream.linear.scatter [tilespmem:s11], [sflag:$0x2], $0x6400, $0x38;
	[tilespmem:$0x1C580] =	vst v63  }
0x6d: {  	_ =	swait.ge [sflag:s12], $0x6400  }
0x6e: {  	[sflag:s12] =	ssyncset.done $0x0  }
.LBB2_9:
0x6f: {  	s17 =	sadd.s32 $0x1, s17  }
0x70: {  	p0 =	sne.s32 s17, s6  }
.Ltmp6:
0x71: {  	_ = 	snop;
	(pc) =	sbr.rel @p0 .LBB2_1-.Ltmp6, $2  }
0x72: {  	_ =	sdelay $0x2  }
0x73: {  	[sflag:s12] =	ssyncadd.s32 $0xFFFF9C00  }
0x74: {  	_ =	sfence.sel $0x180000  }
0x75: {  	[bflag:$0x0] =	sbarrier.arrive $0xFFFF  }
0x76: {  	p0 =	sne.s32 s0, $0x0;
	_ =	strace $0x90000050  }
0x77: {  	s0 =	sadd.s32 @!p0 $0x100000, s1;
	[bflag:$0x2] =	sbarrier.arrive $0xFFFF  }
0x78: {  	[sflag:s0] =	ssyncadd.tile.s32 @!p0 $0x1;
	_ =	shalt  }
.Lfunc_end2:
_tile_overlayer_lowered:
.L_overlay_start_2:
0x79: {  	(tag) =	ssettag $0x2  }
0x7a: {  	s0 =	rddreg [dreg:$0x0];
	s2 =	stileid.u32  }
0x7b: {  	s1 =	rddreg [dreg:$0x1];
	p0 =	sne.s32 s2, $0x0  }
0x7c: {  	s3 =	rddreg [dreg:$0x2];
	[bflag:$0x3] =	sbarrier.arrive $0xFFFF;
	s2 =	simm.s32 @!p0 $0x1C02  }
0x7d: {  	[timem:s3], [sflag:s2] =	dma.local @!p0 [hbm:s0], s1  }
0x7e: {  	s0 =	simm.s32 @!p0 $0x2  }
0x7f: {  	_ =	swait.ge @!p0 [sflag:s0], s1  }
0x80: {  	s1 =	ssub.s32 @!p0 $0x0, s1;
	[sflag:s0] =	ssyncset.done @!p0 $0x0  }
0x81: {  	[sflag:s0] =	ssyncadd.s32 @!p0 s1  }
0x82: {  	[bflag:$0x3] =	sbarrier.arrive $0xFFFF  }
0x83: {  	_ =	shalt  }

// kernel: kernel.41.cloned.1.call-start
scs
__scs_entry_jumppad:
0x0: {  	(pc) =	sbr.rel $0x88, $3  }
0x1: {  	(tag) =	ssettag $0x0;
	lr =	simm.s32 $0x1  }
0x2: {  	[smem:$0x3F93] =	sst lr;
	_ =	strace $0xD0000000  }
0x3: {  	_ = 	snop  }
0x4: {  	_ = 	snop  }
0x5: {  	_ = 	snop  }
0x6: {  	_ = 	snop  }
0x7: {  	_ = 	snop  }
__scs_overlays_trampoline_lowered:
0x8: {  	[smem:$0x3FA2] =	sst s0  }
0x9: {  	[smem:$0x3FA3] =	sst s1  }
0xa: {  	[smem:$0x3FA4] =	sst s2  }
0xb: {  	[smem:$0x3FA5] =	sst s3  }
0xc: {  	[smem:$0x3FA6] =	sst s4  }
0xd: {  	[smem:$0x3FA7] =	sst s5  }
0xe: {  	[smem:$0x3FA8] =	sst s6  }
0xf: {  	[smem:$0x3FA9] =	sst s7  }
0x10: {  	[smem:$0x3FAA] =	sst s8  }
0x11: {  	[smem:$0x3FAB] =	sst s9;
	s0 =	simm.s32 @!p0 $0x0  }
0x12: {  	s1 =	sld [smem:$0x3F91];
	s0 =	simm.s32 @p0 $0x1  }
0x13: {  	[smem:$0x3FAC] =	sst s0;
	s0 =	simm.s32 @!p1 $0x0  }
0x14: {  	s2 =	sld [smem:$0x3F90];
	s0 =	simm.s32 @p1 $0x1  }
0x15: {  	[smem:$0x3FAD] =	sst s0;
	s0 =	simm.s32 @!p2 $0x0  }
0x16: {  	s3 =	sld [smem:$0x3FDB];
	s0 =	simm.s32 @p2 $0x1  }
0x17: {  	s4 =	simm.s32 $0x1BF5;
	[smem:$0x3FAF] =	sst s0  }
0x18: {  	s0 =	sld [smem:$0x3F92];
	_ =	swait.ge [sflag:s4], $0x0  }
0x19: {  	s7 =	sld [smem:$0x3F93]  }
0x1a: {  	s8 =	sadd.s32 $0xFFFFE003, lr  }
0x1b: {  	s9 =	sadd.s32 $0xFFFFFEF7, lr;
	s5 =	simm.s32 $0xFFFFFFFF;
	p2 =	slt.u32 s8, $0xFFFFF086  }
0x1c: {  	p1 =	slt.u32 s9, $0xF7A;
	s5 =	simm.s32 @!p2 $0x0  }
0x1d: {  	s5 =	simm.s32 @p1 $0x1;
	p0 =	seq.s32 s7, s2  }
0x1e: {  	s7 =	smul.u32 @!p0 $0xF7A, s2;
	p2 =	seq.s32 @!p0 s5, $0x0  }
0x1f: {  	s9 =	smul.u32 $0xF7A, s1;
	s8 =	simm.s32 @!p0 $0x1BF5;
	p2 =	por !p2, p0  }
0x20: {  	[sflag:s8] =	ssyncset.s32 @!p0 $0xFFFFF086;
	s6 =	sadd.s32 @!p0 s3, s7;
	s7 =	simm.s32 @!p0 $0x108  }
0x21: {  	s3 =	sadd.s32 s3, s9;
	s6 =	sadd.s32 @!p0 $0x88, s6;
	s7 =	simm.s32 @p2 $0x1082  }
0x22: {  	[simem:s7], [sflag:s8] =	dma.local @!p0 [hbm:s6], $0xF7A  }
0x23: {  	s9 =	sor.u32 $0xD0000000, s2;
	s6 =	simm.s32 $0x108;
	_ =	swait.ge @!p0 [sflag:s8], $0x0  }
0x24: {  	s3 =	sadd.s32 $0x88, s3;
	s6 =	simm.s32 @!p1 $0x1082;
	[sflag:s4] =	ssyncset.s32 $0xFFFFF086  }
0x25: {  	[simem:s6], [sflag:s4] =	dma.local [hbm:s3], $0xF7A  }
0x26: {  	[smem:$0x3F93] =	sst s1;
	(tag) =	ssettag s2;
	_ =	strace s9  }
0x27: {  	s1 =	sld [smem:$0x3FA3]  }
0x28: {  	s2 =	sld [smem:$0x3FA4]  }
0x29: {  	s4 =	sld [smem:$0x3FA6]  }
0x2a: {  	p0 =	seq.s32 s5, $0x0;
	s5 =	sld [smem:$0x3FA7]  }
0x2b: {  	s6 =	sld [smem:$0x3FA8]  }
0x2c: {  	s7 =	sld [smem:$0x3FA9]  }
0x2d: {  	s3 =	simm.s32 $0x108;
	s8 =	sld [smem:$0x3FAA]  }
0x2e: {  	s3 =	simm.s32 @!p0 $0x1082;
	s9 =	sld [smem:$0x3FAB]  }
0x2f: {  	lr =	sadd.s32 s0, s3;
	s0 =	sld [smem:$0x3FA2]  }
0x30: {  	s3 =	sld [smem:$0x3FA5]  }
0x31: {  	[smem:$0x3FAE] =	sst s10  }
0x32: {  	s10 =	sld [smem:$0x3FAC];
	_ =	sdelay $0x3  }
0x33: {  	p0 =	seq.s32 s10, $0x1;
	s10 =	sld [smem:$0x3FAE];
	_ =	sdelay $0x3  }
0x34: {  	[smem:$0x3FAE] =	sst s10  }
0x35: {  	s10 =	sld [smem:$0x3FAD];
	_ =	sdelay $0x3  }
0x36: {  	p1 =	seq.s32 s10, $0x1;
	s10 =	sld [smem:$0x3FAE];
	_ =	sdelay $0x3  }
0x37: {  	[smem:$0x3FAE] =	sst s10  }
0x38: {  	s10 =	sld [smem:$0x3FAF]  }
0x39: {  	_ = 	snop;
	(pc) =	sbr.ind lr, $3  }
0x3a: {  	_ = 	snop  }
0x3b: {  	_ = 	snop  }
0x3c: {  	p2 =	seq.s32 s10, $0x1;
	s10 =	sld [smem:$0x3FAE]  }
0x3d: {  	_ =	shalt  }
0x3e: {  	_ =	shalt  }
0x3f: {  	_ =	shalt  }
0x40: {  	_ =	shalt  }
0x41: {  	_ =	shalt  }
0x42: {  	_ =	shalt  }
0x43: {  	_ =	shalt  }
0x44: {  	_ =	shalt  }
0x45: {  	_ =	shalt  }
0x46: {  	_ =	shalt  }
0x47: {  	_ =	shalt  }
0x48: {  	_ =	shalt  }
0x49: {  	_ =	shalt  }
0x4a: {  	_ =	shalt  }
0x4b: {  	_ =	shalt  }
0x4c: {  	_ =	shalt  }
0x4d: {  	_ =	shalt  }
0x4e: {  	_ =	shalt  }
0x4f: {  	_ =	shalt  }
0x50: {  	_ =	shalt  }
0x51: {  	_ =	shalt  }
0x52: {  	_ =	shalt  }
0x53: {  	_ =	shalt  }
0x54: {  	_ =	shalt  }
0x55: {  	_ =	shalt  }
0x56: {  	_ =	shalt  }
0x57: {  	_ =	shalt  }
0x58: {  	_ =	shalt  }
0x59: {  	_ =	shalt  }
0x5a: {  	_ =	shalt  }
0x5b: {  	_ =	shalt  }
0x5c: {  	_ =	shalt  }
0x5d: {  	_ =	shalt  }
0x5e: {  	_ =	shalt  }
0x5f: {  	_ =	shalt  }
0x60: {  	_ =	shalt  }
0x61: {  	_ =	shalt  }
0x62: {  	_ =	shalt  }
0x63: {  	_ =	shalt  }
0x64: {  	_ =	shalt  }
0x65: {  	_ =	shalt  }
0x66: {  	_ =	shalt  }
0x67: {  	_ =	shalt  }
0x68: {  	_ =	shalt  }
0x69: {  	_ =	shalt  }
0x6a: {  	_ =	shalt  }
0x6b: {  	_ =	shalt  }
0x6c: {  	_ =	shalt  }
0x6d: {  	_ =	shalt  }
0x6e: {  	_ =	shalt  }
0x6f: {  	_ =	shalt  }
0x70: {  	_ =	shalt  }
0x71: {  	_ =	shalt  }
0x72: {  	_ =	shalt  }
0x73: {  	_ =	shalt  }
0x74: {  	_ =	shalt  }
0x75: {  	_ =	shalt  }
0x76: {  	_ =	shalt  }
0x77: {  	_ =	shalt  }
0x78: {  	_ =	shalt  }
0x79: {  	_ =	shalt  }
0x7a: {  	_ =	shalt  }
0x7b: {  	_ =	shalt  }
0x7c: {  	_ =	shalt  }
0x7d: {  	_ =	shalt  }
0x7e: {  	_ =	shalt  }
0x7f: {  	_ =	shalt  }
0x80: {  	_ =	shalt  }
0x81: {  	_ =	shalt  }
0x82: {  	_ =	shalt  }
0x83: {  	_ =	shalt  }
0x84: {  	_ =	shalt  }
0x85: {  	_ =	shalt  }
0x86: {  	_ =	shalt  }
0x87: {  	_ =	shalt  }
.Lfunc_end0:
.L_simem_size_0:
called_computation.5_lowered:
.L_overlay_start_0:
0x88: {  	s2 =	sld [smem:$0x3FD9]  }
0x89: {  	s3 =	sld [smem:$0x3FFE];
	_ =	sdelay $0x1  }
0x8a: {  	s1 =	srdreg.scid  }
0x8b: {  	s0 =	sand.u32 $0x1, s1  }
0x8c: {  	s16 =	sshll.u32 s0, $0xA;
	s2 =	sadd.s32 s3, s2  }
0x8d: {  	s2 =	sadd.s32 s2, s16  }
0x8e: {  	[smem:$0x3FBA] =	sst s2  }
0x8f: {  	_ = 	snop  }
0x90: {  	(tm) =	ssettm $0x1  }
0x91: {  	s17 =	sld [smem:$0x3FFB];
	_ =	sdelay $0x3  }
0x92: {  	_ =	strace s17  }
0x93: {  	s2 =	sld [smem:$0x3FFC];
	_ =	sdelay $0x3  }
0x94: {  	_ =	strace s2  }
0x95: {  	s2 =	sld [smem:$0x3FFD];
	_ =	sdelay $0x3  }
0x96: {  	_ =	strace s2  }
0x97: {  	_ =	strace $0x8FFFFFFF  }
0x98: {  	s18 =	sld [smem:$0x3FDB];
	_ =	sdelay $0x1  }
0x99: {  	s19 =	simm.s32 $_scs_section_size  }
0x9a: {  	s4 =	simm.s32 $_size__tile_overlayer_lowered;
	s5 =	simm.s32 $_tile_overlayer_lowered  }
0x9b: {  	s22 =	simm.s32 $0x1BFF;
	s21 =	sshll.u32 s5, $0x1;
	s2 =	sadd.s32 s19, s18  }
0x9c: {  	s6 =	simm.s32 $0x0;
	s20 =	sshll.u32 s4, $0x1;
	s4 =	sadd.s32 s21, s2  }
0x9d: {  	[timem:s6], [sflag:s22] =	dma.local [hbm:s4], s20  }
0x9e: {  	_ =	swait.ge [sflag:s22], s20  }
0x9f: {  	s3 =	ssub.s32 $0x0, s20;
	[sflag:s22] =	ssyncset.done $0x0  }
0xa0: {  	[sflag:s22] =	ssyncadd.s32 s3;
	_ =	sdelay $0x1  }
0xa1: {  	s23 =	simm.s32 $0x1B8B  }
0xa2: {  	_ =	swait.ge [sflag:s23], $0x1  }
0xa3: {  	[sflag:s23] =	ssyncset.done $0x0  }
0xa4: {  	s25 =	simm.s32 $0x1B8E;
	s24 =	sld [smem:$0x3FFE];
	[sflag:s23] =	ssyncadd.s32 $0xFFFFFFFF  }
0xa5: {  	s26 =	simm.s32 $execute0_lowered;
	[smem:$0x3FD2] =	sst s25  }
0xa6: {  	s4 =	sshll.u32 s26, $0x1;
	_ =	strace $0x80000052;
	[dreg:$0x1] =	wrdreg $0xFFFFFFFF  }
0xa7: {  	s28 =	simm.s32 $_size_execute0_lowered;
	s2 =	sadd.s32 s2, s4;
	[dreg:$0x0] =	wrdreg $0x0  }
0xa8: {  	s4 =	sshll.u32 s28, $0x1;
	[dreg:$0x2] =	wrdreg s2  }
0xa9: {  	[dreg:$0x3] =	wrdreg s4  }
0xaa: {  	[dreg:$0x4] =	wrdreg $0xC0  }
0xab: {  	_ =	task [dreg:s6], $0x5FFFF  }
0xac: {  	[dreg:$0x1] =	wrdreg $0xFFFFFFFF  }
0xad: {  	[dreg:$0x0] =	wrdreg $0x60  }
0xae: {  	[dreg:$0x2] =	wrdreg s24  }
0xaf: {  	[dreg:$0x3] =	wrdreg $0x8D000  }
0xb0: {  	[dreg:$0x4] =	wrdreg $0xA  }
0xb1: {  	_ =	task.clear_ibuf [dreg:s6], $0x5FFFF;
	_ =	strace $0x90000052  }
0xb2: {  	s29 =	simm.s32 $0xA;
	_ =	strace $0x80000054  }
0xb3: {  	_ =	swait.ge [sflag:s29], $0x1  }
0xb4: {  	[sflag:s29] =	ssyncadd.s32 $0xFFFFFFFF  }
0xb5: {  	_ =	strace $0x90000054  }
0xb6: {  	_ =	sfence  }
0xb7: {  	s30 =	sld [smem:$0x0];
	_ =	sdelay $0x2  }
0xb8: {  	s31 =	sshll.u32 s1, $0xD;
	s1 =	sshrl.u32 s1, $0x2  }
0xb9: {  	s3 =	sand.u32 $0x4000, s31;
	s1 =	sadd.s32 s1, s30  }
0xba: {  	s0 =	sor.u32 s3, s0;
	s1 =	sshll.u32 s1, $0x11  }
0xbb: {  	s0 =	sor.u32 s1, s0  }
0xbc: {  	s0 =	sadd.s32 $0x8F2B, s0  }
0xbd: {  	[sflag:s0] =	ssyncadd.remote.s32 $0x1  }
0xbe: {  	_ =	sfence.sel $0xFFFF  }
0xbf: {  	[dreg:$0x0] =	wrdreg $0xFFFFFFFF;
	(pc) =	sbr.abs _section_cstart, $3  }
0xc0: {  	[dreg:$0x1] =	wrdreg $0xFFFFFFFF  }
0xc1: {  	_ =	task.clear_ibuf [dreg:s6], $0x2FFFF;
	_ =	strace $0x9FFFFFFF  }
0xc2: {  	(tm) =	ssettm $0x7FFFFFFF  }
0xc3: {  	_ =	shalt  }
tec
execute0_lowered:
.L_overlay_start_1:
0x0: {  	(tag) =	ssettag $0x1  }
0x1: {  	s5 =	rddreg [dreg:$0x0]  }
0x2: {  	s2 =	rddreg [dreg:$0x1]  }
0x3: {  	s0 =	rddreg [dreg:$0x2]  }
0x4: {  	s4 =	srdreg.scid;
	s1 =	stileid.u32  }
0x5: {  	s3 =	simm.s32 $0x0;
	s12 =	simm.s32 $0x2;
	s7 =	smul.u32 $0x4E20, s1  }
0x6: {  	s13 =	simm.s32 $0x50;
	s14 =	simm.s32 $0x100;
	s29 =	smul.u32 $0x9C4, s1  }
0x7: {  	s15 =	simm.s32 $0x80;
	s16 =	simm.s32 $0x1;
	s31 =	smul.u32 $0x19000, s1  }
0x8: {  	s17 =	simm.s32 $0x0;
	s6 =	sand.u32 $0x1, s4;
	s11 =	smul.u32 $0xC80, s1  }
0x9: {  	[smem:$0x7FF] =	sst s3;
	s4 =	sadd.s32 $0x130C00, s5;
	s8 =	smul.u32 $0x4E200, s6  }
0xa: {  	p0 =	slt.u32 s1, $0x2;
	s9 =	smul.u32 $0x27100, s6;
	s6 =	ssub.s32 $0x2, s6  }
0xb: {  	_ =	strace $0x80000053;
	s30 =	sshrl.u32 s6, $0x1;
	s7 =	sadd.s32 s7, s8  }
0xc: {  	s8 =	sadd.s32 s29, s5;
	s9 =	sadd.s32 s9, s5;
	s6 =	ssub.s32 s6, s30  }
0xd: {  	s7 =	sshrl.u32 s7, $0x3;
	s6 =	smax.u32 s6, $0x1;
	s8 =	sadd.s32 $0x14C00, s8  }
0xe: {  	s10 =	sadd.s32 s7, s5;
	s5 =	simm.s32 $0x4;
	s7 =	sshrl.u32 s31, $0x2  }
0xf: {  	s11 =	sadd.s32 s11, s9;
	s5 =	simm.s32 @!p0 $0x3;
	s7 =	sadd.s32 s7, s2  }
0x10: {  	v0 =	vimm.f32 $0.0e+00;
	s9 =	sadd.s32 $0xA7E00, s10;
	s10 =	sadd.s32 $0x1CD200, s11;
	s11 =	simm.s32 $0x2900  }
.LBB2_1:
0x11: {  	s18 =	simm.s32 $0x0;
	s19 =	simm.s32 $0x200  }
.LBB2_2:
0x12: {  	p0 =	sne.s32 s19, $0x18E00;
	[tilespmem:s18+$0x2970] =	vst v0  }
0x13: {  	[tilespmem:s18+$0x2900] =	vst v0  }
0x14: {  	[tilespmem:s18+$0x2910] =	vst v0  }
.Ltmp0:
0x15: {  	[tilespmem:s18+$0x2920] =	vst v0;
	(pc) =	sbr.rel @p0 .LBB2_2-.Ltmp0, $4  }
0x16: {  	[tilespmem:s18+$0x2930] =	vst v0  }
0x17: {  	[tilespmem:s18+$0x2940] =	vst v0  }
0x18: {  	[tilespmem:s18+$0x2950] =	vst v0  }
0x19: {  	[tilespmem:s18+$0x2960] =	vst v0;
	s18 =	sshra.s32 s19, $0x2;
	s19 =	sadd.s32 $0x200, s19  }
0x1a: {  	[tilespmem:s18+$0x2970] =	vst v0  }
0x1b: {  	[tilespmem:s18+$0x2900] =	vst v0  }
0x1c: {  	[tilespmem:s18+$0x2910] =	vst v0  }
0x1d: {  	[tilespmem:s18+$0x2920] =	vst v0  }
0x1e: {  	[tilespmem:s18+$0x2930] =	vst v0  }
0x1f: {  	[tilespmem:s18+$0x2940] =	vst v0;
	p0 =	sne.s32 s5, $0x1  }
.Ltmp1:
0x20: {  	[tilespmem:s18+$0x2950] =	vst v0;
	(pc) =	sbr.rel @!p0 .LBB2_5-.Ltmp1, $4  }
0x21: {  	[tilespmem:s18+$0x2960] =	vst v0  }
0x22: {  	[spmem:s7] =	stream.linear.scatter [tilespmem:s11], [sflag:$0x2], $0x6400, $0x38;
	[tilespmem:$0x1C580] =	vst v63  }
0x23: {  	_ =	swait.ge [sflag:s12], $0x6400  }
0x24: {  	s18 =	sadd.s32 $0xFFFFFFFF, s5;
	s19 =	smov.u32 s7;
	[sflag:s12] =	ssyncset.done $0x0  }
.LBB2_4:
0x25: {  	p1 =	sne.s32 s18, $0x1;
	[sflag:s12] =	ssyncadd.s32 $0xFFFF9C00;
	s19 =	sadd.s32 $0x64000, s19  }
.Ltmp2:
0x26: {  	s18 =	sadd.s32 $0xFFFFFFFF, s18;
	(pc) =	sbr.rel @p1 .LBB2_4-.Ltmp2, $4  }
0x27: {  	_ = 	snop  }
0x28: {  	[spmem:s19] =	stream.linear.scatter [tilespmem:s11], [sflag:$0x2], $0x6400, $0x38;
	[tilespmem:$0x1C580] =	vst v63  }
0x29: {  	_ =	swait.ge [sflag:s12], $0x6400  }
0x2a: {  	[sflag:s12] =	ssyncset.done $0x0  }
.LBB2_5:
0x2b: {  	[sflag:s12] =	ssyncadd.s32 $0xFFFF9C00  }
0x2c: {  	s18 =	sadd.s32 $0x0, s9;
	[bflag:$0x0] =	sbarrier.arrive $0xFFFF  }
0x2d: {  	[tilespmem:s3], [sflag:$0x2] =	stream.linear.gather [hbm4b:s18+s3], $0x50, $0x38;
	[tilespmem:$0x1C580] =	vst v63  }
0x2e: {  	_ =	swait.ge [sflag:s12], $0x50  }
0x2f: {  	[sflag:s12] =	ssyncset.done $0x0  }
0x30: {  	[sflag:s12] =	ssyncadd.s32 $0xFFFFFFB0  }
0x31: {  	[tilespmem:s14], [sflag:$0x1] =	stream.indirect.gather [hbm4b:s4+s13], $0x80, s3, s13, $0xb8;
	[tilespmem:$0x1C580] =	vst v63  }
0x32: {  	s31 =	sadd.s32 $0x0, s8  }
0x33: {  	[tilespmem:s15], [sflag:$0x2] =	stream.linear.gather [hbm4b:s31+s3], $0x50, $0x38;
	[tilespmem:$0x1C580] =	vst v63  }
0x34: {  	_ =	swait.ge [sflag:s12], $0x50  }
0x35: {  	[sflag:s12] =	ssyncset.done $0x0  }
0x36: {  	[sflag:s12] =	ssyncadd.s32 $0xFFFFFFB0  }
0x37: {  	_ =	swait.ge [sflag:s16], $0x2800  }
0x38: {  	[sflag:s16] =	ssyncset.done $0x0  }
0x39: {  	[sflag:s16] =	ssyncadd.s32 $0xFFFFD800  }
0x3a: {  	[spmem:s2] =	stream.indirect.scatter.add.f32 [tilespmem:s14], [sflag:$0x2], $0x80, s15, s13, $0xb8;
	[tilespmem:$0x1C580] =	vst v63  }
0x3b: {  	_ =	swait.ge [sflag:s12], $0x2800  }
0x3c: {  	s19 =	simm.s32 $0x14;
	s18 =	simm.s32 $0xA;
	[sflag:s12] =	ssyncset.done $0x0  }
.LBB2_6:
0x3d: {  	s20 =	sadd.s32 s18, s9  }
0x3e: {  	[sflag:s12] =	ssyncadd.s32 $0xFFFFD800;
	s21 =	smov.u32 s19;
	s22 =	sadd.s32 $0xA, s19  }
0x3f: {  	[tilespmem:s3], [sflag:$0x2] =	stream.linear.gather [hbm4b:s20+s3], $0x50, $0x38;
	[tilespmem:$0x1C580] =	vst v63  }
0x40: {  	p1 =	sne.s32 s19, $0x9BA;
	_ =	swait.ge [sflag:s12], $0x50  }
0x41: {  	[sflag:s12] =	ssyncset.done $0x0  }
0x42: {  	[sflag:s12] =	ssyncadd.s32 $0xFFFFFFB0  }
0x43: {  	[tilespmem:s14], [sflag:$0x1] =	stream.indirect.gather [hbm4b:s4+s13], $0x80, s3, s13, $0xb8;
	[tilespmem:$0x1C580] =	vst v63  }
0x44: {  	s19 =	sadd.s32 s18, s8;
	s18 =	smov.u32 s21  }
0x45: {  	[tilespmem:s15], [sflag:$0x2] =	stream.linear.gather [hbm4b:s19+s3], $0x50, $0x38;
	[tilespmem:$0x1C580] =	vst v63  }
0x46: {  	_ =	swait.ge [sflag:s12], $0x50  }
0x47: {  	[sflag:s12] =	ssyncset.done $0x0  }
0x48: {  	[sflag:s12] =	ssyncadd.s32 $0xFFFFFFB0  }
0x49: {  	_ =	swait.ge [sflag:s16], $0x2800  }
.Ltmp3:
0x4a: {  	[sflag:s16] =	ssyncset.done $0x0;
	(pc) =	sbr.rel @p1 .LBB2_6-.Ltmp3, $4  }
0x4b: {  	[sflag:s16] =	ssyncadd.s32 $0xFFFFD800  }
0x4c: {  	[spmem:s2] =	stream.indirect.scatter.add.f32 [tilespmem:s14], [sflag:$0x2], $0x80, s15, s13, $0xb8;
	[tilespmem:$0x1C580] =	vst v63  }
0x4d: {  	_ =	swait.ge [sflag:s12], $0x2800  }
0x4e: {  	s19 =	smov.u32 s22;
	[sflag:s12] =	ssyncset.done $0x0  }
0x4f: {  	s19 =	sadd.s32 s18, s9;
	[sflag:s12] =	ssyncadd.s32 $0xFFFFD800  }
0x50: {  	[tilespmem:s3], [sflag:$0x2] =	stream.linear.gather [hbm4b:s19+s3], $0x50, $0x38;
	[tilespmem:$0x1C580] =	vst v63  }
0x51: {  	_ =	swait.ge [sflag:s12], $0x50  }
0x52: {  	[sflag:s12] =	ssyncset.done $0x0  }
0x53: {  	[sflag:s12] =	ssyncadd.s32 $0xFFFFFFB0  }
0x54: {  	[tilespmem:s14], [sflag:$0x1] =	stream.indirect.gather [hbm4b:s4+s13], $0x80, s3, s13, $0xb8;
	[tilespmem:$0x1C580] =	vst v63  }
0x55: {  	s31 =	sadd.s32 s18, s8  }
0x56: {  	[tilespmem:s15], [sflag:$0x2] =	stream.linear.gather [hbm4b:s31+s3], $0x50, $0x38;
	[tilespmem:$0x1C580] =	vst v63  }
0x57: {  	_ =	swait.ge [sflag:s12], $0x50  }
0x58: {  	[sflag:s12] =	ssyncset.done $0x0  }
0x59: {  	[sflag:s12] =	ssyncadd.s32 $0xFFFFFFB0  }
0x5a: {  	_ =	swait.ge [sflag:s16], $0x2800  }
0x5b: {  	[sflag:s16] =	ssyncset.done $0x0  }
0x5c: {  	[sflag:s16] =	ssyncadd.s32 $0xFFFFD800  }
0x5d: {  	[spmem:s2] =	stream.indirect.scatter.add.f32 [tilespmem:s14], [sflag:$0x2], $0x80, s15, s13, $0xb8;
	[tilespmem:$0x1C580] =	vst v63  }
0x5e: {  	_ =	swait.ge [sflag:s12], $0x2800  }
0x5f: {  	[sflag:s12] =	ssyncset.done $0x0  }
0x60: {  	[sflag:s12] =	ssyncadd.s32 $0xFFFFD800  }
0x61: {  	[bflag:$0x0] =	sbarrier.arrive $0xFFFF  }
0x62: {  	[tilespmem:s11], [sflag:$0x2] =	stream.linear.gather [spmem:s7], $0x6400, $0x38;
	[tilespmem:$0x1C580] =	vst v63  }
0x63: {  	_ =	swait.ge [sflag:s12], $0x6400  }
.Ltmp4:
0x64: {  	[sflag:s12] =	ssyncset.done $0x0;
	(pc) =	sbr.rel @!p0 .LBB2_9-.Ltmp4, $4  }
0x65: {  	[sflag:s12] =	ssyncadd.s32 $0xFFFF9C00  }
0x66: {  	[hbm4b:s10+s3] =	stream.linear.scatter [tilespmem:s11], [sflag:$0x2], $0x6400, $0x38;
	[tilespmem:$0x1C580] =	vst v63  }
0x67: {  	s18 =	sadd.s32 $0xFFFFFFFF, s5;
	_ =	swait.ge [sflag:s12], $0x6400  }
0x68: {  	s20 =	smov.u32 s10;
	s19 =	smov.u32 s7;
	[sflag:s12] =	ssyncset.done $0x0  }
.LBB2_8:
0x69: {  	[sflag:s12] =	ssyncadd.s32 $0xFFFF9C00;
	s19 =	sadd.s32 $0x64000, s19;
	s20 =	sadd.s32 $0xC800, s20  }
0x6a: {  	[tilespmem:s11], [sflag:$0x2] =	stream.linear.gather [spmem:s19], $0x6400, $0x38;
	[tilespmem:$0x1C580] =	vst v63  }
0x6b: {  	p0 =	sne.s32 s18, $0x1;
	s18 =	sadd.s32 $0xFFFFFFFF, s18;
	_ =	swait.ge [sflag:s12], $0x6400  }
.Ltmp5:
0x6c: {  	[sflag:s12] =	ssyncset.done $0x0;
	(pc) =	sbr.rel @p0 .LBB2_8-.Ltmp5, $4  }
0x6d: {  	[sflag:s12] =	ssyncadd.s32 $0xFFFF9C00  }
0x6e: {  	[hbm4b:s20+s3] =	stream.linear.scatter [tilespmem:s11], [sflag:$0x2], $0x6400, $0x38;
	[tilespmem:$0x1C580] =	vst v63  }
0x6f: {  	_ =	swait.ge [sflag:s12], $0x6400  }
0x70: {  	[sflag:s12] =	ssyncset.done $0x0  }
.LBB2_9:
0x71: {  	s17 =	sadd.s32 $0x1, s17  }
0x72: {  	p0 =	sne.s32 s17, s6  }
.Ltmp6:
0x73: {  	_ = 	snop;
	(pc) =	sbr.rel @p0 .LBB2_1-.Ltmp6, $2  }
0x74: {  	_ =	sdelay $0x2  }
0x75: {  	[sflag:s12] =	ssyncadd.s32 $0xFFFF9C00  }
0x76: {  	_ =	sfence.sel $0x180000  }
0x77: {  	[bflag:$0x0] =	sbarrier.arrive $0xFFFF  }
0x78: {  	p0 =	sne.s32 s1, $0x0;
	_ =	strace $0x90000053  }
0x79: {  	s0 =	sadd.s32 @!p0 $0x100000, s0;
	[bflag:$0x2] =	sbarrier.arrive $0xFFFF  }
0x7a: {  	[sflag:s0] =	ssyncadd.tile.s32 @!p0 $0x1;
	_ =	shalt  }
.Lfunc_end2:
_tile_overlayer_lowered:
.L_overlay_start_2:
0x7b: {  	(tag) =	ssettag $0x2  }
0x7c: {  	s0 =	rddreg [dreg:$0x0];
	s2 =	stileid.u32  }
0x7d: {  	s1 =	rddreg [dreg:$0x1];
	p0 =	sne.s32 s2, $0x0  }
0x7e: {  	s3 =	rddreg [dreg:$0x2];
	[bflag:$0x3] =	sbarrier.arrive $0xFFFF;
	s2 =	simm.s32 @!p0 $0x1C02  }
0x7f: {  	[timem:s3], [sflag:s2] =	dma.local @!p0 [hbm:s0], s1  }
0x80: {  	s0 =	simm.s32 @!p0 $0x2  }
0x81: {  	_ =	swait.ge @!p0 [sflag:s0], s1  }
0x82: {  	s1 =	ssub.s32 @!p0 $0x0, s1;
	[sflag:s0] =	ssyncset.done @!p0 $0x0  }
0x83: {  	[sflag:s0] =	ssyncadd.s32 @!p0 s1  }
0x84: {  	[bflag:$0x3] =	sbarrier.arrive $0xFFFF  }
0x85: {  	_ =	shalt  }

// kernel: kernel.44.cloned.1.call-start
scs
__scs_entry_jumppad:
0x0: {  	(pc) =	sbr.rel $0x88, $3  }
0x1: {  	(tag) =	ssettag $0x0;
	lr =	simm.s32 $0x1  }
0x2: {  	[smem:$0x3F93] =	sst lr;
	_ =	strace $0xD0000000  }
0x3: {  	_ = 	snop  }
0x4: {  	_ = 	snop  }
0x5: {  	_ = 	snop  }
0x6: {  	_ = 	snop  }
0x7: {  	_ = 	snop  }
__scs_overlays_trampoline_lowered:
0x8: {  	[smem:$0x3FA2] =	sst s0  }
0x9: {  	[smem:$0x3FA3] =	sst s1  }
0xa: {  	[smem:$0x3FA4] =	sst s2  }
0xb: {  	[smem:$0x3FA5] =	sst s3  }
0xc: {  	[smem:$0x3FA6] =	sst s4  }
0xd: {  	[smem:$0x3FA7] =	sst s5  }
0xe: {  	[smem:$0x3FA8] =	sst s6  }
0xf: {  	[smem:$0x3FA9] =	sst s7  }
0x10: {  	[smem:$0x3FAA] =	sst s8  }
0x11: {  	[smem:$0x3FAB] =	sst s9;
	s0 =	simm.s32 @!p0 $0x0  }
0x12: {  	s1 =	sld [smem:$0x3F91];
	s0 =	simm.s32 @p0 $0x1  }
0x13: {  	[smem:$0x3FAC] =	sst s0;
	s0 =	simm.s32 @!p1 $0x0  }
0x14: {  	s2 =	sld [smem:$0x3F90];
	s0 =	simm.s32 @p1 $0x1  }
0x15: {  	[smem:$0x3FAD] =	sst s0;
	s0 =	simm.s32 @!p2 $0x0  }
0x16: {  	s3 =	sld [smem:$0x3FDB];
	s0 =	simm.s32 @p2 $0x1  }
0x17: {  	s4 =	simm.s32 $0x1BF5;
	[smem:$0x3FAF] =	sst s0  }
0x18: {  	s0 =	sld [smem:$0x3F92];
	_ =	swait.ge [sflag:s4], $0x0  }
0x19: {  	s7 =	sld [smem:$0x3F93]  }
0x1a: {  	s8 =	sadd.s32 $0xFFFFE003, lr  }
0x1b: {  	s9 =	sadd.s32 $0xFFFFFEF7, lr;
	s5 =	simm.s32 $0xFFFFFFFF;
	p2 =	slt.u32 s8, $0xFFFFF086  }
0x1c: {  	p1 =	slt.u32 s9, $0xF7A;
	s5 =	simm.s32 @!p2 $0x0  }
0x1d: {  	s5 =	simm.s32 @p1 $0x1;
	p0 =	seq.s32 s7, s2  }
0x1e: {  	s7 =	smul.u32 @!p0 $0xF7A, s2;
	p2 =	seq.s32 @!p0 s5, $0x0  }
0x1f: {  	s9 =	smul.u32 $0xF7A, s1;
	s8 =	simm.s32 @!p0 $0x1BF5;
	p2 =	por !p2, p0  }
0x20: {  	[sflag:s8] =	ssyncset.s32 @!p0 $0xFFFFF086;
	s6 =	sadd.s32 @!p0 s3, s7;
	s7 =	simm.s32 @!p0 $0x108  }
0x21: {  	s3 =	sadd.s32 s3, s9;
	s6 =	sadd.s32 @!p0 $0x88, s6;
	s7 =	simm.s32 @p2 $0x1082  }
0x22: {  	[simem:s7], [sflag:s8] =	dma.local @!p0 [hbm:s6], $0xF7A  }
0x23: {  	s9 =	sor.u32 $0xD0000000, s2;
	s6 =	simm.s32 $0x108;
	_ =	swait.ge @!p0 [sflag:s8], $0x0  }
0x24: {  	s3 =	sadd.s32 $0x88, s3;
	s6 =	simm.s32 @!p1 $0x1082;
	[sflag:s4] =	ssyncset.s32 $0xFFFFF086  }
0x25: {  	[simem:s6], [sflag:s4] =	dma.local [hbm:s3], $0xF7A  }
0x26: {  	[smem:$0x3F93] =	sst s1;
	(tag) =	ssettag s2;
	_ =	strace s9  }
0x27: {  	s1 =	sld [smem:$0x3FA3]  }
0x28: {  	s2 =	sld [smem:$0x3FA4]  }
0x29: {  	s4 =	sld [smem:$0x3FA6]  }
0x2a: {  	p0 =	seq.s32 s5, $0x0;
	s5 =	sld [smem:$0x3FA7]  }
0x2b: {  	s6 =	sld [smem:$0x3FA8]  }
0x2c: {  	s7 =	sld [smem:$0x3FA9]  }
0x2d: {  	s3 =	simm.s32 $0x108;
	s8 =	sld [smem:$0x3FAA]  }
0x2e: {  	s3 =	simm.s32 @!p0 $0x1082;
	s9 =	sld [smem:$0x3FAB]  }
0x2f: {  	lr =	sadd.s32 s0, s3;
	s0 =	sld [smem:$0x3FA2]  }
0x30: {  	s3 =	sld [smem:$0x3FA5]  }
0x31: {  	[smem:$0x3FAE] =	sst s10  }
0x32: {  	s10 =	sld [smem:$0x3FAC];
	_ =	sdelay $0x3  }
0x33: {  	p0 =	seq.s32 s10, $0x1;
	s10 =	sld [smem:$0x3FAE];
	_ =	sdelay $0x3  }
0x34: {  	[smem:$0x3FAE] =	sst s10  }
0x35: {  	s10 =	sld [smem:$0x3FAD];
	_ =	sdelay $0x3  }
0x36: {  	p1 =	seq.s32 s10, $0x1;
	s10 =	sld [smem:$0x3FAE];
	_ =	sdelay $0x3  }
0x37: {  	[smem:$0x3FAE] =	sst s10  }
0x38: {  	s10 =	sld [smem:$0x3FAF]  }
0x39: {  	_ = 	snop;
	(pc) =	sbr.ind lr, $3  }
0x3a: {  	_ = 	snop  }
0x3b: {  	_ = 	snop  }
0x3c: {  	p2 =	seq.s32 s10, $0x1;
	s10 =	sld [smem:$0x3FAE]  }
0x3d: {  	_ =	shalt  }
0x3e: {  	_ =	shalt  }
0x3f: {  	_ =	shalt  }
0x40: {  	_ =	shalt  }
0x41: {  	_ =	shalt  }
0x42: {  	_ =	shalt  }
0x43: {  	_ =	shalt  }
0x44: {  	_ =	shalt  }
0x45: {  	_ =	shalt  }
0x46: {  	_ =	shalt  }
0x47: {  	_ =	shalt  }
0x48: {  	_ =	shalt  }
0x49: {  	_ =	shalt  }
0x4a: {  	_ =	shalt  }
0x4b: {  	_ =	shalt  }
0x4c: {  	_ =	shalt  }
0x4d: {  	_ =	shalt  }
0x4e: {  	_ =	shalt  }
0x4f: {  	_ =	shalt  }
0x50: {  	_ =	shalt  }
0x51: {  	_ =	shalt  }
0x52: {  	_ =	shalt  }
0x53: {  	_ =	shalt  }
0x54: {  	_ =	shalt  }
0x55: {  	_ =	shalt  }
0x56: {  	_ =	shalt  }
0x57: {  	_ =	shalt  }
0x58: {  	_ =	shalt  }
0x59: {  	_ =	shalt  }
0x5a: {  	_ =	shalt  }
0x5b: {  	_ =	shalt  }
0x5c: {  	_ =	shalt  }
0x5d: {  	_ =	shalt  }
0x5e: {  	_ =	shalt  }
0x5f: {  	_ =	shalt  }
0x60: {  	_ =	shalt  }
0x61: {  	_ =	shalt  }
0x62: {  	_ =	shalt  }
0x63: {  	_ =	shalt  }
0x64: {  	_ =	shalt  }
0x65: {  	_ =	shalt  }
0x66: {  	_ =	shalt  }
0x67: {  	_ =	shalt  }
0x68: {  	_ =	shalt  }
0x69: {  	_ =	shalt  }
0x6a: {  	_ =	shalt  }
0x6b: {  	_ =	shalt  }
0x6c: {  	_ =	shalt  }
0x6d: {  	_ =	shalt  }
0x6e: {  	_ =	shalt  }
0x6f: {  	_ =	shalt  }
0x70: {  	_ =	shalt  }
0x71: {  	_ =	shalt  }
0x72: {  	_ =	shalt  }
0x73: {  	_ =	shalt  }
0x74: {  	_ =	shalt  }
0x75: {  	_ =	shalt  }
0x76: {  	_ =	shalt  }
0x77: {  	_ =	shalt  }
0x78: {  	_ =	shalt  }
0x79: {  	_ =	shalt  }
0x7a: {  	_ =	shalt  }
0x7b: {  	_ =	shalt  }
0x7c: {  	_ =	shalt  }
0x7d: {  	_ =	shalt  }
0x7e: {  	_ =	shalt  }
0x7f: {  	_ =	shalt  }
0x80: {  	_ =	shalt  }
0x81: {  	_ =	shalt  }
0x82: {  	_ =	shalt  }
0x83: {  	_ =	shalt  }
0x84: {  	_ =	shalt  }
0x85: {  	_ =	shalt  }
0x86: {  	_ =	shalt  }
0x87: {  	_ =	shalt  }
.Lfunc_end0:
.L_simem_size_0:
called_computation.6_lowered:
.L_overlay_start_0:
0x88: {  	s2 =	sld [smem:$0x3FD9]  }
0x89: {  	s3 =	sld [smem:$0x3FFE];
	_ =	sdelay $0x1  }
0x8a: {  	s1 =	srdreg.scid  }
0x8b: {  	s0 =	sand.u32 $0x1, s1  }
0x8c: {  	s17 =	sshll.u32 s0, $0xA;
	s2 =	sadd.s32 s3, s2  }
0x8d: {  	s2 =	sadd.s32 s2, s17  }
0x8e: {  	[smem:$0x3FBA] =	sst s2  }
0x8f: {  	_ = 	snop  }
0x90: {  	(tm) =	ssettm $0x1  }
0x91: {  	s18 =	sld [smem:$0x3FFB];
	_ =	sdelay $0x3  }
0x92: {  	_ =	strace s18  }
0x93: {  	s2 =	sld [smem:$0x3FFC];
	_ =	sdelay $0x3  }
0x94: {  	_ =	strace s2  }
0x95: {  	s2 =	sld [smem:$0x3FFD];
	_ =	sdelay $0x3  }
0x96: {  	_ =	strace s2  }
0x97: {  	_ =	strace $0x8FFFFFFF  }
0x98: {  	s19 =	sld [smem:$0x3FDB];
	_ =	sdelay $0x1  }
0x99: {  	s20 =	simm.s32 $_scs_section_size  }
0x9a: {  	s4 =	simm.s32 $_size__tile_overlayer_lowered;
	s5 =	simm.s32 $_tile_overlayer_lowered  }
0x9b: {  	s6 =	simm.s32 $0x1BFF;
	s21 =	sshll.u32 s5, $0x1;
	s3 =	sadd.s32 s20, s19  }
0x9c: {  	s22 =	simm.s32 $0x0;
	s4 =	sshll.u32 s4, $0x1;
	s5 =	sadd.s32 s21, s3  }
0x9d: {  	[timem:s22], [sflag:s6] =	dma.local [hbm:s5], s4  }
0x9e: {  	_ =	swait.ge [sflag:s6], s4  }
0x9f: {  	s4 =	ssub.s32 $0x0, s4;
	[sflag:s6] =	ssyncset.done $0x0  }
0xa0: {  	[sflag:s6] =	ssyncadd.s32 s4;
	_ =	sdelay $0x1  }
0xa1: {  	s23 =	simm.s32 $0x1B8B  }
0xa2: {  	_ =	swait.ge [sflag:s23], $0x1  }
0xa3: {  	[sflag:s23] =	ssyncset.done $0x0  }
0xa4: {  	[sflag:s23] =	ssyncadd.s32 $0xFFFFFFFF  }
0xa5: {  	s4 =	sld [smem:$0x0]  }
0xa6: {  	s5 =	sand.u32 $0xFFFFFFFE, s1  }
0xa7: {  	p0 =	sne.s32 s1, s5  }
0xa8: {  	s5 =	sshll.u32 @p0 s5, $0xE  }
0xa9: {  	s5 =	sadd.s32 @p0 $0x11B8D, s5;
	s6 =	sshll.u32 @p0 s4, $0x11  }
0xaa: {  	s5 =	sor.u32 @p0 s6, s5  }
0xab: {  	[sflag:s5] =	ssyncadd.remote.s32 @p0 $0x1;
	_ =	sdelay $0x1  }
0xac: {  	s5 =	simm.s32 @p0 $0x1B8D  }
0xad: {  	_ =	swait.eq @p0 [sflag:s5], $0x1  }
0xae: {  	[sflag:s5] =	ssyncadd.s32 @p0 $0xFFFFFFFF  }
0xaf: {  	s6 =	sshll.u32 @!p0 s1, $0xE  }
0xb0: {  	s6 =	sor.u32 @!p0 $0x4000, s6;
	s5 =	simm.s32 @!p0 $0x1B8D  }
0xb1: {  	s4 =	sshll.u32 @!p0 s4, $0x11;
	s6 =	sadd.s32 @!p0 $0x11B8D, s6;
	_ =	swait.eq @!p0 [sflag:s5], $0x1  }
0xb2: {  	s4 =	sor.u32 @!p0 s4, s6;
	[sflag:s5] =	ssyncadd.s32 @!p0 $0xFFFFFFFF  }
0xb3: {  	s25 =	simm.s32 $0x1B8E;
	s24 =	sld [smem:$0x3FFE];
	[sflag:s4] =	ssyncadd.remote.s32 @!p0 $0x1  }
0xb4: {  	s26 =	simm.s32 $execute0_lowered;
	[smem:$0x3FD2] =	sst s25  }
0xb5: {  	s5 =	sshll.u32 s26, $0x1;
	_ =	strace $0x80000058;
	[dreg:$0x1] =	wrdreg $0xFFFFFFFF  }
0xb6: {  	s28 =	simm.s32 $_size_execute0_lowered;
	s3 =	sadd.s32 s3, s5;
	[dreg:$0x0] =	wrdreg $0x0  }
0xb7: {  	s5 =	sshll.u32 s28, $0x1;
	[dreg:$0x2] =	wrdreg s3  }
0xb8: {  	[dreg:$0x3] =	wrdreg s5  }
0xb9: {  	[dreg:$0x4] =	wrdreg $0xC0  }
0xba: {  	_ =	task [dreg:s22], $0x5FFFF  }
0xbb: {  	[dreg:$0x1] =	wrdreg $0xFFFFFFFF  }
0xbc: {  	[dreg:$0x0] =	wrdreg $0x60  }
0xbd: {  	[dreg:$0x2] =	wrdreg s24  }
0xbe: {  	[dreg:$0x3] =	wrdreg $0x8D000  }
0xbf: {  	[dreg:$0x4] =	wrdreg $0xA  }
0xc0: {  	_ =	task.clear_ibuf [dreg:s22], $0x5FFFF;
	_ =	strace $0x90000058  }
0xc1: {  	s29 =	simm.s32 $0xA;
	_ =	strace $0x8000005A  }
0xc2: {  	_ =	swait.ge [sflag:s29], $0x1  }
0xc3: {  	[sflag:s29] =	ssyncadd.s32 $0xFFFFFFFF  }
0xc4: {  	_ =	strace $0x9000005A  }
0xc5: {  	_ =	sfence  }
0xc6: {  	s30 =	sld [smem:$0x0];
	_ =	sdelay $0x2  }
0xc7: {  	s31 =	sshll.u32 s1, $0xD;
	s1 =	sshrl.u32 s1, $0x2  }
0xc8: {  	s4 =	sand.u32 $0x4000, s31;
	s1 =	sadd.s32 s1, s30  }
0xc9: {  	s0 =	sor.u32 s4, s0;
	s1 =	sshll.u32 s1, $0x11  }
0xca: {  	s0 =	sor.u32 s1, s0  }
0xcb: {  	s0 =	sadd.s32 $0x8F2B, s0  }
0xcc: {  	[sflag:s0] =	ssyncadd.remote.s32 $0x1  }
0xcd: {  	_ =	sfence.sel $0xFFFF  }
0xce: {  	[dreg:$0x0] =	wrdreg $0xFFFFFFFF;
	(pc) =	sbr.abs _section_cstart, $3  }
0xcf: {  	[dreg:$0x1] =	wrdreg $0xFFFFFFFF  }
0xd0: {  	_ =	task.clear_ibuf [dreg:s22], $0x2FFFF;
	_ =	strace $0x9FFFFFFF  }
0xd1: {  	(tm) =	ssettm $0x7FFFFFFF  }
tec
execute0_lowered:
.L_overlay_start_1:
0x0: {  	(tag) =	ssettag $0x1  }
0x1: {  	s5 =	rddreg [dreg:$0x0]  }
0x2: {  	s1 =	srdreg.scid;
	s0 =	stileid.u32  }
0x3: {  	s2 =	rddreg [dreg:$0x1];
	s3 =	simm.s32 $0x0;
	s12 =	simm.s32 $0x2  }
0x4: {  	s13 =	simm.s32 $0x50;
	s14 =	simm.s32 $0x100;
	s6 =	smul.u32 $0x4E20, s0  }
0x5: {  	s15 =	simm.s32 $0x80;
	s16 =	simm.s32 $0x1;
	s31 =	smul.u32 $0x19000, s0  }
0x6: {  	s4 =	sand.u32 $0x1, s1;
	s1 =	rddreg [dreg:$0x2];
	s11 =	smul.u32 $0xC80, s0  }
0x7: {  	s17 =	simm.s32 $0x0;
	[smem:$0x7FF] =	sst s3;
	s7 =	smul.u32 $0x2710, s4  }
0x8: {  	p0 =	slt.u32 s0, $0x2;
	s29 =	smul.u32 $0x27100, s4;
	s8 =	ssub.s32 $0x2, s4  }
0x9: {  	_ =	strace $0x80000059;
	s4 =	sadd.s32 $0x94400, s5;
	s30 =	sshrl.u32 s8, $0x1  }
0xa: {  	s6 =	sadd.s32 s7, s6;
	s10 =	sadd.s32 s29, s5;
	s7 =	sshrl.u32 s31, $0x2  }
0xb: {  	s6 =	sshrl.u32 s6, $0x3;
	s7 =	sadd.s32 s7, s2;
	s10 =	sadd.s32 s11, s10  }
0xc: {  	s11 =	simm.s32 $0x2900;
	s9 =	sadd.s32 s6, s5;
	s5 =	simm.s32 $0x4  }
0xd: {  	s6 =	ssub.s32 s8, s30;
	s10 =	sadd.s32 $0x130C00, s10;
	s5 =	simm.s32 @!p0 $0x3  }
0xe: {  	v0 =	vimm.f32 $0.0e+00;
	s6 =	smax.u32 s6, $0x1;
	s8 =	sadd.s32 $0x14C00, s9;
	s9 =	sadd.s32 $0x32600, s9  }
.LBB2_1:
0xf: {  	s18 =	simm.s32 $0x0;
	s19 =	simm.s32 $0x200  }
.LBB2_2:
0x10: {  	p0 =	sne.s32 s19, $0x18E00;
	[tilespmem:s18+$0x2970] =	vst v0  }
0x11: {  	[tilespmem:s18+$0x2900] =	vst v0  }
0x12: {  	[tilespmem:s18+$0x2910] =	vst v0  }
.Ltmp0:
0x13: {  	[tilespmem:s18+$0x2920] =	vst v0;
	(pc) =	sbr.rel @p0 .LBB2_2-.Ltmp0, $4  }
0x14: {  	[tilespmem:s18+$0x2930] =	vst v0  }
0x15: {  	[tilespmem:s18+$0x2940] =	vst v0  }
0x16: {  	[tilespmem:s18+$0x2950] =	vst v0  }
0x17: {  	[tilespmem:s18+$0x2960] =	vst v0;
	s18 =	sshra.s32 s19, $0x2;
	s19 =	sadd.s32 $0x200, s19  }
0x18: {  	[tilespmem:s18+$0x2970] =	vst v0  }
0x19: {  	[tilespmem:s18+$0x2900] =	vst v0  }
0x1a: {  	[tilespmem:s18+$0x2910] =	vst v0  }
0x1b: {  	[tilespmem:s18+$0x2920] =	vst v0  }
0x1c: {  	[tilespmem:s18+$0x2930] =	vst v0  }
0x1d: {  	[tilespmem:s18+$0x2940] =	vst v0;
	p0 =	sne.s32 s5, $0x1  }
.Ltmp1:
0x1e: {  	[tilespmem:s18+$0x2950] =	vst v0;
	(pc) =	sbr.rel @!p0 .LBB2_5-.Ltmp1, $4  }
0x1f: {  	[tilespmem:s18+$0x2960] =	vst v0  }
0x20: {  	[spmem:s7] =	stream.linear.scatter [tilespmem:s11], [sflag:$0x2], $0x6400, $0x38;
	[tilespmem:$0x1C580] =	vst v63  }
0x21: {  	_ =	swait.ge [sflag:s12], $0x6400  }
0x22: {  	s18 =	sadd.s32 $0xFFFFFFFF, s5;
	s19 =	smov.u32 s7;
	[sflag:s12] =	ssyncset.done $0x0  }
.LBB2_4:
0x23: {  	p1 =	sne.s32 s18, $0x1;
	[sflag:s12] =	ssyncadd.s32 $0xFFFF9C00;
	s19 =	sadd.s32 $0x64000, s19  }
.Ltmp2:
0x24: {  	s18 =	sadd.s32 $0xFFFFFFFF, s18;
	(pc) =	sbr.rel @p1 .LBB2_4-.Ltmp2, $4  }
0x25: {  	_ = 	snop  }
0x26: {  	[spmem:s19] =	stream.linear.scatter [tilespmem:s11], [sflag:$0x2], $0x6400, $0x38;
	[tilespmem:$0x1C580] =	vst v63  }
0x27: {  	_ =	swait.ge [sflag:s12], $0x6400  }
0x28: {  	[sflag:s12] =	ssyncset.done $0x0  }
.LBB2_5:
0x29: {  	[sflag:s12] =	ssyncadd.s32 $0xFFFF9C00  }
0x2a: {  	s18 =	sadd.s32 $0x0, s9;
	[bflag:$0x0] =	sbarrier.arrive $0xFFFF  }
0x2b: {  	[tilespmem:s3], [sflag:$0x2] =	stream.linear.gather [hbm4b:s18+s3], $0x50, $0x38;
	[tilespmem:$0x1C580] =	vst v63  }
0x2c: {  	_ =	swait.ge [sflag:s12], $0x50  }
0x2d: {  	[sflag:s12] =	ssyncset.done $0x0  }
0x2e: {  	[sflag:s12] =	ssyncadd.s32 $0xFFFFFFB0  }
0x2f: {  	[tilespmem:s14], [sflag:$0x1] =	stream.indirect.gather [hbm4b:s4+s13], $0x80, s3, s13, $0xb8;
	[tilespmem:$0x1C580] =	vst v63  }
0x30: {  	s31 =	sadd.s32 $0x0, s8  }
0x31: {  	[tilespmem:s15], [sflag:$0x2] =	stream.linear.gather [hbm4b:s31+s3], $0x50, $0x38;
	[tilespmem:$0x1C580] =	vst v63  }
0x32: {  	_ =	swait.ge [sflag:s12], $0x50  }
0x33: {  	[sflag:s12] =	ssyncset.done $0x0  }
0x34: {  	[sflag:s12] =	ssyncadd.s32 $0xFFFFFFB0  }
0x35: {  	_ =	swait.ge [sflag:s16], $0x2800  }
0x36: {  	[sflag:s16] =	ssyncset.done $0x0  }
0x37: {  	[sflag:s16] =	ssyncadd.s32 $0xFFFFD800  }
0x38: {  	[spmem:s2] =	stream.indirect.scatter.add.f32 [tilespmem:s14], [sflag:$0x2], $0x80, s15, s13, $0xb8;
	[tilespmem:$0x1C580] =	vst v63  }
0x39: {  	_ =	swait.ge [sflag:s12], $0x2800  }
0x3a: {  	s19 =	simm.s32 $0x14;
	s18 =	simm.s32 $0xA;
	[sflag:s12] =	ssyncset.done $0x0  }
.LBB2_6:
0x3b: {  	s20 =	sadd.s32 s18, s9  }
0x3c: {  	[sflag:s12] =	ssyncadd.s32 $0xFFFFD800;
	s21 =	smov.u32 s19;
	s22 =	sadd.s32 $0xA, s19  }
0x3d: {  	[tilespmem:s3], [sflag:$0x2] =	stream.linear.gather [hbm4b:s20+s3], $0x50, $0x38;
	[tilespmem:$0x1C580] =	vst v63  }
0x3e: {  	p1 =	sne.s32 s19, $0x4D8;
	_ =	swait.ge [sflag:s12], $0x50  }
0x3f: {  	[sflag:s12] =	ssyncset.done $0x0  }
0x40: {  	[sflag:s12] =	ssyncadd.s32 $0xFFFFFFB0  }
0x41: {  	[tilespmem:s14], [sflag:$0x1] =	stream.indirect.gather [hbm4b:s4+s13], $0x80, s3, s13, $0xb8;
	[tilespmem:$0x1C580] =	vst v63  }
0x42: {  	s19 =	sadd.s32 s18, s8;
	s18 =	smov.u32 s21  }
0x43: {  	[tilespmem:s15], [sflag:$0x2] =	stream.linear.gather [hbm4b:s19+s3], $0x50, $0x38;
	[tilespmem:$0x1C580] =	vst v63  }
0x44: {  	_ =	swait.ge [sflag:s12], $0x50  }
0x45: {  	[sflag:s12] =	ssyncset.done $0x0  }
0x46: {  	[sflag:s12] =	ssyncadd.s32 $0xFFFFFFB0  }
0x47: {  	_ =	swait.ge [sflag:s16], $0x2800  }
.Ltmp3:
0x48: {  	[sflag:s16] =	ssyncset.done $0x0;
	(pc) =	sbr.rel @p1 .LBB2_6-.Ltmp3, $4  }
0x49: {  	[sflag:s16] =	ssyncadd.s32 $0xFFFFD800  }
0x4a: {  	[spmem:s2] =	stream.indirect.scatter.add.f32 [tilespmem:s14], [sflag:$0x2], $0x80, s15, s13, $0xb8;
	[tilespmem:$0x1C580] =	vst v63  }
0x4b: {  	_ =	swait.ge [sflag:s12], $0x2800  }
0x4c: {  	s19 =	smov.u32 s22;
	[sflag:s12] =	ssyncset.done $0x0  }
0x4d: {  	s19 =	sadd.s32 s18, s9;
	[sflag:s12] =	ssyncadd.s32 $0xFFFFD800  }
0x4e: {  	[tilespmem:s3], [sflag:$0x2] =	stream.linear.gather [hbm4b:s19+s3], $0x50, $0x38;
	[tilespmem:$0x1C580] =	vst v63  }
0x4f: {  	_ =	swait.ge [sflag:s12], $0x50  }
0x50: {  	[sflag:s12] =	ssyncset.done $0x0  }
0x51: {  	[sflag:s12] =	ssyncadd.s32 $0xFFFFFFB0  }
0x52: {  	[tilespmem:s14], [sflag:$0x1] =	stream.indirect.gather [hbm4b:s4+s13], $0x80, s3, s13, $0xb8;
	[tilespmem:$0x1C580] =	vst v63  }
0x53: {  	s31 =	sadd.s32 s18, s8  }
0x54: {  	[tilespmem:s15], [sflag:$0x2] =	stream.linear.gather [hbm4b:s31+s3], $0x50, $0x38;
	[tilespmem:$0x1C580] =	vst v63  }
0x55: {  	_ =	swait.ge [sflag:s12], $0x50  }
0x56: {  	[sflag:s12] =	ssyncset.done $0x0  }
0x57: {  	[sflag:s12] =	ssyncadd.s32 $0xFFFFFFB0  }
0x58: {  	_ =	swait.ge [sflag:s16], $0x2800  }
0x59: {  	[sflag:s16] =	ssyncset.done $0x0  }
0x5a: {  	[sflag:s16] =	ssyncadd.s32 $0xFFFFD800  }
0x5b: {  	[spmem:s2] =	stream.indirect.scatter.add.f32 [tilespmem:s14], [sflag:$0x2], $0x80, s15, s13, $0xb8;
	[tilespmem:$0x1C580] =	vst v63  }
0x5c: {  	_ =	swait.ge [sflag:s12], $0x2800  }
0x5d: {  	[sflag:s12] =	ssyncset.done $0x0  }
0x5e: {  	[sflag:s12] =	ssyncadd.s32 $0xFFFFD800  }
0x5f: {  	[bflag:$0x0] =	sbarrier.arrive $0xFFFF  }
0x60: {  	[tilespmem:s11], [sflag:$0x2] =	stream.linear.gather [spmem:s7], $0x6400, $0x38;
	[tilespmem:$0x1C580] =	vst v63  }
0x61: {  	_ =	swait.ge [sflag:s12], $0x6400  }
.Ltmp4:
0x62: {  	[sflag:s12] =	ssyncset.done $0x0;
	(pc) =	sbr.rel @!p0 .LBB2_9-.Ltmp4, $4  }
0x63: {  	[sflag:s12] =	ssyncadd.s32 $0xFFFF9C00  }
0x64: {  	[hbm4b:s10+s3] =	stream.linear.scatter [tilespmem:s11], [sflag:$0x2], $0x6400, $0x38;
	[tilespmem:$0x1C580] =	vst v63  }
0x65: {  	s18 =	sadd.s32 $0xFFFFFFFF, s5;
	_ =	swait.ge [sflag:s12], $0x6400  }
0x66: {  	s20 =	smov.u32 s10;
	s19 =	smov.u32 s7;
	[sflag:s12] =	ssyncset.done $0x0  }
.LBB2_8:
0x67: {  	[sflag:s12] =	ssyncadd.s32 $0xFFFF9C00;
	s19 =	sadd.s32 $0x64000, s19;
	s20 =	sadd.s32 $0xC800, s20  }
0x68: {  	[tilespmem:s11], [sflag:$0x2] =	stream.linear.gather [spmem:s19], $0x6400, $0x38;
	[tilespmem:$0x1C580] =	vst v63  }
0x69: {  	p0 =	sne.s32 s18, $0x1;
	s18 =	sadd.s32 $0xFFFFFFFF, s18;
	_ =	swait.ge [sflag:s12], $0x6400  }
.Ltmp5:
0x6a: {  	[sflag:s12] =	ssyncset.done $0x0;
	(pc) =	sbr.rel @p0 .LBB2_8-.Ltmp5, $4  }
0x6b: {  	[sflag:s12] =	ssyncadd.s32 $0xFFFF9C00  }
0x6c: {  	[hbm4b:s20+s3] =	stream.linear.scatter [tilespmem:s11], [sflag:$0x2], $0x6400, $0x38;
	[tilespmem:$0x1C580] =	vst v63  }
0x6d: {  	_ =	swait.ge [sflag:s12], $0x6400  }
0x6e: {  	[sflag:s12] =	ssyncset.done $0x0  }
.LBB2_9:
0x6f: {  	s17 =	sadd.s32 $0x1, s17  }
0x70: {  	p0 =	sne.s32 s17, s6  }
.Ltmp6:
0x71: {  	_ = 	snop;
	(pc) =	sbr.rel @p0 .LBB2_1-.Ltmp6, $2  }
0x72: {  	_ =	sdelay $0x2  }
0x73: {  	[sflag:s12] =	ssyncadd.s32 $0xFFFF9C00  }
0x74: {  	_ =	sfence.sel $0x180000  }
0x75: {  	[bflag:$0x0] =	sbarrier.arrive $0xFFFF  }
0x76: {  	p0 =	sne.s32 s0, $0x0;
	_ =	strace $0x90000059  }
0x77: {  	s0 =	sadd.s32 @!p0 $0x100000, s1;
	[bflag:$0x2] =	sbarrier.arrive $0xFFFF  }
0x78: {  	[sflag:s0] =	ssyncadd.tile.s32 @!p0 $0x1;
	_ =	shalt  }
.Lfunc_end2:
_tile_overlayer_lowered:
.L_overlay_start_2:
0x79: {  	(tag) =	ssettag $0x2  }
0x7a: {  	s0 =	rddreg [dreg:$0x0];
	s2 =	stileid.u32  }
0x7b: {  	s1 =	rddreg [dreg:$0x1];
	p0 =	sne.s32 s2, $0x0  }
0x7c: {  	s3 =	rddreg [dreg:$0x2];
	[bflag:$0x3] =	sbarrier.arrive $0xFFFF;
	s2 =	simm.s32 @!p0 $0x1C02  }
0x7d: {  	[timem:s3], [sflag:s2] =	dma.local @!p0 [hbm:s0], s1  }
0x7e: {  	s0 =	simm.s32 @!p0 $0x2  }
0x7f: {  	_ =	swait.ge @!p0 [sflag:s0], s1  }
0x80: {  	s1 =	ssub.s32 @!p0 $0x0, s1;
	[sflag:s0] =	ssyncset.done @!p0 $0x0  }
0x81: {  	[sflag:s0] =	ssyncadd.s32 @!p0 s1  }
0x82: {  	[bflag:$0x3] =	sbarrier.arrive $0xFFFF  }
0x83: {  	_ =	shalt  }

// kernel: kernel.47.cloned.1.call-start
scs
__scs_entry_jumppad:
0x0: {  	(pc) =	sbr.rel $0x88, $3  }
0x1: {  	(tag) =	ssettag $0x0;
	lr =	simm.s32 $0x1  }
0x2: {  	[smem:$0x3F93] =	sst lr;
	_ =	strace $0xD0000000  }
0x3: {  	_ = 	snop  }
0x4: {  	_ = 	snop  }
0x5: {  	_ = 	snop  }
0x6: {  	_ = 	snop  }
0x7: {  	_ = 	snop  }
__scs_overlays_trampoline_lowered:
0x8: {  	[smem:$0x3FA2] =	sst s0  }
0x9: {  	[smem:$0x3FA3] =	sst s1  }
0xa: {  	[smem:$0x3FA4] =	sst s2  }
0xb: {  	[smem:$0x3FA5] =	sst s3  }
0xc: {  	[smem:$0x3FA6] =	sst s4  }
0xd: {  	[smem:$0x3FA7] =	sst s5  }
0xe: {  	[smem:$0x3FA8] =	sst s6  }
0xf: {  	[smem:$0x3FA9] =	sst s7  }
0x10: {  	[smem:$0x3FAA] =	sst s8  }
0x11: {  	[smem:$0x3FAB] =	sst s9;
	s0 =	simm.s32 @!p0 $0x0  }
0x12: {  	s1 =	sld [smem:$0x3F91];
	s0 =	simm.s32 @p0 $0x1  }
0x13: {  	[smem:$0x3FAC] =	sst s0;
	s0 =	simm.s32 @!p1 $0x0  }
0x14: {  	s2 =	sld [smem:$0x3F90];
	s0 =	simm.s32 @p1 $0x1  }
0x15: {  	[smem:$0x3FAD] =	sst s0;
	s0 =	simm.s32 @!p2 $0x0  }
0x16: {  	s3 =	sld [smem:$0x3FDB];
	s0 =	simm.s32 @p2 $0x1  }
0x17: {  	s4 =	simm.s32 $0x1BF5;
	[smem:$0x3FAF] =	sst s0  }
0x18: {  	s0 =	sld [smem:$0x3F92];
	_ =	swait.ge [sflag:s4], $0x0  }
0x19: {  	s7 =	sld [smem:$0x3F93]  }
0x1a: {  	s8 =	sadd.s32 $0xFFFFE003, lr  }
0x1b: {  	s9 =	sadd.s32 $0xFFFFFEF7, lr;
	s5 =	simm.s32 $0xFFFFFFFF;
	p2 =	slt.u32 s8, $0xFFFFF086  }
0x1c: {  	p1 =	slt.u32 s9, $0xF7A;
	s5 =	simm.s32 @!p2 $0x0  }
0x1d: {  	s5 =	simm.s32 @p1 $0x1;
	p0 =	seq.s32 s7, s2  }
0x1e: {  	s7 =	smul.u32 @!p0 $0xF7A, s2;
	p2 =	seq.s32 @!p0 s5, $0x0  }
0x1f: {  	s9 =	smul.u32 $0xF7A, s1;
	s8 =	simm.s32 @!p0 $0x1BF5;
	p2 =	por !p2, p0  }
0x20: {  	[sflag:s8] =	ssyncset.s32 @!p0 $0xFFFFF086;
	s6 =	sadd.s32 @!p0 s3, s7;
	s7 =	simm.s32 @!p0 $0x108  }
0x21: {  	s3 =	sadd.s32 s3, s9;
	s6 =	sadd.s32 @!p0 $0x88, s6;
	s7 =	simm.s32 @p2 $0x1082  }
0x22: {  	[simem:s7], [sflag:s8] =	dma.local @!p0 [hbm:s6], $0xF7A  }
0x23: {  	s9 =	sor.u32 $0xD0000000, s2;
	s6 =	simm.s32 $0x108;
	_ =	swait.ge @!p0 [sflag:s8], $0x0  }
0x24: {  	s3 =	sadd.s32 $0x88, s3;
	s6 =	simm.s32 @!p1 $0x1082;
	[sflag:s4] =	ssyncset.s32 $0xFFFFF086  }
0x25: {  	[simem:s6], [sflag:s4] =	dma.local [hbm:s3], $0xF7A  }
0x26: {  	[smem:$0x3F93] =	sst s1;
	(tag) =	ssettag s2;
	_ =	strace s9  }
0x27: {  	s1 =	sld [smem:$0x3FA3]  }
0x28: {  	s2 =	sld [smem:$0x3FA4]  }
0x29: {  	s4 =	sld [smem:$0x3FA6]  }
0x2a: {  	p0 =	seq.s32 s5, $0x0;
	s5 =	sld [smem:$0x3FA7]  }
0x2b: {  	s6 =	sld [smem:$0x3FA8]  }
0x2c: {  	s7 =	sld [smem:$0x3FA9]  }
0x2d: {  	s3 =	simm.s32 $0x108;
	s8 =	sld [smem:$0x3FAA]  }
0x2e: {  	s3 =	simm.s32 @!p0 $0x1082;
	s9 =	sld [smem:$0x3FAB]  }
0x2f: {  	lr =	sadd.s32 s0, s3;
	s0 =	sld [smem:$0x3FA2]  }
0x30: {  	s3 =	sld [smem:$0x3FA5]  }
0x31: {  	[smem:$0x3FAE] =	sst s10  }
0x32: {  	s10 =	sld [smem:$0x3FAC];
	_ =	sdelay $0x3  }
0x33: {  	p0 =	seq.s32 s10, $0x1;
	s10 =	sld [smem:$0x3FAE];
	_ =	sdelay $0x3  }
0x34: {  	[smem:$0x3FAE] =	sst s10  }
0x35: {  	s10 =	sld [smem:$0x3FAD];
	_ =	sdelay $0x3  }
0x36: {  	p1 =	seq.s32 s10, $0x1;
	s10 =	sld [smem:$0x3FAE];
	_ =	sdelay $0x3  }
0x37: {  	[smem:$0x3FAE] =	sst s10  }
0x38: {  	s10 =	sld [smem:$0x3FAF]  }
0x39: {  	_ = 	snop;
	(pc) =	sbr.ind lr, $3  }
0x3a: {  	_ = 	snop  }
0x3b: {  	_ = 	snop  }
0x3c: {  	p2 =	seq.s32 s10, $0x1;
	s10 =	sld [smem:$0x3FAE]  }
0x3d: {  	_ =	shalt  }
0x3e: {  	_ =	shalt  }
0x3f: {  	_ =	shalt  }
0x40: {  	_ =	shalt  }
0x41: {  	_ =	shalt  }
0x42: {  	_ =	shalt  }
0x43: {  	_ =	shalt  }
0x44: {  	_ =	shalt  }
0x45: {  	_ =	shalt  }
0x46: {  	_ =	shalt  }
0x47: {  	_ =	shalt  }
0x48: {  	_ =	shalt  }
0x49: {  	_ =	shalt  }
0x4a: {  	_ =	shalt  }
0x4b: {  	_ =	shalt  }
0x4c: {  	_ =	shalt  }
0x4d: {  	_ =	shalt  }
0x4e: {  	_ =	shalt  }
0x4f: {  	_ =	shalt  }
0x50: {  	_ =	shalt  }
0x51: {  	_ =	shalt  }
0x52: {  	_ =	shalt  }
0x53: {  	_ =	shalt  }
0x54: {  	_ =	shalt  }
0x55: {  	_ =	shalt  }
0x56: {  	_ =	shalt  }
0x57: {  	_ =	shalt  }
0x58: {  	_ =	shalt  }
0x59: {  	_ =	shalt  }
0x5a: {  	_ =	shalt  }
0x5b: {  	_ =	shalt  }
0x5c: {  	_ =	shalt  }
0x5d: {  	_ =	shalt  }
0x5e: {  	_ =	shalt  }
0x5f: {  	_ =	shalt  }
0x60: {  	_ =	shalt  }
0x61: {  	_ =	shalt  }
0x62: {  	_ =	shalt  }
0x63: {  	_ =	shalt  }
0x64: {  	_ =	shalt  }
0x65: {  	_ =	shalt  }
0x66: {  	_ =	shalt  }
0x67: {  	_ =	shalt  }
0x68: {  	_ =	shalt  }
0x69: {  	_ =	shalt  }
0x6a: {  	_ =	shalt  }
0x6b: {  	_ =	shalt  }
0x6c: {  	_ =	shalt  }
0x6d: {  	_ =	shalt  }
0x6e: {  	_ =	shalt  }
0x6f: {  	_ =	shalt  }
0x70: {  	_ =	shalt  }
0x71: {  	_ =	shalt  }
0x72: {  	_ =	shalt  }
0x73: {  	_ =	shalt  }
0x74: {  	_ =	shalt  }
0x75: {  	_ =	shalt  }
0x76: {  	_ =	shalt  }
0x77: {  	_ =	shalt  }
0x78: {  	_ =	shalt  }
0x79: {  	_ =	shalt  }
0x7a: {  	_ =	shalt  }
0x7b: {  	_ =	shalt  }
0x7c: {  	_ =	shalt  }
0x7d: {  	_ =	shalt  }
0x7e: {  	_ =	shalt  }
0x7f: {  	_ =	shalt  }
0x80: {  	_ =	shalt  }
0x81: {  	_ =	shalt  }
0x82: {  	_ =	shalt  }
0x83: {  	_ =	shalt  }
0x84: {  	_ =	shalt  }
0x85: {  	_ =	shalt  }
0x86: {  	_ =	shalt  }
0x87: {  	_ =	shalt  }
.Lfunc_end0:
.L_simem_size_0:
called_computation.7_lowered:
.L_overlay_start_0:
0x88: {  	s2 =	sld [smem:$0x3FD9]  }
0x89: {  	s3 =	sld [smem:$0x3FFE];
	_ =	sdelay $0x1  }
0x8a: {  	s1 =	srdreg.scid  }
0x8b: {  	s0 =	sand.u32 $0x1, s1  }
0x8c: {  	s17 =	sshll.u32 s0, $0xA;
	s2 =	sadd.s32 s3, s2  }
0x8d: {  	s2 =	sadd.s32 s2, s17  }
0x8e: {  	[smem:$0x3FBA] =	sst s2  }
0x8f: {  	_ = 	snop  }
0x90: {  	s2 =	sld [smem:$0x3FD0];
	(tm) =	ssettm $0x1  }
0x91: {  	s18 =	sld [smem:$0x3FFB];
	_ =	sdelay $0x3  }
0x92: {  	_ =	strace s18  }
0x93: {  	s3 =	sld [smem:$0x3FFC];
	_ =	sdelay $0x3  }
0x94: {  	_ =	strace s3  }
0x95: {  	s3 =	sld [smem:$0x3FFD];
	_ =	sdelay $0x3  }
0x96: {  	_ =	strace s3  }
0x97: {  	_ =	strace $0x8FFFFFFF  }
0x98: {  	s19 =	sld [smem:$0x3FDB];
	_ =	sdelay $0x1  }
0x99: {  	s4 =	simm.s32 $_scs_section_size  }
0x9a: {  	s5 =	simm.s32 $_size__tile_overlayer_lowered;
	s6 =	simm.s32 $_tile_overlayer_lowered  }
0x9b: {  	s22 =	simm.s32 $0x1BFF;
	s21 =	sshll.u32 s6, $0x1;
	s3 =	sadd.s32 s4, s19  }
0x9c: {  	s7 =	simm.s32 $0x0;
	s20 =	sshll.u32 s5, $0x1;
	s5 =	sadd.s32 s21, s3  }
0x9d: {  	[timem:s7], [sflag:s22] =	dma.local [hbm:s5], s20  }
0x9e: {  	_ =	swait.ge [sflag:s22], s20  }
0x9f: {  	s4 =	ssub.s32 $0x0, s20;
	[sflag:s22] =	ssyncset.done $0x0  }
0xa0: {  	[sflag:s22] =	ssyncadd.s32 s4;
	_ =	sdelay $0x1  }
0xa1: {  	s23 =	simm.s32 $0x1B8B  }
0xa2: {  	_ =	swait.ge [sflag:s23], $0x1  }
0xa3: {  	[sflag:s23] =	ssyncset.done $0x0  }
0xa4: {  	s25 =	simm.s32 $0x1B8E;
	s24 =	sld [smem:$0x3FFE];
	[sflag:s23] =	ssyncadd.s32 $0xFFFFFFFF  }
0xa5: {  	s26 =	simm.s32 $execute0_lowered;
	[smem:$0x3FD2] =	sst s25  }
0xa6: {  	s5 =	sshll.u32 s26, $0x1;
	_ =	strace $0x8000005B;
	[dreg:$0x1] =	wrdreg $0xFFFFFFFF  }
0xa7: {  	s28 =	simm.s32 $_size_execute0_lowered;
	s3 =	sadd.s32 s3, s5;
	[dreg:$0x0] =	wrdreg $0x0  }
0xa8: {  	s5 =	sshll.u32 s28, $0x1;
	[dreg:$0x2] =	wrdreg s3  }
0xa9: {  	[dreg:$0x3] =	wrdreg s5  }
0xaa: {  	[dreg:$0x4] =	wrdreg $0xC0  }
0xab: {  	_ =	task [dreg:s7], $0x5FFFF  }
0xac: {  	[dreg:$0x1] =	wrdreg $0xFFFFFFFF  }
0xad: {  	[dreg:$0x0] =	wrdreg $0x60  }
0xae: {  	[dreg:$0x2] =	wrdreg s2  }
0xaf: {  	[dreg:$0x3] =	wrdreg s24  }
0xb0: {  	[dreg:$0x4] =	wrdreg $0x8D000  }
0xb1: {  	[dreg:$0x5] =	wrdreg $0x9  }
0xb2: {  	_ =	task.clear_ibuf [dreg:s7], $0x6FFFF;
	_ =	strace $0x9000005B  }
0xb3: {  	s29 =	simm.s32 $0x9;
	_ =	strace $0x8000005D  }
0xb4: {  	_ =	swait.ge [sflag:s29], $0x1  }
0xb5: {  	[sflag:s29] =	ssyncadd.s32 $0xFFFFFFFF  }
0xb6: {  	_ =	strace $0x9000005D  }
0xb7: {  	_ =	sfence  }
0xb8: {  	s30 =	sld [smem:$0x0];
	_ =	sdelay $0x2  }
0xb9: {  	s31 =	sshll.u32 s1, $0xD;
	s1 =	sshrl.u32 s1, $0x2  }
0xba: {  	s3 =	sand.u32 $0x4000, s31;
	s1 =	sadd.s32 s1, s30  }
0xbb: {  	s0 =	sor.u32 s3, s0;
	s1 =	sshll.u32 s1, $0x11  }
0xbc: {  	s0 =	sor.u32 s1, s0  }
0xbd: {  	s0 =	sadd.s32 $0x8F2B, s0  }
0xbe: {  	[sflag:s0] =	ssyncadd.remote.s32 $0x1  }
0xbf: {  	_ =	sfence.sel $0xFFFF  }
0xc0: {  	[dreg:$0x0] =	wrdreg $0xFFFFFFFF;
	(pc) =	sbr.abs _section_cstart, $3  }
0xc1: {  	[dreg:$0x1] =	wrdreg $0xFFFFFFFF  }
0xc2: {  	_ =	task.clear_ibuf [dreg:s7], $0x2FFFF;
	_ =	strace $0x9FFFFFFF  }
0xc3: {  	(tm) =	ssettm $0x7FFFFFFF  }
tec
execute0_lowered:
.L_overlay_start_1:
0x0: {  	(tag) =	ssettag $0x1  }
0x1: {  	s1 =	rddreg [dreg:$0x0]  }
0x2: {  	s5 =	rddreg [dreg:$0x1];
	s2 =	srdreg.scid  }
0x3: {  	s0 =	stileid.u32;
	s3 =	rddreg [dreg:$0x2]  }
0x4: {  	s4 =	simm.s32 $0x0;
	s12 =	simm.s32 $0x2;
	s7 =	smul.u32 $0x4E20, s0  }
0x5: {  	s13 =	simm.s32 $0x50;
	s14 =	simm.s32 $0x100;
	s29 =	smul.u32 $0x9C4, s0  }
0x6: {  	s15 =	simm.s32 $0x80;
	s16 =	simm.s32 $0x1;
	s31 =	smul.u32 $0x19000, s0  }
0x7: {  	s6 =	sand.u32 $0x1, s2;
	s2 =	rddreg [dreg:$0x3];
	s11 =	smul.u32 $0xC80, s0  }
0x8: {  	s17 =	simm.s32 $0x0;
	[smem:$0x7FF] =	sst s4;
	s8 =	smul.u32 $0x4E200, s6  }
0x9: {  	p0 =	slt.u32 s0, $0x2;
	s9 =	smul.u32 $0x27100, s6;
	s6 =	ssub.s32 $0x2, s6  }
0xa: {  	_ =	strace $0x8000005C;
	s30 =	sshrl.u32 s6, $0x1;
	s7 =	sadd.s32 s7, s8  }
0xb: {  	s8 =	sadd.s32 s29, s5;
	s9 =	sadd.s32 s9, s5;
	s6 =	ssub.s32 s6, s30  }
0xc: {  	s7 =	sshrl.u32 s7, $0x3;
	s6 =	smax.u32 s6, $0x1;
	s8 =	sadd.s32 $0x28800, s8  }
0xd: {  	s10 =	sadd.s32 s7, s5;
	s5 =	simm.s32 $0x4;
	s7 =	sshrl.u32 s31, $0x2  }
0xe: {  	s11 =	sadd.s32 s11, s9;
	s5 =	simm.s32 @!p0 $0x3;
	s7 =	sadd.s32 s7, s3  }
0xf: {  	v0 =	vimm.f32 $0.0e+00;
	s9 =	sadd.s32 $0x17EE00, s10;
	s10 =	sadd.s32 $0x32600, s11;
	s11 =	simm.s32 $0x2900  }
.LBB2_1:
0x10: {  	s18 =	simm.s32 $0x0;
	s19 =	simm.s32 $0x200  }
.LBB2_2:
0x11: {  	p0 =	sne.s32 s19, $0x18E00;
	[tilespmem:s18+$0x2970] =	vst v0  }
0x12: {  	[tilespmem:s18+$0x2900] =	vst v0  }
0x13: {  	[tilespmem:s18+$0x2910] =	vst v0  }
.Ltmp0:
0x14: {  	[tilespmem:s18+$0x2920] =	vst v0;
	(pc) =	sbr.rel @p0 .LBB2_2-.Ltmp0, $4  }
0x15: {  	[tilespmem:s18+$0x2930] =	vst v0  }
0x16: {  	[tilespmem:s18+$0x2940] =	vst v0  }
0x17: {  	[tilespmem:s18+$0x2950] =	vst v0  }
0x18: {  	[tilespmem:s18+$0x2960] =	vst v0;
	s18 =	sshra.s32 s19, $0x2;
	s19 =	sadd.s32 $0x200, s19  }
0x19: {  	[tilespmem:s18+$0x2970] =	vst v0  }
0x1a: {  	[tilespmem:s18+$0x2900] =	vst v0  }
0x1b: {  	[tilespmem:s18+$0x2910] =	vst v0  }
0x1c: {  	[tilespmem:s18+$0x2920] =	vst v0  }
0x1d: {  	[tilespmem:s18+$0x2930] =	vst v0  }
0x1e: {  	[tilespmem:s18+$0x2940] =	vst v0;
	p0 =	sne.s32 s5, $0x1  }
.Ltmp1:
0x1f: {  	[tilespmem:s18+$0x2950] =	vst v0;
	(pc) =	sbr.rel @!p0 .LBB2_5-.Ltmp1, $4  }
0x20: {  	[tilespmem:s18+$0x2960] =	vst v0  }
0x21: {  	[spmem:s7] =	stream.linear.scatter [tilespmem:s11], [sflag:$0x2], $0x6400, $0x38;
	[tilespmem:$0x1C580] =	vst v63  }
0x22: {  	_ =	swait.ge [sflag:s12], $0x6400  }
0x23: {  	s18 =	sadd.s32 $0xFFFFFFFF, s5;
	s19 =	smov.u32 s7;
	[sflag:s12] =	ssyncset.done $0x0  }
.LBB2_4:
0x24: {  	p1 =	sne.s32 s18, $0x1;
	[sflag:s12] =	ssyncadd.s32 $0xFFFF9C00;
	s19 =	sadd.s32 $0x64000, s19  }
.Ltmp2:
0x25: {  	s18 =	sadd.s32 $0xFFFFFFFF, s18;
	(pc) =	sbr.rel @p1 .LBB2_4-.Ltmp2, $4  }
0x26: {  	_ = 	snop  }
0x27: {  	[spmem:s19] =	stream.linear.scatter [tilespmem:s11], [sflag:$0x2], $0x6400, $0x38;
	[tilespmem:$0x1C580] =	vst v63  }
0x28: {  	_ =	swait.ge [sflag:s12], $0x6400  }
0x29: {  	[sflag:s12] =	ssyncset.done $0x0  }
.LBB2_5:
0x2a: {  	[sflag:s12] =	ssyncadd.s32 $0xFFFF9C00  }
0x2b: {  	s18 =	sadd.s32 $0x0, s9;
	[bflag:$0x0] =	sbarrier.arrive $0xFFFF  }
0x2c: {  	[tilespmem:s4], [sflag:$0x2] =	stream.linear.gather [hbm4b:s18+s4], $0x50, $0x38;
	[tilespmem:$0x1C580] =	vst v63  }
0x2d: {  	_ =	swait.ge [sflag:s12], $0x50  }
0x2e: {  	[sflag:s12] =	ssyncset.done $0x0  }
0x2f: {  	[sflag:s12] =	ssyncadd.s32 $0xFFFFFFB0  }
0x30: {  	[tilespmem:s14], [sflag:$0x1] =	stream.indirect.gather [hbm4b:s1+s13], $0x80, s4, s13, $0xb8;
	[tilespmem:$0x1C580] =	vst v63  }
0x31: {  	s31 =	sadd.s32 $0x0, s8  }
0x32: {  	[tilespmem:s15], [sflag:$0x2] =	stream.linear.gather [hbm4b:s31+s4], $0x50, $0x38;
	[tilespmem:$0x1C580] =	vst v63  }
0x33: {  	_ =	swait.ge [sflag:s12], $0x50  }
0x34: {  	[sflag:s12] =	ssyncset.done $0x0  }
0x35: {  	[sflag:s12] =	ssyncadd.s32 $0xFFFFFFB0  }
0x36: {  	_ =	swait.ge [sflag:s16], $0x2800  }
0x37: {  	[sflag:s16] =	ssyncset.done $0x0  }
0x38: {  	[sflag:s16] =	ssyncadd.s32 $0xFFFFD800  }
0x39: {  	[spmem:s3] =	stream.indirect.scatter.add.f32 [tilespmem:s14], [sflag:$0x2], $0x80, s15, s13, $0xb8;
	[tilespmem:$0x1C580] =	vst v63  }
0x3a: {  	_ =	swait.ge [sflag:s12], $0x2800  }
0x3b: {  	s19 =	simm.s32 $0x14;
	s18 =	simm.s32 $0xA;
	[sflag:s12] =	ssyncset.done $0x0  }
.LBB2_6:
0x3c: {  	s20 =	sadd.s32 s18, s9  }
0x3d: {  	[sflag:s12] =	ssyncadd.s32 $0xFFFFD800;
	s21 =	smov.u32 s19;
	s22 =	sadd.s32 $0xA, s19  }
0x3e: {  	[tilespmem:s4], [sflag:$0x2] =	stream.linear.gather [hbm4b:s20+s4], $0x50, $0x38;
	[tilespmem:$0x1C580] =	vst v63  }
0x3f: {  	p1 =	sne.s32 s19, $0x9BA;
	_ =	swait.ge [sflag:s12], $0x50  }
0x40: {  	[sflag:s12] =	ssyncset.done $0x0  }
0x41: {  	[sflag:s12] =	ssyncadd.s32 $0xFFFFFFB0  }
0x42: {  	[tilespmem:s14], [sflag:$0x1] =	stream.indirect.gather [hbm4b:s1+s13], $0x80, s4, s13, $0xb8;
	[tilespmem:$0x1C580] =	vst v63  }
0x43: {  	s19 =	sadd.s32 s18, s8;
	s18 =	smov.u32 s21  }
0x44: {  	[tilespmem:s15], [sflag:$0x2] =	stream.linear.gather [hbm4b:s19+s4], $0x50, $0x38;
	[tilespmem:$0x1C580] =	vst v63  }
0x45: {  	_ =	swait.ge [sflag:s12], $0x50  }
0x46: {  	[sflag:s12] =	ssyncset.done $0x0  }
0x47: {  	[sflag:s12] =	ssyncadd.s32 $0xFFFFFFB0  }
0x48: {  	_ =	swait.ge [sflag:s16], $0x2800  }
.Ltmp3:
0x49: {  	[sflag:s16] =	ssyncset.done $0x0;
	(pc) =	sbr.rel @p1 .LBB2_6-.Ltmp3, $4  }
0x4a: {  	[sflag:s16] =	ssyncadd.s32 $0xFFFFD800  }
0x4b: {  	[spmem:s3] =	stream.indirect.scatter.add.f32 [tilespmem:s14], [sflag:$0x2], $0x80, s15, s13, $0xb8;
	[tilespmem:$0x1C580] =	vst v63  }
0x4c: {  	_ =	swait.ge [sflag:s12], $0x2800  }
0x4d: {  	s19 =	smov.u32 s22;
	[sflag:s12] =	ssyncset.done $0x0  }
0x4e: {  	s19 =	sadd.s32 s18, s9;
	[sflag:s12] =	ssyncadd.s32 $0xFFFFD800  }
0x4f: {  	[tilespmem:s4], [sflag:$0x2] =	stream.linear.gather [hbm4b:s19+s4], $0x50, $0x38;
	[tilespmem:$0x1C580] =	vst v63  }
0x50: {  	_ =	swait.ge [sflag:s12], $0x50  }
0x51: {  	[sflag:s12] =	ssyncset.done $0x0  }
0x52: {  	[sflag:s12] =	ssyncadd.s32 $0xFFFFFFB0  }
0x53: {  	[tilespmem:s14], [sflag:$0x1] =	stream.indirect.gather [hbm4b:s1+s13], $0x80, s4, s13, $0xb8;
	[tilespmem:$0x1C580] =	vst v63  }
0x54: {  	s31 =	sadd.s32 s18, s8  }
0x55: {  	[tilespmem:s15], [sflag:$0x2] =	stream.linear.gather [hbm4b:s31+s4], $0x50, $0x38;
	[tilespmem:$0x1C580] =	vst v63  }
0x56: {  	_ =	swait.ge [sflag:s12], $0x50  }
0x57: {  	[sflag:s12] =	ssyncset.done $0x0  }
0x58: {  	[sflag:s12] =	ssyncadd.s32 $0xFFFFFFB0  }
0x59: {  	_ =	swait.ge [sflag:s16], $0x2800  }
0x5a: {  	[sflag:s16] =	ssyncset.done $0x0  }
0x5b: {  	[sflag:s16] =	ssyncadd.s32 $0xFFFFD800  }
0x5c: {  	[spmem:s3] =	stream.indirect.scatter.add.f32 [tilespmem:s14], [sflag:$0x2], $0x80, s15, s13, $0xb8;
	[tilespmem:$0x1C580] =	vst v63  }
0x5d: {  	_ =	swait.ge [sflag:s12], $0x2800  }
0x5e: {  	[sflag:s12] =	ssyncset.done $0x0  }
0x5f: {  	[sflag:s12] =	ssyncadd.s32 $0xFFFFD800  }
0x60: {  	[bflag:$0x0] =	sbarrier.arrive $0xFFFF  }
0x61: {  	[tilespmem:s11], [sflag:$0x2] =	stream.linear.gather [spmem:s7], $0x6400, $0x38;
	[tilespmem:$0x1C580] =	vst v63  }
0x62: {  	_ =	swait.ge [sflag:s12], $0x6400  }
.Ltmp4:
0x63: {  	[sflag:s12] =	ssyncset.done $0x0;
	(pc) =	sbr.rel @!p0 .LBB2_9-.Ltmp4, $4  }
0x64: {  	[sflag:s12] =	ssyncadd.s32 $0xFFFF9C00  }
0x65: {  	[hbm4b:s10+s4] =	stream.linear.scatter [tilespmem:s11], [sflag:$0x2], $0x6400, $0x38;
	[tilespmem:$0x1C580] =	vst v63  }
0x66: {  	s18 =	sadd.s32 $0xFFFFFFFF, s5;
	_ =	swait.ge [sflag:s12], $0x6400  }
0x67: {  	s20 =	smov.u32 s10;
	s19 =	smov.u32 s7;
	[sflag:s12] =	ssyncset.done $0x0  }
.LBB2_8:
0x68: {  	[sflag:s12] =	ssyncadd.s32 $0xFFFF9C00;
	s19 =	sadd.s32 $0x64000, s19;
	s20 =	sadd.s32 $0xC800, s20  }
0x69: {  	[tilespmem:s11], [sflag:$0x2] =	stream.linear.gather [spmem:s19], $0x6400, $0x38;
	[tilespmem:$0x1C580] =	vst v63  }
0x6a: {  	p0 =	sne.s32 s18, $0x1;
	s18 =	sadd.s32 $0xFFFFFFFF, s18;
	_ =	swait.ge [sflag:s12], $0x6400  }
.Ltmp5:
0x6b: {  	[sflag:s12] =	ssyncset.done $0x0;
	(pc) =	sbr.rel @p0 .LBB2_8-.Ltmp5, $4  }
0x6c: {  	[sflag:s12] =	ssyncadd.s32 $0xFFFF9C00  }
0x6d: {  	[hbm4b:s20+s4] =	stream.linear.scatter [tilespmem:s11], [sflag:$0x2], $0x6400, $0x38;
	[tilespmem:$0x1C580] =	vst v63  }
0x6e: {  	_ =	swait.ge [sflag:s12], $0x6400  }
0x6f: {  	[sflag:s12] =	ssyncset.done $0x0  }
.LBB2_9:
0x70: {  	s17 =	sadd.s32 $0x1, s17  }
0x71: {  	p0 =	sne.s32 s17, s6  }
.Ltmp6:
0x72: {  	_ = 	snop;
	(pc) =	sbr.rel @p0 .LBB2_1-.Ltmp6, $2  }
0x73: {  	_ =	sdelay $0x2  }
0x74: {  	[sflag:s12] =	ssyncadd.s32 $0xFFFF9C00  }
0x75: {  	_ =	sfence.sel $0x180000  }
0x76: {  	[bflag:$0x0] =	sbarrier.arrive $0xFFFF  }
0x77: {  	p0 =	sne.s32 s0, $0x0;
	_ =	strace $0x9000005C  }
0x78: {  	s0 =	sadd.s32 @!p0 $0x100000, s2;
	[bflag:$0x2] =	sbarrier.arrive $0xFFFF  }
0x79: {  	[sflag:s0] =	ssyncadd.tile.s32 @!p0 $0x1;
	_ =	shalt  }
.Lfunc_end2:
_tile_overlayer_lowered:
.L_overlay_start_2:
0x7a: {  	(tag) =	ssettag $0x2  }
0x7b: {  	s0 =	rddreg [dreg:$0x0];
	s2 =	stileid.u32  }
0x7c: {  	s1 =	rddreg [dreg:$0x1];
	p0 =	sne.s32 s2, $0x0  }
0x7d: {  	s3 =	rddreg [dreg:$0x2];
	[bflag:$0x3] =	sbarrier.arrive $0xFFFF;
	s2 =	simm.s32 @!p0 $0x1C02  }
0x7e: {  	[timem:s3], [sflag:s2] =	dma.local @!p0 [hbm:s0], s1  }
0x7f: {  	s0 =	simm.s32 @!p0 $0x2  }
0x80: {  	_ =	swait.ge @!p0 [sflag:s0], s1  }
0x81: {  	s1 =	ssub.s32 @!p0 $0x0, s1;
	[sflag:s0] =	ssyncset.done @!p0 $0x0  }
0x82: {  	[sflag:s0] =	ssyncadd.s32 @!p0 s1  }
0x83: {  	[bflag:$0x3] =	sbarrier.arrive $0xFFFF  }
0x84: {  	_ =	shalt  }

// kernel: kernel.50.cloned.1.call-start
scs
__scs_entry_jumppad:
0x0: {  	(pc) =	sbr.rel $0x88, $3  }
0x1: {  	(tag) =	ssettag $0x0;
	lr =	simm.s32 $0x1  }
0x2: {  	[smem:$0x3F93] =	sst lr;
	_ =	strace $0xD0000000  }
0x3: {  	_ = 	snop  }
0x4: {  	_ = 	snop  }
0x5: {  	_ = 	snop  }
0x6: {  	_ = 	snop  }
0x7: {  	_ = 	snop  }
__scs_overlays_trampoline_lowered:
0x8: {  	[smem:$0x3FA2] =	sst s0  }
0x9: {  	[smem:$0x3FA3] =	sst s1  }
0xa: {  	[smem:$0x3FA4] =	sst s2  }
0xb: {  	[smem:$0x3FA5] =	sst s3  }
0xc: {  	[smem:$0x3FA6] =	sst s4  }
0xd: {  	[smem:$0x3FA7] =	sst s5  }
0xe: {  	[smem:$0x3FA8] =	sst s6  }
0xf: {  	[smem:$0x3FA9] =	sst s7  }
0x10: {  	[smem:$0x3FAA] =	sst s8  }
0x11: {  	[smem:$0x3FAB] =	sst s9;
	s0 =	simm.s32 @!p0 $0x0  }
0x12: {  	s1 =	sld [smem:$0x3F91];
	s0 =	simm.s32 @p0 $0x1  }
0x13: {  	[smem:$0x3FAC] =	sst s0;
	s0 =	simm.s32 @!p1 $0x0  }
0x14: {  	s2 =	sld [smem:$0x3F90];
	s0 =	simm.s32 @p1 $0x1  }
0x15: {  	[smem:$0x3FAD] =	sst s0;
	s0 =	simm.s32 @!p2 $0x0  }
0x16: {  	s3 =	sld [smem:$0x3FDB];
	s0 =	simm.s32 @p2 $0x1  }
0x17: {  	s4 =	simm.s32 $0x1BF5;
	[smem:$0x3FAF] =	sst s0  }
0x18: {  	s0 =	sld [smem:$0x3F92];
	_ =	swait.ge [sflag:s4], $0x0  }
0x19: {  	s7 =	sld [smem:$0x3F93]  }
0x1a: {  	s8 =	sadd.s32 $0xFFFFE003, lr  }
0x1b: {  	s9 =	sadd.s32 $0xFFFFFEF7, lr;
	s5 =	simm.s32 $0xFFFFFFFF;
	p2 =	slt.u32 s8, $0xFFFFF086  }
0x1c: {  	p1 =	slt.u32 s9, $0xF7A;
	s5 =	simm.s32 @!p2 $0x0  }
0x1d: {  	s5 =	simm.s32 @p1 $0x1;
	p0 =	seq.s32 s7, s2  }
0x1e: {  	s7 =	smul.u32 @!p0 $0xF7A, s2;
	p2 =	seq.s32 @!p0 s5, $0x0  }
0x1f: {  	s9 =	smul.u32 $0xF7A, s1;
	s8 =	simm.s32 @!p0 $0x1BF5;
	p2 =	por !p2, p0  }
0x20: {  	[sflag:s8] =	ssyncset.s32 @!p0 $0xFFFFF086;
	s6 =	sadd.s32 @!p0 s3, s7;
	s7 =	simm.s32 @!p0 $0x108  }
0x21: {  	s3 =	sadd.s32 s3, s9;
	s6 =	sadd.s32 @!p0 $0x88, s6;
	s7 =	simm.s32 @p2 $0x1082  }
0x22: {  	[simem:s7], [sflag:s8] =	dma.local @!p0 [hbm:s6], $0xF7A  }
0x23: {  	s9 =	sor.u32 $0xD0000000, s2;
	s6 =	simm.s32 $0x108;
	_ =	swait.ge @!p0 [sflag:s8], $0x0  }
0x24: {  	s3 =	sadd.s32 $0x88, s3;
	s6 =	simm.s32 @!p1 $0x1082;
	[sflag:s4] =	ssyncset.s32 $0xFFFFF086  }
0x25: {  	[simem:s6], [sflag:s4] =	dma.local [hbm:s3], $0xF7A  }
0x26: {  	[smem:$0x3F93] =	sst s1;
	(tag) =	ssettag s2;
	_ =	strace s9  }
0x27: {  	s1 =	sld [smem:$0x3FA3]  }
0x28: {  	s2 =	sld [smem:$0x3FA4]  }
0x29: {  	s4 =	sld [smem:$0x3FA6]  }
0x2a: {  	p0 =	seq.s32 s5, $0x0;
	s5 =	sld [smem:$0x3FA7]  }
0x2b: {  	s6 =	sld [smem:$0x3FA8]  }
0x2c: {  	s7 =	sld [smem:$0x3FA9]  }
0x2d: {  	s3 =	simm.s32 $0x108;
	s8 =	sld [smem:$0x3FAA]  }
0x2e: {  	s3 =	simm.s32 @!p0 $0x1082;
	s9 =	sld [smem:$0x3FAB]  }
0x2f: {  	lr =	sadd.s32 s0, s3;
	s0 =	sld [smem:$0x3FA2]  }
0x30: {  	s3 =	sld [smem:$0x3FA5]  }
0x31: {  	[smem:$0x3FAE] =	sst s10  }
0x32: {  	s10 =	sld [smem:$0x3FAC];
	_ =	sdelay $0x3  }
0x33: {  	p0 =	seq.s32 s10, $0x1;
	s10 =	sld [smem:$0x3FAE];
	_ =	sdelay $0x3  }
0x34: {  	[smem:$0x3FAE] =	sst s10  }
0x35: {  	s10 =	sld [smem:$0x3FAD];
	_ =	sdelay $0x3  }
0x36: {  	p1 =	seq.s32 s10, $0x1;
	s10 =	sld [smem:$0x3FAE];
	_ =	sdelay $0x3  }
0x37: {  	[smem:$0x3FAE] =	sst s10  }
0x38: {  	s10 =	sld [smem:$0x3FAF]  }
0x39: {  	_ = 	snop;
	(pc) =	sbr.ind lr, $3  }
0x3a: {  	_ = 	snop  }
0x3b: {  	_ = 	snop  }
0x3c: {  	p2 =	seq.s32 s10, $0x1;
	s10 =	sld [smem:$0x3FAE]  }
0x3d: {  	_ =	shalt  }
0x3e: {  	_ =	shalt  }
0x3f: {  	_ =	shalt  }
0x40: {  	_ =	shalt  }
0x41: {  	_ =	shalt  }
0x42: {  	_ =	shalt  }
0x43: {  	_ =	shalt  }
0x44: {  	_ =	shalt  }
0x45: {  	_ =	shalt  }
0x46: {  	_ =	shalt  }
0x47: {  	_ =	shalt  }
0x48: {  	_ =	shalt  }
0x49: {  	_ =	shalt  }
0x4a: {  	_ =	shalt  }
0x4b: {  	_ =	shalt  }
0x4c: {  	_ =	shalt  }
0x4d: {  	_ =	shalt  }
0x4e: {  	_ =	shalt  }
0x4f: {  	_ =	shalt  }
0x50: {  	_ =	shalt  }
0x51: {  	_ =	shalt  }
0x52: {  	_ =	shalt  }
0x53: {  	_ =	shalt  }
0x54: {  	_ =	shalt  }
0x55: {  	_ =	shalt  }
0x56: {  	_ =	shalt  }
0x57: {  	_ =	shalt  }
0x58: {  	_ =	shalt  }
0x59: {  	_ =	shalt  }
0x5a: {  	_ =	shalt  }
0x5b: {  	_ =	shalt  }
0x5c: {  	_ =	shalt  }
0x5d: {  	_ =	shalt  }
0x5e: {  	_ =	shalt  }
0x5f: {  	_ =	shalt  }
0x60: {  	_ =	shalt  }
0x61: {  	_ =	shalt  }
0x62: {  	_ =	shalt  }
0x63: {  	_ =	shalt  }
0x64: {  	_ =	shalt  }
0x65: {  	_ =	shalt  }
0x66: {  	_ =	shalt  }
0x67: {  	_ =	shalt  }
0x68: {  	_ =	shalt  }
0x69: {  	_ =	shalt  }
0x6a: {  	_ =	shalt  }
0x6b: {  	_ =	shalt  }
0x6c: {  	_ =	shalt  }
0x6d: {  	_ =	shalt  }
0x6e: {  	_ =	shalt  }
0x6f: {  	_ =	shalt  }
0x70: {  	_ =	shalt  }
0x71: {  	_ =	shalt  }
0x72: {  	_ =	shalt  }
0x73: {  	_ =	shalt  }
0x74: {  	_ =	shalt  }
0x75: {  	_ =	shalt  }
0x76: {  	_ =	shalt  }
0x77: {  	_ =	shalt  }
0x78: {  	_ =	shalt  }
0x79: {  	_ =	shalt  }
0x7a: {  	_ =	shalt  }
0x7b: {  	_ =	shalt  }
0x7c: {  	_ =	shalt  }
0x7d: {  	_ =	shalt  }
0x7e: {  	_ =	shalt  }
0x7f: {  	_ =	shalt  }
0x80: {  	_ =	shalt  }
0x81: {  	_ =	shalt  }
0x82: {  	_ =	shalt  }
0x83: {  	_ =	shalt  }
0x84: {  	_ =	shalt  }
0x85: {  	_ =	shalt  }
0x86: {  	_ =	shalt  }
0x87: {  	_ =	shalt  }
.Lfunc_end0:
.L_simem_size_0:
called_computation.8_lowered:
.L_overlay_start_0:
0x88: {  	s2 =	sld [smem:$0x3FD9]  }
0x89: {  	s3 =	sld [smem:$0x3FFE];
	_ =	sdelay $0x1  }
0x8a: {  	s1 =	srdreg.scid  }
0x8b: {  	s0 =	sand.u32 $0x1, s1  }
0x8c: {  	s17 =	sshll.u32 s0, $0xA;
	s2 =	sadd.s32 s3, s2  }
0x8d: {  	s2 =	sadd.s32 s2, s17  }
0x8e: {  	[smem:$0x3FBA] =	sst s2  }
0x8f: {  	_ = 	snop  }
0x90: {  	s2 =	sld [smem:$0x3FD0];
	(tm) =	ssettm $0x1  }
0x91: {  	s18 =	sld [smem:$0x3FFB];
	_ =	sdelay $0x3  }
0x92: {  	_ =	strace s18  }
0x93: {  	s3 =	sld [smem:$0x3FFC];
	_ =	sdelay $0x3  }
0x94: {  	_ =	strace s3  }
0x95: {  	s3 =	sld [smem:$0x3FFD];
	_ =	sdelay $0x3  }
0x96: {  	_ =	strace s3  }
0x97: {  	_ =	strace $0x8FFFFFFF  }
0x98: {  	s19 =	sld [smem:$0x3FDB];
	_ =	sdelay $0x1  }
0x99: {  	s4 =	simm.s32 $_scs_section_size  }
0x9a: {  	s5 =	simm.s32 $_size__tile_overlayer_lowered;
	s6 =	simm.s32 $_tile_overlayer_lowered  }
0x9b: {  	s22 =	simm.s32 $0x1BFF;
	s21 =	sshll.u32 s6, $0x1;
	s3 =	sadd.s32 s4, s19  }
0x9c: {  	s7 =	simm.s32 $0x0;
	s20 =	sshll.u32 s5, $0x1;
	s5 =	sadd.s32 s21, s3  }
0x9d: {  	[timem:s7], [sflag:s22] =	dma.local [hbm:s5], s20  }
0x9e: {  	_ =	swait.ge [sflag:s22], s20  }
0x9f: {  	s4 =	ssub.s32 $0x0, s20;
	[sflag:s22] =	ssyncset.done $0x0  }
0xa0: {  	[sflag:s22] =	ssyncadd.s32 s4;
	_ =	sdelay $0x1  }
0xa1: {  	s23 =	simm.s32 $0x1B8B  }
0xa2: {  	_ =	swait.ge [sflag:s23], $0x1  }
0xa3: {  	[sflag:s23] =	ssyncset.done $0x0  }
0xa4: {  	s25 =	simm.s32 $0x1B8E;
	s24 =	sld [smem:$0x3FFE];
	[sflag:s23] =	ssyncadd.s32 $0xFFFFFFFF  }
0xa5: {  	s26 =	simm.s32 $execute0_lowered;
	[smem:$0x3FD2] =	sst s25  }
0xa6: {  	s5 =	sshll.u32 s26, $0x1;
	_ =	strace $0x8000005E;
	[dreg:$0x1] =	wrdreg $0xFFFFFFFF  }
0xa7: {  	s28 =	simm.s32 $_size_execute0_lowered;
	s3 =	sadd.s32 s3, s5;
	[dreg:$0x0] =	wrdreg $0x0  }
0xa8: {  	s5 =	sshll.u32 s28, $0x1;
	[dreg:$0x2] =	wrdreg s3  }
0xa9: {  	[dreg:$0x3] =	wrdreg s5  }
0xaa: {  	[dreg:$0x4] =	wrdreg $0xC0  }
0xab: {  	_ =	task [dreg:s7], $0x5FFFF  }
0xac: {  	[dreg:$0x1] =	wrdreg $0xFFFFFFFF  }
0xad: {  	[dreg:$0x0] =	wrdreg $0x60  }
0xae: {  	[dreg:$0x2] =	wrdreg s2  }
0xaf: {  	[dreg:$0x3] =	wrdreg s24  }
0xb0: {  	[dreg:$0x4] =	wrdreg $0x8D000  }
0xb1: {  	[dreg:$0x5] =	wrdreg $0x9  }
0xb2: {  	_ =	task.clear_ibuf [dreg:s7], $0x6FFFF;
	_ =	strace $0x9000005E  }
0xb3: {  	s29 =	simm.s32 $0x9;
	_ =	strace $0x80000060  }
0xb4: {  	_ =	swait.ge [sflag:s29], $0x1  }
0xb5: {  	[sflag:s29] =	ssyncadd.s32 $0xFFFFFFFF  }
0xb6: {  	_ =	strace $0x90000060  }
0xb7: {  	_ =	sfence  }
0xb8: {  	s30 =	sld [smem:$0x0];
	_ =	sdelay $0x2  }
0xb9: {  	s31 =	sshll.u32 s1, $0xD;
	s1 =	sshrl.u32 s1, $0x2  }
0xba: {  	s3 =	sand.u32 $0x4000, s31;
	s1 =	sadd.s32 s1, s30  }
0xbb: {  	s0 =	sor.u32 s3, s0;
	s1 =	sshll.u32 s1, $0x11  }
0xbc: {  	s0 =	sor.u32 s1, s0  }
0xbd: {  	s0 =	sadd.s32 $0x8F2B, s0  }
0xbe: {  	[sflag:s0] =	ssyncadd.remote.s32 $0x1  }
0xbf: {  	_ =	sfence.sel $0xFFFF  }
0xc0: {  	[dreg:$0x0] =	wrdreg $0xFFFFFFFF;
	(pc) =	sbr.abs _section_cstart, $3  }
0xc1: {  	[dreg:$0x1] =	wrdreg $0xFFFFFFFF  }
0xc2: {  	_ =	task.clear_ibuf [dreg:s7], $0x2FFFF;
	_ =	strace $0x9FFFFFFF  }
0xc3: {  	(tm) =	ssettm $0x7FFFFFFF  }
tec
execute0_lowered:
.L_overlay_start_1:
0x0: {  	(tag) =	ssettag $0x1  }
0x1: {  	s1 =	rddreg [dreg:$0x0]  }
0x2: {  	s2 =	srdreg.scid;
	s5 =	rddreg [dreg:$0x1]  }
0x3: {  	s0 =	stileid.u32;
	s3 =	rddreg [dreg:$0x2];
	s4 =	simm.s32 $0x0  }
0x4: {  	s12 =	simm.s32 $0x2;
	s13 =	simm.s32 $0x50;
	s14 =	simm.s32 $0x100  }
0x5: {  	s15 =	simm.s32 $0x80;
	s16 =	simm.s32 $0x1;
	s7 =	smul.u32 $0x4E20, s0  }
0x6: {  	s6 =	sand.u32 $0x1, s2;
	s2 =	rddreg [dreg:$0x3];
	s31 =	smul.u32 $0x19000, s0  }
0x7: {  	s17 =	simm.s32 $0x0;
	[smem:$0x7FF] =	sst s4;
	s8 =	smul.u32 $0x2710, s6  }
0x8: {  	p0 =	slt.u32 s0, $0x2;
	s29 =	smul.u32 $0x27100, s6;
	s6 =	ssub.s32 $0x2, s6  }
0x9: {  	s11 =	smul.u32 $0xC80, s0;
	_ =	strace $0x8000005F;
	s30 =	sshrl.u32 s6, $0x1  }
0xa: {  	s7 =	sadd.s32 s8, s7;
	s10 =	sadd.s32 s29, s5;
	s6 =	ssub.s32 s6, s30  }
0xb: {  	s7 =	sshrl.u32 s7, $0x3;
	s6 =	smax.u32 s6, $0x1;
	s10 =	sadd.s32 s11, s10  }
0xc: {  	s11 =	simm.s32 $0x2900;
	s9 =	sadd.s32 s7, s5;
	s5 =	simm.s32 $0x4  }
0xd: {  	s7 =	sshrl.u32 s31, $0x2;
	s10 =	sadd.s32 $0x32600, s10;
	s5 =	simm.s32 @!p0 $0x3  }
0xe: {  	v0 =	vimm.f32 $0.0e+00;
	s7 =	sadd.s32 s7, s3;
	s8 =	sadd.s32 $0x28800, s9;
	s9 =	sadd.s32 $0x1EA00, s9  }
.LBB2_1:
0xf: {  	s18 =	simm.s32 $0x0;
	s19 =	simm.s32 $0x200  }
.LBB2_2:
0x10: {  	p0 =	sne.s32 s19, $0x18E00;
	[tilespmem:s18+$0x2970] =	vst v0  }
0x11: {  	[tilespmem:s18+$0x2900] =	vst v0  }
0x12: {  	[tilespmem:s18+$0x2910] =	vst v0  }
.Ltmp0:
0x13: {  	[tilespmem:s18+$0x2920] =	vst v0;
	(pc) =	sbr.rel @p0 .LBB2_2-.Ltmp0, $4  }
0x14: {  	[tilespmem:s18+$0x2930] =	vst v0  }
0x15: {  	[tilespmem:s18+$0x2940] =	vst v0  }
0x16: {  	[tilespmem:s18+$0x2950] =	vst v0  }
0x17: {  	[tilespmem:s18+$0x2960] =	vst v0;
	s18 =	sshra.s32 s19, $0x2;
	s19 =	sadd.s32 $0x200, s19  }
0x18: {  	[tilespmem:s18+$0x2970] =	vst v0  }
0x19: {  	[tilespmem:s18+$0x2900] =	vst v0  }
0x1a: {  	[tilespmem:s18+$0x2910] =	vst v0  }
0x1b: {  	[tilespmem:s18+$0x2920] =	vst v0  }
0x1c: {  	[tilespmem:s18+$0x2930] =	vst v0  }
0x1d: {  	[tilespmem:s18+$0x2940] =	vst v0;
	p0 =	sne.s32 s5, $0x1  }
.Ltmp1:
0x1e: {  	[tilespmem:s18+$0x2950] =	vst v0;
	(pc) =	sbr.rel @!p0 .LBB2_5-.Ltmp1, $4  }
0x1f: {  	[tilespmem:s18+$0x2960] =	vst v0  }
0x20: {  	[spmem:s7] =	stream.linear.scatter [tilespmem:s11], [sflag:$0x2], $0x6400, $0x38;
	[tilespmem:$0x1C580] =	vst v63  }
0x21: {  	_ =	swait.ge [sflag:s12], $0x6400  }
0x22: {  	s18 =	sadd.s32 $0xFFFFFFFF, s5;
	s19 =	smov.u32 s7;
	[sflag:s12] =	ssyncset.done $0x0  }
.LBB2_4:
0x23: {  	p1 =	sne.s32 s18, $0x1;
	[sflag:s12] =	ssyncadd.s32 $0xFFFF9C00;
	s19 =	sadd.s32 $0x64000, s19  }
.Ltmp2:
0x24: {  	s18 =	sadd.s32 $0xFFFFFFFF, s18;
	(pc) =	sbr.rel @p1 .LBB2_4-.Ltmp2, $4  }
0x25: {  	_ = 	snop  }
0x26: {  	[spmem:s19] =	stream.linear.scatter [tilespmem:s11], [sflag:$0x2], $0x6400, $0x38;
	[tilespmem:$0x1C580] =	vst v63  }
0x27: {  	_ =	swait.ge [sflag:s12], $0x6400  }
0x28: {  	[sflag:s12] =	ssyncset.done $0x0  }
.LBB2_5:
0x29: {  	[sflag:s12] =	ssyncadd.s32 $0xFFFF9C00  }
0x2a: {  	s18 =	sadd.s32 $0x0, s9;
	[bflag:$0x0] =	sbarrier.arrive $0xFFFF  }
0x2b: {  	[tilespmem:s4], [sflag:$0x2] =	stream.linear.gather [hbm4b:s18+s4], $0x50, $0x38;
	[tilespmem:$0x1C580] =	vst v63  }
0x2c: {  	_ =	swait.ge [sflag:s12], $0x50  }
0x2d: {  	[sflag:s12] =	ssyncset.done $0x0  }
0x2e: {  	[sflag:s12] =	ssyncadd.s32 $0xFFFFFFB0  }
0x2f: {  	[tilespmem:s14], [sflag:$0x1] =	stream.indirect.gather [hbm4b:s1+s13], $0x80, s4, s13, $0xb8;
	[tilespmem:$0x1C580] =	vst v63  }
0x30: {  	s31 =	sadd.s32 $0x0, s8  }
0x31: {  	[tilespmem:s15], [sflag:$0x2] =	stream.linear.gather [hbm4b:s31+s4], $0x50, $0x38;
	[tilespmem:$0x1C580] =	vst v63  }
0x32: {  	_ =	swait.ge [sflag:s12], $0x50  }
0x33: {  	[sflag:s12] =	ssyncset.done $0x0  }
0x34: {  	[sflag:s12] =	ssyncadd.s32 $0xFFFFFFB0  }
0x35: {  	_ =	swait.ge [sflag:s16], $0x2800  }
0x36: {  	[sflag:s16] =	ssyncset.done $0x0  }
0x37: {  	[sflag:s16] =	ssyncadd.s32 $0xFFFFD800  }
0x38: {  	[spmem:s3] =	stream.indirect.scatter.add.f32 [tilespmem:s14], [sflag:$0x2], $0x80, s15, s13, $0xb8;
	[tilespmem:$0x1C580] =	vst v63  }
0x39: {  	_ =	swait.ge [sflag:s12], $0x2800  }
0x3a: {  	s19 =	simm.s32 $0x14;
	s18 =	simm.s32 $0xA;
	[sflag:s12] =	ssyncset.done $0x0  }
.LBB2_6:
0x3b: {  	s20 =	sadd.s32 s18, s9  }
0x3c: {  	[sflag:s12] =	ssyncadd.s32 $0xFFFFD800;
	s21 =	smov.u32 s19;
	s22 =	sadd.s32 $0xA, s19  }
0x3d: {  	[tilespmem:s4], [sflag:$0x2] =	stream.linear.gather [hbm4b:s20+s4], $0x50, $0x38;
	[tilespmem:$0x1C580] =	vst v63  }
0x3e: {  	p1 =	sne.s32 s19, $0x4D8;
	_ =	swait.ge [sflag:s12], $0x50  }
0x3f: {  	[sflag:s12] =	ssyncset.done $0x0  }
0x40: {  	[sflag:s12] =	ssyncadd.s32 $0xFFFFFFB0  }
0x41: {  	[tilespmem:s14], [sflag:$0x1] =	stream.indirect.gather [hbm4b:s1+s13], $0x80, s4, s13, $0xb8;
	[tilespmem:$0x1C580] =	vst v63  }
0x42: {  	s19 =	sadd.s32 s18, s8;
	s18 =	smov.u32 s21  }
0x43: {  	[tilespmem:s15], [sflag:$0x2] =	stream.linear.gather [hbm4b:s19+s4], $0x50, $0x38;
	[tilespmem:$0x1C580] =	vst v63  }
0x44: {  	_ =	swait.ge [sflag:s12], $0x50  }
0x45: {  	[sflag:s12] =	ssyncset.done $0x0  }
0x46: {  	[sflag:s12] =	ssyncadd.s32 $0xFFFFFFB0  }
0x47: {  	_ =	swait.ge [sflag:s16], $0x2800  }
.Ltmp3:
0x48: {  	[sflag:s16] =	ssyncset.done $0x0;
	(pc) =	sbr.rel @p1 .LBB2_6-.Ltmp3, $4  }
0x49: {  	[sflag:s16] =	ssyncadd.s32 $0xFFFFD800  }
0x4a: {  	[spmem:s3] =	stream.indirect.scatter.add.f32 [tilespmem:s14], [sflag:$0x2], $0x80, s15, s13, $0xb8;
	[tilespmem:$0x1C580] =	vst v63  }
0x4b: {  	_ =	swait.ge [sflag:s12], $0x2800  }
0x4c: {  	s19 =	smov.u32 s22;
	[sflag:s12] =	ssyncset.done $0x0  }
0x4d: {  	s19 =	sadd.s32 s18, s9;
	[sflag:s12] =	ssyncadd.s32 $0xFFFFD800  }
0x4e: {  	[tilespmem:s4], [sflag:$0x2] =	stream.linear.gather [hbm4b:s19+s4], $0x50, $0x38;
	[tilespmem:$0x1C580] =	vst v63  }
0x4f: {  	_ =	swait.ge [sflag:s12], $0x50  }
0x50: {  	[sflag:s12] =	ssyncset.done $0x0  }
0x51: {  	[sflag:s12] =	ssyncadd.s32 $0xFFFFFFB0  }
0x52: {  	[tilespmem:s14], [sflag:$0x1] =	stream.indirect.gather [hbm4b:s1+s13], $0x80, s4, s13, $0xb8;
	[tilespmem:$0x1C580] =	vst v63  }
0x53: {  	s31 =	sadd.s32 s18, s8  }
0x54: {  	[tilespmem:s15], [sflag:$0x2] =	stream.linear.gather [hbm4b:s31+s4], $0x50, $0x38;
	[tilespmem:$0x1C580] =	vst v63  }
0x55: {  	_ =	swait.ge [sflag:s12], $0x50  }
0x56: {  	[sflag:s12] =	ssyncset.done $0x0  }
0x57: {  	[sflag:s12] =	ssyncadd.s32 $0xFFFFFFB0  }
0x58: {  	_ =	swait.ge [sflag:s16], $0x2800  }
0x59: {  	[sflag:s16] =	ssyncset.done $0x0  }
0x5a: {  	[sflag:s16] =	ssyncadd.s32 $0xFFFFD800  }
0x5b: {  	[spmem:s3] =	stream.indirect.scatter.add.f32 [tilespmem:s14], [sflag:$0x2], $0x80, s15, s13, $0xb8;
	[tilespmem:$0x1C580] =	vst v63  }
0x5c: {  	_ =	swait.ge [sflag:s12], $0x2800  }
0x5d: {  	[sflag:s12] =	ssyncset.done $0x0  }
0x5e: {  	[sflag:s12] =	ssyncadd.s32 $0xFFFFD800  }
0x5f: {  	[bflag:$0x0] =	sbarrier.arrive $0xFFFF  }
0x60: {  	[tilespmem:s11], [sflag:$0x2] =	stream.linear.gather [spmem:s7], $0x6400, $0x38;
	[tilespmem:$0x1C580] =	vst v63  }
0x61: {  	_ =	swait.ge [sflag:s12], $0x6400  }
.Ltmp4:
0x62: {  	[sflag:s12] =	ssyncset.done $0x0;
	(pc) =	sbr.rel @!p0 .LBB2_9-.Ltmp4, $4  }
0x63: {  	[sflag:s12] =	ssyncadd.s32 $0xFFFF9C00  }
0x64: {  	[hbm4b:s10+s4] =	stream.linear.scatter [tilespmem:s11], [sflag:$0x2], $0x6400, $0x38;
	[tilespmem:$0x1C580] =	vst v63  }
0x65: {  	s18 =	sadd.s32 $0xFFFFFFFF, s5;
	_ =	swait.ge [sflag:s12], $0x6400  }
0x66: {  	s20 =	smov.u32 s10;
	s19 =	smov.u32 s7;
	[sflag:s12] =	ssyncset.done $0x0  }
.LBB2_8:
0x67: {  	[sflag:s12] =	ssyncadd.s32 $0xFFFF9C00;
	s19 =	sadd.s32 $0x64000, s19;
	s20 =	sadd.s32 $0xC800, s20  }
0x68: {  	[tilespmem:s11], [sflag:$0x2] =	stream.linear.gather [spmem:s19], $0x6400, $0x38;
	[tilespmem:$0x1C580] =	vst v63  }
0x69: {  	p0 =	sne.s32 s18, $0x1;
	s18 =	sadd.s32 $0xFFFFFFFF, s18;
	_ =	swait.ge [sflag:s12], $0x6400  }
.Ltmp5:
0x6a: {  	[sflag:s12] =	ssyncset.done $0x0;
	(pc) =	sbr.rel @p0 .LBB2_8-.Ltmp5, $4  }
0x6b: {  	[sflag:s12] =	ssyncadd.s32 $0xFFFF9C00  }
0x6c: {  	[hbm4b:s20+s4] =	stream.linear.scatter [tilespmem:s11], [sflag:$0x2], $0x6400, $0x38;
	[tilespmem:$0x1C580] =	vst v63  }
0x6d: {  	_ =	swait.ge [sflag:s12], $0x6400  }
0x6e: {  	[sflag:s12] =	ssyncset.done $0x0  }
.LBB2_9:
0x6f: {  	s17 =	sadd.s32 $0x1, s17  }
0x70: {  	p0 =	sne.s32 s17, s6  }
.Ltmp6:
0x71: {  	_ = 	snop;
	(pc) =	sbr.rel @p0 .LBB2_1-.Ltmp6, $2  }
0x72: {  	_ =	sdelay $0x2  }
0x73: {  	[sflag:s12] =	ssyncadd.s32 $0xFFFF9C00  }
0x74: {  	_ =	sfence.sel $0x180000  }
0x75: {  	[bflag:$0x0] =	sbarrier.arrive $0xFFFF  }
0x76: {  	p0 =	sne.s32 s0, $0x0;
	_ =	strace $0x9000005F  }
0x77: {  	s0 =	sadd.s32 @!p0 $0x100000, s2;
	[bflag:$0x2] =	sbarrier.arrive $0xFFFF  }
0x78: {  	[sflag:s0] =	ssyncadd.tile.s32 @!p0 $0x1;
	_ =	shalt  }
.Lfunc_end2:
_tile_overlayer_lowered:
.L_overlay_start_2:
0x79: {  	(tag) =	ssettag $0x2  }
0x7a: {  	s0 =	rddreg [dreg:$0x0];
	s2 =	stileid.u32  }
0x7b: {  	s1 =	rddreg [dreg:$0x1];
	p0 =	sne.s32 s2, $0x0  }
0x7c: {  	s3 =	rddreg [dreg:$0x2];
	[bflag:$0x3] =	sbarrier.arrive $0xFFFF;
	s2 =	simm.s32 @!p0 $0x1C02  }
0x7d: {  	[timem:s3], [sflag:s2] =	dma.local @!p0 [hbm:s0], s1  }
0x7e: {  	s0 =	simm.s32 @!p0 $0x2  }
0x7f: {  	_ =	swait.ge @!p0 [sflag:s0], s1  }
0x80: {  	s1 =	ssub.s32 @!p0 $0x0, s1;
	[sflag:s0] =	ssyncset.done @!p0 $0x0  }
0x81: {  	[sflag:s0] =	ssyncadd.s32 @!p0 s1  }
0x82: {  	[bflag:$0x3] =	sbarrier.arrive $0xFFFF  }
0x83: {  	_ =	shalt  }

</sc_bundles>
